<compile_context>
chip_gen: v7x
topology: tpu7x:2x2x1
jax: 0.10.2.dev20260603
libtpu: 0.0.44.dev20260713+nightly
codegen_flags: <defaults>
</compile_context>

<pallas_src>
import functools

import jax
import jax.numpy as jnp
import numpy as np
from jax import lax
from jax.experimental import pallas as pl
from jax.experimental.pallas import tpu as pltpu
from jax.experimental.pallas import tpu_sc as plsc

_NL = 16
_T = 1 << 19
_PRIME_I32 = -1640531535
_MASK = _T - 1
_LVL = [0, 1, 8, 9, 2, 3, 10, 11, 4, 5, 12, 13, 6, 7, 14, 15]
_ROW_PERM = [0, 2, 4, 6, 1, 3, 5, 7]

_BP = 2048
_GR = 16

_RES_F32 = [float(1 << (4 + lvl)) for lvl in _LVL]
_BASE_I32 = [lvl * _T for lvl in _LVL]


def _idx_body(res_ref, base_ref, pos_ref, out_ref):
    px = pos_ref[0:1, :]
    py = pos_ref[1:2, :]
    res = res_ref[...]
    base = base_ref[...]
    sx = res * px
    sy = res * py
    x0 = jnp.floor(sx).astype(jnp.int32)
    y0 = jnp.floor(sy).astype(jnp.int32)
    rows = []
    for dx in (0, 1):
        cx = x0 + jnp.int32(dx)
        for dy in (0, 1):
            cy = y0 + jnp.int32(dy)
            h = (cx ^ (cy * jnp.int32(_PRIME_I32))) & jnp.int32(_MASK)
            rows.append(h + base)
    out_ref[...] = jnp.concatenate(rows, axis=0)


def _compute_idx(pos_t):
    b = pos_t.shape[1]
    m = b // _BP
    res = jnp.asarray(_RES_F32, jnp.float32).reshape(16, 1)
    base = jnp.asarray(_BASE_I32, jnp.int32).reshape(16, 1)
    return pl.pallas_call(
        _idx_body,
        grid=(m,),
        in_specs=[
            pl.BlockSpec((16, 1), lambda i: (0, 0)),
            pl.BlockSpec((16, 1), lambda i: (0, 0)),
            pl.BlockSpec((2, _BP), lambda i: (0, i)),
        ],
        out_specs=pl.BlockSpec((64, _BP), lambda i: (i, 0)),
        out_shape=jax.ShapeDtypeStruct((m * 64, _BP), jnp.int32),
    )(res, base, pos_t)


def _sc_gather(table_i32, idx2):
    nrows = idx2.shape[0]
    mesh = plsc.VectorSubcoreMesh(
        core_axis_name="core", subcore_axis_name="subcore")

    @functools.partial(
        pl.kernel,
        out_type=jax.ShapeDtypeStruct((nrows, _BP), jnp.int32),
        mesh=mesh,
        scratch_types=[pltpu.SemaphoreType.DMA],
        compiler_params=pltpu.CompilerParams(use_tc_tiling_on_sc=False),
    )
    def k(table_hbm, idx_hbm, out_hbm, sem):
        def body(i_vmem, o_vmem):
            handles = [
                pltpu.async_copy(
                    table_hbm.at[i_vmem.at[j]], o_vmem.at[j], sem)
                for j in range(_GR)
            ]
            for h in handles:
                h.wait()

        pltpu.emit_pipeline(
            body,
            grid=(nrows // _GR,),
            in_specs=[pl.BlockSpec((_GR, _BP), lambda i: (i, 0))],
            out_specs=[pl.BlockSpec((_GR, _BP), lambda i: (i, 0))],
            core_axis_name=("core", "subcore"),
            dimension_semantics=(pltpu.PARALLEL,),
        )(idx_hbm, out_hbm)

    return k(table_i32, idx2)


def _unpack_lo(x):
    return lax.bitcast_convert_type(jnp.left_shift(x, 16), jnp.float32)


def _unpack_hi(x):
    return lax.bitcast_convert_type(
        jnp.bitwise_and(x, jnp.int32(-65536)), jnp.float32)


def _mlp_body(res_ref, pos_ref, g_ref,
              w0t0, w0t1, w0t2, w0t3,
              w1t0, w1t1, w1t2, w1t3,
              w2t0, w2t1, w2t2, w2t3,
              out_ref):
    px = pos_ref[0:1, :]
    py = pos_ref[1:2, :]
    res = res_ref[...]
    sx = res * px
    sy = res * py
    wx1 = sx - jnp.floor(sx)
    wy1 = sy - jnp.floor(sy)
    wx0 = 1.0 - wx1
    wy0 = 1.0 - wy1
    wc = (wx0 * wy0, wx0 * wy1, wx1 * wy0, wx1 * wy1)
    f0 = None
    f1 = None
    for c in range(4):
        p = g_ref[16 * c:16 * c + 16, :]
        a = _unpack_lo(p) * wc[c]
        b = _unpack_hi(p) * wc[c]
        f0 = a if f0 is None else f0 + a
        f1 = b if f1 is None else f1 + b
    parts = []
    for i in range(4):
        parts.append(f0[4 * i:4 * i + 4, :])
        parts.append(f1[4 * i:4 * i + 4, :])
    feats = jnp.concatenate(parts, axis=0)
    w0ts = [w0t0, w0t1, w0t2, w0t3]
    w1ts = [w1t0, w1t1, w1t2, w1t3]
    w2ts = [w2t0, w2t1, w2t2, w2t3]
    outs = []
    for i in range(4):
        k = 8 * (i + 1)
        a = feats[:k, :]
        h = jnp.maximum(
            jnp.dot(w0ts[i][...], a, preferred_element_type=jnp.float32,
                    precision=lax.Precision.HIGHEST), 0.0)
        h = jnp.maximum(
            jnp.dot(w1ts[i][...], h, preferred_element_type=jnp.float32,
                    precision=lax.Precision.HIGHEST), 0.0)
        outs.append(
            jnp.dot(w2ts[i][...], h, preferred_element_type=jnp.float32,
                    precision=lax.Precision.HIGHEST))
    out_ref[...] = jnp.concatenate(outs, axis=0)


def _mlp(pos_t, g3, w0ts, w1ts, w2ts):
    b = pos_t.shape[1]
    m = b // _BP
    res = jnp.asarray(_RES_F32, jnp.float32).reshape(16, 1)
    full = lambda arr: pl.BlockSpec(arr.shape, lambda i: (0, 0))
    in_specs = [
        pl.BlockSpec((16, 1), lambda i: (0, 0)),
        pl.BlockSpec((2, _BP), lambda i: (0, i)),
        pl.BlockSpec((64, _BP), lambda i: (i, 0)),
    ] + [full(w) for w in w0ts + w1ts + w2ts]
    return pl.pallas_call(
        _mlp_body,
        grid=(m,),
        in_specs=in_specs,
        out_specs=pl.BlockSpec((4, _BP), lambda i: (0, i)),
        out_shape=jax.ShapeDtypeStruct((4, b), jnp.float32),
    )(res, pos_t, g3, *w0ts, *w1ts, *w2ts)


def _prep_weights(mlp_params):
    w0ts, w1ts, w2ts = [], [], []
    for i in range(4):
        w0, w1, w2 = mlp_params[i]
        prows = []
        for j in range(i + 1):
            prows.extend(8 * j + m for m in _ROW_PERM)
        w0ts.append(w0[np.array(prows), :].T)
        w1ts.append(w1.T)
        w2ts.append(w2.T)
    return w0ts, w1ts, w2ts


def kernel(v_pixel_pos, hash_table, mlp_params):
    b = v_pixel_pos.shape[0]
    pos_t = v_pixel_pos.T
    table_i32 = lax.bitcast_convert_type(
        hash_table.astype(jnp.bfloat16), jnp.int32).reshape(_NL * _T)
    w0ts, w1ts, w2ts = _prep_weights(mlp_params)
    nc = 2
    bc = b // nc
    outs = []
    for c in range(nc):
        p = lax.slice(pos_t, (0, c * bc), (2, (c + 1) * bc))
        idx2 = _compute_idx(p)
        g = _sc_gather(table_i32, idx2)
        outs.append(_mlp(p, g, w0ts, w1ts, w2ts))
    out4 = jnp.concatenate(outs, axis=1)
    return tuple(out4[i].reshape(b, 1) for i in range(4))

# --- scband reference (transcript-rebuilt; emitter-appended) ---
"""Pipeline reference for scband-ngpmodel1-61220463837716 (READ-ONLY COPY).

The authoritative reference and input builder live on the scoring server;
editing this copy changes nothing except your own understanding.
"""

import jax, jax.numpy as jnp
import numpy as np

N_LEVELS = 16
F_PER_LEVEL = 2
T = 1 << 19
BASE_RES = 16
PER_LEVEL_SCALE = 2.0
N_LAYER = 4
NF = 2
N_NEURONS = 64
B = 262144
PRIME = 2654435761


def hash_grid_encode(pos, table):
    # pos: [B, 2] in [0,1); table: [N_LEVELS, T, F_PER_LEVEL]
    outs = []
    for l in range(N_LEVELS):
        res = int(np.floor(BASE_RES * (PER_LEVEL_SCALE ** l)))
        scaled = pos * res
        p0 = jnp.floor(scaled)
        w = scaled - p0
        p0i = p0.astype(jnp.uint32)
        acc = jnp.zeros((pos.shape[0], F_PER_LEVEL), dtype=pos.dtype)
        for dx in (0, 1):
            for dy in (0, 1):
                cx = p0i[:, 0] + jnp.uint32(dx)
                cy = p0i[:, 1] + jnp.uint32(dy)
                h = (cx ^ (cy * jnp.uint32(PRIME))) & jnp.uint32(T - 1)
                feat = jnp.take(table[l], h.astype(jnp.int32), axis=0)
                wx = w[:, 0] if dx == 1 else (1.0 - w[:, 0])
                wy = w[:, 1] if dy == 1 else (1.0 - w[:, 1])
                acc = acc + feat * (wx * wy)[:, None]
        outs.append(acc)
    return jnp.concatenate(outs, axis=1)  # [B, N_LEVELS * F_PER_LEVEL]


def setup_inputs(seed: int = 0) -> dict:
    key = jax.random.key(seed)
    ks = jax.random.split(key, 2 + N_LAYER)
    v_pixel_pos = jax.random.uniform(ks[0], (B, 2), dtype=jnp.float32)
    hash_table = (jax.random.uniform(ks[1], (N_LEVELS, T, F_PER_LEVEL), dtype=jnp.float32) * 2.0 - 1.0) * 1e-4
    mlp_params = []
    for i in range(N_LAYER):
        in_dim = 2 * NF * 2 * (i + 1)  # 8*(i+1): accumulated positional encoding width
        k0, k1, k2 = jax.random.split(ks[2 + i], 3)
        W0 = jax.random.normal(k0, (in_dim, N_NEURONS), dtype=jnp.float32) * (1.0 / np.sqrt(in_dim))
        W1 = jax.random.normal(k1, (N_NEURONS, N_NEURONS), dtype=jnp.float32) * (1.0 / np.sqrt(N_NEURONS))
        W2 = jax.random.normal(k2, (N_NEURONS, 1), dtype=jnp.float32) * (1.0 / np.sqrt(N_NEURONS))
        mlp_params.append((W0, W1, W2))
    return {"v_pixel_pos": v_pixel_pos, "hash_table": hash_table, "mlp_params": tuple(mlp_params)}


def reference(v_pixel_pos, hash_table, mlp_params):
    bs = v_pixel_pos.shape[0]
    feats = hash_grid_encode(v_pixel_pos, hash_table)
    features = feats.reshape(bs, 2, -1, 2)
    accumulated = None
    predicted_grays = []
    for i_layer in range(N_LAYER):
        feature_layer = features[:, :, NF * i_layer:NF * i_layer + NF, :].reshape(bs, -1)
        if accumulated is not None:
            feature_layer = jnp.concatenate((accumulated, feature_layer), axis=1)
        accumulated = feature_layer
        W0, W1, W2 = mlp_params[i_layer]
        h = jnp.maximum(accumulated @ W0, 0.0)
        h = jnp.maximum(h @ W1, 0.0)
        predicted_grays.append(h @ W2)
    return tuple(predicted_grays)

if __name__ == "__main__":
    import jax
    _d = setup_inputs()
    print(jax.jit(kernel)(*tuple(_d.values())))

</pallas_src>

<mosaic_0001>
#map = affine_map<(d0, d1) -> (0)>
#map1 = affine_map<(d0, d1) -> (0, 0)>
module attributes {stable_mosaic.version = 14 : i64} {
  func.func @k(%arg0: i32, %arg1: i32, %arg2: memref<8388608xi32, #tpu.memory_space<hbm>>, %arg3: memref<4096x2048xi32, #tpu.memory_space<hbm>>, %arg4: memref<4096x2048xi32, #tpu.memory_space<hbm>>, %arg5: memref<!tpu.dma_semaphore, #tpu.memory_space<semaphore_mem>>) attributes {dimension_semantics = [#tpu.dimension_semantics<core_parallel>, #tpu.dimension_semantics<subcore_parallel>], iteration_bounds = array<i64: 2, 16>, scalar_prefetch = 0 : i64, scratch_operands = 1 : i64, tpu.core_type = #tpu.core_type<sc_vector_subcore>, window_params = [{transform_indices = #map}, {transform_indices = #map1}, {transform_indices = #map1}]} {
    %mul3A = arith.constant 1 : i32
    %mul3A_0 = arith.muli %arg1, %mul3A : i32
    %add3A = arith.constant 0 : i32
    %add3A_1 = arith.addi %add3A, %mul3A_0 : i32
    %mul3A_2 = arith.constant 16 : i32
    %mul3A_3 = arith.muli %arg0, %mul3A_2 : i32
    %add3A_4 = arith.addi %add3A_1, %mul3A_3 : i32
    %mul3A_5 = arith.constant 8 : i32
    %mul3A_6 = arith.muli %add3A_4, %mul3A_5 : i32
    "tpu.region"() ({
      %run_scoped3A = memref.alloca() : memref<2x16x2048xi32, #tpu.memory_space<vmem>>
      %run_scoped3A_7 = tpu.sem_alloc : memref<2x!tpu.dma_semaphore, #tpu.memory_space<semaphore_mem>>
      %run_scoped3A_8 = memref.alloca() : memref<2x16x2048xi32, #tpu.memory_space<vmem>>
      %run_scoped3A_9 = tpu.sem_alloc : memref<2x!tpu.dma_semaphore, #tpu.memory_space<semaphore_mem>>
      %add3A_10 = arith.constant 0 : i32
      %add3A_11 = arith.addi %add3A_10, %mul3A_6 : i32
      %select_n3A = arith.constant true
      %select_n3A_12 = arith.constant 0 : i32
      %select_n3A_13 = arith.constant -1 : i32
      %select_n3A_14 = arith.select %select_n3A, %select_n3A_13, %select_n3A_12 : i32
      %eq3A = arith.constant -1 : i32
      %eq3A_15 = arith.cmpi eq, %select_n3A_14, %eq3A : i32
      %select_n3A_16 = arith.constant 7 : i32
      %select_n3A_17 = arith.select %eq3A_15, %select_n3A_16, %select_n3A_14 : i32
      %add3A_18 = arith.addi %select_n3A_17, %mul3A_6 : i32
      %select_n3A_19 = arith.constant true
      %select_n3A_20 = arith.constant 0 : i32
      %select_n3A_21 = arith.constant 1 : i32
      %select_n3A_22 = arith.select %select_n3A_19, %select_n3A_21, %select_n3A_20 : i32
      %eq3A_23 = arith.constant 8 : i32
      %eq3A_24 = arith.cmpi eq, %select_n3A_22, %eq3A_23 : i32
      %select_n3A_25 = arith.constant 0 : i32
      %select_n3A_26 = arith.select %eq3A_24, %select_n3A_25, %select_n3A_22 : i32
      %add3A_27 = arith.addi %select_n3A_26, %mul3A_6 : i32
      %add3A_28 = arith.constant 1 : i32
      %add3A_29 = arith.addi %select_n3A_26, %add3A_28 : i32
      %select_n3A_30 = arith.constant true
      %select_n3A_31 = arith.select %select_n3A_30, %add3A_29, %select_n3A_26 : i32
      %eq3A_32 = arith.constant 8 : i32
      %eq3A_33 = arith.cmpi eq, %select_n3A_31, %eq3A_32 : i32
      %select_n3A_34 = arith.constant 0 : i32
      %select_n3A_35 = arith.select %eq3A_33, %select_n3A_34, %select_n3A_31 : i32
      %add3A_36 = arith.addi %select_n3A_35, %mul3A_6 : i32
      "tpu.trace_start"() <{level = 10 : i32, message = "ep_initialize_0"}> : () -> ()
      %rem3A = arith.constant 0 : i32
      %rem3A_37 = arith.constant 2 : i32
      %rem3A_38 = arith.remui %rem3A, %rem3A_37 : i32
      %mul3A_39 = arith.constant 16 : i32
      %mul3A_40 = arith.muli %mul3A_39, %add3A_11 : i32
      %dma_start3A = arith.constant 0 : i32
      %dma_start3A_41 = arith.constant 0 : i32
      %dma_start3A_42 = tpu.memref_slice %run_scoped3A[%rem3A_38, %dma_start3A, %dma_start3A_41] : memref<2x16x2048xi32, #tpu.memory_space<vmem>> -> memref<1x16x2048xi32, #tpu.memory_space<vmem>>
      %dma_start3A_43 = tpu.memref_squeeze %dma_start3A_42 : memref<1x16x2048xi32, #tpu.memory_space<vmem>> -> memref<16x2048xi32, #tpu.memory_space<vmem>>
      %dma_start3A_44 = arith.constant 0 : i32
      %dma_start3A_45 = tpu.memref_slice %arg3[%mul3A_40, %dma_start3A_44] : memref<4096x2048xi32, #tpu.memory_space<hbm>> -> memref<16x2048xi32, #tpu.memory_space<hbm>>
      %dma_start3A_46 = tpu.memref_slice %run_scoped3A_7[%rem3A_38] : memref<2x!tpu.dma_semaphore, #tpu.memory_space<semaphore_mem>> -> memref<1x!tpu.dma_semaphore, #tpu.memory_space<semaphore_mem>>
      %dma_start3A_47 = tpu.memref_squeeze %dma_start3A_46 : memref<1x!tpu.dma_semaphore, #tpu.memory_space<semaphore_mem>> -> memref<!tpu.dma_semaphore, #tpu.memory_space<semaphore_mem>>
      %dma_start3A_48 = arith.constant 0 : i32
      %dma_start3A_49 = arith.constant 0 : i32
      %dma_start3A_50 = tpu.memref_slice %run_scoped3A[%rem3A_38, %dma_start3A_48, %dma_start3A_49] : memref<2x16x2048xi32, #tpu.memory_space<vmem>> -> memref<1x16x2048xi32, #tpu.memory_space<vmem>>
      %dma_start3A_51 = tpu.memref_squeeze %dma_start3A_50 : memref<1x16x2048xi32, #tpu.memory_space<vmem>> -> memref<16x2048xi32, #tpu.memory_space<vmem>>
      %dma_start3A_52 = arith.constant 0 : i32
      %dma_start3A_53 = tpu.memref_slice %arg3[%mul3A_40, %dma_start3A_52] : memref<4096x2048xi32, #tpu.memory_space<hbm>> -> memref<16x2048xi32, #tpu.memory_space<hbm>>
      tpu.enqueue_dma source(%dma_start3A_53 : memref<16x2048xi32, #tpu.memory_space<hbm>>) target(%dma_start3A_51 : memref<16x2048xi32, #tpu.memory_space<vmem>>) target_semaphore(%dma_start3A_47 : memref<!tpu.dma_semaphore, #tpu.memory_space<semaphore_mem>>)
      %add3A_54 = arith.constant 0 : i32
      %add3A_55 = arith.constant 1 : i32
      %add3A_56 = arith.addi %add3A_54, %add3A_55 : i32
      %select_n3A_57 = arith.constant true
      %select_n3A_58 = arith.constant 0 : i32
      %select_n3A_59 = arith.select %select_n3A_57, %add3A_56, %select_n3A_58 : i32
      "tpu.trace_stop"() : () -> ()
      %scan3A = arith.constant 0 : i32
      %scan3A_60 = arith.constant 0 : i32
      %scan3A_61 = arith.constant 0 : i32
      %scan3A_62 = arith.constant 0 : i32
      %scan3A_63 = arith.constant 0 : i32
      %scan3A_64 = arith.constant 8 : i32
      %scan3A_65 = arith.addi %scan3A_63, %scan3A_64 : i32
      %scan3A_66 = arith.constant 1 : i32
      %scan3A_67:5 = scf.for %scan3A_121 = %scan3A_63 to %scan3A_65 step %scan3A_66 iter_args(%scan3A_122 = %select_n3A_59, %scan3A_123 = %scan3A, %scan3A_124 = %scan3A_60, %scan3A_125 = %scan3A_61, %scan3A_126 = %scan3A_62) -> (i32, i32, i32, i32, i32)  : i32 {
        %eq3A_127 = arith.constant 0 : i32
        %eq3A_128 = arith.cmpi eq, %scan3A_121, %eq3A_127 : i32
        %eq3A_129 = arith.constant 7 : i32
        %eq3A_130 = arith.cmpi eq, %scan3A_121, %eq3A_129 : i32
        %add3A_131 = arith.addi %scan3A_126, %mul3A_6 : i32
        %sub3A_132 = arith.constant 1 : i32
        %sub3A_133 = arith.subi %scan3A_126, %sub3A_132 : i32
        %select_n3A_134 = arith.constant true
        %select_n3A_135 = arith.select %select_n3A_134, %sub3A_133, %scan3A_126 : i32
        %eq3A_136 = arith.constant -1 : i32
        %eq3A_137 = arith.cmpi eq, %select_n3A_135, %eq3A_136 : i32
        %select_n3A_138 = arith.constant 7 : i32
        %select_n3A_139 = arith.select %eq3A_137, %select_n3A_138, %select_n3A_135 : i32
        %add3A_140 = arith.addi %select_n3A_139, %mul3A_6 : i32
        %add3A_141 = arith.constant 1 : i32
        %add3A_142 = arith.addi %scan3A_126, %add3A_141 : i32
        %select_n3A_143 = arith.constant true
        %select_n3A_144 = arith.select %select_n3A_143, %add3A_142, %scan3A_126 : i32
        %eq3A_145 = arith.constant 8 : i32
        %eq3A_146 = arith.cmpi eq, %select_n3A_144, %eq3A_145 : i32
        %select_n3A_147 = arith.constant 0 : i32
        %select_n3A_148 = arith.select %eq3A_146, %select_n3A_147, %select_n3A_144 : i32
        %add3A_149 = arith.addi %select_n3A_148, %mul3A_6 : i32
        %add3A_150 = arith.constant 1 : i32
        %add3A_151 = arith.addi %select_n3A_148, %add3A_150 : i32
        %select_n3A_152 = arith.constant true
        %select_n3A_153 = arith.select %select_n3A_152, %add3A_151, %select_n3A_148 : i32
        %eq3A_154 = arith.constant 8 : i32
        %eq3A_155 = arith.cmpi eq, %select_n3A_153, %eq3A_154 : i32
        %select_n3A_156 = arith.constant 0 : i32
        %select_n3A_157 = arith.select %eq3A_155, %select_n3A_156, %select_n3A_153 : i32
        %add3A_158 = arith.addi %select_n3A_157, %mul3A_6 : i32
        %ne3A = arith.cmpi ne, %add3A_131, %add3A_149 : i32
        %or3A = arith.constant false
        %or3A_159 = arith.ori %or3A, %ne3A : i1
        %or3A_160 = arith.constant false
        %or3A_161 = arith.ori %or3A_159, %or3A_160 : i1
        %ge3A = arith.constant 7 : i32
        %ge3A_162 = arith.cmpi sge, %scan3A_121, %ge3A : i32
        %not3A = arith.constant true
        %not3A_163 = arith.xori %ge3A_162, %not3A : i1
        %and3A = arith.andi %or3A_161, %not3A_163 : i1
        %convert_element_type3A = arith.extui %and3A : i1 to i32
        %cond3A = arith.constant 0 : i32
        %cond3A_164 = arith.cmpi ne, %convert_element_type3A, %cond3A : i32
        scf.if %cond3A_164 {
          "tpu.trace_start"() <{level = 10 : i32, message = "ep_copy_in"}> : () -> ()
          %rem3A_849 = arith.constant 2 : i32
          %rem3A_850 = arith.remui %scan3A_122, %rem3A_849 : i32
          %mul3A_851 = arith.constant 16 : i32
          %mul3A_852 = arith.muli %mul3A_851, %add3A_149 : i32
          %dma_start3A_853 = arith.constant 0 : i32
          %dma_start3A_854 = arith.constant 0 : i32
          %dma_start3A_855 = tpu.memref_slice %run_scoped3A[%rem3A_850, %dma_start3A_853, %dma_start3A_854] : memref<2x16x2048xi32, #tpu.memory_space<vmem>> -> memref<1x16x2048xi32, #tpu.memory_space<vmem>>
          %dma_start3A_856 = tpu.memref_squeeze %dma_start3A_855 : memref<1x16x2048xi32, #tpu.memory_space<vmem>> -> memref<16x2048xi32, #tpu.memory_space<vmem>>
          %dma_start3A_857 = arith.constant 0 : i32
          %dma_start3A_858 = tpu.memref_slice %arg3[%mul3A_852, %dma_start3A_857] : memref<4096x2048xi32, #tpu.memory_space<hbm>> -> memref<16x2048xi32, #tpu.memory_space<hbm>>
          %dma_start3A_859 = tpu.memref_slice %run_scoped3A_7[%rem3A_850] : memref<2x!tpu.dma_semaphore, #tpu.memory_space<semaphore_mem>> -> memref<1x!tpu.dma_semaphore, #tpu.memory_space<semaphore_mem>>
          %dma_start3A_860 = tpu.memref_squeeze %dma_start3A_859 : memref<1x!tpu.dma_semaphore, #tpu.memory_space<semaphore_mem>> -> memref<!tpu.dma_semaphore, #tpu.memory_space<semaphore_mem>>
          %dma_start3A_861 = arith.constant 0 : i32
          %dma_start3A_862 = arith.constant 0 : i32
          %dma_start3A_863 = tpu.memref_slice %run_scoped3A[%rem3A_850, %dma_start3A_861, %dma_start3A_862] : memref<2x16x2048xi32, #tpu.memory_space<vmem>> -> memref<1x16x2048xi32, #tpu.memory_space<vmem>>
          %dma_start3A_864 = tpu.memref_squeeze %dma_start3A_863 : memref<1x16x2048xi32, #tpu.memory_space<vmem>> -> memref<16x2048xi32, #tpu.memory_space<vmem>>
          %dma_start3A_865 = arith.constant 0 : i32
          %dma_start3A_866 = tpu.memref_slice %arg3[%mul3A_852, %dma_start3A_865] : memref<4096x2048xi32, #tpu.memory_space<hbm>> -> memref<16x2048xi32, #tpu.memory_space<hbm>>
          tpu.enqueue_dma source(%dma_start3A_866 : memref<16x2048xi32, #tpu.memory_space<hbm>>) target(%dma_start3A_864 : memref<16x2048xi32, #tpu.memory_space<vmem>>) target_semaphore(%dma_start3A_860 : memref<!tpu.dma_semaphore, #tpu.memory_space<semaphore_mem>>)
          "tpu.trace_stop"() : () -> ()
        } else {
        }
        %and3A_165 = arith.constant true
        %and3A_166 = arith.andi %and3A, %and3A_165 : i1
        %add3A_167 = arith.constant 1 : i32
        %add3A_168 = arith.addi %scan3A_122, %add3A_167 : i32
        %select_n3A_169 = arith.select %and3A_166, %add3A_168, %scan3A_122 : i32
        %ne3A_170 = arith.cmpi ne, %add3A_131, %add3A_149 : i32
        %or3A_171 = arith.constant false
        %or3A_172 = arith.ori %or3A_171, %ne3A_170 : i1
        %or3A_173 = arith.constant false
        %or3A_174 = arith.ori %or3A_172, %or3A_173 : i1
        %ge3A_175 = arith.constant 7 : i32
        %ge3A_176 = arith.cmpi sge, %scan3A_121, %ge3A_175 : i32
        %not3A_177 = arith.constant true
        %not3A_178 = arith.xori %ge3A_176, %not3A_177 : i1
        %and3A_179 = arith.andi %or3A_174, %not3A_178 : i1
        %ne3A_180 = arith.cmpi ne, %add3A_131, %add3A_140 : i32
        %or3A_181 = arith.constant false
        %or3A_182 = arith.ori %or3A_181, %ne3A_180 : i1
        %or3A_183 = arith.constant false
        %or3A_184 = arith.ori %or3A_182, %or3A_183 : i1
        %or3A_185 = arith.ori %or3A_184, %eq3A_128 : i1
        %convert_element_type3A_186 = arith.extui %or3A_185 : i1 to i32
        %cond3A_187 = arith.constant 0 : i32
        %cond3A_188 = arith.cmpi ne, %convert_element_type3A_186, %cond3A_187 : i32
        scf.if %cond3A_188 {
          "tpu.trace_start"() <{level = 10 : i32, message = "ep_wait_in"}> : () -> ()
          %mul3A_849 = arith.constant 16 : i32
          %mul3A_850 = arith.muli %mul3A_849, %add3A_131 : i32
          %rem3A_851 = arith.constant 2 : i32
          %rem3A_852 = arith.remui %scan3A_123, %rem3A_851 : i32
          %dma_wait3A_853 = arith.constant 0 : i32
          %dma_wait3A_854 = arith.constant 0 : i32
          %dma_wait3A_855 = tpu.memref_slice %run_scoped3A[%rem3A_852, %dma_wait3A_853, %dma_wait3A_854] : memref<2x16x2048xi32, #tpu.memory_space<vmem>> -> memref<1x16x2048xi32, #tpu.memory_space<vmem>>
          %dma_wait3A_856 = tpu.memref_squeeze %dma_wait3A_855 : memref<1x16x2048xi32, #tpu.memory_space<vmem>> -> memref<16x2048xi32, #tpu.memory_space<vmem>>
          %dma_wait3A_857 = arith.constant 0 : i32
          %dma_wait3A_858 = tpu.memref_slice %arg3[%mul3A_850, %dma_wait3A_857] : memref<4096x2048xi32, #tpu.memory_space<hbm>> -> memref<16x2048xi32, #tpu.memory_space<hbm>>
          %dma_wait3A_859 = tpu.memref_slice %run_scoped3A_7[%rem3A_852] : memref<2x!tpu.dma_semaphore, #tpu.memory_space<semaphore_mem>> -> memref<1x!tpu.dma_semaphore, #tpu.memory_space<semaphore_mem>>
          %dma_wait3A_860 = tpu.memref_squeeze %dma_wait3A_859 : memref<1x!tpu.dma_semaphore, #tpu.memory_space<semaphore_mem>> -> memref<!tpu.dma_semaphore, #tpu.memory_space<semaphore_mem>>
          %dma_wait3A_861 = arith.constant 0 : i32
          %dma_wait3A_862 = arith.constant 0 : i32
          %dma_wait3A_863 = tpu.memref_slice %run_scoped3A[%rem3A_852, %dma_wait3A_861, %dma_wait3A_862] : memref<2x16x2048xi32, #tpu.memory_space<vmem>> -> memref<1x16x2048xi32, #tpu.memory_space<vmem>>
          %dma_wait3A_864 = tpu.memref_squeeze %dma_wait3A_863 : memref<1x16x2048xi32, #tpu.memory_space<vmem>> -> memref<16x2048xi32, #tpu.memory_space<vmem>>
          %dma_wait3A_865 = arith.constant 0 : i32
          %dma_wait3A_866 = tpu.memref_slice %arg3[%mul3A_850, %dma_wait3A_865] : memref<4096x2048xi32, #tpu.memory_space<hbm>> -> memref<16x2048xi32, #tpu.memory_space<hbm>>
          tpu.wait_dma2 semaphore(%dma_wait3A_860 : memref<!tpu.dma_semaphore, #tpu.memory_space<semaphore_mem>>) src(%dma_wait3A_866 : memref<16x2048xi32, #tpu.memory_space<hbm>>) dst(%dma_wait3A_864 : memref<16x2048xi32, #tpu.memory_space<vmem>>)
          "tpu.trace_stop"() : () -> ()
        } else {
        }
        %ne3A_189 = arith.cmpi ne, %add3A_131, %add3A_140 : i32
        %or3A_190 = arith.constant false
        %or3A_191 = arith.ori %or3A_190, %ne3A_189 : i1
        %or3A_192 = arith.constant false
        %or3A_193 = arith.ori %or3A_191, %or3A_192 : i1
        %or3A_194 = arith.ori %or3A_193, %eq3A_128 : i1
        %convert_element_type3A_195 = arith.extui %or3A_194 : i1 to i32
        %cond3A_196 = arith.constant 0 : i32
        %cond3A_197 = arith.cmpi ne, %convert_element_type3A_195, %cond3A_196 : i32
        scf.if %cond3A_197 {
        } else {
        }
        %rem3A_198 = arith.constant 2 : i32
        %rem3A_199 = arith.remui %scan3A_123, %rem3A_198 : i32
        %rem3A_200 = arith.constant 2 : i32
        %rem3A_201 = arith.remui %scan3A_124, %rem3A_200 : i32
        %dma_start3A_202 = arith.constant 0 : i32
        %dma_start3A_203 = arith.constant 0 : i32
        "tpu.trace_start"() <{level = 10 : i32, message = "ep_run_kernel"}> : () -> ()
        %dma_start3A_204 = arith.constant 0 : i32
        %dma_start3A_205 = arith.constant 0 : i32
        %dma_start3A_206 = tpu.memref_slice %run_scoped3A_8[%rem3A_201, %dma_start3A_204, %dma_start3A_205] : memref<2x16x2048xi32, #tpu.memory_space<vmem>> -> memref<1x16x2048xi32, #tpu.memory_space<vmem>>
        %dma_start3A_207 = tpu.memref_squeeze %dma_start3A_206 : memref<1x16x2048xi32, #tpu.memory_space<vmem>> -> memref<16x2048xi32, #tpu.memory_space<vmem>>
        %dma_start3A_208 = arith.constant 0 : i32
        %dma_start3A_209 = tpu.memref_slice %dma_start3A_207[%dma_start3A_203, %dma_start3A_208] : memref<16x2048xi32, #tpu.memory_space<vmem>> -> memref<1x2048xi32, #tpu.memory_space<vmem>>
        %dma_start3A_210 = tpu.memref_squeeze %dma_start3A_209 : memref<1x2048xi32, #tpu.memory_space<vmem>> -> memref<2048xi32, #tpu.memory_space<vmem>>
        %dma_start3A_211 = arith.constant 0 : i32
        %dma_start3A_212 = arith.constant 0 : i32
        %dma_start3A_213 = tpu.memref_slice %run_scoped3A[%rem3A_199, %dma_start3A_211, %dma_start3A_212] : memref<2x16x2048xi32, #tpu.memory_space<vmem>> -> memref<1x16x2048xi32, #tpu.memory_space<vmem>>
        %dma_start3A_214 = tpu.memref_squeeze %dma_start3A_213 : memref<1x16x2048xi32, #tpu.memory_space<vmem>> -> memref<16x2048xi32, #tpu.memory_space<vmem>>
        %dma_start3A_215 = arith.constant 0 : i32
        %dma_start3A_216 = tpu.memref_slice %dma_start3A_214[%dma_start3A_202, %dma_start3A_215] : memref<16x2048xi32, #tpu.memory_space<vmem>> -> memref<1x2048xi32, #tpu.memory_space<vmem>>
        %dma_start3A_217 = tpu.memref_squeeze %dma_start3A_216 : memref<1x2048xi32, #tpu.memory_space<vmem>> -> memref<2048xi32, #tpu.memory_space<vmem>>
        %dma_start3A_218 = arith.constant 0 : i32
        %dma_start3A_219 = tpu.memref_slice %arg2[%dma_start3A_218] : memref<8388608xi32, #tpu.memory_space<hbm>> -> memref<8388608xi32, #tpu.memory_space<hbm>>
        tpu.enqueue_indirect_dma source(%dma_start3A_219 : memref<8388608xi32, #tpu.memory_space<hbm>>) target(%dma_start3A_210 : memref<2048xi32, #tpu.memory_space<vmem>>) offsets(%dma_start3A_217 : memref<2048xi32, #tpu.memory_space<vmem>>) semaphore(%arg5 : memref<!tpu.dma_semaphore, #tpu.memory_space<semaphore_mem>>)
        %dma_start3A_220 = arith.constant 1 : i32
        %dma_start3A_221 = arith.constant 1 : i32
        %dma_start3A_222 = arith.constant 0 : i32
        %dma_start3A_223 = arith.constant 0 : i32
        %dma_start3A_224 = tpu.memref_slice %run_scoped3A_8[%rem3A_201, %dma_start3A_222, %dma_start3A_223] : memref<2x16x2048xi32, #tpu.memory_space<vmem>> -> memref<1x16x2048xi32, #tpu.memory_space<vmem>>
        %dma_start3A_225 = tpu.memref_squeeze %dma_start3A_224 : memref<1x16x2048xi32, #tpu.memory_space<vmem>> -> memref<16x2048xi32, #tpu.memory_space<vmem>>
        %dma_start3A_226 = arith.constant 0 : i32
        %dma_start3A_227 = tpu.memref_slice %dma_start3A_225[%dma_start3A_221, %dma_start3A_226] : memref<16x2048xi32, #tpu.memory_space<vmem>> -> memref<1x2048xi32, #tpu.memory_space<vmem>>
        %dma_start3A_228 = tpu.memref_squeeze %dma_start3A_227 : memref<1x2048xi32, #tpu.memory_space<vmem>> -> memref<2048xi32, #tpu.memory_space<vmem>>
        %dma_start3A_229 = arith.constant 0 : i32
        %dma_start3A_230 = arith.constant 0 : i32
        %dma_start3A_231 = tpu.memref_slice %run_scoped3A[%rem3A_199, %dma_start3A_229, %dma_start3A_230] : memref<2x16x2048xi32, #tpu.memory_space<vmem>> -> memref<1x16x2048xi32, #tpu.memory_space<vmem>>
        %dma_start3A_232 = tpu.memref_squeeze %dma_start3A_231 : memref<1x16x2048xi32, #tpu.memory_space<vmem>> -> memref<16x2048xi32, #tpu.memory_space<vmem>>
        %dma_start3A_233 = arith.constant 0 : i32
        %dma_start3A_234 = tpu.memref_slice %dma_start3A_232[%dma_start3A_220, %dma_start3A_233] : memref<16x2048xi32, #tpu.memory_space<vmem>> -> memref<1x2048xi32, #tpu.memory_space<vmem>>
        %dma_start3A_235 = tpu.memref_squeeze %dma_start3A_234 : memref<1x2048xi32, #tpu.memory_space<vmem>> -> memref<2048xi32, #tpu.memory_space<vmem>>
        %dma_start3A_236 = arith.constant 0 : i32
        %dma_start3A_237 = tpu.memref_slice %arg2[%dma_start3A_236] : memref<8388608xi32, #tpu.memory_space<hbm>> -> memref<8388608xi32, #tpu.memory_space<hbm>>
        tpu.enqueue_indirect_dma source(%dma_start3A_237 : memref<8388608xi32, #tpu.memory_space<hbm>>) target(%dma_start3A_228 : memref<2048xi32, #tpu.memory_space<vmem>>) offsets(%dma_start3A_235 : memref<2048xi32, #tpu.memory_space<vmem>>) semaphore(%arg5 : memref<!tpu.dma_semaphore, #tpu.memory_space<semaphore_mem>>)
        %dma_start3A_238 = arith.constant 2 : i32
        %dma_start3A_239 = arith.constant 2 : i32
        %dma_start3A_240 = arith.constant 0 : i32
        %dma_start3A_241 = arith.constant 0 : i32
        %dma_start3A_242 = tpu.memref_slice %run_scoped3A_8[%rem3A_201, %dma_start3A_240, %dma_start3A_241] : memref<2x16x2048xi32, #tpu.memory_space<vmem>> -> memref<1x16x2048xi32, #tpu.memory_space<vmem>>
        %dma_start3A_243 = tpu.memref_squeeze %dma_start3A_242 : memref<1x16x2048xi32, #tpu.memory_space<vmem>> -> memref<16x2048xi32, #tpu.memory_space<vmem>>
        %dma_start3A_244 = arith.constant 0 : i32
        %dma_start3A_245 = tpu.memref_slice %dma_start3A_243[%dma_start3A_239, %dma_start3A_244] : memref<16x2048xi32, #tpu.memory_space<vmem>> -> memref<1x2048xi32, #tpu.memory_space<vmem>>
        %dma_start3A_246 = tpu.memref_squeeze %dma_start3A_245 : memref<1x2048xi32, #tpu.memory_space<vmem>> -> memref<2048xi32, #tpu.memory_space<vmem>>
        %dma_start3A_247 = arith.constant 0 : i32
        %dma_start3A_248 = arith.constant 0 : i32
        %dma_start3A_249 = tpu.memref_slice %run_scoped3A[%rem3A_199, %dma_start3A_247, %dma_start3A_248] : memref<2x16x2048xi32, #tpu.memory_space<vmem>> -> memref<1x16x2048xi32, #tpu.memory_space<vmem>>
        %dma_start3A_250 = tpu.memref_squeeze %dma_start3A_249 : memref<1x16x2048xi32, #tpu.memory_space<vmem>> -> memref<16x2048xi32, #tpu.memory_space<vmem>>
        %dma_start3A_251 = arith.constant 0 : i32
        %dma_start3A_252 = tpu.memref_slice %dma_start3A_250[%dma_start3A_238, %dma_start3A_251] : memref<16x2048xi32, #tpu.memory_space<vmem>> -> memref<1x2048xi32, #tpu.memory_space<vmem>>
        %dma_start3A_253 = tpu.memref_squeeze %dma_start3A_252 : memref<1x2048xi32, #tpu.memory_space<vmem>> -> memref<2048xi32, #tpu.memory_space<vmem>>
        %dma_start3A_254 = arith.constant 0 : i32
        %dma_start3A_255 = tpu.memref_slice %arg2[%dma_start3A_254] : memref<8388608xi32, #tpu.memory_space<hbm>> -> memref<8388608xi32, #tpu.memory_space<hbm>>
        tpu.enqueue_indirect_dma source(%dma_start3A_255 : memref<8388608xi32, #tpu.memory_space<hbm>>) target(%dma_start3A_246 : memref<2048xi32, #tpu.memory_space<vmem>>) offsets(%dma_start3A_253 : memref<2048xi32, #tpu.memory_space<vmem>>) semaphore(%arg5 : memref<!tpu.dma_semaphore, #tpu.memory_space<semaphore_mem>>)
        %dma_start3A_256 = arith.constant 3 : i32
        %dma_start3A_257 = arith.constant 3 : i32
        %dma_start3A_258 = arith.constant 0 : i32
        %dma_start3A_259 = arith.constant 0 : i32
        %dma_start3A_260 = tpu.memref_slice %run_scoped3A_8[%rem3A_201, %dma_start3A_258, %dma_start3A_259] : memref<2x16x2048xi32, #tpu.memory_space<vmem>> -> memref<1x16x2048xi32, #tpu.memory_space<vmem>>
        %dma_start3A_261 = tpu.memref_squeeze %dma_start3A_260 : memref<1x16x2048xi32, #tpu.memory_space<vmem>> -> memref<16x2048xi32, #tpu.memory_space<vmem>>
        %dma_start3A_262 = arith.constant 0 : i32
        %dma_start3A_263 = tpu.memref_slice %dma_start3A_261[%dma_start3A_257, %dma_start3A_262] : memref<16x2048xi32, #tpu.memory_space<vmem>> -> memref<1x2048xi32, #tpu.memory_space<vmem>>
        %dma_start3A_264 = tpu.memref_squeeze %dma_start3A_263 : memref<1x2048xi32, #tpu.memory_space<vmem>> -> memref<2048xi32, #tpu.memory_space<vmem>>
        %dma_start3A_265 = arith.constant 0 : i32
        %dma_start3A_266 = arith.constant 0 : i32
        %dma_start3A_267 = tpu.memref_slice %run_scoped3A[%rem3A_199, %dma_start3A_265, %dma_start3A_266] : memref<2x16x2048xi32, #tpu.memory_space<vmem>> -> memref<1x16x2048xi32, #tpu.memory_space<vmem>>
        %dma_start3A_268 = tpu.memref_squeeze %dma_start3A_267 : memref<1x16x2048xi32, #tpu.memory_space<vmem>> -> memref<16x2048xi32, #tpu.memory_space<vmem>>
        %dma_start3A_269 = arith.constant 0 : i32
        %dma_start3A_270 = tpu.memref_slice %dma_start3A_268[%dma_start3A_256, %dma_start3A_269] : memref<16x2048xi32, #tpu.memory_space<vmem>> -> memref<1x2048xi32, #tpu.memory_space<vmem>>
        %dma_start3A_271 = tpu.memref_squeeze %dma_start3A_270 : memref<1x2048xi32, #tpu.memory_space<vmem>> -> memref<2048xi32, #tpu.memory_space<vmem>>
        %dma_start3A_272 = arith.constant 0 : i32
        %dma_start3A_273 = tpu.memref_slice %arg2[%dma_start3A_272] : memref<8388608xi32, #tpu.memory_space<hbm>> -> memref<8388608xi32, #tpu.memory_space<hbm>>
        tpu.enqueue_indirect_dma source(%dma_start3A_273 : memref<8388608xi32, #tpu.memory_space<hbm>>) target(%dma_start3A_264 : memref<2048xi32, #tpu.memory_space<vmem>>) offsets(%dma_start3A_271 : memref<2048xi32, #tpu.memory_space<vmem>>) semaphore(%arg5 : memref<!tpu.dma_semaphore, #tpu.memory_space<semaphore_mem>>)
        %dma_start3A_274 = arith.constant 4 : i32
        %dma_start3A_275 = arith.constant 4 : i32
        %dma_start3A_276 = arith.constant 0 : i32
        %dma_start3A_277 = arith.constant 0 : i32
        %dma_start3A_278 = tpu.memref_slice %run_scoped3A_8[%rem3A_201, %dma_start3A_276, %dma_start3A_277] : memref<2x16x2048xi32, #tpu.memory_space<vmem>> -> memref<1x16x2048xi32, #tpu.memory_space<vmem>>
        %dma_start3A_279 = tpu.memref_squeeze %dma_start3A_278 : memref<1x16x2048xi32, #tpu.memory_space<vmem>> -> memref<16x2048xi32, #tpu.memory_space<vmem>>
        %dma_start3A_280 = arith.constant 0 : i32
        %dma_start3A_281 = tpu.memref_slice %dma_start3A_279[%dma_start3A_275, %dma_start3A_280] : memref<16x2048xi32, #tpu.memory_space<vmem>> -> memref<1x2048xi32, #tpu.memory_space<vmem>>
        %dma_start3A_282 = tpu.memref_squeeze %dma_start3A_281 : memref<1x2048xi32, #tpu.memory_space<vmem>> -> memref<2048xi32, #tpu.memory_space<vmem>>
        %dma_start3A_283 = arith.constant 0 : i32
        %dma_start3A_284 = arith.constant 0 : i32
        %dma_start3A_285 = tpu.memref_slice %run_scoped3A[%rem3A_199, %dma_start3A_283, %dma_start3A_284] : memref<2x16x2048xi32, #tpu.memory_space<vmem>> -> memref<1x16x2048xi32, #tpu.memory_space<vmem>>
        %dma_start3A_286 = tpu.memref_squeeze %dma_start3A_285 : memref<1x16x2048xi32, #tpu.memory_space<vmem>> -> memref<16x2048xi32, #tpu.memory_space<vmem>>
        %dma_start3A_287 = arith.constant 0 : i32
        %dma_start3A_288 = tpu.memref_slice %dma_start3A_286[%dma_start3A_274, %dma_start3A_287] : memref<16x2048xi32, #tpu.memory_space<vmem>> -> memref<1x2048xi32, #tpu.memory_space<vmem>>
        %dma_start3A_289 = tpu.memref_squeeze %dma_start3A_288 : memref<1x2048xi32, #tpu.memory_space<vmem>> -> memref<2048xi32, #tpu.memory_space<vmem>>
        %dma_start3A_290 = arith.constant 0 : i32
        %dma_start3A_291 = tpu.memref_slice %arg2[%dma_start3A_290] : memref<8388608xi32, #tpu.memory_space<hbm>> -> memref<8388608xi32, #tpu.memory_space<hbm>>
        tpu.enqueue_indirect_dma source(%dma_start3A_291 : memref<8388608xi32, #tpu.memory_space<hbm>>) target(%dma_start3A_282 : memref<2048xi32, #tpu.memory_space<vmem>>) offsets(%dma_start3A_289 : memref<2048xi32, #tpu.memory_space<vmem>>) semaphore(%arg5 : memref<!tpu.dma_semaphore, #tpu.memory_space<semaphore_mem>>)
        %dma_start3A_292 = arith.constant 5 : i32
        %dma_start3A_293 = arith.constant 5 : i32
        %dma_start3A_294 = arith.constant 0 : i32
        %dma_start3A_295 = arith.constant 0 : i32
        %dma_start3A_296 = tpu.memref_slice %run_scoped3A_8[%rem3A_201, %dma_start3A_294, %dma_start3A_295] : memref<2x16x2048xi32, #tpu.memory_space<vmem>> -> memref<1x16x2048xi32, #tpu.memory_space<vmem>>
        %dma_start3A_297 = tpu.memref_squeeze %dma_start3A_296 : memref<1x16x2048xi32, #tpu.memory_space<vmem>> -> memref<16x2048xi32, #tpu.memory_space<vmem>>
        %dma_start3A_298 = arith.constant 0 : i32
        %dma_start3A_299 = tpu.memref_slice %dma_start3A_297[%dma_start3A_293, %dma_start3A_298] : memref<16x2048xi32, #tpu.memory_space<vmem>> -> memref<1x2048xi32, #tpu.memory_space<vmem>>
        %dma_start3A_300 = tpu.memref_squeeze %dma_start3A_299 : memref<1x2048xi32, #tpu.memory_space<vmem>> -> memref<2048xi32, #tpu.memory_space<vmem>>
        %dma_start3A_301 = arith.constant 0 : i32
        %dma_start3A_302 = arith.constant 0 : i32
        %dma_start3A_303 = tpu.memref_slice %run_scoped3A[%rem3A_199, %dma_start3A_301, %dma_start3A_302] : memref<2x16x2048xi32, #tpu.memory_space<vmem>> -> memref<1x16x2048xi32, #tpu.memory_space<vmem>>
        %dma_start3A_304 = tpu.memref_squeeze %dma_start3A_303 : memref<1x16x2048xi32, #tpu.memory_space<vmem>> -> memref<16x2048xi32, #tpu.memory_space<vmem>>
        %dma_start3A_305 = arith.constant 0 : i32
        %dma_start3A_306 = tpu.memref_slice %dma_start3A_304[%dma_start3A_292, %dma_start3A_305] : memref<16x2048xi32, #tpu.memory_space<vmem>> -> memref<1x2048xi32, #tpu.memory_space<vmem>>
        %dma_start3A_307 = tpu.memref_squeeze %dma_start3A_306 : memref<1x2048xi32, #tpu.memory_space<vmem>> -> memref<2048xi32, #tpu.memory_space<vmem>>
        %dma_start3A_308 = arith.constant 0 : i32
        %dma_start3A_309 = tpu.memref_slice %arg2[%dma_start3A_308] : memref<8388608xi32, #tpu.memory_space<hbm>> -> memref<8388608xi32, #tpu.memory_space<hbm>>
        tpu.enqueue_indirect_dma source(%dma_start3A_309 : memref<8388608xi32, #tpu.memory_space<hbm>>) target(%dma_start3A_300 : memref<2048xi32, #tpu.memory_space<vmem>>) offsets(%dma_start3A_307 : memref<2048xi32, #tpu.memory_space<vmem>>) semaphore(%arg5 : memref<!tpu.dma_semaphore, #tpu.memory_space<semaphore_mem>>)
        %dma_start3A_310 = arith.constant 6 : i32
        %dma_start3A_311 = arith.constant 6 : i32
        %dma_start3A_312 = arith.constant 0 : i32
        %dma_start3A_313 = arith.constant 0 : i32
        %dma_start3A_314 = tpu.memref_slice %run_scoped3A_8[%rem3A_201, %dma_start3A_312, %dma_start3A_313] : memref<2x16x2048xi32, #tpu.memory_space<vmem>> -> memref<1x16x2048xi32, #tpu.memory_space<vmem>>
        %dma_start3A_315 = tpu.memref_squeeze %dma_start3A_314 : memref<1x16x2048xi32, #tpu.memory_space<vmem>> -> memref<16x2048xi32, #tpu.memory_space<vmem>>
        %dma_start3A_316 = arith.constant 0 : i32
        %dma_start3A_317 = tpu.memref_slice %dma_start3A_315[%dma_start3A_311, %dma_start3A_316] : memref<16x2048xi32, #tpu.memory_space<vmem>> -> memref<1x2048xi32, #tpu.memory_space<vmem>>
        %dma_start3A_318 = tpu.memref_squeeze %dma_start3A_317 : memref<1x2048xi32, #tpu.memory_space<vmem>> -> memref<2048xi32, #tpu.memory_space<vmem>>
        %dma_start3A_319 = arith.constant 0 : i32
        %dma_start3A_320 = arith.constant 0 : i32
        %dma_start3A_321 = tpu.memref_slice %run_scoped3A[%rem3A_199, %dma_start3A_319, %dma_start3A_320] : memref<2x16x2048xi32, #tpu.memory_space<vmem>> -> memref<1x16x2048xi32, #tpu.memory_space<vmem>>
        %dma_start3A_322 = tpu.memref_squeeze %dma_start3A_321 : memref<1x16x2048xi32, #tpu.memory_space<vmem>> -> memref<16x2048xi32, #tpu.memory_space<vmem>>
        %dma_start3A_323 = arith.constant 0 : i32
        %dma_start3A_324 = tpu.memref_slice %dma_start3A_322[%dma_start3A_310, %dma_start3A_323] : memref<16x2048xi32, #tpu.memory_space<vmem>> -> memref<1x2048xi32, #tpu.memory_space<vmem>>
        %dma_start3A_325 = tpu.memref_squeeze %dma_start3A_324 : memref<1x2048xi32, #tpu.memory_space<vmem>> -> memref<2048xi32, #tpu.memory_space<vmem>>
        %dma_start3A_326 = arith.constant 0 : i32
        %dma_start3A_327 = tpu.memref_slice %arg2[%dma_start3A_326] : memref<8388608xi32, #tpu.memory_space<hbm>> -> memref<8388608xi32, #tpu.memory_space<hbm>>
        tpu.enqueue_indirect_dma source(%dma_start3A_327 : memref<8388608xi32, #tpu.memory_space<hbm>>) target(%dma_start3A_318 : memref<2048xi32, #tpu.memory_space<vmem>>) offsets(%dma_start3A_325 : memref<2048xi32, #tpu.memory_space<vmem>>) semaphore(%arg5 : memref<!tpu.dma_semaphore, #tpu.memory_space<semaphore_mem>>)
        %dma_start3A_328 = arith.constant 7 : i32
        %dma_start3A_329 = arith.constant 7 : i32
        %dma_start3A_330 = arith.constant 0 : i32
        %dma_start3A_331 = arith.constant 0 : i32
        %dma_start3A_332 = tpu.memref_slice %run_scoped3A_8[%rem3A_201, %dma_start3A_330, %dma_start3A_331] : memref<2x16x2048xi32, #tpu.memory_space<vmem>> -> memref<1x16x2048xi32, #tpu.memory_space<vmem>>
        %dma_start3A_333 = tpu.memref_squeeze %dma_start3A_332 : memref<1x16x2048xi32, #tpu.memory_space<vmem>> -> memref<16x2048xi32, #tpu.memory_space<vmem>>
        %dma_start3A_334 = arith.constant 0 : i32
        %dma_start3A_335 = tpu.memref_slice %dma_start3A_333[%dma_start3A_329, %dma_start3A_334] : memref<16x2048xi32, #tpu.memory_space<vmem>> -> memref<1x2048xi32, #tpu.memory_space<vmem>>
        %dma_start3A_336 = tpu.memref_squeeze %dma_start3A_335 : memref<1x2048xi32, #tpu.memory_space<vmem>> -> memref<2048xi32, #tpu.memory_space<vmem>>
        %dma_start3A_337 = arith.constant 0 : i32
        %dma_start3A_338 = arith.constant 0 : i32
        %dma_start3A_339 = tpu.memref_slice %run_scoped3A[%rem3A_199, %dma_start3A_337, %dma_start3A_338] : memref<2x16x2048xi32, #tpu.memory_space<vmem>> -> memref<1x16x2048xi32, #tpu.memory_space<vmem>>
        %dma_start3A_340 = tpu.memref_squeeze %dma_start3A_339 : memref<1x16x2048xi32, #tpu.memory_space<vmem>> -> memref<16x2048xi32, #tpu.memory_space<vmem>>
        %dma_start3A_341 = arith.constant 0 : i32
        %dma_start3A_342 = tpu.memref_slice %dma_start3A_340[%dma_start3A_328, %dma_start3A_341] : memref<16x2048xi32, #tpu.memory_space<vmem>> -> memref<1x2048xi32, #tpu.memory_space<vmem>>
        %dma_start3A_343 = tpu.memref_squeeze %dma_start3A_342 : memref<1x2048xi32, #tpu.memory_space<vmem>> -> memref<2048xi32, #tpu.memory_space<vmem>>
        %dma_start3A_344 = arith.constant 0 : i32
        %dma_start3A_345 = tpu.memref_slice %arg2[%dma_start3A_344] : memref<8388608xi32, #tpu.memory_space<hbm>> -> memref<8388608xi32, #tpu.memory_space<hbm>>
        tpu.enqueue_indirect_dma source(%dma_start3A_345 : memref<8388608xi32, #tpu.memory_space<hbm>>) target(%dma_start3A_336 : memref<2048xi32, #tpu.memory_space<vmem>>) offsets(%dma_start3A_343 : memref<2048xi32, #tpu.memory_space<vmem>>) semaphore(%arg5 : memref<!tpu.dma_semaphore, #tpu.memory_space<semaphore_mem>>)
        %dma_start3A_346 = arith.constant 8 : i32
        %dma_start3A_347 = arith.constant 8 : i32
        %dma_start3A_348 = arith.constant 0 : i32
        %dma_start3A_349 = arith.constant 0 : i32
        %dma_start3A_350 = tpu.memref_slice %run_scoped3A_8[%rem3A_201, %dma_start3A_348, %dma_start3A_349] : memref<2x16x2048xi32, #tpu.memory_space<vmem>> -> memref<1x16x2048xi32, #tpu.memory_space<vmem>>
        %dma_start3A_351 = tpu.memref_squeeze %dma_start3A_350 : memref<1x16x2048xi32, #tpu.memory_space<vmem>> -> memref<16x2048xi32, #tpu.memory_space<vmem>>
        %dma_start3A_352 = arith.constant 0 : i32
        %dma_start3A_353 = tpu.memref_slice %dma_start3A_351[%dma_start3A_347, %dma_start3A_352] : memref<16x2048xi32, #tpu.memory_space<vmem>> -> memref<1x2048xi32, #tpu.memory_space<vmem>>
        %dma_start3A_354 = tpu.memref_squeeze %dma_start3A_353 : memref<1x2048xi32, #tpu.memory_space<vmem>> -> memref<2048xi32, #tpu.memory_space<vmem>>
        %dma_start3A_355 = arith.constant 0 : i32
        %dma_start3A_356 = arith.constant 0 : i32
        %dma_start3A_357 = tpu.memref_slice %run_scoped3A[%rem3A_199, %dma_start3A_355, %dma_start3A_356] : memref<2x16x2048xi32, #tpu.memory_space<vmem>> -> memref<1x16x2048xi32, #tpu.memory_space<vmem>>
        %dma_start3A_358 = tpu.memref_squeeze %dma_start3A_357 : memref<1x16x2048xi32, #tpu.memory_space<vmem>> -> memref<16x2048xi32, #tpu.memory_space<vmem>>
        %dma_start3A_359 = arith.constant 0 : i32
        %dma_start3A_360 = tpu.memref_slice %dma_start3A_358[%dma_start3A_346, %dma_start3A_359] : memref<16x2048xi32, #tpu.memory_space<vmem>> -> memref<1x2048xi32, #tpu.memory_space<vmem>>
        %dma_start3A_361 = tpu.memref_squeeze %dma_start3A_360 : memref<1x2048xi32, #tpu.memory_space<vmem>> -> memref<2048xi32, #tpu.memory_space<vmem>>
        %dma_start3A_362 = arith.constant 0 : i32
        %dma_start3A_363 = tpu.memref_slice %arg2[%dma_start3A_362] : memref<8388608xi32, #tpu.memory_space<hbm>> -> memref<8388608xi32, #tpu.memory_space<hbm>>
        tpu.enqueue_indirect_dma source(%dma_start3A_363 : memref<8388608xi32, #tpu.memory_space<hbm>>) target(%dma_start3A_354 : memref<2048xi32, #tpu.memory_space<vmem>>) offsets(%dma_start3A_361 : memref<2048xi32, #tpu.memory_space<vmem>>) semaphore(%arg5 : memref<!tpu.dma_semaphore, #tpu.memory_space<semaphore_mem>>)
        %dma_start3A_364 = arith.constant 9 : i32
        %dma_start3A_365 = arith.constant 9 : i32
        %dma_start3A_366 = arith.constant 0 : i32
        %dma_start3A_367 = arith.constant 0 : i32
        %dma_start3A_368 = tpu.memref_slice %run_scoped3A_8[%rem3A_201, %dma_start3A_366, %dma_start3A_367] : memref<2x16x2048xi32, #tpu.memory_space<vmem>> -> memref<1x16x2048xi32, #tpu.memory_space<vmem>>
        %dma_start3A_369 = tpu.memref_squeeze %dma_start3A_368 : memref<1x16x2048xi32, #tpu.memory_space<vmem>> -> memref<16x2048xi32, #tpu.memory_space<vmem>>
        %dma_start3A_370 = arith.constant 0 : i32
        %dma_start3A_371 = tpu.memref_slice %dma_start3A_369[%dma_start3A_365, %dma_start3A_370] : memref<16x2048xi32, #tpu.memory_space<vmem>> -> memref<1x2048xi32, #tpu.memory_space<vmem>>
        %dma_start3A_372 = tpu.memref_squeeze %dma_start3A_371 : memref<1x2048xi32, #tpu.memory_space<vmem>> -> memref<2048xi32, #tpu.memory_space<vmem>>
        %dma_start3A_373 = arith.constant 0 : i32
        %dma_start3A_374 = arith.constant 0 : i32
        %dma_start3A_375 = tpu.memref_slice %run_scoped3A[%rem3A_199, %dma_start3A_373, %dma_start3A_374] : memref<2x16x2048xi32, #tpu.memory_space<vmem>> -> memref<1x16x2048xi32, #tpu.memory_space<vmem>>
        %dma_start3A_376 = tpu.memref_squeeze %dma_start3A_375 : memref<1x16x2048xi32, #tpu.memory_space<vmem>> -> memref<16x2048xi32, #tpu.memory_space<vmem>>
        %dma_start3A_377 = arith.constant 0 : i32
        %dma_start3A_378 = tpu.memref_slice %dma_start3A_376[%dma_start3A_364, %dma_start3A_377] : memref<16x2048xi32, #tpu.memory_space<vmem>> -> memref<1x2048xi32, #tpu.memory_space<vmem>>
        %dma_start3A_379 = tpu.memref_squeeze %dma_start3A_378 : memref<1x2048xi32, #tpu.memory_space<vmem>> -> memref<2048xi32, #tpu.memory_space<vmem>>
        %dma_start3A_380 = arith.constant 0 : i32
        %dma_start3A_381 = tpu.memref_slice %arg2[%dma_start3A_380] : memref<8388608xi32, #tpu.memory_space<hbm>> -> memref<8388608xi32, #tpu.memory_space<hbm>>
        tpu.enqueue_indirect_dma source(%dma_start3A_381 : memref<8388608xi32, #tpu.memory_space<hbm>>) target(%dma_start3A_372 : memref<2048xi32, #tpu.memory_space<vmem>>) offsets(%dma_start3A_379 : memref<2048xi32, #tpu.memory_space<vmem>>) semaphore(%arg5 : memref<!tpu.dma_semaphore, #tpu.memory_space<semaphore_mem>>)
        %dma_start3A_382 = arith.constant 10 : i32
        %dma_start3A_383 = arith.constant 10 : i32
        %dma_start3A_384 = arith.constant 0 : i32
        %dma_start3A_385 = arith.constant 0 : i32
        %dma_start3A_386 = tpu.memref_slice %run_scoped3A_8[%rem3A_201, %dma_start3A_384, %dma_start3A_385] : memref<2x16x2048xi32, #tpu.memory_space<vmem>> -> memref<1x16x2048xi32, #tpu.memory_space<vmem>>
        %dma_start3A_387 = tpu.memref_squeeze %dma_start3A_386 : memref<1x16x2048xi32, #tpu.memory_space<vmem>> -> memref<16x2048xi32, #tpu.memory_space<vmem>>
        %dma_start3A_388 = arith.constant 0 : i32
        %dma_start3A_389 = tpu.memref_slice %dma_start3A_387[%dma_start3A_383, %dma_start3A_388] : memref<16x2048xi32, #tpu.memory_space<vmem>> -> memref<1x2048xi32, #tpu.memory_space<vmem>>
        %dma_start3A_390 = tpu.memref_squeeze %dma_start3A_389 : memref<1x2048xi32, #tpu.memory_space<vmem>> -> memref<2048xi32, #tpu.memory_space<vmem>>
        %dma_start3A_391 = arith.constant 0 : i32
        %dma_start3A_392 = arith.constant 0 : i32
        %dma_start3A_393 = tpu.memref_slice %run_scoped3A[%rem3A_199, %dma_start3A_391, %dma_start3A_392] : memref<2x16x2048xi32, #tpu.memory_space<vmem>> -> memref<1x16x2048xi32, #tpu.memory_space<vmem>>
        %dma_start3A_394 = tpu.memref_squeeze %dma_start3A_393 : memref<1x16x2048xi32, #tpu.memory_space<vmem>> -> memref<16x2048xi32, #tpu.memory_space<vmem>>
        %dma_start3A_395 = arith.constant 0 : i32
        %dma_start3A_396 = tpu.memref_slice %dma_start3A_394[%dma_start3A_382, %dma_start3A_395] : memref<16x2048xi32, #tpu.memory_space<vmem>> -> memref<1x2048xi32, #tpu.memory_space<vmem>>
        %dma_start3A_397 = tpu.memref_squeeze %dma_start3A_396 : memref<1x2048xi32, #tpu.memory_space<vmem>> -> memref<2048xi32, #tpu.memory_space<vmem>>
        %dma_start3A_398 = arith.constant 0 : i32
        %dma_start3A_399 = tpu.memref_slice %arg2[%dma_start3A_398] : memref<8388608xi32, #tpu.memory_space<hbm>> -> memref<8388608xi32, #tpu.memory_space<hbm>>
        tpu.enqueue_indirect_dma source(%dma_start3A_399 : memref<8388608xi32, #tpu.memory_space<hbm>>) target(%dma_start3A_390 : memref<2048xi32, #tpu.memory_space<vmem>>) offsets(%dma_start3A_397 : memref<2048xi32, #tpu.memory_space<vmem>>) semaphore(%arg5 : memref<!tpu.dma_semaphore, #tpu.memory_space<semaphore_mem>>)
        %dma_start3A_400 = arith.constant 11 : i32
        %dma_start3A_401 = arith.constant 11 : i32
        %dma_start3A_402 = arith.constant 0 : i32
        %dma_start3A_403 = arith.constant 0 : i32
        %dma_start3A_404 = tpu.memref_slice %run_scoped3A_8[%rem3A_201, %dma_start3A_402, %dma_start3A_403] : memref<2x16x2048xi32, #tpu.memory_space<vmem>> -> memref<1x16x2048xi32, #tpu.memory_space<vmem>>
        %dma_start3A_405 = tpu.memref_squeeze %dma_start3A_404 : memref<1x16x2048xi32, #tpu.memory_space<vmem>> -> memref<16x2048xi32, #tpu.memory_space<vmem>>
        %dma_start3A_406 = arith.constant 0 : i32
        %dma_start3A_407 = tpu.memref_slice %dma_start3A_405[%dma_start3A_401, %dma_start3A_406] : memref<16x2048xi32, #tpu.memory_space<vmem>> -> memref<1x2048xi32, #tpu.memory_space<vmem>>
        %dma_start3A_408 = tpu.memref_squeeze %dma_start3A_407 : memref<1x2048xi32, #tpu.memory_space<vmem>> -> memref<2048xi32, #tpu.memory_space<vmem>>
        %dma_start3A_409 = arith.constant 0 : i32
        %dma_start3A_410 = arith.constant 0 : i32
        %dma_start3A_411 = tpu.memref_slice %run_scoped3A[%rem3A_199, %dma_start3A_409, %dma_start3A_410] : memref<2x16x2048xi32, #tpu.memory_space<vmem>> -> memref<1x16x2048xi32, #tpu.memory_space<vmem>>
        %dma_start3A_412 = tpu.memref_squeeze %dma_start3A_411 : memref<1x16x2048xi32, #tpu.memory_space<vmem>> -> memref<16x2048xi32, #tpu.memory_space<vmem>>
        %dma_start3A_413 = arith.constant 0 : i32
        %dma_start3A_414 = tpu.memref_slice %dma_start3A_412[%dma_start3A_400, %dma_start3A_413] : memref<16x2048xi32, #tpu.memory_space<vmem>> -> memref<1x2048xi32, #tpu.memory_space<vmem>>
        %dma_start3A_415 = tpu.memref_squeeze %dma_start3A_414 : memref<1x2048xi32, #tpu.memory_space<vmem>> -> memref<2048xi32, #tpu.memory_space<vmem>>
        %dma_start3A_416 = arith.constant 0 : i32
        %dma_start3A_417 = tpu.memref_slice %arg2[%dma_start3A_416] : memref<8388608xi32, #tpu.memory_space<hbm>> -> memref<8388608xi32, #tpu.memory_space<hbm>>
        tpu.enqueue_indirect_dma source(%dma_start3A_417 : memref<8388608xi32, #tpu.memory_space<hbm>>) target(%dma_start3A_408 : memref<2048xi32, #tpu.memory_space<vmem>>) offsets(%dma_start3A_415 : memref<2048xi32, #tpu.memory_space<vmem>>) semaphore(%arg5 : memref<!tpu.dma_semaphore, #tpu.memory_space<semaphore_mem>>)
        %dma_start3A_418 = arith.constant 12 : i32
        %dma_start3A_419 = arith.constant 12 : i32
        %dma_start3A_420 = arith.constant 0 : i32
        %dma_start3A_421 = arith.constant 0 : i32
        %dma_start3A_422 = tpu.memref_slice %run_scoped3A_8[%rem3A_201, %dma_start3A_420, %dma_start3A_421] : memref<2x16x2048xi32, #tpu.memory_space<vmem>> -> memref<1x16x2048xi32, #tpu.memory_space<vmem>>
        %dma_start3A_423 = tpu.memref_squeeze %dma_start3A_422 : memref<1x16x2048xi32, #tpu.memory_space<vmem>> -> memref<16x2048xi32, #tpu.memory_space<vmem>>
        %dma_start3A_424 = arith.constant 0 : i32
        %dma_start3A_425 = tpu.memref_slice %dma_start3A_423[%dma_start3A_419, %dma_start3A_424] : memref<16x2048xi32, #tpu.memory_space<vmem>> -> memref<1x2048xi32, #tpu.memory_space<vmem>>
        %dma_start3A_426 = tpu.memref_squeeze %dma_start3A_425 : memref<1x2048xi32, #tpu.memory_space<vmem>> -> memref<2048xi32, #tpu.memory_space<vmem>>
        %dma_start3A_427 = arith.constant 0 : i32
        %dma_start3A_428 = arith.constant 0 : i32
        %dma_start3A_429 = tpu.memref_slice %run_scoped3A[%rem3A_199, %dma_start3A_427, %dma_start3A_428] : memref<2x16x2048xi32, #tpu.memory_space<vmem>> -> memref<1x16x2048xi32, #tpu.memory_space<vmem>>
        %dma_start3A_430 = tpu.memref_squeeze %dma_start3A_429 : memref<1x16x2048xi32, #tpu.memory_space<vmem>> -> memref<16x2048xi32, #tpu.memory_space<vmem>>
        %dma_start3A_431 = arith.constant 0 : i32
        %dma_start3A_432 = tpu.memref_slice %dma_start3A_430[%dma_start3A_418, %dma_start3A_431] : memref<16x2048xi32, #tpu.memory_space<vmem>> -> memref<1x2048xi32, #tpu.memory_space<vmem>>
        %dma_start3A_433 = tpu.memref_squeeze %dma_start3A_432 : memref<1x2048xi32, #tpu.memory_space<vmem>> -> memref<2048xi32, #tpu.memory_space<vmem>>
        %dma_start3A_434 = arith.constant 0 : i32
        %dma_start3A_435 = tpu.memref_slice %arg2[%dma_start3A_434] : memref<8388608xi32, #tpu.memory_space<hbm>> -> memref<8388608xi32, #tpu.memory_space<hbm>>
        tpu.enqueue_indirect_dma source(%dma_start3A_435 : memref<8388608xi32, #tpu.memory_space<hbm>>) target(%dma_start3A_426 : memref<2048xi32, #tpu.memory_space<vmem>>) offsets(%dma_start3A_433 : memref<2048xi32, #tpu.memory_space<vmem>>) semaphore(%arg5 : memref<!tpu.dma_semaphore, #tpu.memory_space<semaphore_mem>>)
        %dma_start3A_436 = arith.constant 13 : i32
        %dma_start3A_437 = arith.constant 13 : i32
        %dma_start3A_438 = arith.constant 0 : i32
        %dma_start3A_439 = arith.constant 0 : i32
        %dma_start3A_440 = tpu.memref_slice %run_scoped3A_8[%rem3A_201, %dma_start3A_438, %dma_start3A_439] : memref<2x16x2048xi32, #tpu.memory_space<vmem>> -> memref<1x16x2048xi32, #tpu.memory_space<vmem>>
        %dma_start3A_441 = tpu.memref_squeeze %dma_start3A_440 : memref<1x16x2048xi32, #tpu.memory_space<vmem>> -> memref<16x2048xi32, #tpu.memory_space<vmem>>
        %dma_start3A_442 = arith.constant 0 : i32
        %dma_start3A_443 = tpu.memref_slice %dma_start3A_441[%dma_start3A_437, %dma_start3A_442] : memref<16x2048xi32, #tpu.memory_space<vmem>> -> memref<1x2048xi32, #tpu.memory_space<vmem>>
        %dma_start3A_444 = tpu.memref_squeeze %dma_start3A_443 : memref<1x2048xi32, #tpu.memory_space<vmem>> -> memref<2048xi32, #tpu.memory_space<vmem>>
        %dma_start3A_445 = arith.constant 0 : i32
        %dma_start3A_446 = arith.constant 0 : i32
        %dma_start3A_447 = tpu.memref_slice %run_scoped3A[%rem3A_199, %dma_start3A_445, %dma_start3A_446] : memref<2x16x2048xi32, #tpu.memory_space<vmem>> -> memref<1x16x2048xi32, #tpu.memory_space<vmem>>
        %dma_start3A_448 = tpu.memref_squeeze %dma_start3A_447 : memref<1x16x2048xi32, #tpu.memory_space<vmem>> -> memref<16x2048xi32, #tpu.memory_space<vmem>>
        %dma_start3A_449 = arith.constant 0 : i32
        %dma_start3A_450 = tpu.memref_slice %dma_start3A_448[%dma_start3A_436, %dma_start3A_449] : memref<16x2048xi32, #tpu.memory_space<vmem>> -> memref<1x2048xi32, #tpu.memory_space<vmem>>
        %dma_start3A_451 = tpu.memref_squeeze %dma_start3A_450 : memref<1x2048xi32, #tpu.memory_space<vmem>> -> memref<2048xi32, #tpu.memory_space<vmem>>
        %dma_start3A_452 = arith.constant 0 : i32
        %dma_start3A_453 = tpu.memref_slice %arg2[%dma_start3A_452] : memref<8388608xi32, #tpu.memory_space<hbm>> -> memref<8388608xi32, #tpu.memory_space<hbm>>
        tpu.enqueue_indirect_dma source(%dma_start3A_453 : memref<8388608xi32, #tpu.memory_space<hbm>>) target(%dma_start3A_444 : memref<2048xi32, #tpu.memory_space<vmem>>) offsets(%dma_start3A_451 : memref<2048xi32, #tpu.memory_space<vmem>>) semaphore(%arg5 : memref<!tpu.dma_semaphore, #tpu.memory_space<semaphore_mem>>)
        %dma_start3A_454 = arith.constant 14 : i32
        %dma_start3A_455 = arith.constant 14 : i32
        %dma_start3A_456 = arith.constant 0 : i32
        %dma_start3A_457 = arith.constant 0 : i32
        %dma_start3A_458 = tpu.memref_slice %run_scoped3A_8[%rem3A_201, %dma_start3A_456, %dma_start3A_457] : memref<2x16x2048xi32, #tpu.memory_space<vmem>> -> memref<1x16x2048xi32, #tpu.memory_space<vmem>>
        %dma_start3A_459 = tpu.memref_squeeze %dma_start3A_458 : memref<1x16x2048xi32, #tpu.memory_space<vmem>> -> memref<16x2048xi32, #tpu.memory_space<vmem>>
        %dma_start3A_460 = arith.constant 0 : i32
        %dma_start3A_461 = tpu.memref_slice %dma_start3A_459[%dma_start3A_455, %dma_start3A_460] : memref<16x2048xi32, #tpu.memory_space<vmem>> -> memref<1x2048xi32, #tpu.memory_space<vmem>>
        %dma_start3A_462 = tpu.memref_squeeze %dma_start3A_461 : memref<1x2048xi32, #tpu.memory_space<vmem>> -> memref<2048xi32, #tpu.memory_space<vmem>>
        %dma_start3A_463 = arith.constant 0 : i32
        %dma_start3A_464 = arith.constant 0 : i32
        %dma_start3A_465 = tpu.memref_slice %run_scoped3A[%rem3A_199, %dma_start3A_463, %dma_start3A_464] : memref<2x16x2048xi32, #tpu.memory_space<vmem>> -> memref<1x16x2048xi32, #tpu.memory_space<vmem>>
        %dma_start3A_466 = tpu.memref_squeeze %dma_start3A_465 : memref<1x16x2048xi32, #tpu.memory_space<vmem>> -> memref<16x2048xi32, #tpu.memory_space<vmem>>
        %dma_start3A_467 = arith.constant 0 : i32
        %dma_start3A_468 = tpu.memref_slice %dma_start3A_466[%dma_start3A_454, %dma_start3A_467] : memref<16x2048xi32, #tpu.memory_space<vmem>> -> memref<1x2048xi32, #tpu.memory_space<vmem>>
        %dma_start3A_469 = tpu.memref_squeeze %dma_start3A_468 : memref<1x2048xi32, #tpu.memory_space<vmem>> -> memref<2048xi32, #tpu.memory_space<vmem>>
        %dma_start3A_470 = arith.constant 0 : i32
        %dma_start3A_471 = tpu.memref_slice %arg2[%dma_start3A_470] : memref<8388608xi32, #tpu.memory_space<hbm>> -> memref<8388608xi32, #tpu.memory_space<hbm>>
        tpu.enqueue_indirect_dma source(%dma_start3A_471 : memref<8388608xi32, #tpu.memory_space<hbm>>) target(%dma_start3A_462 : memref<2048xi32, #tpu.memory_space<vmem>>) offsets(%dma_start3A_469 : memref<2048xi32, #tpu.memory_space<vmem>>) semaphore(%arg5 : memref<!tpu.dma_semaphore, #tpu.memory_space<semaphore_mem>>)
        %dma_start3A_472 = arith.constant 15 : i32
        %dma_start3A_473 = arith.constant 15 : i32
        %dma_start3A_474 = arith.constant 0 : i32
        %dma_start3A_475 = arith.constant 0 : i32
        %dma_start3A_476 = tpu.memref_slice %run_scoped3A_8[%rem3A_201, %dma_start3A_474, %dma_start3A_475] : memref<2x16x2048xi32, #tpu.memory_space<vmem>> -> memref<1x16x2048xi32, #tpu.memory_space<vmem>>
        %dma_start3A_477 = tpu.memref_squeeze %dma_start3A_476 : memref<1x16x2048xi32, #tpu.memory_space<vmem>> -> memref<16x2048xi32, #tpu.memory_space<vmem>>
        %dma_start3A_478 = arith.constant 0 : i32
        %dma_start3A_479 = tpu.memref_slice %dma_start3A_477[%dma_start3A_473, %dma_start3A_478] : memref<16x2048xi32, #tpu.memory_space<vmem>> -> memref<1x2048xi32, #tpu.memory_space<vmem>>
        %dma_start3A_480 = tpu.memref_squeeze %dma_start3A_479 : memref<1x2048xi32, #tpu.memory_space<vmem>> -> memref<2048xi32, #tpu.memory_space<vmem>>
        %dma_start3A_481 = arith.constant 0 : i32
        %dma_start3A_482 = arith.constant 0 : i32
        %dma_start3A_483 = tpu.memref_slice %run_scoped3A[%rem3A_199, %dma_start3A_481, %dma_start3A_482] : memref<2x16x2048xi32, #tpu.memory_space<vmem>> -> memref<1x16x2048xi32, #tpu.memory_space<vmem>>
        %dma_start3A_484 = tpu.memref_squeeze %dma_start3A_483 : memref<1x16x2048xi32, #tpu.memory_space<vmem>> -> memref<16x2048xi32, #tpu.memory_space<vmem>>
        %dma_start3A_485 = arith.constant 0 : i32
        %dma_start3A_486 = tpu.memref_slice %dma_start3A_484[%dma_start3A_472, %dma_start3A_485] : memref<16x2048xi32, #tpu.memory_space<vmem>> -> memref<1x2048xi32, #tpu.memory_space<vmem>>
        %dma_start3A_487 = tpu.memref_squeeze %dma_start3A_486 : memref<1x2048xi32, #tpu.memory_space<vmem>> -> memref<2048xi32, #tpu.memory_space<vmem>>
        %dma_start3A_488 = arith.constant 0 : i32
        %dma_start3A_489 = tpu.memref_slice %arg2[%dma_start3A_488] : memref<8388608xi32, #tpu.memory_space<hbm>> -> memref<8388608xi32, #tpu.memory_space<hbm>>
        tpu.enqueue_indirect_dma source(%dma_start3A_489 : memref<8388608xi32, #tpu.memory_space<hbm>>) target(%dma_start3A_480 : memref<2048xi32, #tpu.memory_space<vmem>>) offsets(%dma_start3A_487 : memref<2048xi32, #tpu.memory_space<vmem>>) semaphore(%arg5 : memref<!tpu.dma_semaphore, #tpu.memory_space<semaphore_mem>>)
        %dma_wait3A_490 = arith.constant 0 : i32
        %dma_wait3A_491 = arith.constant 0 : i32
        %dma_wait3A_492 = arith.constant 0 : i32
        %dma_wait3A_493 = arith.constant 0 : i32
        %dma_wait3A_494 = tpu.memref_slice %run_scoped3A_8[%rem3A_201, %dma_wait3A_492, %dma_wait3A_493] : memref<2x16x2048xi32, #tpu.memory_space<vmem>> -> memref<1x16x2048xi32, #tpu.memory_space<vmem>>
        %dma_wait3A_495 = tpu.memref_squeeze %dma_wait3A_494 : memref<1x16x2048xi32, #tpu.memory_space<vmem>> -> memref<16x2048xi32, #tpu.memory_space<vmem>>
        %dma_wait3A_496 = arith.constant 0 : i32
        %dma_wait3A_497 = tpu.memref_slice %dma_wait3A_495[%dma_wait3A_491, %dma_wait3A_496] : memref<16x2048xi32, #tpu.memory_space<vmem>> -> memref<1x2048xi32, #tpu.memory_space<vmem>>
        %dma_wait3A_498 = tpu.memref_squeeze %dma_wait3A_497 : memref<1x2048xi32, #tpu.memory_space<vmem>> -> memref<2048xi32, #tpu.memory_space<vmem>>
        %dma_wait3A_499 = arith.constant 0 : i32
        %dma_wait3A_500 = arith.constant 0 : i32
        %dma_wait3A_501 = tpu.memref_slice %run_scoped3A[%rem3A_199, %dma_wait3A_499, %dma_wait3A_500] : memref<2x16x2048xi32, #tpu.memory_space<vmem>> -> memref<1x16x2048xi32, #tpu.memory_space<vmem>>
        %dma_wait3A_502 = tpu.memref_squeeze %dma_wait3A_501 : memref<1x16x2048xi32, #tpu.memory_space<vmem>> -> memref<16x2048xi32, #tpu.memory_space<vmem>>
        %dma_wait3A_503 = arith.constant 0 : i32
        %dma_wait3A_504 = tpu.memref_slice %dma_wait3A_502[%dma_wait3A_490, %dma_wait3A_503] : memref<16x2048xi32, #tpu.memory_space<vmem>> -> memref<1x2048xi32, #tpu.memory_space<vmem>>
        %dma_wait3A_505 = tpu.memref_squeeze %dma_wait3A_504 : memref<1x2048xi32, #tpu.memory_space<vmem>> -> memref<2048xi32, #tpu.memory_space<vmem>>
        %dma_wait3A_506 = arith.constant 0 : i32
        %dma_wait3A_507 = tpu.memref_slice %arg2[%dma_wait3A_506] : memref<8388608xi32, #tpu.memory_space<hbm>> -> memref<8388608xi32, #tpu.memory_space<hbm>>
        tpu.wait_indirect_dma semaphore(%arg5 : memref<!tpu.dma_semaphore, #tpu.memory_space<semaphore_mem>>) src(%dma_wait3A_507 : memref<8388608xi32, #tpu.memory_space<hbm>>) dst(%dma_wait3A_498 : memref<2048xi32, #tpu.memory_space<vmem>>)
        %dma_wait3A_508 = arith.constant 1 : i32
        %dma_wait3A_509 = arith.constant 1 : i32
        %dma_wait3A_510 = arith.constant 0 : i32
        %dma_wait3A_511 = arith.constant 0 : i32
        %dma_wait3A_512 = tpu.memref_slice %run_scoped3A_8[%rem3A_201, %dma_wait3A_510, %dma_wait3A_511] : memref<2x16x2048xi32, #tpu.memory_space<vmem>> -> memref<1x16x2048xi32, #tpu.memory_space<vmem>>
        %dma_wait3A_513 = tpu.memref_squeeze %dma_wait3A_512 : memref<1x16x2048xi32, #tpu.memory_space<vmem>> -> memref<16x2048xi32, #tpu.memory_space<vmem>>
        %dma_wait3A_514 = arith.constant 0 : i32
        %dma_wait3A_515 = tpu.memref_slice %dma_wait3A_513[%dma_wait3A_509, %dma_wait3A_514] : memref<16x2048xi32, #tpu.memory_space<vmem>> -> memref<1x2048xi32, #tpu.memory_space<vmem>>
        %dma_wait3A_516 = tpu.memref_squeeze %dma_wait3A_515 : memref<1x2048xi32, #tpu.memory_space<vmem>> -> memref<2048xi32, #tpu.memory_space<vmem>>
        %dma_wait3A_517 = arith.constant 0 : i32
        %dma_wait3A_518 = arith.constant 0 : i32
        %dma_wait3A_519 = tpu.memref_slice %run_scoped3A[%rem3A_199, %dma_wait3A_517, %dma_wait3A_518] : memref<2x16x2048xi32, #tpu.memory_space<vmem>> -> memref<1x16x2048xi32, #tpu.memory_space<vmem>>
        %dma_wait3A_520 = tpu.memref_squeeze %dma_wait3A_519 : memref<1x16x2048xi32, #tpu.memory_space<vmem>> -> memref<16x2048xi32, #tpu.memory_space<vmem>>
        %dma_wait3A_521 = arith.constant 0 : i32
        %dma_wait3A_522 = tpu.memref_slice %dma_wait3A_520[%dma_wait3A_508, %dma_wait3A_521] : memref<16x2048xi32, #tpu.memory_space<vmem>> -> memref<1x2048xi32, #tpu.memory_space<vmem>>
        %dma_wait3A_523 = tpu.memref_squeeze %dma_wait3A_522 : memref<1x2048xi32, #tpu.memory_space<vmem>> -> memref<2048xi32, #tpu.memory_space<vmem>>
        %dma_wait3A_524 = arith.constant 0 : i32
        %dma_wait3A_525 = tpu.memref_slice %arg2[%dma_wait3A_524] : memref<8388608xi32, #tpu.memory_space<hbm>> -> memref<8388608xi32, #tpu.memory_space<hbm>>
        tpu.wait_indirect_dma semaphore(%arg5 : memref<!tpu.dma_semaphore, #tpu.memory_space<semaphore_mem>>) src(%dma_wait3A_525 : memref<8388608xi32, #tpu.memory_space<hbm>>) dst(%dma_wait3A_516 : memref<2048xi32, #tpu.memory_space<vmem>>)
        %dma_wait3A_526 = arith.constant 2 : i32
        %dma_wait3A_527 = arith.constant 2 : i32
        %dma_wait3A_528 = arith.constant 0 : i32
        %dma_wait3A_529 = arith.constant 0 : i32
        %dma_wait3A_530 = tpu.memref_slice %run_scoped3A_8[%rem3A_201, %dma_wait3A_528, %dma_wait3A_529] : memref<2x16x2048xi32, #tpu.memory_space<vmem>> -> memref<1x16x2048xi32, #tpu.memory_space<vmem>>
        %dma_wait3A_531 = tpu.memref_squeeze %dma_wait3A_530 : memref<1x16x2048xi32, #tpu.memory_space<vmem>> -> memref<16x2048xi32, #tpu.memory_space<vmem>>
        %dma_wait3A_532 = arith.constant 0 : i32
        %dma_wait3A_533 = tpu.memref_slice %dma_wait3A_531[%dma_wait3A_527, %dma_wait3A_532] : memref<16x2048xi32, #tpu.memory_space<vmem>> -> memref<1x2048xi32, #tpu.memory_space<vmem>>
        %dma_wait3A_534 = tpu.memref_squeeze %dma_wait3A_533 : memref<1x2048xi32, #tpu.memory_space<vmem>> -> memref<2048xi32, #tpu.memory_space<vmem>>
        %dma_wait3A_535 = arith.constant 0 : i32
        %dma_wait3A_536 = arith.constant 0 : i32
        %dma_wait3A_537 = tpu.memref_slice %run_scoped3A[%rem3A_199, %dma_wait3A_535, %dma_wait3A_536] : memref<2x16x2048xi32, #tpu.memory_space<vmem>> -> memref<1x16x2048xi32, #tpu.memory_space<vmem>>
        %dma_wait3A_538 = tpu.memref_squeeze %dma_wait3A_537 : memref<1x16x2048xi32, #tpu.memory_space<vmem>> -> memref<16x2048xi32, #tpu.memory_space<vmem>>
        %dma_wait3A_539 = arith.constant 0 : i32
        %dma_wait3A_540 = tpu.memref_slice %dma_wait3A_538[%dma_wait3A_526, %dma_wait3A_539] : memref<16x2048xi32, #tpu.memory_space<vmem>> -> memref<1x2048xi32, #tpu.memory_space<vmem>>
        %dma_wait3A_541 = tpu.memref_squeeze %dma_wait3A_540 : memref<1x2048xi32, #tpu.memory_space<vmem>> -> memref<2048xi32, #tpu.memory_space<vmem>>
        %dma_wait3A_542 = arith.constant 0 : i32
        %dma_wait3A_543 = tpu.memref_slice %arg2[%dma_wait3A_542] : memref<8388608xi32, #tpu.memory_space<hbm>> -> memref<8388608xi32, #tpu.memory_space<hbm>>
        tpu.wait_indirect_dma semaphore(%arg5 : memref<!tpu.dma_semaphore, #tpu.memory_space<semaphore_mem>>) src(%dma_wait3A_543 : memref<8388608xi32, #tpu.memory_space<hbm>>) dst(%dma_wait3A_534 : memref<2048xi32, #tpu.memory_space<vmem>>)
        %dma_wait3A_544 = arith.constant 3 : i32
        %dma_wait3A_545 = arith.constant 3 : i32
        %dma_wait3A_546 = arith.constant 0 : i32
        %dma_wait3A_547 = arith.constant 0 : i32
        %dma_wait3A_548 = tpu.memref_slice %run_scoped3A_8[%rem3A_201, %dma_wait3A_546, %dma_wait3A_547] : memref<2x16x2048xi32, #tpu.memory_space<vmem>> -> memref<1x16x2048xi32, #tpu.memory_space<vmem>>
        %dma_wait3A_549 = tpu.memref_squeeze %dma_wait3A_548 : memref<1x16x2048xi32, #tpu.memory_space<vmem>> -> memref<16x2048xi32, #tpu.memory_space<vmem>>
        %dma_wait3A_550 = arith.constant 0 : i32
        %dma_wait3A_551 = tpu.memref_slice %dma_wait3A_549[%dma_wait3A_545, %dma_wait3A_550] : memref<16x2048xi32, #tpu.memory_space<vmem>> -> memref<1x2048xi32, #tpu.memory_space<vmem>>
        %dma_wait3A_552 = tpu.memref_squeeze %dma_wait3A_551 : memref<1x2048xi32, #tpu.memory_space<vmem>> -> memref<2048xi32, #tpu.memory_space<vmem>>
        %dma_wait3A_553 = arith.constant 0 : i32
        %dma_wait3A_554 = arith.constant 0 : i32
        %dma_wait3A_555 = tpu.memref_slice %run_scoped3A[%rem3A_199, %dma_wait3A_553, %dma_wait3A_554] : memref<2x16x2048xi32, #tpu.memory_space<vmem>> -> memref<1x16x2048xi32, #tpu.memory_space<vmem>>
        %dma_wait3A_556 = tpu.memref_squeeze %dma_wait3A_555 : memref<1x16x2048xi32, #tpu.memory_space<vmem>> -> memref<16x2048xi32, #tpu.memory_space<vmem>>
        %dma_wait3A_557 = arith.constant 0 : i32
        %dma_wait3A_558 = tpu.memref_slice %dma_wait3A_556[%dma_wait3A_544, %dma_wait3A_557] : memref<16x2048xi32, #tpu.memory_space<vmem>> -> memref<1x2048xi32, #tpu.memory_space<vmem>>
        %dma_wait3A_559 = tpu.memref_squeeze %dma_wait3A_558 : memref<1x2048xi32, #tpu.memory_space<vmem>> -> memref<2048xi32, #tpu.memory_space<vmem>>
        %dma_wait3A_560 = arith.constant 0 : i32
        %dma_wait3A_561 = tpu.memref_slice %arg2[%dma_wait3A_560] : memref<8388608xi32, #tpu.memory_space<hbm>> -> memref<8388608xi32, #tpu.memory_space<hbm>>
        tpu.wait_indirect_dma semaphore(%arg5 : memref<!tpu.dma_semaphore, #tpu.memory_space<semaphore_mem>>) src(%dma_wait3A_561 : memref<8388608xi32, #tpu.memory_space<hbm>>) dst(%dma_wait3A_552 : memref<2048xi32, #tpu.memory_space<vmem>>)
        %dma_wait3A_562 = arith.constant 4 : i32
        %dma_wait3A_563 = arith.constant 4 : i32
        %dma_wait3A_564 = arith.constant 0 : i32
        %dma_wait3A_565 = arith.constant 0 : i32
        %dma_wait3A_566 = tpu.memref_slice %run_scoped3A_8[%rem3A_201, %dma_wait3A_564, %dma_wait3A_565] : memref<2x16x2048xi32, #tpu.memory_space<vmem>> -> memref<1x16x2048xi32, #tpu.memory_space<vmem>>
        %dma_wait3A_567 = tpu.memref_squeeze %dma_wait3A_566 : memref<1x16x2048xi32, #tpu.memory_space<vmem>> -> memref<16x2048xi32, #tpu.memory_space<vmem>>
        %dma_wait3A_568 = arith.constant 0 : i32
        %dma_wait3A_569 = tpu.memref_slice %dma_wait3A_567[%dma_wait3A_563, %dma_wait3A_568] : memref<16x2048xi32, #tpu.memory_space<vmem>> -> memref<1x2048xi32, #tpu.memory_space<vmem>>
        %dma_wait3A_570 = tpu.memref_squeeze %dma_wait3A_569 : memref<1x2048xi32, #tpu.memory_space<vmem>> -> memref<2048xi32, #tpu.memory_space<vmem>>
        %dma_wait3A_571 = arith.constant 0 : i32
        %dma_wait3A_572 = arith.constant 0 : i32
        %dma_wait3A_573 = tpu.memref_slice %run_scoped3A[%rem3A_199, %dma_wait3A_571, %dma_wait3A_572] : memref<2x16x2048xi32, #tpu.memory_space<vmem>> -> memref<1x16x2048xi32, #tpu.memory_space<vmem>>
        %dma_wait3A_574 = tpu.memref_squeeze %dma_wait3A_573 : memref<1x16x2048xi32, #tpu.memory_space<vmem>> -> memref<16x2048xi32, #tpu.memory_space<vmem>>
        %dma_wait3A_575 = arith.constant 0 : i32
        %dma_wait3A_576 = tpu.memref_slice %dma_wait3A_574[%dma_wait3A_562, %dma_wait3A_575] : memref<16x2048xi32, #tpu.memory_space<vmem>> -> memref<1x2048xi32, #tpu.memory_space<vmem>>
        %dma_wait3A_577 = tpu.memref_squeeze %dma_wait3A_576 : memref<1x2048xi32, #tpu.memory_space<vmem>> -> memref<2048xi32, #tpu.memory_space<vmem>>
        %dma_wait3A_578 = arith.constant 0 : i32
        %dma_wait3A_579 = tpu.memref_slice %arg2[%dma_wait3A_578] : memref<8388608xi32, #tpu.memory_space<hbm>> -> memref<8388608xi32, #tpu.memory_space<hbm>>
        tpu.wait_indirect_dma semaphore(%arg5 : memref<!tpu.dma_semaphore, #tpu.memory_space<semaphore_mem>>) src(%dma_wait3A_579 : memref<8388608xi32, #tpu.memory_space<hbm>>) dst(%dma_wait3A_570 : memref<2048xi32, #tpu.memory_space<vmem>>)
        %dma_wait3A_580 = arith.constant 5 : i32
        %dma_wait3A_581 = arith.constant 5 : i32
        %dma_wait3A_582 = arith.constant 0 : i32
        %dma_wait3A_583 = arith.constant 0 : i32
        %dma_wait3A_584 = tpu.memref_slice %run_scoped3A_8[%rem3A_201, %dma_wait3A_582, %dma_wait3A_583] : memref<2x16x2048xi32, #tpu.memory_space<vmem>> -> memref<1x16x2048xi32, #tpu.memory_space<vmem>>
        %dma_wait3A_585 = tpu.memref_squeeze %dma_wait3A_584 : memref<1x16x2048xi32, #tpu.memory_space<vmem>> -> memref<16x2048xi32, #tpu.memory_space<vmem>>
        %dma_wait3A_586 = arith.constant 0 : i32
        %dma_wait3A_587 = tpu.memref_slice %dma_wait3A_585[%dma_wait3A_581, %dma_wait3A_586] : memref<16x2048xi32, #tpu.memory_space<vmem>> -> memref<1x2048xi32, #tpu.memory_space<vmem>>
        %dma_wait3A_588 = tpu.memref_squeeze %dma_wait3A_587 : memref<1x2048xi32, #tpu.memory_space<vmem>> -> memref<2048xi32, #tpu.memory_space<vmem>>
        %dma_wait3A_589 = arith.constant 0 : i32
        %dma_wait3A_590 = arith.constant 0 : i32
        %dma_wait3A_591 = tpu.memref_slice %run_scoped3A[%rem3A_199, %dma_wait3A_589, %dma_wait3A_590] : memref<2x16x2048xi32, #tpu.memory_space<vmem>> -> memref<1x16x2048xi32, #tpu.memory_space<vmem>>
        %dma_wait3A_592 = tpu.memref_squeeze %dma_wait3A_591 : memref<1x16x2048xi32, #tpu.memory_space<vmem>> -> memref<16x2048xi32, #tpu.memory_space<vmem>>
        %dma_wait3A_593 = arith.constant 0 : i32
        %dma_wait3A_594 = tpu.memref_slice %dma_wait3A_592[%dma_wait3A_580, %dma_wait3A_593] : memref<16x2048xi32, #tpu.memory_space<vmem>> -> memref<1x2048xi32, #tpu.memory_space<vmem>>
        %dma_wait3A_595 = tpu.memref_squeeze %dma_wait3A_594 : memref<1x2048xi32, #tpu.memory_space<vmem>> -> memref<2048xi32, #tpu.memory_space<vmem>>
        %dma_wait3A_596 = arith.constant 0 : i32
        %dma_wait3A_597 = tpu.memref_slice %arg2[%dma_wait3A_596] : memref<8388608xi32, #tpu.memory_space<hbm>> -> memref<8388608xi32, #tpu.memory_space<hbm>>
        tpu.wait_indirect_dma semaphore(%arg5 : memref<!tpu.dma_semaphore, #tpu.memory_space<semaphore_mem>>) src(%dma_wait3A_597 : memref<8388608xi32, #tpu.memory_space<hbm>>) dst(%dma_wait3A_588 : memref<2048xi32, #tpu.memory_space<vmem>>)
        %dma_wait3A_598 = arith.constant 6 : i32
        %dma_wait3A_599 = arith.constant 6 : i32
        %dma_wait3A_600 = arith.constant 0 : i32
        %dma_wait3A_601 = arith.constant 0 : i32
        %dma_wait3A_602 = tpu.memref_slice %run_scoped3A_8[%rem3A_201, %dma_wait3A_600, %dma_wait3A_601] : memref<2x16x2048xi32, #tpu.memory_space<vmem>> -> memref<1x16x2048xi32, #tpu.memory_space<vmem>>
        %dma_wait3A_603 = tpu.memref_squeeze %dma_wait3A_602 : memref<1x16x2048xi32, #tpu.memory_space<vmem>> -> memref<16x2048xi32, #tpu.memory_space<vmem>>
        %dma_wait3A_604 = arith.constant 0 : i32
        %dma_wait3A_605 = tpu.memref_slice %dma_wait3A_603[%dma_wait3A_599, %dma_wait3A_604] : memref<16x2048xi32, #tpu.memory_space<vmem>> -> memref<1x2048xi32, #tpu.memory_space<vmem>>
        %dma_wait3A_606 = tpu.memref_squeeze %dma_wait3A_605 : memref<1x2048xi32, #tpu.memory_space<vmem>> -> memref<2048xi32, #tpu.memory_space<vmem>>
        %dma_wait3A_607 = arith.constant 0 : i32
        %dma_wait3A_608 = arith.constant 0 : i32
        %dma_wait3A_609 = tpu.memref_slice %run_scoped3A[%rem3A_199, %dma_wait3A_607, %dma_wait3A_608] : memref<2x16x2048xi32, #tpu.memory_space<vmem>> -> memref<1x16x2048xi32, #tpu.memory_space<vmem>>
        %dma_wait3A_610 = tpu.memref_squeeze %dma_wait3A_609 : memref<1x16x2048xi32, #tpu.memory_space<vmem>> -> memref<16x2048xi32, #tpu.memory_space<vmem>>
        %dma_wait3A_611 = arith.constant 0 : i32
        %dma_wait3A_612 = tpu.memref_slice %dma_wait3A_610[%dma_wait3A_598, %dma_wait3A_611] : memref<16x2048xi32, #tpu.memory_space<vmem>> -> memref<1x2048xi32, #tpu.memory_space<vmem>>
        %dma_wait3A_613 = tpu.memref_squeeze %dma_wait3A_612 : memref<1x2048xi32, #tpu.memory_space<vmem>> -> memref<2048xi32, #tpu.memory_space<vmem>>
        %dma_wait3A_614 = arith.constant 0 : i32
        %dma_wait3A_615 = tpu.memref_slice %arg2[%dma_wait3A_614] : memref<8388608xi32, #tpu.memory_space<hbm>> -> memref<8388608xi32, #tpu.memory_space<hbm>>
        tpu.wait_indirect_dma semaphore(%arg5 : memref<!tpu.dma_semaphore, #tpu.memory_space<semaphore_mem>>) src(%dma_wait3A_615 : memref<8388608xi32, #tpu.memory_space<hbm>>) dst(%dma_wait3A_606 : memref<2048xi32, #tpu.memory_space<vmem>>)
        %dma_wait3A_616 = arith.constant 7 : i32
        %dma_wait3A_617 = arith.constant 7 : i32
        %dma_wait3A_618 = arith.constant 0 : i32
        %dma_wait3A_619 = arith.constant 0 : i32
        %dma_wait3A_620 = tpu.memref_slice %run_scoped3A_8[%rem3A_201, %dma_wait3A_618, %dma_wait3A_619] : memref<2x16x2048xi32, #tpu.memory_space<vmem>> -> memref<1x16x2048xi32, #tpu.memory_space<vmem>>
        %dma_wait3A_621 = tpu.memref_squeeze %dma_wait3A_620 : memref<1x16x2048xi32, #tpu.memory_space<vmem>> -> memref<16x2048xi32, #tpu.memory_space<vmem>>
        %dma_wait3A_622 = arith.constant 0 : i32
        %dma_wait3A_623 = tpu.memref_slice %dma_wait3A_621[%dma_wait3A_617, %dma_wait3A_622] : memref<16x2048xi32, #tpu.memory_space<vmem>> -> memref<1x2048xi32, #tpu.memory_space<vmem>>
        %dma_wait3A_624 = tpu.memref_squeeze %dma_wait3A_623 : memref<1x2048xi32, #tpu.memory_space<vmem>> -> memref<2048xi32, #tpu.memory_space<vmem>>
        %dma_wait3A_625 = arith.constant 0 : i32
        %dma_wait3A_626 = arith.constant 0 : i32
        %dma_wait3A_627 = tpu.memref_slice %run_scoped3A[%rem3A_199, %dma_wait3A_625, %dma_wait3A_626] : memref<2x16x2048xi32, #tpu.memory_space<vmem>> -> memref<1x16x2048xi32, #tpu.memory_space<vmem>>
        %dma_wait3A_628 = tpu.memref_squeeze %dma_wait3A_627 : memref<1x16x2048xi32, #tpu.memory_space<vmem>> -> memref<16x2048xi32, #tpu.memory_space<vmem>>
        %dma_wait3A_629 = arith.constant 0 : i32
        %dma_wait3A_630 = tpu.memref_slice %dma_wait3A_628[%dma_wait3A_616, %dma_wait3A_629] : memref<16x2048xi32, #tpu.memory_space<vmem>> -> memref<1x2048xi32, #tpu.memory_space<vmem>>
        %dma_wait3A_631 = tpu.memref_squeeze %dma_wait3A_630 : memref<1x2048xi32, #tpu.memory_space<vmem>> -> memref<2048xi32, #tpu.memory_space<vmem>>
        %dma_wait3A_632 = arith.constant 0 : i32
        %dma_wait3A_633 = tpu.memref_slice %arg2[%dma_wait3A_632] : memref<8388608xi32, #tpu.memory_space<hbm>> -> memref<8388608xi32, #tpu.memory_space<hbm>>
        tpu.wait_indirect_dma semaphore(%arg5 : memref<!tpu.dma_semaphore, #tpu.memory_space<semaphore_mem>>) src(%dma_wait3A_633 : memref<8388608xi32, #tpu.memory_space<hbm>>) dst(%dma_wait3A_624 : memref<2048xi32, #tpu.memory_space<vmem>>)
        %dma_wait3A_634 = arith.constant 8 : i32
        %dma_wait3A_635 = arith.constant 8 : i32
        %dma_wait3A_636 = arith.constant 0 : i32
        %dma_wait3A_637 = arith.constant 0 : i32
        %dma_wait3A_638 = tpu.memref_slice %run_scoped3A_8[%rem3A_201, %dma_wait3A_636, %dma_wait3A_637] : memref<2x16x2048xi32, #tpu.memory_space<vmem>> -> memref<1x16x2048xi32, #tpu.memory_space<vmem>>
        %dma_wait3A_639 = tpu.memref_squeeze %dma_wait3A_638 : memref<1x16x2048xi32, #tpu.memory_space<vmem>> -> memref<16x2048xi32, #tpu.memory_space<vmem>>
        %dma_wait3A_640 = arith.constant 0 : i32
        %dma_wait3A_641 = tpu.memref_slice %dma_wait3A_639[%dma_wait3A_635, %dma_wait3A_640] : memref<16x2048xi32, #tpu.memory_space<vmem>> -> memref<1x2048xi32, #tpu.memory_space<vmem>>
        %dma_wait3A_642 = tpu.memref_squeeze %dma_wait3A_641 : memref<1x2048xi32, #tpu.memory_space<vmem>> -> memref<2048xi32, #tpu.memory_space<vmem>>
        %dma_wait3A_643 = arith.constant 0 : i32
        %dma_wait3A_644 = arith.constant 0 : i32
        %dma_wait3A_645 = tpu.memref_slice %run_scoped3A[%rem3A_199, %dma_wait3A_643, %dma_wait3A_644] : memref<2x16x2048xi32, #tpu.memory_space<vmem>> -> memref<1x16x2048xi32, #tpu.memory_space<vmem>>
        %dma_wait3A_646 = tpu.memref_squeeze %dma_wait3A_645 : memref<1x16x2048xi32, #tpu.memory_space<vmem>> -> memref<16x2048xi32, #tpu.memory_space<vmem>>
        %dma_wait3A_647 = arith.constant 0 : i32
        %dma_wait3A_648 = tpu.memref_slice %dma_wait3A_646[%dma_wait3A_634, %dma_wait3A_647] : memref<16x2048xi32, #tpu.memory_space<vmem>> -> memref<1x2048xi32, #tpu.memory_space<vmem>>
        %dma_wait3A_649 = tpu.memref_squeeze %dma_wait3A_648 : memref<1x2048xi32, #tpu.memory_space<vmem>> -> memref<2048xi32, #tpu.memory_space<vmem>>
        %dma_wait3A_650 = arith.constant 0 : i32
        %dma_wait3A_651 = tpu.memref_slice %arg2[%dma_wait3A_650] : memref<8388608xi32, #tpu.memory_space<hbm>> -> memref<8388608xi32, #tpu.memory_space<hbm>>
        tpu.wait_indirect_dma semaphore(%arg5 : memref<!tpu.dma_semaphore, #tpu.memory_space<semaphore_mem>>) src(%dma_wait3A_651 : memref<8388608xi32, #tpu.memory_space<hbm>>) dst(%dma_wait3A_642 : memref<2048xi32, #tpu.memory_space<vmem>>)
        %dma_wait3A_652 = arith.constant 9 : i32
        %dma_wait3A_653 = arith.constant 9 : i32
        %dma_wait3A_654 = arith.constant 0 : i32
        %dma_wait3A_655 = arith.constant 0 : i32
        %dma_wait3A_656 = tpu.memref_slice %run_scoped3A_8[%rem3A_201, %dma_wait3A_654, %dma_wait3A_655] : memref<2x16x2048xi32, #tpu.memory_space<vmem>> -> memref<1x16x2048xi32, #tpu.memory_space<vmem>>
        %dma_wait3A_657 = tpu.memref_squeeze %dma_wait3A_656 : memref<1x16x2048xi32, #tpu.memory_space<vmem>> -> memref<16x2048xi32, #tpu.memory_space<vmem>>
        %dma_wait3A_658 = arith.constant 0 : i32
        %dma_wait3A_659 = tpu.memref_slice %dma_wait3A_657[%dma_wait3A_653, %dma_wait3A_658] : memref<16x2048xi32, #tpu.memory_space<vmem>> -> memref<1x2048xi32, #tpu.memory_space<vmem>>
        %dma_wait3A_660 = tpu.memref_squeeze %dma_wait3A_659 : memref<1x2048xi32, #tpu.memory_space<vmem>> -> memref<2048xi32, #tpu.memory_space<vmem>>
        %dma_wait3A_661 = arith.constant 0 : i32
        %dma_wait3A_662 = arith.constant 0 : i32
        %dma_wait3A_663 = tpu.memref_slice %run_scoped3A[%rem3A_199, %dma_wait3A_661, %dma_wait3A_662] : memref<2x16x2048xi32, #tpu.memory_space<vmem>> -> memref<1x16x2048xi32, #tpu.memory_space<vmem>>
        %dma_wait3A_664 = tpu.memref_squeeze %dma_wait3A_663 : memref<1x16x2048xi32, #tpu.memory_space<vmem>> -> memref<16x2048xi32, #tpu.memory_space<vmem>>
        %dma_wait3A_665 = arith.constant 0 : i32
        %dma_wait3A_666 = tpu.memref_slice %dma_wait3A_664[%dma_wait3A_652, %dma_wait3A_665] : memref<16x2048xi32, #tpu.memory_space<vmem>> -> memref<1x2048xi32, #tpu.memory_space<vmem>>
        %dma_wait3A_667 = tpu.memref_squeeze %dma_wait3A_666 : memref<1x2048xi32, #tpu.memory_space<vmem>> -> memref<2048xi32, #tpu.memory_space<vmem>>
        %dma_wait3A_668 = arith.constant 0 : i32
        %dma_wait3A_669 = tpu.memref_slice %arg2[%dma_wait3A_668] : memref<8388608xi32, #tpu.memory_space<hbm>> -> memref<8388608xi32, #tpu.memory_space<hbm>>
        tpu.wait_indirect_dma semaphore(%arg5 : memref<!tpu.dma_semaphore, #tpu.memory_space<semaphore_mem>>) src(%dma_wait3A_669 : memref<8388608xi32, #tpu.memory_space<hbm>>) dst(%dma_wait3A_660 : memref<2048xi32, #tpu.memory_space<vmem>>)
        %dma_wait3A_670 = arith.constant 10 : i32
        %dma_wait3A_671 = arith.constant 10 : i32
        %dma_wait3A_672 = arith.constant 0 : i32
        %dma_wait3A_673 = arith.constant 0 : i32
        %dma_wait3A_674 = tpu.memref_slice %run_scoped3A_8[%rem3A_201, %dma_wait3A_672, %dma_wait3A_673] : memref<2x16x2048xi32, #tpu.memory_space<vmem>> -> memref<1x16x2048xi32, #tpu.memory_space<vmem>>
        %dma_wait3A_675 = tpu.memref_squeeze %dma_wait3A_674 : memref<1x16x2048xi32, #tpu.memory_space<vmem>> -> memref<16x2048xi32, #tpu.memory_space<vmem>>
        %dma_wait3A_676 = arith.constant 0 : i32
        %dma_wait3A_677 = tpu.memref_slice %dma_wait3A_675[%dma_wait3A_671, %dma_wait3A_676] : memref<16x2048xi32, #tpu.memory_space<vmem>> -> memref<1x2048xi32, #tpu.memory_space<vmem>>
        %dma_wait3A_678 = tpu.memref_squeeze %dma_wait3A_677 : memref<1x2048xi32, #tpu.memory_space<vmem>> -> memref<2048xi32, #tpu.memory_space<vmem>>
        %dma_wait3A_679 = arith.constant 0 : i32
        %dma_wait3A_680 = arith.constant 0 : i32
        %dma_wait3A_681 = tpu.memref_slice %run_scoped3A[%rem3A_199, %dma_wait3A_679, %dma_wait3A_680] : memref<2x16x2048xi32, #tpu.memory_space<vmem>> -> memref<1x16x2048xi32, #tpu.memory_space<vmem>>
        %dma_wait3A_682 = tpu.memref_squeeze %dma_wait3A_681 : memref<1x16x2048xi32, #tpu.memory_space<vmem>> -> memref<16x2048xi32, #tpu.memory_space<vmem>>
        %dma_wait3A_683 = arith.constant 0 : i32
        %dma_wait3A_684 = tpu.memref_slice %dma_wait3A_682[%dma_wait3A_670, %dma_wait3A_683] : memref<16x2048xi32, #tpu.memory_space<vmem>> -> memref<1x2048xi32, #tpu.memory_space<vmem>>
        %dma_wait3A_685 = tpu.memref_squeeze %dma_wait3A_684 : memref<1x2048xi32, #tpu.memory_space<vmem>> -> memref<2048xi32, #tpu.memory_space<vmem>>
        %dma_wait3A_686 = arith.constant 0 : i32
        %dma_wait3A_687 = tpu.memref_slice %arg2[%dma_wait3A_686] : memref<8388608xi32, #tpu.memory_space<hbm>> -> memref<8388608xi32, #tpu.memory_space<hbm>>
        tpu.wait_indirect_dma semaphore(%arg5 : memref<!tpu.dma_semaphore, #tpu.memory_space<semaphore_mem>>) src(%dma_wait3A_687 : memref<8388608xi32, #tpu.memory_space<hbm>>) dst(%dma_wait3A_678 : memref<2048xi32, #tpu.memory_space<vmem>>)
        %dma_wait3A_688 = arith.constant 11 : i32
        %dma_wait3A_689 = arith.constant 11 : i32
        %dma_wait3A_690 = arith.constant 0 : i32
        %dma_wait3A_691 = arith.constant 0 : i32
        %dma_wait3A_692 = tpu.memref_slice %run_scoped3A_8[%rem3A_201, %dma_wait3A_690, %dma_wait3A_691] : memref<2x16x2048xi32, #tpu.memory_space<vmem>> -> memref<1x16x2048xi32, #tpu.memory_space<vmem>>
        %dma_wait3A_693 = tpu.memref_squeeze %dma_wait3A_692 : memref<1x16x2048xi32, #tpu.memory_space<vmem>> -> memref<16x2048xi32, #tpu.memory_space<vmem>>
        %dma_wait3A_694 = arith.constant 0 : i32
        %dma_wait3A_695 = tpu.memref_slice %dma_wait3A_693[%dma_wait3A_689, %dma_wait3A_694] : memref<16x2048xi32, #tpu.memory_space<vmem>> -> memref<1x2048xi32, #tpu.memory_space<vmem>>
        %dma_wait3A_696 = tpu.memref_squeeze %dma_wait3A_695 : memref<1x2048xi32, #tpu.memory_space<vmem>> -> memref<2048xi32, #tpu.memory_space<vmem>>
        %dma_wait3A_697 = arith.constant 0 : i32
        %dma_wait3A_698 = arith.constant 0 : i32
        %dma_wait3A_699 = tpu.memref_slice %run_scoped3A[%rem3A_199, %dma_wait3A_697, %dma_wait3A_698] : memref<2x16x2048xi32, #tpu.memory_space<vmem>> -> memref<1x16x2048xi32, #tpu.memory_space<vmem>>
        %dma_wait3A_700 = tpu.memref_squeeze %dma_wait3A_699 : memref<1x16x2048xi32, #tpu.memory_space<vmem>> -> memref<16x2048xi32, #tpu.memory_space<vmem>>
        %dma_wait3A_701 = arith.constant 0 : i32
        %dma_wait3A_702 = tpu.memref_slice %dma_wait3A_700[%dma_wait3A_688, %dma_wait3A_701] : memref<16x2048xi32, #tpu.memory_space<vmem>> -> memref<1x2048xi32, #tpu.memory_space<vmem>>
        %dma_wait3A_703 = tpu.memref_squeeze %dma_wait3A_702 : memref<1x2048xi32, #tpu.memory_space<vmem>> -> memref<2048xi32, #tpu.memory_space<vmem>>
        %dma_wait3A_704 = arith.constant 0 : i32
        %dma_wait3A_705 = tpu.memref_slice %arg2[%dma_wait3A_704] : memref<8388608xi32, #tpu.memory_space<hbm>> -> memref<8388608xi32, #tpu.memory_space<hbm>>
        tpu.wait_indirect_dma semaphore(%arg5 : memref<!tpu.dma_semaphore, #tpu.memory_space<semaphore_mem>>) src(%dma_wait3A_705 : memref<8388608xi32, #tpu.memory_space<hbm>>) dst(%dma_wait3A_696 : memref<2048xi32, #tpu.memory_space<vmem>>)
        %dma_wait3A_706 = arith.constant 12 : i32
        %dma_wait3A_707 = arith.constant 12 : i32
        %dma_wait3A_708 = arith.constant 0 : i32
        %dma_wait3A_709 = arith.constant 0 : i32
        %dma_wait3A_710 = tpu.memref_slice %run_scoped3A_8[%rem3A_201, %dma_wait3A_708, %dma_wait3A_709] : memref<2x16x2048xi32, #tpu.memory_space<vmem>> -> memref<1x16x2048xi32, #tpu.memory_space<vmem>>
        %dma_wait3A_711 = tpu.memref_squeeze %dma_wait3A_710 : memref<1x16x2048xi32, #tpu.memory_space<vmem>> -> memref<16x2048xi32, #tpu.memory_space<vmem>>
        %dma_wait3A_712 = arith.constant 0 : i32
        %dma_wait3A_713 = tpu.memref_slice %dma_wait3A_711[%dma_wait3A_707, %dma_wait3A_712] : memref<16x2048xi32, #tpu.memory_space<vmem>> -> memref<1x2048xi32, #tpu.memory_space<vmem>>
        %dma_wait3A_714 = tpu.memref_squeeze %dma_wait3A_713 : memref<1x2048xi32, #tpu.memory_space<vmem>> -> memref<2048xi32, #tpu.memory_space<vmem>>
        %dma_wait3A_715 = arith.constant 0 : i32
        %dma_wait3A_716 = arith.constant 0 : i32
        %dma_wait3A_717 = tpu.memref_slice %run_scoped3A[%rem3A_199, %dma_wait3A_715, %dma_wait3A_716] : memref<2x16x2048xi32, #tpu.memory_space<vmem>> -> memref<1x16x2048xi32, #tpu.memory_space<vmem>>
        %dma_wait3A_718 = tpu.memref_squeeze %dma_wait3A_717 : memref<1x16x2048xi32, #tpu.memory_space<vmem>> -> memref<16x2048xi32, #tpu.memory_space<vmem>>
        %dma_wait3A_719 = arith.constant 0 : i32
        %dma_wait3A_720 = tpu.memref_slice %dma_wait3A_718[%dma_wait3A_706, %dma_wait3A_719] : memref<16x2048xi32, #tpu.memory_space<vmem>> -> memref<1x2048xi32, #tpu.memory_space<vmem>>
        %dma_wait3A_721 = tpu.memref_squeeze %dma_wait3A_720 : memref<1x2048xi32, #tpu.memory_space<vmem>> -> memref<2048xi32, #tpu.memory_space<vmem>>
        %dma_wait3A_722 = arith.constant 0 : i32
        %dma_wait3A_723 = tpu.memref_slice %arg2[%dma_wait3A_722] : memref<8388608xi32, #tpu.memory_space<hbm>> -> memref<8388608xi32, #tpu.memory_space<hbm>>
        tpu.wait_indirect_dma semaphore(%arg5 : memref<!tpu.dma_semaphore, #tpu.memory_space<semaphore_mem>>) src(%dma_wait3A_723 : memref<8388608xi32, #tpu.memory_space<hbm>>) dst(%dma_wait3A_714 : memref<2048xi32, #tpu.memory_space<vmem>>)
        %dma_wait3A_724 = arith.constant 13 : i32
        %dma_wait3A_725 = arith.constant 13 : i32
        %dma_wait3A_726 = arith.constant 0 : i32
        %dma_wait3A_727 = arith.constant 0 : i32
        %dma_wait3A_728 = tpu.memref_slice %run_scoped3A_8[%rem3A_201, %dma_wait3A_726, %dma_wait3A_727] : memref<2x16x2048xi32, #tpu.memory_space<vmem>> -> memref<1x16x2048xi32, #tpu.memory_space<vmem>>
        %dma_wait3A_729 = tpu.memref_squeeze %dma_wait3A_728 : memref<1x16x2048xi32, #tpu.memory_space<vmem>> -> memref<16x2048xi32, #tpu.memory_space<vmem>>
        %dma_wait3A_730 = arith.constant 0 : i32
        %dma_wait3A_731 = tpu.memref_slice %dma_wait3A_729[%dma_wait3A_725, %dma_wait3A_730] : memref<16x2048xi32, #tpu.memory_space<vmem>> -> memref<1x2048xi32, #tpu.memory_space<vmem>>
        %dma_wait3A_732 = tpu.memref_squeeze %dma_wait3A_731 : memref<1x2048xi32, #tpu.memory_space<vmem>> -> memref<2048xi32, #tpu.memory_space<vmem>>
        %dma_wait3A_733 = arith.constant 0 : i32
        %dma_wait3A_734 = arith.constant 0 : i32
        %dma_wait3A_735 = tpu.memref_slice %run_scoped3A[%rem3A_199, %dma_wait3A_733, %dma_wait3A_734] : memref<2x16x2048xi32, #tpu.memory_space<vmem>> -> memref<1x16x2048xi32, #tpu.memory_space<vmem>>
        %dma_wait3A_736 = tpu.memref_squeeze %dma_wait3A_735 : memref<1x16x2048xi32, #tpu.memory_space<vmem>> -> memref<16x2048xi32, #tpu.memory_space<vmem>>
        %dma_wait3A_737 = arith.constant 0 : i32
        %dma_wait3A_738 = tpu.memref_slice %dma_wait3A_736[%dma_wait3A_724, %dma_wait3A_737] : memref<16x2048xi32, #tpu.memory_space<vmem>> -> memref<1x2048xi32, #tpu.memory_space<vmem>>
        %dma_wait3A_739 = tpu.memref_squeeze %dma_wait3A_738 : memref<1x2048xi32, #tpu.memory_space<vmem>> -> memref<2048xi32, #tpu.memory_space<vmem>>
        %dma_wait3A_740 = arith.constant 0 : i32
        %dma_wait3A_741 = tpu.memref_slice %arg2[%dma_wait3A_740] : memref<8388608xi32, #tpu.memory_space<hbm>> -> memref<8388608xi32, #tpu.memory_space<hbm>>
        tpu.wait_indirect_dma semaphore(%arg5 : memref<!tpu.dma_semaphore, #tpu.memory_space<semaphore_mem>>) src(%dma_wait3A_741 : memref<8388608xi32, #tpu.memory_space<hbm>>) dst(%dma_wait3A_732 : memref<2048xi32, #tpu.memory_space<vmem>>)
        %dma_wait3A_742 = arith.constant 14 : i32
        %dma_wait3A_743 = arith.constant 14 : i32
        %dma_wait3A_744 = arith.constant 0 : i32
        %dma_wait3A_745 = arith.constant 0 : i32
        %dma_wait3A_746 = tpu.memref_slice %run_scoped3A_8[%rem3A_201, %dma_wait3A_744, %dma_wait3A_745] : memref<2x16x2048xi32, #tpu.memory_space<vmem>> -> memref<1x16x2048xi32, #tpu.memory_space<vmem>>
        %dma_wait3A_747 = tpu.memref_squeeze %dma_wait3A_746 : memref<1x16x2048xi32, #tpu.memory_space<vmem>> -> memref<16x2048xi32, #tpu.memory_space<vmem>>
        %dma_wait3A_748 = arith.constant 0 : i32
        %dma_wait3A_749 = tpu.memref_slice %dma_wait3A_747[%dma_wait3A_743, %dma_wait3A_748] : memref<16x2048xi32, #tpu.memory_space<vmem>> -> memref<1x2048xi32, #tpu.memory_space<vmem>>
        %dma_wait3A_750 = tpu.memref_squeeze %dma_wait3A_749 : memref<1x2048xi32, #tpu.memory_space<vmem>> -> memref<2048xi32, #tpu.memory_space<vmem>>
        %dma_wait3A_751 = arith.constant 0 : i32
        %dma_wait3A_752 = arith.constant 0 : i32
        %dma_wait3A_753 = tpu.memref_slice %run_scoped3A[%rem3A_199, %dma_wait3A_751, %dma_wait3A_752] : memref<2x16x2048xi32, #tpu.memory_space<vmem>> -> memref<1x16x2048xi32, #tpu.memory_space<vmem>>
        %dma_wait3A_754 = tpu.memref_squeeze %dma_wait3A_753 : memref<1x16x2048xi32, #tpu.memory_space<vmem>> -> memref<16x2048xi32, #tpu.memory_space<vmem>>
        %dma_wait3A_755 = arith.constant 0 : i32
        %dma_wait3A_756 = tpu.memref_slice %dma_wait3A_754[%dma_wait3A_742, %dma_wait3A_755] : memref<16x2048xi32, #tpu.memory_space<vmem>> -> memref<1x2048xi32, #tpu.memory_space<vmem>>
        %dma_wait3A_757 = tpu.memref_squeeze %dma_wait3A_756 : memref<1x2048xi32, #tpu.memory_space<vmem>> -> memref<2048xi32, #tpu.memory_space<vmem>>
        %dma_wait3A_758 = arith.constant 0 : i32
        %dma_wait3A_759 = tpu.memref_slice %arg2[%dma_wait3A_758] : memref<8388608xi32, #tpu.memory_space<hbm>> -> memref<8388608xi32, #tpu.memory_space<hbm>>
        tpu.wait_indirect_dma semaphore(%arg5 : memref<!tpu.dma_semaphore, #tpu.memory_space<semaphore_mem>>) src(%dma_wait3A_759 : memref<8388608xi32, #tpu.memory_space<hbm>>) dst(%dma_wait3A_750 : memref<2048xi32, #tpu.memory_space<vmem>>)
        %dma_wait3A_760 = arith.constant 15 : i32
        %dma_wait3A_761 = arith.constant 15 : i32
        %dma_wait3A_762 = arith.constant 0 : i32
        %dma_wait3A_763 = arith.constant 0 : i32
        %dma_wait3A_764 = tpu.memref_slice %run_scoped3A_8[%rem3A_201, %dma_wait3A_762, %dma_wait3A_763] : memref<2x16x2048xi32, #tpu.memory_space<vmem>> -> memref<1x16x2048xi32, #tpu.memory_space<vmem>>
        %dma_wait3A_765 = tpu.memref_squeeze %dma_wait3A_764 : memref<1x16x2048xi32, #tpu.memory_space<vmem>> -> memref<16x2048xi32, #tpu.memory_space<vmem>>
        %dma_wait3A_766 = arith.constant 0 : i32
        %dma_wait3A_767 = tpu.memref_slice %dma_wait3A_765[%dma_wait3A_761, %dma_wait3A_766] : memref<16x2048xi32, #tpu.memory_space<vmem>> -> memref<1x2048xi32, #tpu.memory_space<vmem>>
        %dma_wait3A_768 = tpu.memref_squeeze %dma_wait3A_767 : memref<1x2048xi32, #tpu.memory_space<vmem>> -> memref<2048xi32, #tpu.memory_space<vmem>>
        %dma_wait3A_769 = arith.constant 0 : i32
        %dma_wait3A_770 = arith.constant 0 : i32
        %dma_wait3A_771 = tpu.memref_slice %run_scoped3A[%rem3A_199, %dma_wait3A_769, %dma_wait3A_770] : memref<2x16x2048xi32, #tpu.memory_space<vmem>> -> memref<1x16x2048xi32, #tpu.memory_space<vmem>>
        %dma_wait3A_772 = tpu.memref_squeeze %dma_wait3A_771 : memref<1x16x2048xi32, #tpu.memory_space<vmem>> -> memref<16x2048xi32, #tpu.memory_space<vmem>>
        %dma_wait3A_773 = arith.constant 0 : i32
        %dma_wait3A_774 = tpu.memref_slice %dma_wait3A_772[%dma_wait3A_760, %dma_wait3A_773] : memref<16x2048xi32, #tpu.memory_space<vmem>> -> memref<1x2048xi32, #tpu.memory_space<vmem>>
        %dma_wait3A_775 = tpu.memref_squeeze %dma_wait3A_774 : memref<1x2048xi32, #tpu.memory_space<vmem>> -> memref<2048xi32, #tpu.memory_space<vmem>>
        %dma_wait3A_776 = arith.constant 0 : i32
        %dma_wait3A_777 = tpu.memref_slice %arg2[%dma_wait3A_776] : memref<8388608xi32, #tpu.memory_space<hbm>> -> memref<8388608xi32, #tpu.memory_space<hbm>>
        tpu.wait_indirect_dma semaphore(%arg5 : memref<!tpu.dma_semaphore, #tpu.memory_space<semaphore_mem>>) src(%dma_wait3A_777 : memref<8388608xi32, #tpu.memory_space<hbm>>) dst(%dma_wait3A_768 : memref<2048xi32, #tpu.memory_space<vmem>>)
        "tpu.trace_stop"() : () -> ()
        %ne3A_778 = arith.cmpi ne, %add3A_131, %add3A_149 : i32
        %or3A_779 = arith.constant false
        %or3A_780 = arith.ori %or3A_779, %ne3A_778 : i1
        %or3A_781 = arith.constant false
        %or3A_782 = arith.ori %or3A_780, %or3A_781 : i1
        %or3A_783 = arith.ori %or3A_782, %eq3A_130 : i1
        %convert_element_type3A_784 = arith.extui %or3A_783 : i1 to i32
        %cond3A_785 = arith.constant 0 : i32
        %cond3A_786 = arith.cmpi ne, %convert_element_type3A_784, %cond3A_785 : i32
        scf.if %cond3A_786 {
        } else {
        }
        %and3A_787 = arith.constant false
        %and3A_788 = arith.andi %or3A_783, %and3A_787 : i1
        %ne3A_789 = arith.cmpi ne, %add3A_131, %add3A_149 : i32
        %or3A_790 = arith.constant false
        %or3A_791 = arith.ori %or3A_790, %ne3A_789 : i1
        %or3A_792 = arith.constant false
        %or3A_793 = arith.ori %or3A_791, %or3A_792 : i1
        %or3A_794 = arith.ori %or3A_793, %eq3A_130 : i1
        %convert_element_type3A_795 = arith.extui %or3A_794 : i1 to i32
        %cond3A_796 = arith.constant 0 : i32
        %cond3A_797 = arith.cmpi ne, %convert_element_type3A_795, %cond3A_796 : i32
        scf.if %cond3A_797 {
          "tpu.trace_start"() <{level = 10 : i32, message = "ep_copy_out"}> : () -> ()
          %rem3A_849 = arith.constant 2 : i32
          %rem3A_850 = arith.remui %scan3A_124, %rem3A_849 : i32
          %mul3A_851 = arith.constant 16 : i32
          %mul3A_852 = arith.muli %mul3A_851, %add3A_131 : i32
          %dma_start3A_853 = arith.constant 0 : i32
          %dma_start3A_854 = arith.constant 0 : i32
          %dma_start3A_855 = tpu.memref_slice %run_scoped3A_8[%rem3A_850, %dma_start3A_853, %dma_start3A_854] : memref<2x16x2048xi32, #tpu.memory_space<vmem>> -> memref<1x16x2048xi32, #tpu.memory_space<vmem>>
          %dma_start3A_856 = tpu.memref_squeeze %dma_start3A_855 : memref<1x16x2048xi32, #tpu.memory_space<vmem>> -> memref<16x2048xi32, #tpu.memory_space<vmem>>
          %dma_start3A_857 = arith.constant 0 : i32
          %dma_start3A_858 = tpu.memref_slice %arg4[%mul3A_852, %dma_start3A_857] : memref<4096x2048xi32, #tpu.memory_space<hbm>> -> memref<16x2048xi32, #tpu.memory_space<hbm>>
          %dma_start3A_859 = tpu.memref_slice %run_scoped3A_9[%rem3A_850] : memref<2x!tpu.dma_semaphore, #tpu.memory_space<semaphore_mem>> -> memref<1x!tpu.dma_semaphore, #tpu.memory_space<semaphore_mem>>
          %dma_start3A_860 = tpu.memref_squeeze %dma_start3A_859 : memref<1x!tpu.dma_semaphore, #tpu.memory_space<semaphore_mem>> -> memref<!tpu.dma_semaphore, #tpu.memory_space<semaphore_mem>>
          %dma_start3A_861 = arith.constant 0 : i32
          %dma_start3A_862 = tpu.memref_slice %arg4[%mul3A_852, %dma_start3A_861] : memref<4096x2048xi32, #tpu.memory_space<hbm>> -> memref<16x2048xi32, #tpu.memory_space<hbm>>
          %dma_start3A_863 = arith.constant 0 : i32
          %dma_start3A_864 = arith.constant 0 : i32
          %dma_start3A_865 = tpu.memref_slice %run_scoped3A_8[%rem3A_850, %dma_start3A_863, %dma_start3A_864] : memref<2x16x2048xi32, #tpu.memory_space<vmem>> -> memref<1x16x2048xi32, #tpu.memory_space<vmem>>
          %dma_start3A_866 = tpu.memref_squeeze %dma_start3A_865 : memref<1x16x2048xi32, #tpu.memory_space<vmem>> -> memref<16x2048xi32, #tpu.memory_space<vmem>>
          tpu.enqueue_dma source(%dma_start3A_866 : memref<16x2048xi32, #tpu.memory_space<vmem>>) target(%dma_start3A_862 : memref<16x2048xi32, #tpu.memory_space<hbm>>) target_semaphore(%dma_start3A_860 : memref<!tpu.dma_semaphore, #tpu.memory_space<semaphore_mem>>)
          "tpu.trace_stop"() : () -> ()
        } else {
        }
        %and3A_798 = arith.constant true
        %and3A_799 = arith.andi %or3A_794, %and3A_798 : i1
        %add3A_800 = arith.constant 1 : i32
        %add3A_801 = arith.addi %scan3A_124, %add3A_800 : i32
        %select_n3A_802 = arith.select %and3A_799, %add3A_801, %scan3A_124 : i32
        %ne3A_803 = arith.cmpi ne, %add3A_131, %add3A_140 : i32
        %or3A_804 = arith.constant false
        %or3A_805 = arith.ori %or3A_804, %ne3A_803 : i1
        %or3A_806 = arith.constant false
        %or3A_807 = arith.ori %or3A_805, %or3A_806 : i1
        %not3A_808 = arith.constant true
        %not3A_809 = arith.xori %eq3A_128, %not3A_808 : i1
        %and3A_810 = arith.andi %or3A_807, %not3A_809 : i1
        %convert_element_type3A_811 = arith.extui %and3A_810 : i1 to i32
        %cond3A_812 = arith.constant 0 : i32
        %cond3A_813 = arith.cmpi ne, %convert_element_type3A_811, %cond3A_812 : i32
        scf.if %cond3A_813 {
        } else {
        }
        %and3A_814 = arith.constant false
        %and3A_815 = arith.andi %and3A_810, %and3A_814 : i1
        %ne3A_816 = arith.cmpi ne, %add3A_131, %add3A_140 : i32
        %or3A_817 = arith.constant false
        %or3A_818 = arith.ori %or3A_817, %ne3A_816 : i1
        %or3A_819 = arith.constant false
        %or3A_820 = arith.ori %or3A_818, %or3A_819 : i1
        %not3A_821 = arith.constant true
        %not3A_822 = arith.xori %eq3A_128, %not3A_821 : i1
        %and3A_823 = arith.andi %or3A_820, %not3A_822 : i1
        %convert_element_type3A_824 = arith.extui %and3A_823 : i1 to i32
        %cond3A_825 = arith.constant 0 : i32
        %cond3A_826 = arith.cmpi ne, %convert_element_type3A_824, %cond3A_825 : i32
        scf.if %cond3A_826 {
          "tpu.trace_start"() <{level = 10 : i32, message = "ep_wait_out"}> : () -> ()
          %rem3A_849 = arith.constant 2 : i32
          %rem3A_850 = arith.remui %scan3A_125, %rem3A_849 : i32
          %mul3A_851 = arith.constant 16 : i32
          %mul3A_852 = arith.muli %mul3A_851, %add3A_140 : i32
          %dma_wait3A_853 = arith.constant 0 : i32
          %dma_wait3A_854 = arith.constant 0 : i32
          %dma_wait3A_855 = tpu.memref_slice %run_scoped3A_8[%rem3A_850, %dma_wait3A_853, %dma_wait3A_854] : memref<2x16x2048xi32, #tpu.memory_space<vmem>> -> memref<1x16x2048xi32, #tpu.memory_space<vmem>>
          %dma_wait3A_856 = tpu.memref_squeeze %dma_wait3A_855 : memref<1x16x2048xi32, #tpu.memory_space<vmem>> -> memref<16x2048xi32, #tpu.memory_space<vmem>>
          %dma_wait3A_857 = arith.constant 0 : i32
          %dma_wait3A_858 = tpu.memref_slice %arg4[%mul3A_852, %dma_wait3A_857] : memref<4096x2048xi32, #tpu.memory_space<hbm>> -> memref<16x2048xi32, #tpu.memory_space<hbm>>
          %dma_wait3A_859 = tpu.memref_slice %run_scoped3A_9[%rem3A_850] : memref<2x!tpu.dma_semaphore, #tpu.memory_space<semaphore_mem>> -> memref<1x!tpu.dma_semaphore, #tpu.memory_space<semaphore_mem>>
          %dma_wait3A_860 = tpu.memref_squeeze %dma_wait3A_859 : memref<1x!tpu.dma_semaphore, #tpu.memory_space<semaphore_mem>> -> memref<!tpu.dma_semaphore, #tpu.memory_space<semaphore_mem>>
          %dma_wait3A_861 = arith.constant 0 : i32
          %dma_wait3A_862 = tpu.memref_slice %arg4[%mul3A_852, %dma_wait3A_861] : memref<4096x2048xi32, #tpu.memory_space<hbm>> -> memref<16x2048xi32, #tpu.memory_space<hbm>>
          %dma_wait3A_863 = arith.constant 0 : i32
          %dma_wait3A_864 = arith.constant 0 : i32
          %dma_wait3A_865 = tpu.memref_slice %run_scoped3A_8[%rem3A_850, %dma_wait3A_863, %dma_wait3A_864] : memref<2x16x2048xi32, #tpu.memory_space<vmem>> -> memref<1x16x2048xi32, #tpu.memory_space<vmem>>
          %dma_wait3A_866 = tpu.memref_squeeze %dma_wait3A_865 : memref<1x16x2048xi32, #tpu.memory_space<vmem>> -> memref<16x2048xi32, #tpu.memory_space<vmem>>
          tpu.wait_dma2 semaphore(%dma_wait3A_860 : memref<!tpu.dma_semaphore, #tpu.memory_space<semaphore_mem>>) src(%dma_wait3A_866 : memref<16x2048xi32, #tpu.memory_space<vmem>>) dst(%dma_wait3A_862 : memref<16x2048xi32, #tpu.memory_space<hbm>>)
          "tpu.trace_stop"() : () -> ()
        } else {
        }
        %and3A_827 = arith.constant true
        %and3A_828 = arith.andi %and3A_823, %and3A_827 : i1
        %add3A_829 = arith.constant 1 : i32
        %add3A_830 = arith.addi %scan3A_125, %add3A_829 : i32
        %select_n3A_831 = arith.select %and3A_828, %add3A_830, %scan3A_125 : i32
        %ne3A_832 = arith.cmpi ne, %add3A_131, %add3A_149 : i32
        %or3A_833 = arith.constant false
        %or3A_834 = arith.ori %or3A_833, %ne3A_832 : i1
        %or3A_835 = arith.constant false
        %or3A_836 = arith.ori %or3A_834, %or3A_835 : i1
        %or3A_837 = arith.ori %or3A_836, %eq3A_130 : i1
        %add3A_838 = arith.constant 1 : i32
        %add3A_839 = arith.addi %scan3A_123, %add3A_838 : i32
        %select_n3A_840 = arith.select %or3A_837, %add3A_839, %scan3A_123 : i32
        %add3A_841 = arith.constant 1 : i32
        %add3A_842 = arith.addi %scan3A_126, %add3A_841 : i32
        %select_n3A_843 = arith.constant true
        %select_n3A_844 = arith.select %select_n3A_843, %add3A_842, %scan3A_126 : i32
        %eq3A_845 = arith.constant 8 : i32
        %eq3A_846 = arith.cmpi eq, %select_n3A_844, %eq3A_845 : i32
        %select_n3A_847 = arith.constant 0 : i32
        %select_n3A_848 = arith.select %eq3A_846, %select_n3A_847, %select_n3A_844 : i32
        scf.yield %select_n3A_169, %select_n3A_840, %select_n3A_802, %select_n3A_831, %select_n3A_848 : i32, i32, i32, i32, i32
      }
      %scan3A_68 = arith.constant 8 : i32
      %sub3A = arith.constant 1 : i32
      %sub3A_69 = arith.subi %scan3A_67#4, %sub3A : i32
      %select_n3A_70 = arith.constant true
      %select_n3A_71 = arith.select %select_n3A_70, %sub3A_69, %scan3A_67#4 : i32
      %eq3A_72 = arith.constant -1 : i32
      %eq3A_73 = arith.cmpi eq, %select_n3A_71, %eq3A_72 : i32
      %select_n3A_74 = arith.constant 7 : i32
      %select_n3A_75 = arith.select %eq3A_73, %select_n3A_74, %select_n3A_71 : i32
      %add3A_76 = arith.addi %select_n3A_75, %mul3A_6 : i32
      %sub3A_77 = arith.constant 1 : i32
      %sub3A_78 = arith.subi %select_n3A_75, %sub3A_77 : i32
      %select_n3A_79 = arith.constant true
      %select_n3A_80 = arith.select %select_n3A_79, %sub3A_78, %select_n3A_75 : i32
      %eq3A_81 = arith.constant -1 : i32
      %eq3A_82 = arith.cmpi eq, %select_n3A_80, %eq3A_81 : i32
      %select_n3A_83 = arith.constant 7 : i32
      %select_n3A_84 = arith.select %eq3A_82, %select_n3A_83, %select_n3A_80 : i32
      %add3A_85 = arith.addi %select_n3A_84, %mul3A_6 : i32
      %add3A_86 = arith.constant 1 : i32
      %add3A_87 = arith.addi %select_n3A_75, %add3A_86 : i32
      %select_n3A_88 = arith.constant true
      %select_n3A_89 = arith.select %select_n3A_88, %add3A_87, %select_n3A_75 : i32
      %eq3A_90 = arith.constant 8 : i32
      %eq3A_91 = arith.cmpi eq, %select_n3A_89, %eq3A_90 : i32
      %select_n3A_92 = arith.constant 0 : i32
      %select_n3A_93 = arith.select %eq3A_91, %select_n3A_92, %select_n3A_89 : i32
      %add3A_94 = arith.addi %select_n3A_93, %mul3A_6 : i32
      %add3A_95 = arith.constant 1 : i32
      %add3A_96 = arith.addi %select_n3A_93, %add3A_95 : i32
      %select_n3A_97 = arith.constant true
      %select_n3A_98 = arith.select %select_n3A_97, %add3A_96, %select_n3A_93 : i32
      %eq3A_99 = arith.constant 8 : i32
      %eq3A_100 = arith.cmpi eq, %select_n3A_98, %eq3A_99 : i32
      %select_n3A_101 = arith.constant 0 : i32
      %select_n3A_102 = arith.select %eq3A_100, %select_n3A_101, %select_n3A_98 : i32
      %add3A_103 = arith.addi %select_n3A_102, %mul3A_6 : i32
      "tpu.trace_start"() <{level = 10 : i32, message = "ep_finalize"}> : () -> ()
      %rem3A_104 = arith.constant 2 : i32
      %rem3A_105 = arith.remui %scan3A_67#3, %rem3A_104 : i32
      %mul3A_106 = arith.constant 16 : i32
      %mul3A_107 = arith.muli %mul3A_106, %add3A_76 : i32
      %dma_wait3A = arith.constant 0 : i32
      %dma_wait3A_108 = arith.constant 0 : i32
      %dma_wait3A_109 = tpu.memref_slice %run_scoped3A_8[%rem3A_105, %dma_wait3A, %dma_wait3A_108] : memref<2x16x2048xi32, #tpu.memory_space<vmem>> -> memref<1x16x2048xi32, #tpu.memory_space<vmem>>
      %dma_wait3A_110 = tpu.memref_squeeze %dma_wait3A_109 : memref<1x16x2048xi32, #tpu.memory_space<vmem>> -> memref<16x2048xi32, #tpu.memory_space<vmem>>
      %dma_wait3A_111 = arith.constant 0 : i32
      %dma_wait3A_112 = tpu.memref_slice %arg4[%mul3A_107, %dma_wait3A_111] : memref<4096x2048xi32, #tpu.memory_space<hbm>> -> memref<16x2048xi32, #tpu.memory_space<hbm>>
      %dma_wait3A_113 = tpu.memref_slice %run_scoped3A_9[%rem3A_105] : memref<2x!tpu.dma_semaphore, #tpu.memory_space<semaphore_mem>> -> memref<1x!tpu.dma_semaphore, #tpu.memory_space<semaphore_mem>>
      %dma_wait3A_114 = tpu.memref_squeeze %dma_wait3A_113 : memref<1x!tpu.dma_semaphore, #tpu.memory_space<semaphore_mem>> -> memref<!tpu.dma_semaphore, #tpu.memory_space<semaphore_mem>>
      %dma_wait3A_115 = arith.constant 0 : i32
      %dma_wait3A_116 = tpu.memref_slice %arg4[%mul3A_107, %dma_wait3A_115] : memref<4096x2048xi32, #tpu.memory_space<hbm>> -> memref<16x2048xi32, #tpu.memory_space<hbm>>
      %dma_wait3A_117 = arith.constant 0 : i32
      %dma_wait3A_118 = arith.constant 0 : i32
      %dma_wait3A_119 = tpu.memref_slice %run_scoped3A_8[%rem3A_105, %dma_wait3A_117, %dma_wait3A_118] : memref<2x16x2048xi32, #tpu.memory_space<vmem>> -> memref<1x16x2048xi32, #tpu.memory_space<vmem>>
      %dma_wait3A_120 = tpu.memref_squeeze %dma_wait3A_119 : memref<1x16x2048xi32, #tpu.memory_space<vmem>> -> memref<16x2048xi32, #tpu.memory_space<vmem>>
      tpu.wait_dma2 semaphore(%dma_wait3A_114 : memref<!tpu.dma_semaphore, #tpu.memory_space<semaphore_mem>>) src(%dma_wait3A_120 : memref<16x2048xi32, #tpu.memory_space<vmem>>) dst(%dma_wait3A_116 : memref<16x2048xi32, #tpu.memory_space<hbm>>)
      "tpu.trace_stop"() : () -> ()
      tpu.yield
    }) : () -> ()
    return
  }
}

#map = affine_map<(d0, d1) -> (0)>
#map1 = affine_map<(d0, d1) -> (0, 0)>
module attributes {stable_mosaic.version = 14 : i64} {
  func.func @k(%arg0: i32, %arg1: i32, %arg2: memref<8388608xi32, #tpu.memory_space<hbm>>, %arg3: memref<4096x2048xi32, #tpu.memory_space<hbm>>, %arg4: memref<4096x2048xi32, #tpu.memory_space<hbm>>, %arg5: memref<!tpu.dma_semaphore, #tpu.memory_space<semaphore_mem>>) attributes {dimension_semantics = [#tpu.dimension_semantics<core_parallel>, #tpu.dimension_semantics<subcore_parallel>], iteration_bounds = array<i64: 2, 16>, scalar_prefetch = 0 : i64, scratch_operands = 1 : i64, tpu.core_type = #tpu.core_type<sc_vector_subcore>, window_params = [{transform_indices = #map}, {transform_indices = #map1}, {transform_indices = #map1}]} {
    %mul3A = arith.constant 1 : i32
    %mul3A_0 = arith.muli %arg1, %mul3A : i32
    %add3A = arith.constant 0 : i32
    %add3A_1 = arith.addi %add3A, %mul3A_0 : i32
    %mul3A_2 = arith.constant 16 : i32
    %mul3A_3 = arith.muli %arg0, %mul3A_2 : i32
    %add3A_4 = arith.addi %add3A_1, %mul3A_3 : i32
    %mul3A_5 = arith.constant 8 : i32
    %mul3A_6 = arith.muli %add3A_4, %mul3A_5 : i32
    "tpu.region"() ({
      %run_scoped3A = memref.alloca() : memref<2x16x2048xi32, #tpu.memory_space<vmem>>
      %run_scoped3A_7 = tpu.sem_alloc : memref<2x!tpu.dma_semaphore, #tpu.memory_space<semaphore_mem>>
      %run_scoped3A_8 = memref.alloca() : memref<2x16x2048xi32, #tpu.memory_space<vmem>>
      %run_scoped3A_9 = tpu.sem_alloc : memref<2x!tpu.dma_semaphore, #tpu.memory_space<semaphore_mem>>
      %add3A_10 = arith.constant 0 : i32
      %add3A_11 = arith.addi %add3A_10, %mul3A_6 : i32
      %select_n3A = arith.constant true
      %select_n3A_12 = arith.constant 0 : i32
      %select_n3A_13 = arith.constant -1 : i32
      %select_n3A_14 = arith.select %select_n3A, %select_n3A_13, %select_n3A_12 : i32
      %eq3A = arith.constant -1 : i32
      %eq3A_15 = arith.cmpi eq, %select_n3A_14, %eq3A : i32
      %select_n3A_16 = arith.constant 7 : i32
      %select_n3A_17 = arith.select %eq3A_15, %select_n3A_16, %select_n3A_14 : i32
      %add3A_18 = arith.addi %select_n3A_17, %mul3A_6 : i32
      %select_n3A_19 = arith.constant true
      %select_n3A_20 = arith.constant 0 : i32
      %select_n3A_21 = arith.constant 1 : i32
      %select_n3A_22 = arith.select %select_n3A_19, %select_n3A_21, %select_n3A_20 : i32
      %eq3A_23 = arith.constant 8 : i32
      %eq3A_24 = arith.cmpi eq, %select_n3A_22, %eq3A_23 : i32
      %select_n3A_25 = arith.constant 0 : i32
      %select_n3A_26 = arith.select %eq3A_24, %select_n3A_25, %select_n3A_22 : i32
      %add3A_27 = arith.addi %select_n3A_26, %mul3A_6 : i32
      %add3A_28 = arith.constant 1 : i32
      %add3A_29 = arith.addi %select_n3A_26, %add3A_28 : i32
      %select_n3A_30 = arith.constant true
      %select_n3A_31 = arith.select %select_n3A_30, %add3A_29, %select_n3A_26 : i32
      %eq3A_32 = arith.constant 8 : i32
      %eq3A_33 = arith.cmpi eq, %select_n3A_31, %eq3A_32 : i32
      %select_n3A_34 = arith.constant 0 : i32
      %select_n3A_35 = arith.select %eq3A_33, %select_n3A_34, %select_n3A_31 : i32
      %add3A_36 = arith.addi %select_n3A_35, %mul3A_6 : i32
      "tpu.trace_start"() <{level = 10 : i32, message = "ep_initialize_0"}> : () -> ()
      %rem3A = arith.constant 0 : i32
      %rem3A_37 = arith.constant 2 : i32
      %rem3A_38 = arith.remui %rem3A, %rem3A_37 : i32
      %mul3A_39 = arith.constant 16 : i32
      %mul3A_40 = arith.muli %mul3A_39, %add3A_11 : i32
      %dma_start3A = arith.constant 0 : i32
      %dma_start3A_41 = arith.constant 0 : i32
      %dma_start3A_42 = tpu.memref_slice %run_scoped3A[%rem3A_38, %dma_start3A, %dma_start3A_41] : memref<2x16x2048xi32, #tpu.memory_space<vmem>> -> memref<1x16x2048xi32, #tpu.memory_space<vmem>>
      %dma_start3A_43 = tpu.memref_squeeze %dma_start3A_42 : memref<1x16x2048xi32, #tpu.memory_space<vmem>> -> memref<16x2048xi32, #tpu.memory_space<vmem>>
      %dma_start3A_44 = arith.constant 0 : i32
      %dma_start3A_45 = tpu.memref_slice %arg3[%mul3A_40, %dma_start3A_44] : memref<4096x2048xi32, #tpu.memory_space<hbm>> -> memref<16x2048xi32, #tpu.memory_space<hbm>>
      %dma_start3A_46 = tpu.memref_slice %run_scoped3A_7[%rem3A_38] : memref<2x!tpu.dma_semaphore, #tpu.memory_space<semaphore_mem>> -> memref<1x!tpu.dma_semaphore, #tpu.memory_space<semaphore_mem>>
      %dma_start3A_47 = tpu.memref_squeeze %dma_start3A_46 : memref<1x!tpu.dma_semaphore, #tpu.memory_space<semaphore_mem>> -> memref<!tpu.dma_semaphore, #tpu.memory_space<semaphore_mem>>
      %dma_start3A_48 = arith.constant 0 : i32
      %dma_start3A_49 = arith.constant 0 : i32
      %dma_start3A_50 = tpu.memref_slice %run_scoped3A[%rem3A_38, %dma_start3A_48, %dma_start3A_49] : memref<2x16x2048xi32, #tpu.memory_space<vmem>> -> memref<1x16x2048xi32, #tpu.memory_space<vmem>>
      %dma_start3A_51 = tpu.memref_squeeze %dma_start3A_50 : memref<1x16x2048xi32, #tpu.memory_space<vmem>> -> memref<16x2048xi32, #tpu.memory_space<vmem>>
      %dma_start3A_52 = arith.constant 0 : i32
      %dma_start3A_53 = tpu.memref_slice %arg3[%mul3A_40, %dma_start3A_52] : memref<4096x2048xi32, #tpu.memory_space<hbm>> -> memref<16x2048xi32, #tpu.memory_space<hbm>>
      tpu.enqueue_dma source(%dma_start3A_53 : memref<16x2048xi32, #tpu.memory_space<hbm>>) target(%dma_start3A_51 : memref<16x2048xi32, #tpu.memory_space<vmem>>) target_semaphore(%dma_start3A_47 : memref<!tpu.dma_semaphore, #tpu.memory_space<semaphore_mem>>)
      %add3A_54 = arith.constant 0 : i32
      %add3A_55 = arith.constant 1 : i32
      %add3A_56 = arith.addi %add3A_54, %add3A_55 : i32
      %select_n3A_57 = arith.constant true
      %select_n3A_58 = arith.constant 0 : i32
      %select_n3A_59 = arith.select %select_n3A_57, %add3A_56, %select_n3A_58 : i32
      "tpu.trace_stop"() : () -> ()
      %scan3A = arith.constant 0 : i32
      %scan3A_60 = arith.constant 0 : i32
      %scan3A_61 = arith.constant 0 : i32
      %scan3A_62 = arith.constant 0 : i32
      %scan3A_63 = arith.constant 0 : i32
      %scan3A_64 = arith.constant 8 : i32
      %scan3A_65 = arith.addi %scan3A_63, %scan3A_64 : i32
      %scan3A_66 = arith.constant 1 : i32
      %scan3A_67:5 = scf.for %scan3A_121 = %scan3A_63 to %scan3A_65 step %scan3A_66 iter_args(%scan3A_122 = %select_n3A_59, %scan3A_123 = %scan3A, %scan3A_124 = %scan3A_60, %scan3A_125 = %scan3A_61, %scan3A_126 = %scan3A_62) -> (i32, i32, i32, i32, i32)  : i32 {
        %eq3A_127 = arith.constant 0 : i32
        %eq3A_128 = arith.cmpi eq, %scan3A_121, %eq3A_127 : i32
        %eq3A_129 = arith.constant 7 : i32
        %eq3A_130 = arith.cmpi eq, %scan3A_121, %eq3A_129 : i32
        %add3A_131 = arith.addi %scan3A_126, %mul3A_6 : i32
        %sub3A_132 = arith.constant 1 : i32
        %sub3A_133 = arith.subi %scan3A_126, %sub3A_132 : i32
        %select_n3A_134 = arith.constant true
        %select_n3A_135 = arith.select %select_n3A_134, %sub3A_133, %scan3A_126 : i32
        %eq3A_136 = arith.constant -1 : i32
        %eq3A_137 = arith.cmpi eq, %select_n3A_135, %eq3A_136 : i32
        %select_n3A_138 = arith.constant 7 : i32
        %select_n3A_139 = arith.select %eq3A_137, %select_n3A_138, %select_n3A_135 : i32
        %add3A_140 = arith.addi %select_n3A_139, %mul3A_6 : i32
        %add3A_141 = arith.constant 1 : i32
        %add3A_142 = arith.addi %scan3A_126, %add3A_141 : i32
        %select_n3A_143 = arith.constant true
        %select_n3A_144 = arith.select %select_n3A_143, %add3A_142, %scan3A_126 : i32
        %eq3A_145 = arith.constant 8 : i32
        %eq3A_146 = arith.cmpi eq, %select_n3A_144, %eq3A_145 : i32
        %select_n3A_147 = arith.constant 0 : i32
        %select_n3A_148 = arith.select %eq3A_146, %select_n3A_147, %select_n3A_144 : i32
        %add3A_149 = arith.addi %select_n3A_148, %mul3A_6 : i32
        %add3A_150 = arith.constant 1 : i32
        %add3A_151 = arith.addi %select_n3A_148, %add3A_150 : i32
        %select_n3A_152 = arith.constant true
        %select_n3A_153 = arith.select %select_n3A_152, %add3A_151, %select_n3A_148 : i32
        %eq3A_154 = arith.constant 8 : i32
        %eq3A_155 = arith.cmpi eq, %select_n3A_153, %eq3A_154 : i32
        %select_n3A_156 = arith.constant 0 : i32
        %select_n3A_157 = arith.select %eq3A_155, %select_n3A_156, %select_n3A_153 : i32
        %add3A_158 = arith.addi %select_n3A_157, %mul3A_6 : i32
        %ne3A = arith.cmpi ne, %add3A_131, %add3A_149 : i32
        %or3A = arith.constant false
        %or3A_159 = arith.ori %or3A, %ne3A : i1
        %or3A_160 = arith.constant false
        %or3A_161 = arith.ori %or3A_159, %or3A_160 : i1
        %ge3A = arith.constant 7 : i32
        %ge3A_162 = arith.cmpi sge, %scan3A_121, %ge3A : i32
        %not3A = arith.constant true
        %not3A_163 = arith.xori %ge3A_162, %not3A : i1
        %and3A = arith.andi %or3A_161, %not3A_163 : i1
        %convert_element_type3A = arith.extui %and3A : i1 to i32
        %cond3A = arith.constant 0 : i32
        %cond3A_164 = arith.cmpi ne, %convert_element_type3A, %cond3A : i32
        scf.if %cond3A_164 {
          "tpu.trace_start"() <{level = 10 : i32, message = "ep_copy_in"}> : () -> ()
          %rem3A_849 = arith.constant 2 : i32
          %rem3A_850 = arith.remui %scan3A_122, %rem3A_849 : i32
          %mul3A_851 = arith.constant 16 : i32
          %mul3A_852 = arith.muli %mul3A_851, %add3A_149 : i32
          %dma_start3A_853 = arith.constant 0 : i32
          %dma_start3A_854 = arith.constant 0 : i32
          %dma_start3A_855 = tpu.memref_slice %run_scoped3A[%rem3A_850, %dma_start3A_853, %dma_start3A_854] : memref<2x16x2048xi32, #tpu.memory_space<vmem>> -> memref<1x16x2048xi32, #tpu.memory_space<vmem>>
          %dma_start3A_856 = tpu.memref_squeeze %dma_start3A_855 : memref<1x16x2048xi32, #tpu.memory_space<vmem>> -> memref<16x2048xi32, #tpu.memory_space<vmem>>
          %dma_start3A_857 = arith.constant 0 : i32
          %dma_start3A_858 = tpu.memref_slice %arg3[%mul3A_852, %dma_start3A_857] : memref<4096x2048xi32, #tpu.memory_space<hbm>> -> memref<16x2048xi32, #tpu.memory_space<hbm>>
          %dma_start3A_859 = tpu.memref_slice %run_scoped3A_7[%rem3A_850] : memref<2x!tpu.dma_semaphore, #tpu.memory_space<semaphore_mem>> -> memref<1x!tpu.dma_semaphore, #tpu.memory_space<semaphore_mem>>
          %dma_start3A_860 = tpu.memref_squeeze %dma_start3A_859 : memref<1x!tpu.dma_semaphore, #tpu.memory_space<semaphore_mem>> -> memref<!tpu.dma_semaphore, #tpu.memory_space<semaphore_mem>>
          %dma_start3A_861 = arith.constant 0 : i32
          %dma_start3A_862 = arith.constant 0 : i32
          %dma_start3A_863 = tpu.memref_slice %run_scoped3A[%rem3A_850, %dma_start3A_861, %dma_start3A_862] : memref<2x16x2048xi32, #tpu.memory_space<vmem>> -> memref<1x16x2048xi32, #tpu.memory_space<vmem>>
          %dma_start3A_864 = tpu.memref_squeeze %dma_start3A_863 : memref<1x16x2048xi32, #tpu.memory_space<vmem>> -> memref<16x2048xi32, #tpu.memory_space<vmem>>
          %dma_start3A_865 = arith.constant 0 : i32
          %dma_start3A_866 = tpu.memref_slice %arg3[%mul3A_852, %dma_start3A_865] : memref<4096x2048xi32, #tpu.memory_space<hbm>> -> memref<16x2048xi32, #tpu.memory_space<hbm>>
          tpu.enqueue_dma source(%dma_start3A_866 : memref<16x2048xi32, #tpu.memory_space<hbm>>) target(%dma_start3A_864 : memref<16x2048xi32, #tpu.memory_space<vmem>>) target_semaphore(%dma_start3A_860 : memref<!tpu.dma_semaphore, #tpu.memory_space<semaphore_mem>>)
          "tpu.trace_stop"() : () -> ()
        } else {
        }
        %and3A_165 = arith.constant true
        %and3A_166 = arith.andi %and3A, %and3A_165 : i1
        %add3A_167 = arith.constant 1 : i32
        %add3A_168 = arith.addi %scan3A_122, %add3A_167 : i32
        %select_n3A_169 = arith.select %and3A_166, %add3A_168, %scan3A_122 : i32
        %ne3A_170 = arith.cmpi ne, %add3A_131, %add3A_149 : i32
        %or3A_171 = arith.constant false
        %or3A_172 = arith.ori %or3A_171, %ne3A_170 : i1
        %or3A_173 = arith.constant false
        %or3A_174 = arith.ori %or3A_172, %or3A_173 : i1
        %ge3A_175 = arith.constant 7 : i32
        %ge3A_176 = arith.cmpi sge, %scan3A_121, %ge3A_175 : i32
        %not3A_177 = arith.constant true
        %not3A_178 = arith.xori %ge3A_176, %not3A_177 : i1
        %and3A_179 = arith.andi %or3A_174, %not3A_178 : i1
        %ne3A_180 = arith.cmpi ne, %add3A_131, %add3A_140 : i32
        %or3A_181 = arith.constant false
        %or3A_182 = arith.ori %or3A_181, %ne3A_180 : i1
        %or3A_183 = arith.constant false
        %or3A_184 = arith.ori %or3A_182, %or3A_183 : i1
        %or3A_185 = arith.ori %or3A_184, %eq3A_128 : i1
        %convert_element_type3A_186 = arith.extui %or3A_185 : i1 to i32
        %cond3A_187 = arith.constant 0 : i32
        %cond3A_188 = arith.cmpi ne, %convert_element_type3A_186, %cond3A_187 : i32
        scf.if %cond3A_188 {
          "tpu.trace_start"() <{level = 10 : i32, message = "ep_wait_in"}> : () -> ()
          %mul3A_849 = arith.constant 16 : i32
          %mul3A_850 = arith.muli %mul3A_849, %add3A_131 : i32
          %rem3A_851 = arith.constant 2 : i32
          %rem3A_852 = arith.remui %scan3A_123, %rem3A_851 : i32
          %dma_wait3A_853 = arith.constant 0 : i32
          %dma_wait3A_854 = arith.constant 0 : i32
          %dma_wait3A_855 = tpu.memref_slice %run_scoped3A[%rem3A_852, %dma_wait3A_853, %dma_wait3A_854] : memref<2x16x2048xi32, #tpu.memory_space<vmem>> -> memref<1x16x2048xi32, #tpu.memory_space<vmem>>
          %dma_wait3A_856 = tpu.memref_squeeze %dma_wait3A_855 : memref<1x16x2048xi32, #tpu.memory_space<vmem>> -> memref<16x2048xi32, #tpu.memory_space<vmem>>
          %dma_wait3A_857 = arith.constant 0 : i32
          %dma_wait3A_858 = tpu.memref_slice %arg3[%mul3A_850, %dma_wait3A_857] : memref<4096x2048xi32, #tpu.memory_space<hbm>> -> memref<16x2048xi32, #tpu.memory_space<hbm>>
          %dma_wait3A_859 = tpu.memref_slice %run_scoped3A_7[%rem3A_852] : memref<2x!tpu.dma_semaphore, #tpu.memory_space<semaphore_mem>> -> memref<1x!tpu.dma_semaphore, #tpu.memory_space<semaphore_mem>>
          %dma_wait3A_860 = tpu.memref_squeeze %dma_wait3A_859 : memref<1x!tpu.dma_semaphore, #tpu.memory_space<semaphore_mem>> -> memref<!tpu.dma_semaphore, #tpu.memory_space<semaphore_mem>>
          %dma_wait3A_861 = arith.constant 0 : i32
          %dma_wait3A_862 = arith.constant 0 : i32
          %dma_wait3A_863 = tpu.memref_slice %run_scoped3A[%rem3A_852, %dma_wait3A_861, %dma_wait3A_862] : memref<2x16x2048xi32, #tpu.memory_space<vmem>> -> memref<1x16x2048xi32, #tpu.memory_space<vmem>>
          %dma_wait3A_864 = tpu.memref_squeeze %dma_wait3A_863 : memref<1x16x2048xi32, #tpu.memory_space<vmem>> -> memref<16x2048xi32, #tpu.memory_space<vmem>>
          %dma_wait3A_865 = arith.constant 0 : i32
          %dma_wait3A_866 = tpu.memref_slice %arg3[%mul3A_850, %dma_wait3A_865] : memref<4096x2048xi32, #tpu.memory_space<hbm>> -> memref<16x2048xi32, #tpu.memory_space<hbm>>
          tpu.wait_dma2 semaphore(%dma_wait3A_860 : memref<!tpu.dma_semaphore, #tpu.memory_space<semaphore_mem>>) src(%dma_wait3A_866 : memref<16x2048xi32, #tpu.memory_space<hbm>>) dst(%dma_wait3A_864 : memref<16x2048xi32, #tpu.memory_space<vmem>>)
          "tpu.trace_stop"() : () -> ()
        } else {
        }
        %ne3A_189 = arith.cmpi ne, %add3A_131, %add3A_140 : i32
        %or3A_190 = arith.constant false
        %or3A_191 = arith.ori %or3A_190, %ne3A_189 : i1
        %or3A_192 = arith.constant false
        %or3A_193 = arith.ori %or3A_191, %or3A_192 : i1
        %or3A_194 = arith.ori %or3A_193, %eq3A_128 : i1
        %convert_element_type3A_195 = arith.extui %or3A_194 : i1 to i32
        %cond3A_196 = arith.constant 0 : i32
        %cond3A_197 = arith.cmpi ne, %convert_element_type3A_195, %cond3A_196 : i32
        scf.if %cond3A_197 {
        } else {
        }
        %rem3A_198 = arith.constant 2 : i32
        %rem3A_199 = arith.remui %scan3A_123, %rem3A_198 : i32
        %rem3A_200 = arith.constant 2 : i32
        %rem3A_201 = arith.remui %scan3A_124, %rem3A_200 : i32
        %dma_start3A_202 = arith.constant 0 : i32
        %dma_start3A_203 = arith.constant 0 : i32
        "tpu.trace_start"() <{level = 10 : i32, message = "ep_run_kernel"}> : () -> ()
        %dma_start3A_204 = arith.constant 0 : i32
        %dma_start3A_205 = arith.constant 0 : i32
        %dma_start3A_206 = tpu.memref_slice %run_scoped3A_8[%rem3A_201, %dma_start3A_204, %dma_start3A_205] : memref<2x16x2048xi32, #tpu.memory_space<vmem>> -> memref<1x16x2048xi32, #tpu.memory_space<vmem>>
        %dma_start3A_207 = tpu.memref_squeeze %dma_start3A_206 : memref<1x16x2048xi32, #tpu.memory_space<vmem>> -> memref<16x2048xi32, #tpu.memory_space<vmem>>
        %dma_start3A_208 = arith.constant 0 : i32
        %dma_start3A_209 = tpu.memref_slice %dma_start3A_207[%dma_start3A_203, %dma_start3A_208] : memref<16x2048xi32, #tpu.memory_space<vmem>> -> memref<1x2048xi32, #tpu.memory_space<vmem>>
        %dma_start3A_210 = tpu.memref_squeeze %dma_start3A_209 : memref<1x2048xi32, #tpu.memory_space<vmem>> -> memref<2048xi32, #tpu.memory_space<vmem>>
        %dma_start3A_211 = arith.constant 0 : i32
        %dma_start3A_212 = arith.constant 0 : i32
        %dma_start3A_213 = tpu.memref_slice %run_scoped3A[%rem3A_199, %dma_start3A_211, %dma_start3A_212] : memref<2x16x2048xi32, #tpu.memory_space<vmem>> -> memref<1x16x2048xi32, #tpu.memory_space<vmem>>
        %dma_start3A_214 = tpu.memref_squeeze %dma_start3A_213 : memref<1x16x2048xi32, #tpu.memory_space<vmem>> -> memref<16x2048xi32, #tpu.memory_space<vmem>>
        %dma_start3A_215 = arith.constant 0 : i32
        %dma_start3A_216 = tpu.memref_slice %dma_start3A_214[%dma_start3A_202, %dma_start3A_215] : memref<16x2048xi32, #tpu.memory_space<vmem>> -> memref<1x2048xi32, #tpu.memory_space<vmem>>
        %dma_start3A_217 = tpu.memref_squeeze %dma_start3A_216 : memref<1x2048xi32, #tpu.memory_space<vmem>> -> memref<2048xi32, #tpu.memory_space<vmem>>
        %dma_start3A_218 = arith.constant 0 : i32
        %dma_start3A_219 = tpu.memref_slice %arg2[%dma_start3A_218] : memref<8388608xi32, #tpu.memory_space<hbm>> -> memref<8388608xi32, #tpu.memory_space<hbm>>
        tpu.enqueue_indirect_dma source(%dma_start3A_219 : memref<8388608xi32, #tpu.memory_space<hbm>>) target(%dma_start3A_210 : memref<2048xi32, #tpu.memory_space<vmem>>) offsets(%dma_start3A_217 : memref<2048xi32, #tpu.memory_space<vmem>>) semaphore(%arg5 : memref<!tpu.dma_semaphore, #tpu.memory_space<semaphore_mem>>)
        %dma_start3A_220 = arith.constant 1 : i32
        %dma_start3A_221 = arith.constant 1 : i32
        %dma_start3A_222 = arith.constant 0 : i32
        %dma_start3A_223 = arith.constant 0 : i32
        %dma_start3A_224 = tpu.memref_slice %run_scoped3A_8[%rem3A_201, %dma_start3A_222, %dma_start3A_223] : memref<2x16x2048xi32, #tpu.memory_space<vmem>> -> memref<1x16x2048xi32, #tpu.memory_space<vmem>>
        %dma_start3A_225 = tpu.memref_squeeze %dma_start3A_224 : memref<1x16x2048xi32, #tpu.memory_space<vmem>> -> memref<16x2048xi32, #tpu.memory_space<vmem>>
        %dma_start3A_226 = arith.constant 0 : i32
        %dma_start3A_227 = tpu.memref_slice %dma_start3A_225[%dma_start3A_221, %dma_start3A_226] : memref<16x2048xi32, #tpu.memory_space<vmem>> -> memref<1x2048xi32, #tpu.memory_space<vmem>>
        %dma_start3A_228 = tpu.memref_squeeze %dma_start3A_227 : memref<1x2048xi32, #tpu.memory_space<vmem>> -> memref<2048xi32, #tpu.memory_space<vmem>>
        %dma_start3A_229 = arith.constant 0 : i32
        %dma_start3A_230 = arith.constant 0 : i32
        %dma_start3A_231 = tpu.memref_slice %run_scoped3A[%rem3A_199, %dma_start3A_229, %dma_start3A_230] : memref<2x16x2048xi32, #tpu.memory_space<vmem>> -> memref<1x16x2048xi32, #tpu.memory_space<vmem>>
        %dma_start3A_232 = tpu.memref_squeeze %dma_start3A_231 : memref<1x16x2048xi32, #tpu.memory_space<vmem>> -> memref<16x2048xi32, #tpu.memory_space<vmem>>
        %dma_start3A_233 = arith.constant 0 : i32
        %dma_start3A_234 = tpu.memref_slice %dma_start3A_232[%dma_start3A_220, %dma_start3A_233] : memref<16x2048xi32, #tpu.memory_space<vmem>> -> memref<1x2048xi32, #tpu.memory_space<vmem>>
        %dma_start3A_235 = tpu.memref_squeeze %dma_start3A_234 : memref<1x2048xi32, #tpu.memory_space<vmem>> -> memref<2048xi32, #tpu.memory_space<vmem>>
        %dma_start3A_236 = arith.constant 0 : i32
        %dma_start3A_237 = tpu.memref_slice %arg2[%dma_start3A_236] : memref<8388608xi32, #tpu.memory_space<hbm>> -> memref<8388608xi32, #tpu.memory_space<hbm>>
        tpu.enqueue_indirect_dma source(%dma_start3A_237 : memref<8388608xi32, #tpu.memory_space<hbm>>) target(%dma_start3A_228 : memref<2048xi32, #tpu.memory_space<vmem>>) offsets(%dma_start3A_235 : memref<2048xi32, #tpu.memory_space<vmem>>) semaphore(%arg5 : memref<!tpu.dma_semaphore, #tpu.memory_space<semaphore_mem>>)
        %dma_start3A_238 = arith.constant 2 : i32
        %dma_start3A_239 = arith.constant 2 : i32
        %dma_start3A_240 = arith.constant 0 : i32
        %dma_start3A_241 = arith.constant 0 : i32
        %dma_start3A_242 = tpu.memref_slice %run_scoped3A_8[%rem3A_201, %dma_start3A_240, %dma_start3A_241] : memref<2x16x2048xi32, #tpu.memory_space<vmem>> -> memref<1x16x2048xi32, #tpu.memory_space<vmem>>
        %dma_start3A_243 = tpu.memref_squeeze %dma_start3A_242 : memref<1x16x2048xi32, #tpu.memory_space<vmem>> -> memref<16x2048xi32, #tpu.memory_space<vmem>>
        %dma_start3A_244 = arith.constant 0 : i32
        %dma_start3A_245 = tpu.memref_slice %dma_start3A_243[%dma_start3A_239, %dma_start3A_244] : memref<16x2048xi32, #tpu.memory_space<vmem>> -> memref<1x2048xi32, #tpu.memory_space<vmem>>
        %dma_start3A_246 = tpu.memref_squeeze %dma_start3A_245 : memref<1x2048xi32, #tpu.memory_space<vmem>> -> memref<2048xi32, #tpu.memory_space<vmem>>
        %dma_start3A_247 = arith.constant 0 : i32
        %dma_start3A_248 = arith.constant 0 : i32
        %dma_start3A_249 = tpu.memref_slice %run_scoped3A[%rem3A_199, %dma_start3A_247, %dma_start3A_248] : memref<2x16x2048xi32, #tpu.memory_space<vmem>> -> memref<1x16x2048xi32, #tpu.memory_space<vmem>>
        %dma_start3A_250 = tpu.memref_squeeze %dma_start3A_249 : memref<1x16x2048xi32, #tpu.memory_space<vmem>> -> memref<16x2048xi32, #tpu.memory_space<vmem>>
        %dma_start3A_251 = arith.constant 0 : i32
        %dma_start3A_252 = tpu.memref_slice %dma_start3A_250[%dma_start3A_238, %dma_start3A_251] : memref<16x2048xi32, #tpu.memory_space<vmem>> -> memref<1x2048xi32, #tpu.memory_space<vmem>>
        %dma_start3A_253 = tpu.memref_squeeze %dma_start3A_252 : memref<1x2048xi32, #tpu.memory_space<vmem>> -> memref<2048xi32, #tpu.memory_space<vmem>>
        %dma_start3A_254 = arith.constant 0 : i32
        %dma_start3A_255 = tpu.memref_slice %arg2[%dma_start3A_254] : memref<8388608xi32, #tpu.memory_space<hbm>> -> memref<8388608xi32, #tpu.memory_space<hbm>>
        tpu.enqueue_indirect_dma source(%dma_start3A_255 : memref<8388608xi32, #tpu.memory_space<hbm>>) target(%dma_start3A_246 : memref<2048xi32, #tpu.memory_space<vmem>>) offsets(%dma_start3A_253 : memref<2048xi32, #tpu.memory_space<vmem>>) semaphore(%arg5 : memref<!tpu.dma_semaphore, #tpu.memory_space<semaphore_mem>>)
        %dma_start3A_256 = arith.constant 3 : i32
        %dma_start3A_257 = arith.constant 3 : i32
        %dma_start3A_258 = arith.constant 0 : i32
        %dma_start3A_259 = arith.constant 0 : i32
        %dma_start3A_260 = tpu.memref_slice %run_scoped3A_8[%rem3A_201, %dma_start3A_258, %dma_start3A_259] : memref<2x16x2048xi32, #tpu.memory_space<vmem>> -> memref<1x16x2048xi32, #tpu.memory_space<vmem>>
        %dma_start3A_261 = tpu.memref_squeeze %dma_start3A_260 : memref<1x16x2048xi32, #tpu.memory_space<vmem>> -> memref<16x2048xi32, #tpu.memory_space<vmem>>
        %dma_start3A_262 = arith.constant 0 : i32
        %dma_start3A_263 = tpu.memref_slice %dma_start3A_261[%dma_start3A_257, %dma_start3A_262] : memref<16x2048xi32, #tpu.memory_space<vmem>> -> memref<1x2048xi32, #tpu.memory_space<vmem>>
        %dma_start3A_264 = tpu.memref_squeeze %dma_start3A_263 : memref<1x2048xi32, #tpu.memory_space<vmem>> -> memref<2048xi32, #tpu.memory_space<vmem>>
        %dma_start3A_265 = arith.constant 0 : i32
        %dma_start3A_266 = arith.constant 0 : i32
        %dma_start3A_267 = tpu.memref_slice %run_scoped3A[%rem3A_199, %dma_start3A_265, %dma_start3A_266] : memref<2x16x2048xi32, #tpu.memory_space<vmem>> -> memref<1x16x2048xi32, #tpu.memory_space<vmem>>
        %dma_start3A_268 = tpu.memref_squeeze %dma_start3A_267 : memref<1x16x2048xi32, #tpu.memory_space<vmem>> -> memref<16x2048xi32, #tpu.memory_space<vmem>>
        %dma_start3A_269 = arith.constant 0 : i32
        %dma_start3A_270 = tpu.memref_slice %dma_start3A_268[%dma_start3A_256, %dma_start3A_269] : memref<16x2048xi32, #tpu.memory_space<vmem>> -> memref<1x2048xi32, #tpu.memory_space<vmem>>
        %dma_start3A_271 = tpu.memref_squeeze %dma_start3A_270 : memref<1x2048xi32, #tpu.memory_space<vmem>> -> memref<2048xi32, #tpu.memory_space<vmem>>
        %dma_start3A_272 = arith.constant 0 : i32
        %dma_start3A_273 = tpu.memref_slice %arg2[%dma_start3A_272] : memref<8388608xi32, #tpu.memory_space<hbm>> -> memref<8388608xi32, #tpu.memory_space<hbm>>
        tpu.enqueue_indirect_dma source(%dma_start3A_273 : memref<8388608xi32, #tpu.memory_space<hbm>>) target(%dma_start3A_264 : memref<2048xi32, #tpu.memory_space<vmem>>) offsets(%dma_start3A_271 : memref<2048xi32, #tpu.memory_space<vmem>>) semaphore(%arg5 : memref<!tpu.dma_semaphore, #tpu.memory_space<semaphore_mem>>)
        %dma_start3A_274 = arith.constant 4 : i32
        %dma_start3A_275 = arith.constant 4 : i32
        %dma_start3A_276 = arith.constant 0 : i32
        %dma_start3A_277 = arith.constant 0 : i32
        %dma_start3A_278 = tpu.memref_slice %run_scoped3A_8[%rem3A_201, %dma_start3A_276, %dma_start3A_277] : memref<2x16x2048xi32, #tpu.memory_space<vmem>> -> memref<1x16x2048xi32, #tpu.memory_space<vmem>>
        %dma_start3A_279 = tpu.memref_squeeze %dma_start3A_278 : memref<1x16x2048xi32, #tpu.memory_space<vmem>> -> memref<16x2048xi32, #tpu.memory_space<vmem>>
        %dma_start3A_280 = arith.constant 0 : i32
        %dma_start3A_281 = tpu.memref_slice %dma_start3A_279[%dma_start3A_275, %dma_start3A_280] : memref<16x2048xi32, #tpu.memory_space<vmem>> -> memref<1x2048xi32, #tpu.memory_space<vmem>>
        %dma_start3A_282 = tpu.memref_squeeze %dma_start3A_281 : memref<1x2048xi32, #tpu.memory_space<vmem>> -> memref<2048xi32, #tpu.memory_space<vmem>>
        %dma_start3A_283 = arith.constant 0 : i32
        %dma_start3A_284 = arith.constant 0 : i32
        %dma_start3A_285 = tpu.memref_slice %run_scoped3A[%rem3A_199, %dma_start3A_283, %dma_start3A_284] : memref<2x16x2048xi32, #tpu.memory_space<vmem>> -> memref<1x16x2048xi32, #tpu.memory_space<vmem>>
        %dma_start3A_286 = tpu.memref_squeeze %dma_start3A_285 : memref<1x16x2048xi32, #tpu.memory_space<vmem>> -> memref<16x2048xi32, #tpu.memory_space<vmem>>
        %dma_start3A_287 = arith.constant 0 : i32
        %dma_start3A_288 = tpu.memref_slice %dma_start3A_286[%dma_start3A_274, %dma_start3A_287] : memref<16x2048xi32, #tpu.memory_space<vmem>> -> memref<1x2048xi32, #tpu.memory_space<vmem>>
        %dma_start3A_289 = tpu.memref_squeeze %dma_start3A_288 : memref<1x2048xi32, #tpu.memory_space<vmem>> -> memref<2048xi32, #tpu.memory_space<vmem>>
        %dma_start3A_290 = arith.constant 0 : i32
        %dma_start3A_291 = tpu.memref_slice %arg2[%dma_start3A_290] : memref<8388608xi32, #tpu.memory_space<hbm>> -> memref<8388608xi32, #tpu.memory_space<hbm>>
        tpu.enqueue_indirect_dma source(%dma_start3A_291 : memref<8388608xi32, #tpu.memory_space<hbm>>) target(%dma_start3A_282 : memref<2048xi32, #tpu.memory_space<vmem>>) offsets(%dma_start3A_289 : memref<2048xi32, #tpu.memory_space<vmem>>) semaphore(%arg5 : memref<!tpu.dma_semaphore, #tpu.memory_space<semaphore_mem>>)
        %dma_start3A_292 = arith.constant 5 : i32
        %dma_start3A_293 = arith.constant 5 : i32
        %dma_start3A_294 = arith.constant 0 : i32
        %dma_start3A_295 = arith.constant 0 : i32
        %dma_start3A_296 = tpu.memref_slice %run_scoped3A_8[%rem3A_201, %dma_start3A_294, %dma_start3A_295] : memref<2x16x2048xi32, #tpu.memory_space<vmem>> -> memref<1x16x2048xi32, #tpu.memory_space<vmem>>
        %dma_start3A_297 = tpu.memref_squeeze %dma_start3A_296 : memref<1x16x2048xi32, #tpu.memory_space<vmem>> -> memref<16x2048xi32, #tpu.memory_space<vmem>>
        %dma_start3A_298 = arith.constant 0 : i32
        %dma_start3A_299 = tpu.memref_slice %dma_start3A_297[%dma_start3A_293, %dma_start3A_298] : memref<16x2048xi32, #tpu.memory_space<vmem>> -> memref<1x2048xi32, #tpu.memory_space<vmem>>
        %dma_start3A_300 = tpu.memref_squeeze %dma_start3A_299 : memref<1x2048xi32, #tpu.memory_space<vmem>> -> memref<2048xi32, #tpu.memory_space<vmem>>
        %dma_start3A_301 = arith.constant 0 : i32
        %dma_start3A_302 = arith.constant 0 : i32
        %dma_start3A_303 = tpu.memref_slice %run_scoped3A[%rem3A_199, %dma_start3A_301, %dma_start3A_302] : memref<2x16x2048xi32, #tpu.memory_space<vmem>> -> memref<1x16x2048xi32, #tpu.memory_space<vmem>>
        %dma_start3A_304 = tpu.memref_squeeze %dma_start3A_303 : memref<1x16x2048xi32, #tpu.memory_space<vmem>> -> memref<16x2048xi32, #tpu.memory_space<vmem>>
        %dma_start3A_305 = arith.constant 0 : i32
        %dma_start3A_306 = tpu.memref_slice %dma_start3A_304[%dma_start3A_292, %dma_start3A_305] : memref<16x2048xi32, #tpu.memory_space<vmem>> -> memref<1x2048xi32, #tpu.memory_space<vmem>>
        %dma_start3A_307 = tpu.memref_squeeze %dma_start3A_306 : memref<1x2048xi32, #tpu.memory_space<vmem>> -> memref<2048xi32, #tpu.memory_space<vmem>>
        %dma_start3A_308 = arith.constant 0 : i32
        %dma_start3A_309 = tpu.memref_slice %arg2[%dma_start3A_308] : memref<8388608xi32, #tpu.memory_space<hbm>> -> memref<8388608xi32, #tpu.memory_space<hbm>>
        tpu.enqueue_indirect_dma source(%dma_start3A_309 : memref<8388608xi32, #tpu.memory_space<hbm>>) target(%dma_start3A_300 : memref<2048xi32, #tpu.memory_space<vmem>>) offsets(%dma_start3A_307 : memref<2048xi32, #tpu.memory_space<vmem>>) semaphore(%arg5 : memref<!tpu.dma_semaphore, #tpu.memory_space<semaphore_mem>>)
        %dma_start3A_310 = arith.constant 6 : i32
        %dma_start3A_311 = arith.constant 6 : i32
        %dma_start3A_312 = arith.constant 0 : i32
        %dma_start3A_313 = arith.constant 0 : i32
        %dma_start3A_314 = tpu.memref_slice %run_scoped3A_8[%rem3A_201, %dma_start3A_312, %dma_start3A_313] : memref<2x16x2048xi32, #tpu.memory_space<vmem>> -> memref<1x16x2048xi32, #tpu.memory_space<vmem>>
        %dma_start3A_315 = tpu.memref_squeeze %dma_start3A_314 : memref<1x16x2048xi32, #tpu.memory_space<vmem>> -> memref<16x2048xi32, #tpu.memory_space<vmem>>
        %dma_start3A_316 = arith.constant 0 : i32
        %dma_start3A_317 = tpu.memref_slice %dma_start3A_315[%dma_start3A_311, %dma_start3A_316] : memref<16x2048xi32, #tpu.memory_space<vmem>> -> memref<1x2048xi32, #tpu.memory_space<vmem>>
        %dma_start3A_318 = tpu.memref_squeeze %dma_start3A_317 : memref<1x2048xi32, #tpu.memory_space<vmem>> -> memref<2048xi32, #tpu.memory_space<vmem>>
        %dma_start3A_319 = arith.constant 0 : i32
        %dma_start3A_320 = arith.constant 0 : i32
        %dma_start3A_321 = tpu.memref_slice %run_scoped3A[%rem3A_199, %dma_start3A_319, %dma_start3A_320] : memref<2x16x2048xi32, #tpu.memory_space<vmem>> -> memref<1x16x2048xi32, #tpu.memory_space<vmem>>
        %dma_start3A_322 = tpu.memref_squeeze %dma_start3A_321 : memref<1x16x2048xi32, #tpu.memory_space<vmem>> -> memref<16x2048xi32, #tpu.memory_space<vmem>>
        %dma_start3A_323 = arith.constant 0 : i32
        %dma_start3A_324 = tpu.memref_slice %dma_start3A_322[%dma_start3A_310, %dma_start3A_323] : memref<16x2048xi32, #tpu.memory_space<vmem>> -> memref<1x2048xi32, #tpu.memory_space<vmem>>
        %dma_start3A_325 = tpu.memref_squeeze %dma_start3A_324 : memref<1x2048xi32, #tpu.memory_space<vmem>> -> memref<2048xi32, #tpu.memory_space<vmem>>
        %dma_start3A_326 = arith.constant 0 : i32
        %dma_start3A_327 = tpu.memref_slice %arg2[%dma_start3A_326] : memref<8388608xi32, #tpu.memory_space<hbm>> -> memref<8388608xi32, #tpu.memory_space<hbm>>
        tpu.enqueue_indirect_dma source(%dma_start3A_327 : memref<8388608xi32, #tpu.memory_space<hbm>>) target(%dma_start3A_318 : memref<2048xi32, #tpu.memory_space<vmem>>) offsets(%dma_start3A_325 : memref<2048xi32, #tpu.memory_space<vmem>>) semaphore(%arg5 : memref<!tpu.dma_semaphore, #tpu.memory_space<semaphore_mem>>)
        %dma_start3A_328 = arith.constant 7 : i32
        %dma_start3A_329 = arith.constant 7 : i32
        %dma_start3A_330 = arith.constant 0 : i32
        %dma_start3A_331 = arith.constant 0 : i32
        %dma_start3A_332 = tpu.memref_slice %run_scoped3A_8[%rem3A_201, %dma_start3A_330, %dma_start3A_331] : memref<2x16x2048xi32, #tpu.memory_space<vmem>> -> memref<1x16x2048xi32, #tpu.memory_space<vmem>>
        %dma_start3A_333 = tpu.memref_squeeze %dma_start3A_332 : memref<1x16x2048xi32, #tpu.memory_space<vmem>> -> memref<16x2048xi32, #tpu.memory_space<vmem>>
        %dma_start3A_334 = arith.constant 0 : i32
        %dma_start3A_335 = tpu.memref_slice %dma_start3A_333[%dma_start3A_329, %dma_start3A_334] : memref<16x2048xi32, #tpu.memory_space<vmem>> -> memref<1x2048xi32, #tpu.memory_space<vmem>>
        %dma_start3A_336 = tpu.memref_squeeze %dma_start3A_335 : memref<1x2048xi32, #tpu.memory_space<vmem>> -> memref<2048xi32, #tpu.memory_space<vmem>>
        %dma_start3A_337 = arith.constant 0 : i32
        %dma_start3A_338 = arith.constant 0 : i32
        %dma_start3A_339 = tpu.memref_slice %run_scoped3A[%rem3A_199, %dma_start3A_337, %dma_start3A_338] : memref<2x16x2048xi32, #tpu.memory_space<vmem>> -> memref<1x16x2048xi32, #tpu.memory_space<vmem>>
        %dma_start3A_340 = tpu.memref_squeeze %dma_start3A_339 : memref<1x16x2048xi32, #tpu.memory_space<vmem>> -> memref<16x2048xi32, #tpu.memory_space<vmem>>
        %dma_start3A_341 = arith.constant 0 : i32
        %dma_start3A_342 = tpu.memref_slice %dma_start3A_340[%dma_start3A_328, %dma_start3A_341] : memref<16x2048xi32, #tpu.memory_space<vmem>> -> memref<1x2048xi32, #tpu.memory_space<vmem>>
        %dma_start3A_343 = tpu.memref_squeeze %dma_start3A_342 : memref<1x2048xi32, #tpu.memory_space<vmem>> -> memref<2048xi32, #tpu.memory_space<vmem>>
        %dma_start3A_344 = arith.constant 0 : i32
        %dma_start3A_345 = tpu.memref_slice %arg2[%dma_start3A_344] : memref<8388608xi32, #tpu.memory_space<hbm>> -> memref<8388608xi32, #tpu.memory_space<hbm>>
        tpu.enqueue_indirect_dma source(%dma_start3A_345 : memref<8388608xi32, #tpu.memory_space<hbm>>) target(%dma_start3A_336 : memref<2048xi32, #tpu.memory_space<vmem>>) offsets(%dma_start3A_343 : memref<2048xi32, #tpu.memory_space<vmem>>) semaphore(%arg5 : memref<!tpu.dma_semaphore, #tpu.memory_space<semaphore_mem>>)
        %dma_start3A_346 = arith.constant 8 : i32
        %dma_start3A_347 = arith.constant 8 : i32
        %dma_start3A_348 = arith.constant 0 : i32
        %dma_start3A_349 = arith.constant 0 : i32
        %dma_start3A_350 = tpu.memref_slice %run_scoped3A_8[%rem3A_201, %dma_start3A_348, %dma_start3A_349] : memref<2x16x2048xi32, #tpu.memory_space<vmem>> -> memref<1x16x2048xi32, #tpu.memory_space<vmem>>
        %dma_start3A_351 = tpu.memref_squeeze %dma_start3A_350 : memref<1x16x2048xi32, #tpu.memory_space<vmem>> -> memref<16x2048xi32, #tpu.memory_space<vmem>>
        %dma_start3A_352 = arith.constant 0 : i32
        %dma_start3A_353 = tpu.memref_slice %dma_start3A_351[%dma_start3A_347, %dma_start3A_352] : memref<16x2048xi32, #tpu.memory_space<vmem>> -> memref<1x2048xi32, #tpu.memory_space<vmem>>
        %dma_start3A_354 = tpu.memref_squeeze %dma_start3A_353 : memref<1x2048xi32, #tpu.memory_space<vmem>> -> memref<2048xi32, #tpu.memory_space<vmem>>
        %dma_start3A_355 = arith.constant 0 : i32
        %dma_start3A_356 = arith.constant 0 : i32
        %dma_start3A_357 = tpu.memref_slice %run_scoped3A[%rem3A_199, %dma_start3A_355, %dma_start3A_356] : memref<2x16x2048xi32, #tpu.memory_space<vmem>> -> memref<1x16x2048xi32, #tpu.memory_space<vmem>>
        %dma_start3A_358 = tpu.memref_squeeze %dma_start3A_357 : memref<1x16x2048xi32, #tpu.memory_space<vmem>> -> memref<16x2048xi32, #tpu.memory_space<vmem>>
        %dma_start3A_359 = arith.constant 0 : i32
        %dma_start3A_360 = tpu.memref_slice %dma_start3A_358[%dma_start3A_346, %dma_start3A_359] : memref<16x2048xi32, #tpu.memory_space<vmem>> -> memref<1x2048xi32, #tpu.memory_space<vmem>>
        %dma_start3A_361 = tpu.memref_squeeze %dma_start3A_360 : memref<1x2048xi32, #tpu.memory_space<vmem>> -> memref<2048xi32, #tpu.memory_space<vmem>>
        %dma_start3A_362 = arith.constant 0 : i32
        %dma_start3A_363 = tpu.memref_slice %arg2[%dma_start3A_362] : memref<8388608xi32, #tpu.memory_space<hbm>> -> memref<8388608xi32, #tpu.memory_space<hbm>>
        tpu.enqueue_indirect_dma source(%dma_start3A_363 : memref<8388608xi32, #tpu.memory_space<hbm>>) target(%dma_start3A_354 : memref<2048xi32, #tpu.memory_space<vmem>>) offsets(%dma_start3A_361 : memref<2048xi32, #tpu.memory_space<vmem>>) semaphore(%arg5 : memref<!tpu.dma_semaphore, #tpu.memory_space<semaphore_mem>>)
        %dma_start3A_364 = arith.constant 9 : i32
        %dma_start3A_365 = arith.constant 9 : i32
        %dma_start3A_366 = arith.constant 0 : i32
        %dma_start3A_367 = arith.constant 0 : i32
        %dma_start3A_368 = tpu.memref_slice %run_scoped3A_8[%rem3A_201, %dma_start3A_366, %dma_start3A_367] : memref<2x16x2048xi32, #tpu.memory_space<vmem>> -> memref<1x16x2048xi32, #tpu.memory_space<vmem>>
        %dma_start3A_369 = tpu.memref_squeeze %dma_start3A_368 : memref<1x16x2048xi32, #tpu.memory_space<vmem>> -> memref<16x2048xi32, #tpu.memory_space<vmem>>
        %dma_start3A_370 = arith.constant 0 : i32
        %dma_start3A_371 = tpu.memref_slice %dma_start3A_369[%dma_start3A_365, %dma_start3A_370] : memref<16x2048xi32, #tpu.memory_space<vmem>> -> memref<1x2048xi32, #tpu.memory_space<vmem>>
        %dma_start3A_372 = tpu.memref_squeeze %dma_start3A_371 : memref<1x2048xi32, #tpu.memory_space<vmem>> -> memref<2048xi32, #tpu.memory_space<vmem>>
        %dma_start3A_373 = arith.constant 0 : i32
        %dma_start3A_374 = arith.constant 0 : i32
        %dma_start3A_375 = tpu.memref_slice %run_scoped3A[%rem3A_199, %dma_start3A_373, %dma_start3A_374] : memref<2x16x2048xi32, #tpu.memory_space<vmem>> -> memref<1x16x2048xi32, #tpu.memory_space<vmem>>
        %dma_start3A_376 = tpu.memref_squeeze %dma_start3A_375 : memref<1x16x2048xi32, #tpu.memory_space<vmem>> -> memref<16x2048xi32, #tpu.memory_space<vmem>>
        %dma_start3A_377 = arith.constant 0 : i32
        %dma_start3A_378 = tpu.memref_slice %dma_start3A_376[%dma_start3A_364, %dma_start3A_377] : memref<16x2048xi32, #tpu.memory_space<vmem>> -> memref<1x2048xi32, #tpu.memory_space<vmem>>
        %dma_start3A_379 = tpu.memref_squeeze %dma_start3A_378 : memref<1x2048xi32, #tpu.memory_space<vmem>> -> memref<2048xi32, #tpu.memory_space<vmem>>
        %dma_start3A_380 = arith.constant 0 : i32
        %dma_start3A_381 = tpu.memref_slice %arg2[%dma_start3A_380] : memref<8388608xi32, #tpu.memory_space<hbm>> -> memref<8388608xi32, #tpu.memory_space<hbm>>
        tpu.enqueue_indirect_dma source(%dma_start3A_381 : memref<8388608xi32, #tpu.memory_space<hbm>>) target(%dma_start3A_372 : memref<2048xi32, #tpu.memory_space<vmem>>) offsets(%dma_start3A_379 : memref<2048xi32, #tpu.memory_space<vmem>>) semaphore(%arg5 : memref<!tpu.dma_semaphore, #tpu.memory_space<semaphore_mem>>)
        %dma_start3A_382 = arith.constant 10 : i32
        %dma_start3A_383 = arith.constant 10 : i32
        %dma_start3A_384 = arith.constant 0 : i32
        %dma_start3A_385 = arith.constant 0 : i32
        %dma_start3A_386 = tpu.memref_slice %run_scoped3A_8[%rem3A_201, %dma_start3A_384, %dma_start3A_385] : memref<2x16x2048xi32, #tpu.memory_space<vmem>> -> memref<1x16x2048xi32, #tpu.memory_space<vmem>>
        %dma_start3A_387 = tpu.memref_squeeze %dma_start3A_386 : memref<1x16x2048xi32, #tpu.memory_space<vmem>> -> memref<16x2048xi32, #tpu.memory_space<vmem>>
        %dma_start3A_388 = arith.constant 0 : i32
        %dma_start3A_389 = tpu.memref_slice %dma_start3A_387[%dma_start3A_383, %dma_start3A_388] : memref<16x2048xi32, #tpu.memory_space<vmem>> -> memref<1x2048xi32, #tpu.memory_space<vmem>>
        %dma_start3A_390 = tpu.memref_squeeze %dma_start3A_389 : memref<1x2048xi32, #tpu.memory_space<vmem>> -> memref<2048xi32, #tpu.memory_space<vmem>>
        %dma_start3A_391 = arith.constant 0 : i32
        %dma_start3A_392 = arith.constant 0 : i32
        %dma_start3A_393 = tpu.memref_slice %run_scoped3A[%rem3A_199, %dma_start3A_391, %dma_start3A_392] : memref<2x16x2048xi32, #tpu.memory_space<vmem>> -> memref<1x16x2048xi32, #tpu.memory_space<vmem>>
        %dma_start3A_394 = tpu.memref_squeeze %dma_start3A_393 : memref<1x16x2048xi32, #tpu.memory_space<vmem>> -> memref<16x2048xi32, #tpu.memory_space<vmem>>
        %dma_start3A_395 = arith.constant 0 : i32
        %dma_start3A_396 = tpu.memref_slice %dma_start3A_394[%dma_start3A_382, %dma_start3A_395] : memref<16x2048xi32, #tpu.memory_space<vmem>> -> memref<1x2048xi32, #tpu.memory_space<vmem>>
        %dma_start3A_397 = tpu.memref_squeeze %dma_start3A_396 : memref<1x2048xi32, #tpu.memory_space<vmem>> -> memref<2048xi32, #tpu.memory_space<vmem>>
        %dma_start3A_398 = arith.constant 0 : i32
        %dma_start3A_399 = tpu.memref_slice %arg2[%dma_start3A_398] : memref<8388608xi32, #tpu.memory_space<hbm>> -> memref<8388608xi32, #tpu.memory_space<hbm>>
        tpu.enqueue_indirect_dma source(%dma_start3A_399 : memref<8388608xi32, #tpu.memory_space<hbm>>) target(%dma_start3A_390 : memref<2048xi32, #tpu.memory_space<vmem>>) offsets(%dma_start3A_397 : memref<2048xi32, #tpu.memory_space<vmem>>) semaphore(%arg5 : memref<!tpu.dma_semaphore, #tpu.memory_space<semaphore_mem>>)
        %dma_start3A_400 = arith.constant 11 : i32
        %dma_start3A_401 = arith.constant 11 : i32
        %dma_start3A_402 = arith.constant 0 : i32
        %dma_start3A_403 = arith.constant 0 : i32
        %dma_start3A_404 = tpu.memref_slice %run_scoped3A_8[%rem3A_201, %dma_start3A_402, %dma_start3A_403] : memref<2x16x2048xi32, #tpu.memory_space<vmem>> -> memref<1x16x2048xi32, #tpu.memory_space<vmem>>
        %dma_start3A_405 = tpu.memref_squeeze %dma_start3A_404 : memref<1x16x2048xi32, #tpu.memory_space<vmem>> -> memref<16x2048xi32, #tpu.memory_space<vmem>>
        %dma_start3A_406 = arith.constant 0 : i32
        %dma_start3A_407 = tpu.memref_slice %dma_start3A_405[%dma_start3A_401, %dma_start3A_406] : memref<16x2048xi32, #tpu.memory_space<vmem>> -> memref<1x2048xi32, #tpu.memory_space<vmem>>
        %dma_start3A_408 = tpu.memref_squeeze %dma_start3A_407 : memref<1x2048xi32, #tpu.memory_space<vmem>> -> memref<2048xi32, #tpu.memory_space<vmem>>
        %dma_start3A_409 = arith.constant 0 : i32
        %dma_start3A_410 = arith.constant 0 : i32
        %dma_start3A_411 = tpu.memref_slice %run_scoped3A[%rem3A_199, %dma_start3A_409, %dma_start3A_410] : memref<2x16x2048xi32, #tpu.memory_space<vmem>> -> memref<1x16x2048xi32, #tpu.memory_space<vmem>>
        %dma_start3A_412 = tpu.memref_squeeze %dma_start3A_411 : memref<1x16x2048xi32, #tpu.memory_space<vmem>> -> memref<16x2048xi32, #tpu.memory_space<vmem>>
        %dma_start3A_413 = arith.constant 0 : i32
        %dma_start3A_414 = tpu.memref_slice %dma_start3A_412[%dma_start3A_400, %dma_start3A_413] : memref<16x2048xi32, #tpu.memory_space<vmem>> -> memref<1x2048xi32, #tpu.memory_space<vmem>>
        %dma_start3A_415 = tpu.memref_squeeze %dma_start3A_414 : memref<1x2048xi32, #tpu.memory_space<vmem>> -> memref<2048xi32, #tpu.memory_space<vmem>>
        %dma_start3A_416 = arith.constant 0 : i32
        %dma_start3A_417 = tpu.memref_slice %arg2[%dma_start3A_416] : memref<8388608xi32, #tpu.memory_space<hbm>> -> memref<8388608xi32, #tpu.memory_space<hbm>>
        tpu.enqueue_indirect_dma source(%dma_start3A_417 : memref<8388608xi32, #tpu.memory_space<hbm>>) target(%dma_start3A_408 : memref<2048xi32, #tpu.memory_space<vmem>>) offsets(%dma_start3A_415 : memref<2048xi32, #tpu.memory_space<vmem>>) semaphore(%arg5 : memref<!tpu.dma_semaphore, #tpu.memory_space<semaphore_mem>>)
        %dma_start3A_418 = arith.constant 12 : i32
        %dma_start3A_419 = arith.constant 12 : i32
        %dma_start3A_420 = arith.constant 0 : i32
        %dma_start3A_421 = arith.constant 0 : i32
        %dma_start3A_422 = tpu.memref_slice %run_scoped3A_8[%rem3A_201, %dma_start3A_420, %dma_start3A_421] : memref<2x16x2048xi32, #tpu.memory_space<vmem>> -> memref<1x16x2048xi32, #tpu.memory_space<vmem>>
        %dma_start3A_423 = tpu.memref_squeeze %dma_start3A_422 : memref<1x16x2048xi32, #tpu.memory_space<vmem>> -> memref<16x2048xi32, #tpu.memory_space<vmem>>
        %dma_start3A_424 = arith.constant 0 : i32
        %dma_start3A_425 = tpu.memref_slice %dma_start3A_423[%dma_start3A_419, %dma_start3A_424] : memref<16x2048xi32, #tpu.memory_space<vmem>> -> memref<1x2048xi32, #tpu.memory_space<vmem>>
        %dma_start3A_426 = tpu.memref_squeeze %dma_start3A_425 : memref<1x2048xi32, #tpu.memory_space<vmem>> -> memref<2048xi32, #tpu.memory_space<vmem>>
        %dma_start3A_427 = arith.constant 0 : i32
        %dma_start3A_428 = arith.constant 0 : i32
        %dma_start3A_429 = tpu.memref_slice %run_scoped3A[%rem3A_199, %dma_start3A_427, %dma_start3A_428] : memref<2x16x2048xi32, #tpu.memory_space<vmem>> -> memref<1x16x2048xi32, #tpu.memory_space<vmem>>
        %dma_start3A_430 = tpu.memref_squeeze %dma_start3A_429 : memref<1x16x2048xi32, #tpu.memory_space<vmem>> -> memref<16x2048xi32, #tpu.memory_space<vmem>>
        %dma_start3A_431 = arith.constant 0 : i32
        %dma_start3A_432 = tpu.memref_slice %dma_start3A_430[%dma_start3A_418, %dma_start3A_431] : memref<16x2048xi32, #tpu.memory_space<vmem>> -> memref<1x2048xi32, #tpu.memory_space<vmem>>
        %dma_start3A_433 = tpu.memref_squeeze %dma_start3A_432 : memref<1x2048xi32, #tpu.memory_space<vmem>> -> memref<2048xi32, #tpu.memory_space<vmem>>
        %dma_start3A_434 = arith.constant 0 : i32
        %dma_start3A_435 = tpu.memref_slice %arg2[%dma_start3A_434] : memref<8388608xi32, #tpu.memory_space<hbm>> -> memref<8388608xi32, #tpu.memory_space<hbm>>
        tpu.enqueue_indirect_dma source(%dma_start3A_435 : memref<8388608xi32, #tpu.memory_space<hbm>>) target(%dma_start3A_426 : memref<2048xi32, #tpu.memory_space<vmem>>) offsets(%dma_start3A_433 : memref<2048xi32, #tpu.memory_space<vmem>>) semaphore(%arg5 : memref<!tpu.dma_semaphore, #tpu.memory_space<semaphore_mem>>)
        %dma_start3A_436 = arith.constant 13 : i32
        %dma_start3A_437 = arith.constant 13 : i32
        %dma_start3A_438 = arith.constant 0 : i32
        %dma_start3A_439 = arith.constant 0 : i32
        %dma_start3A_440 = tpu.memref_slice %run_scoped3A_8[%rem3A_201, %dma_start3A_438, %dma_start3A_439] : memref<2x16x2048xi32, #tpu.memory_space<vmem>> -> memref<1x16x2048xi32, #tpu.memory_space<vmem>>
        %dma_start3A_441 = tpu.memref_squeeze %dma_start3A_440 : memref<1x16x2048xi32, #tpu.memory_space<vmem>> -> memref<16x2048xi32, #tpu.memory_space<vmem>>
        %dma_start3A_442 = arith.constant 0 : i32
        %dma_start3A_443 = tpu.memref_slice %dma_start3A_441[%dma_start3A_437, %dma_start3A_442] : memref<16x2048xi32, #tpu.memory_space<vmem>> -> memref<1x2048xi32, #tpu.memory_space<vmem>>
        %dma_start3A_444 = tpu.memref_squeeze %dma_start3A_443 : memref<1x2048xi32, #tpu.memory_space<vmem>> -> memref<2048xi32, #tpu.memory_space<vmem>>
        %dma_start3A_445 = arith.constant 0 : i32
        %dma_start3A_446 = arith.constant 0 : i32
        %dma_start3A_447 = tpu.memref_slice %run_scoped3A[%rem3A_199, %dma_start3A_445, %dma_start3A_446] : memref<2x16x2048xi32, #tpu.memory_space<vmem>> -> memref<1x16x2048xi32, #tpu.memory_space<vmem>>
        %dma_start3A_448 = tpu.memref_squeeze %dma_start3A_447 : memref<1x16x2048xi32, #tpu.memory_space<vmem>> -> memref<16x2048xi32, #tpu.memory_space<vmem>>
        %dma_start3A_449 = arith.constant 0 : i32
        %dma_start3A_450 = tpu.memref_slice %dma_start3A_448[%dma_start3A_436, %dma_start3A_449] : memref<16x2048xi32, #tpu.memory_space<vmem>> -> memref<1x2048xi32, #tpu.memory_space<vmem>>
        %dma_start3A_451 = tpu.memref_squeeze %dma_start3A_450 : memref<1x2048xi32, #tpu.memory_space<vmem>> -> memref<2048xi32, #tpu.memory_space<vmem>>
        %dma_start3A_452 = arith.constant 0 : i32
        %dma_start3A_453 = tpu.memref_slice %arg2[%dma_start3A_452] : memref<8388608xi32, #tpu.memory_space<hbm>> -> memref<8388608xi32, #tpu.memory_space<hbm>>
        tpu.enqueue_indirect_dma source(%dma_start3A_453 : memref<8388608xi32, #tpu.memory_space<hbm>>) target(%dma_start3A_444 : memref<2048xi32, #tpu.memory_space<vmem>>) offsets(%dma_start3A_451 : memref<2048xi32, #tpu.memory_space<vmem>>) semaphore(%arg5 : memref<!tpu.dma_semaphore, #tpu.memory_space<semaphore_mem>>)
        %dma_start3A_454 = arith.constant 14 : i32
        %dma_start3A_455 = arith.constant 14 : i32
        %dma_start3A_456 = arith.constant 0 : i32
        %dma_start3A_457 = arith.constant 0 : i32
        %dma_start3A_458 = tpu.memref_slice %run_scoped3A_8[%rem3A_201, %dma_start3A_456, %dma_start3A_457] : memref<2x16x2048xi32, #tpu.memory_space<vmem>> -> memref<1x16x2048xi32, #tpu.memory_space<vmem>>
        %dma_start3A_459 = tpu.memref_squeeze %dma_start3A_458 : memref<1x16x2048xi32, #tpu.memory_space<vmem>> -> memref<16x2048xi32, #tpu.memory_space<vmem>>
        %dma_start3A_460 = arith.constant 0 : i32
        %dma_start3A_461 = tpu.memref_slice %dma_start3A_459[%dma_start3A_455, %dma_start3A_460] : memref<16x2048xi32, #tpu.memory_space<vmem>> -> memref<1x2048xi32, #tpu.memory_space<vmem>>
        %dma_start3A_462 = tpu.memref_squeeze %dma_start3A_461 : memref<1x2048xi32, #tpu.memory_space<vmem>> -> memref<2048xi32, #tpu.memory_space<vmem>>
        %dma_start3A_463 = arith.constant 0 : i32
        %dma_start3A_464 = arith.constant 0 : i32
        %dma_start3A_465 = tpu.memref_slice %run_scoped3A[%rem3A_199, %dma_start3A_463, %dma_start3A_464] : memref<2x16x2048xi32, #tpu.memory_space<vmem>> -> memref<1x16x2048xi32, #tpu.memory_space<vmem>>
        %dma_start3A_466 = tpu.memref_squeeze %dma_start3A_465 : memref<1x16x2048xi32, #tpu.memory_space<vmem>> -> memref<16x2048xi32, #tpu.memory_space<vmem>>
        %dma_start3A_467 = arith.constant 0 : i32
        %dma_start3A_468 = tpu.memref_slice %dma_start3A_466[%dma_start3A_454, %dma_start3A_467] : memref<16x2048xi32, #tpu.memory_space<vmem>> -> memref<1x2048xi32, #tpu.memory_space<vmem>>
        %dma_start3A_469 = tpu.memref_squeeze %dma_start3A_468 : memref<1x2048xi32, #tpu.memory_space<vmem>> -> memref<2048xi32, #tpu.memory_space<vmem>>
        %dma_start3A_470 = arith.constant 0 : i32
        %dma_start3A_471 = tpu.memref_slice %arg2[%dma_start3A_470] : memref<8388608xi32, #tpu.memory_space<hbm>> -> memref<8388608xi32, #tpu.memory_space<hbm>>
        tpu.enqueue_indirect_dma source(%dma_start3A_471 : memref<8388608xi32, #tpu.memory_space<hbm>>) target(%dma_start3A_462 : memref<2048xi32, #tpu.memory_space<vmem>>) offsets(%dma_start3A_469 : memref<2048xi32, #tpu.memory_space<vmem>>) semaphore(%arg5 : memref<!tpu.dma_semaphore, #tpu.memory_space<semaphore_mem>>)
        %dma_start3A_472 = arith.constant 15 : i32
        %dma_start3A_473 = arith.constant 15 : i32
        %dma_start3A_474 = arith.constant 0 : i32
        %dma_start3A_475 = arith.constant 0 : i32
        %dma_start3A_476 = tpu.memref_slice %run_scoped3A_8[%rem3A_201, %dma_start3A_474, %dma_start3A_475] : memref<2x16x2048xi32, #tpu.memory_space<vmem>> -> memref<1x16x2048xi32, #tpu.memory_space<vmem>>
        %dma_start3A_477 = tpu.memref_squeeze %dma_start3A_476 : memref<1x16x2048xi32, #tpu.memory_space<vmem>> -> memref<16x2048xi32, #tpu.memory_space<vmem>>
        %dma_start3A_478 = arith.constant 0 : i32
        %dma_start3A_479 = tpu.memref_slice %dma_start3A_477[%dma_start3A_473, %dma_start3A_478] : memref<16x2048xi32, #tpu.memory_space<vmem>> -> memref<1x2048xi32, #tpu.memory_space<vmem>>
        %dma_start3A_480 = tpu.memref_squeeze %dma_start3A_479 : memref<1x2048xi32, #tpu.memory_space<vmem>> -> memref<2048xi32, #tpu.memory_space<vmem>>
        %dma_start3A_481 = arith.constant 0 : i32
        %dma_start3A_482 = arith.constant 0 : i32
        %dma_start3A_483 = tpu.memref_slice %run_scoped3A[%rem3A_199, %dma_start3A_481, %dma_start3A_482] : memref<2x16x2048xi32, #tpu.memory_space<vmem>> -> memref<1x16x2048xi32, #tpu.memory_space<vmem>>
        %dma_start3A_484 = tpu.memref_squeeze %dma_start3A_483 : memref<1x16x2048xi32, #tpu.memory_space<vmem>> -> memref<16x2048xi32, #tpu.memory_space<vmem>>
        %dma_start3A_485 = arith.constant 0 : i32
        %dma_start3A_486 = tpu.memref_slice %dma_start3A_484[%dma_start3A_472, %dma_start3A_485] : memref<16x2048xi32, #tpu.memory_space<vmem>> -> memref<1x2048xi32, #tpu.memory_space<vmem>>
        %dma_start3A_487 = tpu.memref_squeeze %dma_start3A_486 : memref<1x2048xi32, #tpu.memory_space<vmem>> -> memref<2048xi32, #tpu.memory_space<vmem>>
        %dma_start3A_488 = arith.constant 0 : i32
        %dma_start3A_489 = tpu.memref_slice %arg2[%dma_start3A_488] : memref<8388608xi32, #tpu.memory_space<hbm>> -> memref<8388608xi32, #tpu.memory_space<hbm>>
        tpu.enqueue_indirect_dma source(%dma_start3A_489 : memref<8388608xi32, #tpu.memory_space<hbm>>) target(%dma_start3A_480 : memref<2048xi32, #tpu.memory_space<vmem>>) offsets(%dma_start3A_487 : memref<2048xi32, #tpu.memory_space<vmem>>) semaphore(%arg5 : memref<!tpu.dma_semaphore, #tpu.memory_space<semaphore_mem>>)
        %dma_wait3A_490 = arith.constant 0 : i32
        %dma_wait3A_491 = arith.constant 0 : i32
        %dma_wait3A_492 = arith.constant 0 : i32
        %dma_wait3A_493 = arith.constant 0 : i32
        %dma_wait3A_494 = tpu.memref_slice %run_scoped3A_8[%rem3A_201, %dma_wait3A_492, %dma_wait3A_493] : memref<2x16x2048xi32, #tpu.memory_space<vmem>> -> memref<1x16x2048xi32, #tpu.memory_space<vmem>>
        %dma_wait3A_495 = tpu.memref_squeeze %dma_wait3A_494 : memref<1x16x2048xi32, #tpu.memory_space<vmem>> -> memref<16x2048xi32, #tpu.memory_space<vmem>>
        %dma_wait3A_496 = arith.constant 0 : i32
        %dma_wait3A_497 = tpu.memref_slice %dma_wait3A_495[%dma_wait3A_491, %dma_wait3A_496] : memref<16x2048xi32, #tpu.memory_space<vmem>> -> memref<1x2048xi32, #tpu.memory_space<vmem>>
        %dma_wait3A_498 = tpu.memref_squeeze %dma_wait3A_497 : memref<1x2048xi32, #tpu.memory_space<vmem>> -> memref<2048xi32, #tpu.memory_space<vmem>>
        %dma_wait3A_499 = arith.constant 0 : i32
        %dma_wait3A_500 = arith.constant 0 : i32
        %dma_wait3A_501 = tpu.memref_slice %run_scoped3A[%rem3A_199, %dma_wait3A_499, %dma_wait3A_500] : memref<2x16x2048xi32, #tpu.memory_space<vmem>> -> memref<1x16x2048xi32, #tpu.memory_space<vmem>>
        %dma_wait3A_502 = tpu.memref_squeeze %dma_wait3A_501 : memref<1x16x2048xi32, #tpu.memory_space<vmem>> -> memref<16x2048xi32, #tpu.memory_space<vmem>>
        %dma_wait3A_503 = arith.constant 0 : i32
        %dma_wait3A_504 = tpu.memref_slice %dma_wait3A_502[%dma_wait3A_490, %dma_wait3A_503] : memref<16x2048xi32, #tpu.memory_space<vmem>> -> memref<1x2048xi32, #tpu.memory_space<vmem>>
        %dma_wait3A_505 = tpu.memref_squeeze %dma_wait3A_504 : memref<1x2048xi32, #tpu.memory_space<vmem>> -> memref<2048xi32, #tpu.memory_space<vmem>>
        %dma_wait3A_506 = arith.constant 0 : i32
        %dma_wait3A_507 = tpu.memref_slice %arg2[%dma_wait3A_506] : memref<8388608xi32, #tpu.memory_space<hbm>> -> memref<8388608xi32, #tpu.memory_space<hbm>>
        tpu.wait_indirect_dma semaphore(%arg5 : memref<!tpu.dma_semaphore, #tpu.memory_space<semaphore_mem>>) src(%dma_wait3A_507 : memref<8388608xi32, #tpu.memory_space<hbm>>) dst(%dma_wait3A_498 : memref<2048xi32, #tpu.memory_space<vmem>>)
        %dma_wait3A_508 = arith.constant 1 : i32
        %dma_wait3A_509 = arith.constant 1 : i32
        %dma_wait3A_510 = arith.constant 0 : i32
        %dma_wait3A_511 = arith.constant 0 : i32
        %dma_wait3A_512 = tpu.memref_slice %run_scoped3A_8[%rem3A_201, %dma_wait3A_510, %dma_wait3A_511] : memref<2x16x2048xi32, #tpu.memory_space<vmem>> -> memref<1x16x2048xi32, #tpu.memory_space<vmem>>
        %dma_wait3A_513 = tpu.memref_squeeze %dma_wait3A_512 : memref<1x16x2048xi32, #tpu.memory_space<vmem>> -> memref<16x2048xi32, #tpu.memory_space<vmem>>
        %dma_wait3A_514 = arith.constant 0 : i32
        %dma_wait3A_515 = tpu.memref_slice %dma_wait3A_513[%dma_wait3A_509, %dma_wait3A_514] : memref<16x2048xi32, #tpu.memory_space<vmem>> -> memref<1x2048xi32, #tpu.memory_space<vmem>>
        %dma_wait3A_516 = tpu.memref_squeeze %dma_wait3A_515 : memref<1x2048xi32, #tpu.memory_space<vmem>> -> memref<2048xi32, #tpu.memory_space<vmem>>
        %dma_wait3A_517 = arith.constant 0 : i32
        %dma_wait3A_518 = arith.constant 0 : i32
        %dma_wait3A_519 = tpu.memref_slice %run_scoped3A[%rem3A_199, %dma_wait3A_517, %dma_wait3A_518] : memref<2x16x2048xi32, #tpu.memory_space<vmem>> -> memref<1x16x2048xi32, #tpu.memory_space<vmem>>
        %dma_wait3A_520 = tpu.memref_squeeze %dma_wait3A_519 : memref<1x16x2048xi32, #tpu.memory_space<vmem>> -> memref<16x2048xi32, #tpu.memory_space<vmem>>
        %dma_wait3A_521 = arith.constant 0 : i32
        %dma_wait3A_522 = tpu.memref_slice %dma_wait3A_520[%dma_wait3A_508, %dma_wait3A_521] : memref<16x2048xi32, #tpu.memory_space<vmem>> -> memref<1x2048xi32, #tpu.memory_space<vmem>>
        %dma_wait3A_523 = tpu.memref_squeeze %dma_wait3A_522 : memref<1x2048xi32, #tpu.memory_space<vmem>> -> memref<2048xi32, #tpu.memory_space<vmem>>
        %dma_wait3A_524 = arith.constant 0 : i32
        %dma_wait3A_525 = tpu.memref_slice %arg2[%dma_wait3A_524] : memref<8388608xi32, #tpu.memory_space<hbm>> -> memref<8388608xi32, #tpu.memory_space<hbm>>
        tpu.wait_indirect_dma semaphore(%arg5 : memref<!tpu.dma_semaphore, #tpu.memory_space<semaphore_mem>>) src(%dma_wait3A_525 : memref<8388608xi32, #tpu.memory_space<hbm>>) dst(%dma_wait3A_516 : memref<2048xi32, #tpu.memory_space<vmem>>)
        %dma_wait3A_526 = arith.constant 2 : i32
        %dma_wait3A_527 = arith.constant 2 : i32
        %dma_wait3A_528 = arith.constant 0 : i32
        %dma_wait3A_529 = arith.constant 0 : i32
        %dma_wait3A_530 = tpu.memref_slice %run_scoped3A_8[%rem3A_201, %dma_wait3A_528, %dma_wait3A_529] : memref<2x16x2048xi32, #tpu.memory_space<vmem>> -> memref<1x16x2048xi32, #tpu.memory_space<vmem>>
        %dma_wait3A_531 = tpu.memref_squeeze %dma_wait3A_530 : memref<1x16x2048xi32, #tpu.memory_space<vmem>> -> memref<16x2048xi32, #tpu.memory_space<vmem>>
        %dma_wait3A_532 = arith.constant 0 : i32
        %dma_wait3A_533 = tpu.memref_slice %dma_wait3A_531[%dma_wait3A_527, %dma_wait3A_532] : memref<16x2048xi32, #tpu.memory_space<vmem>> -> memref<1x2048xi32, #tpu.memory_space<vmem>>
        %dma_wait3A_534 = tpu.memref_squeeze %dma_wait3A_533 : memref<1x2048xi32, #tpu.memory_space<vmem>> -> memref<2048xi32, #tpu.memory_space<vmem>>
        %dma_wait3A_535 = arith.constant 0 : i32
        %dma_wait3A_536 = arith.constant 0 : i32
        %dma_wait3A_537 = tpu.memref_slice %run_scoped3A[%rem3A_199, %dma_wait3A_535, %dma_wait3A_536] : memref<2x16x2048xi32, #tpu.memory_space<vmem>> -> memref<1x16x2048xi32, #tpu.memory_space<vmem>>
        %dma_wait3A_538 = tpu.memref_squeeze %dma_wait3A_537 : memref<1x16x2048xi32, #tpu.memory_space<vmem>> -> memref<16x2048xi32, #tpu.memory_space<vmem>>
        %dma_wait3A_539 = arith.constant 0 : i32
        %dma_wait3A_540 = tpu.memref_slice %dma_wait3A_538[%dma_wait3A_526, %dma_wait3A_539] : memref<16x2048xi32, #tpu.memory_space<vmem>> -> memref<1x2048xi32, #tpu.memory_space<vmem>>
        %dma_wait3A_541 = tpu.memref_squeeze %dma_wait3A_540 : memref<1x2048xi32, #tpu.memory_space<vmem>> -> memref<2048xi32, #tpu.memory_space<vmem>>
        %dma_wait3A_542 = arith.constant 0 : i32
        %dma_wait3A_543 = tpu.memref_slice %arg2[%dma_wait3A_542] : memref<8388608xi32, #tpu.memory_space<hbm>> -> memref<8388608xi32, #tpu.memory_space<hbm>>
        tpu.wait_indirect_dma semaphore(%arg5 : memref<!tpu.dma_semaphore, #tpu.memory_space<semaphore_mem>>) src(%dma_wait3A_543 : memref<8388608xi32, #tpu.memory_space<hbm>>) dst(%dma_wait3A_534 : memref<2048xi32, #tpu.memory_space<vmem>>)
        %dma_wait3A_544 = arith.constant 3 : i32
        %dma_wait3A_545 = arith.constant 3 : i32
        %dma_wait3A_546 = arith.constant 0 : i32
        %dma_wait3A_547 = arith.constant 0 : i32
        %dma_wait3A_548 = tpu.memref_slice %run_scoped3A_8[%rem3A_201, %dma_wait3A_546, %dma_wait3A_547] : memref<2x16x2048xi32, #tpu.memory_space<vmem>> -> memref<1x16x2048xi32, #tpu.memory_space<vmem>>
        %dma_wait3A_549 = tpu.memref_squeeze %dma_wait3A_548 : memref<1x16x2048xi32, #tpu.memory_space<vmem>> -> memref<16x2048xi32, #tpu.memory_space<vmem>>
        %dma_wait3A_550 = arith.constant 0 : i32
        %dma_wait3A_551 = tpu.memref_slice %dma_wait3A_549[%dma_wait3A_545, %dma_wait3A_550] : memref<16x2048xi32, #tpu.memory_space<vmem>> -> memref<1x2048xi32, #tpu.memory_space<vmem>>
        %dma_wait3A_552 = tpu.memref_squeeze %dma_wait3A_551 : memref<1x2048xi32, #tpu.memory_space<vmem>> -> memref<2048xi32, #tpu.memory_space<vmem>>
        %dma_wait3A_553 = arith.constant 0 : i32
        %dma_wait3A_554 = arith.constant 0 : i32
        %dma_wait3A_555 = tpu.memref_slice %run_scoped3A[%rem3A_199, %dma_wait3A_553, %dma_wait3A_554] : memref<2x16x2048xi32, #tpu.memory_space<vmem>> -> memref<1x16x2048xi32, #tpu.memory_space<vmem>>
        %dma_wait3A_556 = tpu.memref_squeeze %dma_wait3A_555 : memref<1x16x2048xi32, #tpu.memory_space<vmem>> -> memref<16x2048xi32, #tpu.memory_space<vmem>>
        %dma_wait3A_557 = arith.constant 0 : i32
        %dma_wait3A_558 = tpu.memref_slice %dma_wait3A_556[%dma_wait3A_544, %dma_wait3A_557] : memref<16x2048xi32, #tpu.memory_space<vmem>> -> memref<1x2048xi32, #tpu.memory_space<vmem>>
        %dma_wait3A_559 = tpu.memref_squeeze %dma_wait3A_558 : memref<1x2048xi32, #tpu.memory_space<vmem>> -> memref<2048xi32, #tpu.memory_space<vmem>>
        %dma_wait3A_560 = arith.constant 0 : i32
        %dma_wait3A_561 = tpu.memref_slice %arg2[%dma_wait3A_560] : memref<8388608xi32, #tpu.memory_space<hbm>> -> memref<8388608xi32, #tpu.memory_space<hbm>>
        tpu.wait_indirect_dma semaphore(%arg5 : memref<!tpu.dma_semaphore, #tpu.memory_space<semaphore_mem>>) src(%dma_wait3A_561 : memref<8388608xi32, #tpu.memory_space<hbm>>) dst(%dma_wait3A_552 : memref<2048xi32, #tpu.memory_space<vmem>>)
        %dma_wait3A_562 = arith.constant 4 : i32
        %dma_wait3A_563 = arith.constant 4 : i32
        %dma_wait3A_564 = arith.constant 0 : i32
        %dma_wait3A_565 = arith.constant 0 : i32
        %dma_wait3A_566 = tpu.memref_slice %run_scoped3A_8[%rem3A_201, %dma_wait3A_564, %dma_wait3A_565] : memref<2x16x2048xi32, #tpu.memory_space<vmem>> -> memref<1x16x2048xi32, #tpu.memory_space<vmem>>
        %dma_wait3A_567 = tpu.memref_squeeze %dma_wait3A_566 : memref<1x16x2048xi32, #tpu.memory_space<vmem>> -> memref<16x2048xi32, #tpu.memory_space<vmem>>
        %dma_wait3A_568 = arith.constant 0 : i32
        %dma_wait3A_569 = tpu.memref_slice %dma_wait3A_567[%dma_wait3A_563, %dma_wait3A_568] : memref<16x2048xi32, #tpu.memory_space<vmem>> -> memref<1x2048xi32, #tpu.memory_space<vmem>>
        %dma_wait3A_570 = tpu.memref_squeeze %dma_wait3A_569 : memref<1x2048xi32, #tpu.memory_space<vmem>> -> memref<2048xi32, #tpu.memory_space<vmem>>
        %dma_wait3A_571 = arith.constant 0 : i32
        %dma_wait3A_572 = arith.constant 0 : i32
        %dma_wait3A_573 = tpu.memref_slice %run_scoped3A[%rem3A_199, %dma_wait3A_571, %dma_wait3A_572] : memref<2x16x2048xi32, #tpu.memory_space<vmem>> -> memref<1x16x2048xi32, #tpu.memory_space<vmem>>
        %dma_wait3A_574 = tpu.memref_squeeze %dma_wait3A_573 : memref<1x16x2048xi32, #tpu.memory_space<vmem>> -> memref<16x2048xi32, #tpu.memory_space<vmem>>
        %dma_wait3A_575 = arith.constant 0 : i32
        %dma_wait3A_576 = tpu.memref_slice %dma_wait3A_574[%dma_wait3A_562, %dma_wait3A_575] : memref<16x2048xi32, #tpu.memory_space<vmem>> -> memref<1x2048xi32, #tpu.memory_space<vmem>>
        %dma_wait3A_577 = tpu.memref_squeeze %dma_wait3A_576 : memref<1x2048xi32, #tpu.memory_space<vmem>> -> memref<2048xi32, #tpu.memory_space<vmem>>
        %dma_wait3A_578 = arith.constant 0 : i32
        %dma_wait3A_579 = tpu.memref_slice %arg2[%dma_wait3A_578] : memref<8388608xi32, #tpu.memory_space<hbm>> -> memref<8388608xi32, #tpu.memory_space<hbm>>
        tpu.wait_indirect_dma semaphore(%arg5 : memref<!tpu.dma_semaphore, #tpu.memory_space<semaphore_mem>>) src(%dma_wait3A_579 : memref<8388608xi32, #tpu.memory_space<hbm>>) dst(%dma_wait3A_570 : memref<2048xi32, #tpu.memory_space<vmem>>)
        %dma_wait3A_580 = arith.constant 5 : i32
        %dma_wait3A_581 = arith.constant 5 : i32
        %dma_wait3A_582 = arith.constant 0 : i32
        %dma_wait3A_583 = arith.constant 0 : i32
        %dma_wait3A_584 = tpu.memref_slice %run_scoped3A_8[%rem3A_201, %dma_wait3A_582, %dma_wait3A_583] : memref<2x16x2048xi32, #tpu.memory_space<vmem>> -> memref<1x16x2048xi32, #tpu.memory_space<vmem>>
        %dma_wait3A_585 = tpu.memref_squeeze %dma_wait3A_584 : memref<1x16x2048xi32, #tpu.memory_space<vmem>> -> memref<16x2048xi32, #tpu.memory_space<vmem>>
        %dma_wait3A_586 = arith.constant 0 : i32
        %dma_wait3A_587 = tpu.memref_slice %dma_wait3A_585[%dma_wait3A_581, %dma_wait3A_586] : memref<16x2048xi32, #tpu.memory_space<vmem>> -> memref<1x2048xi32, #tpu.memory_space<vmem>>
        %dma_wait3A_588 = tpu.memref_squeeze %dma_wait3A_587 : memref<1x2048xi32, #tpu.memory_space<vmem>> -> memref<2048xi32, #tpu.memory_space<vmem>>
        %dma_wait3A_589 = arith.constant 0 : i32
        %dma_wait3A_590 = arith.constant 0 : i32
        %dma_wait3A_591 = tpu.memref_slice %run_scoped3A[%rem3A_199, %dma_wait3A_589, %dma_wait3A_590] : memref<2x16x2048xi32, #tpu.memory_space<vmem>> -> memref<1x16x2048xi32, #tpu.memory_space<vmem>>
        %dma_wait3A_592 = tpu.memref_squeeze %dma_wait3A_591 : memref<1x16x2048xi32, #tpu.memory_space<vmem>> -> memref<16x2048xi32, #tpu.memory_space<vmem>>
        %dma_wait3A_593 = arith.constant 0 : i32
        %dma_wait3A_594 = tpu.memref_slice %dma_wait3A_592[%dma_wait3A_580, %dma_wait3A_593] : memref<16x2048xi32, #tpu.memory_space<vmem>> -> memref<1x2048xi32, #tpu.memory_space<vmem>>
        %dma_wait3A_595 = tpu.memref_squeeze %dma_wait3A_594 : memref<1x2048xi32, #tpu.memory_space<vmem>> -> memref<2048xi32, #tpu.memory_space<vmem>>
        %dma_wait3A_596 = arith.constant 0 : i32
        %dma_wait3A_597 = tpu.memref_slice %arg2[%dma_wait3A_596] : memref<8388608xi32, #tpu.memory_space<hbm>> -> memref<8388608xi32, #tpu.memory_space<hbm>>
        tpu.wait_indirect_dma semaphore(%arg5 : memref<!tpu.dma_semaphore, #tpu.memory_space<semaphore_mem>>) src(%dma_wait3A_597 : memref<8388608xi32, #tpu.memory_space<hbm>>) dst(%dma_wait3A_588 : memref<2048xi32, #tpu.memory_space<vmem>>)
        %dma_wait3A_598 = arith.constant 6 : i32
        %dma_wait3A_599 = arith.constant 6 : i32
        %dma_wait3A_600 = arith.constant 0 : i32
        %dma_wait3A_601 = arith.constant 0 : i32
        %dma_wait3A_602 = tpu.memref_slice %run_scoped3A_8[%rem3A_201, %dma_wait3A_600, %dma_wait3A_601] : memref<2x16x2048xi32, #tpu.memory_space<vmem>> -> memref<1x16x2048xi32, #tpu.memory_space<vmem>>
        %dma_wait3A_603 = tpu.memref_squeeze %dma_wait3A_602 : memref<1x16x2048xi32, #tpu.memory_space<vmem>> -> memref<16x2048xi32, #tpu.memory_space<vmem>>
        %dma_wait3A_604 = arith.constant 0 : i32
        %dma_wait3A_605 = tpu.memref_slice %dma_wait3A_603[%dma_wait3A_599, %dma_wait3A_604] : memref<16x2048xi32, #tpu.memory_space<vmem>> -> memref<1x2048xi32, #tpu.memory_space<vmem>>
        %dma_wait3A_606 = tpu.memref_squeeze %dma_wait3A_605 : memref<1x2048xi32, #tpu.memory_space<vmem>> -> memref<2048xi32, #tpu.memory_space<vmem>>
        %dma_wait3A_607 = arith.constant 0 : i32
        %dma_wait3A_608 = arith.constant 0 : i32
        %dma_wait3A_609 = tpu.memref_slice %run_scoped3A[%rem3A_199, %dma_wait3A_607, %dma_wait3A_608] : memref<2x16x2048xi32, #tpu.memory_space<vmem>> -> memref<1x16x2048xi32, #tpu.memory_space<vmem>>
        %dma_wait3A_610 = tpu.memref_squeeze %dma_wait3A_609 : memref<1x16x2048xi32, #tpu.memory_space<vmem>> -> memref<16x2048xi32, #tpu.memory_space<vmem>>
        %dma_wait3A_611 = arith.constant 0 : i32
        %dma_wait3A_612 = tpu.memref_slice %dma_wait3A_610[%dma_wait3A_598, %dma_wait3A_611] : memref<16x2048xi32, #tpu.memory_space<vmem>> -> memref<1x2048xi32, #tpu.memory_space<vmem>>
        %dma_wait3A_613 = tpu.memref_squeeze %dma_wait3A_612 : memref<1x2048xi32, #tpu.memory_space<vmem>> -> memref<2048xi32, #tpu.memory_space<vmem>>
        %dma_wait3A_614 = arith.constant 0 : i32
        %dma_wait3A_615 = tpu.memref_slice %arg2[%dma_wait3A_614] : memref<8388608xi32, #tpu.memory_space<hbm>> -> memref<8388608xi32, #tpu.memory_space<hbm>>
        tpu.wait_indirect_dma semaphore(%arg5 : memref<!tpu.dma_semaphore, #tpu.memory_space<semaphore_mem>>) src(%dma_wait3A_615 : memref<8388608xi32, #tpu.memory_space<hbm>>) dst(%dma_wait3A_606 : memref<2048xi32, #tpu.memory_space<vmem>>)
        %dma_wait3A_616 = arith.constant 7 : i32
        %dma_wait3A_617 = arith.constant 7 : i32
        %dma_wait3A_618 = arith.constant 0 : i32
        %dma_wait3A_619 = arith.constant 0 : i32
        %dma_wait3A_620 = tpu.memref_slice %run_scoped3A_8[%rem3A_201, %dma_wait3A_618, %dma_wait3A_619] : memref<2x16x2048xi32, #tpu.memory_space<vmem>> -> memref<1x16x2048xi32, #tpu.memory_space<vmem>>
        %dma_wait3A_621 = tpu.memref_squeeze %dma_wait3A_620 : memref<1x16x2048xi32, #tpu.memory_space<vmem>> -> memref<16x2048xi32, #tpu.memory_space<vmem>>
        %dma_wait3A_622 = arith.constant 0 : i32
        %dma_wait3A_623 = tpu.memref_slice %dma_wait3A_621[%dma_wait3A_617, %dma_wait3A_622] : memref<16x2048xi32, #tpu.memory_space<vmem>> -> memref<1x2048xi32, #tpu.memory_space<vmem>>
        %dma_wait3A_624 = tpu.memref_squeeze %dma_wait3A_623 : memref<1x2048xi32, #tpu.memory_space<vmem>> -> memref<2048xi32, #tpu.memory_space<vmem>>
        %dma_wait3A_625 = arith.constant 0 : i32
        %dma_wait3A_626 = arith.constant 0 : i32
        %dma_wait3A_627 = tpu.memref_slice %run_scoped3A[%rem3A_199, %dma_wait3A_625, %dma_wait3A_626] : memref<2x16x2048xi32, #tpu.memory_space<vmem>> -> memref<1x16x2048xi32, #tpu.memory_space<vmem>>
        %dma_wait3A_628 = tpu.memref_squeeze %dma_wait3A_627 : memref<1x16x2048xi32, #tpu.memory_space<vmem>> -> memref<16x2048xi32, #tpu.memory_space<vmem>>
        %dma_wait3A_629 = arith.constant 0 : i32
        %dma_wait3A_630 = tpu.memref_slice %dma_wait3A_628[%dma_wait3A_616, %dma_wait3A_629] : memref<16x2048xi32, #tpu.memory_space<vmem>> -> memref<1x2048xi32, #tpu.memory_space<vmem>>
        %dma_wait3A_631 = tpu.memref_squeeze %dma_wait3A_630 : memref<1x2048xi32, #tpu.memory_space<vmem>> -> memref<2048xi32, #tpu.memory_space<vmem>>
        %dma_wait3A_632 = arith.constant 0 : i32
        %dma_wait3A_633 = tpu.memref_slice %arg2[%dma_wait3A_632] : memref<8388608xi32, #tpu.memory_space<hbm>> -> memref<8388608xi32, #tpu.memory_space<hbm>>
        tpu.wait_indirect_dma semaphore(%arg5 : memref<!tpu.dma_semaphore, #tpu.memory_space<semaphore_mem>>) src(%dma_wait3A_633 : memref<8388608xi32, #tpu.memory_space<hbm>>) dst(%dma_wait3A_624 : memref<2048xi32, #tpu.memory_space<vmem>>)
        %dma_wait3A_634 = arith.constant 8 : i32
        %dma_wait3A_635 = arith.constant 8 : i32
        %dma_wait3A_636 = arith.constant 0 : i32
        %dma_wait3A_637 = arith.constant 0 : i32
        %dma_wait3A_638 = tpu.memref_slice %run_scoped3A_8[%rem3A_201, %dma_wait3A_636, %dma_wait3A_637] : memref<2x16x2048xi32, #tpu.memory_space<vmem>> -> memref<1x16x2048xi32, #tpu.memory_space<vmem>>
        %dma_wait3A_639 = tpu.memref_squeeze %dma_wait3A_638 : memref<1x16x2048xi32, #tpu.memory_space<vmem>> -> memref<16x2048xi32, #tpu.memory_space<vmem>>
        %dma_wait3A_640 = arith.constant 0 : i32
        %dma_wait3A_641 = tpu.memref_slice %dma_wait3A_639[%dma_wait3A_635, %dma_wait3A_640] : memref<16x2048xi32, #tpu.memory_space<vmem>> -> memref<1x2048xi32, #tpu.memory_space<vmem>>
        %dma_wait3A_642 = tpu.memref_squeeze %dma_wait3A_641 : memref<1x2048xi32, #tpu.memory_space<vmem>> -> memref<2048xi32, #tpu.memory_space<vmem>>
        %dma_wait3A_643 = arith.constant 0 : i32
        %dma_wait3A_644 = arith.constant 0 : i32
        %dma_wait3A_645 = tpu.memref_slice %run_scoped3A[%rem3A_199, %dma_wait3A_643, %dma_wait3A_644] : memref<2x16x2048xi32, #tpu.memory_space<vmem>> -> memref<1x16x2048xi32, #tpu.memory_space<vmem>>
        %dma_wait3A_646 = tpu.memref_squeeze %dma_wait3A_645 : memref<1x16x2048xi32, #tpu.memory_space<vmem>> -> memref<16x2048xi32, #tpu.memory_space<vmem>>
        %dma_wait3A_647 = arith.constant 0 : i32
        %dma_wait3A_648 = tpu.memref_slice %dma_wait3A_646[%dma_wait3A_634, %dma_wait3A_647] : memref<16x2048xi32, #tpu.memory_space<vmem>> -> memref<1x2048xi32, #tpu.memory_space<vmem>>
        %dma_wait3A_649 = tpu.memref_squeeze %dma_wait3A_648 : memref<1x2048xi32, #tpu.memory_space<vmem>> -> memref<2048xi32, #tpu.memory_space<vmem>>
        %dma_wait3A_650 = arith.constant 0 : i32
        %dma_wait3A_651 = tpu.memref_slice %arg2[%dma_wait3A_650] : memref<8388608xi32, #tpu.memory_space<hbm>> -> memref<8388608xi32, #tpu.memory_space<hbm>>
        tpu.wait_indirect_dma semaphore(%arg5 : memref<!tpu.dma_semaphore, #tpu.memory_space<semaphore_mem>>) src(%dma_wait3A_651 : memref<8388608xi32, #tpu.memory_space<hbm>>) dst(%dma_wait3A_642 : memref<2048xi32, #tpu.memory_space<vmem>>)
        %dma_wait3A_652 = arith.constant 9 : i32
        %dma_wait3A_653 = arith.constant 9 : i32
        %dma_wait3A_654 = arith.constant 0 : i32
        %dma_wait3A_655 = arith.constant 0 : i32
        %dma_wait3A_656 = tpu.memref_slice %run_scoped3A_8[%rem3A_201, %dma_wait3A_654, %dma_wait3A_655] : memref<2x16x2048xi32, #tpu.memory_space<vmem>> -> memref<1x16x2048xi32, #tpu.memory_space<vmem>>
        %dma_wait3A_657 = tpu.memref_squeeze %dma_wait3A_656 : memref<1x16x2048xi32, #tpu.memory_space<vmem>> -> memref<16x2048xi32, #tpu.memory_space<vmem>>
        %dma_wait3A_658 = arith.constant 0 : i32
        %dma_wait3A_659 = tpu.memref_slice %dma_wait3A_657[%dma_wait3A_653, %dma_wait3A_658] : memref<16x2048xi32, #tpu.memory_space<vmem>> -> memref<1x2048xi32, #tpu.memory_space<vmem>>
        %dma_wait3A_660 = tpu.memref_squeeze %dma_wait3A_659 : memref<1x2048xi32, #tpu.memory_space<vmem>> -> memref<2048xi32, #tpu.memory_space<vmem>>
        %dma_wait3A_661 = arith.constant 0 : i32
        %dma_wait3A_662 = arith.constant 0 : i32
        %dma_wait3A_663 = tpu.memref_slice %run_scoped3A[%rem3A_199, %dma_wait3A_661, %dma_wait3A_662] : memref<2x16x2048xi32, #tpu.memory_space<vmem>> -> memref<1x16x2048xi32, #tpu.memory_space<vmem>>
        %dma_wait3A_664 = tpu.memref_squeeze %dma_wait3A_663 : memref<1x16x2048xi32, #tpu.memory_space<vmem>> -> memref<16x2048xi32, #tpu.memory_space<vmem>>
        %dma_wait3A_665 = arith.constant 0 : i32
        %dma_wait3A_666 = tpu.memref_slice %dma_wait3A_664[%dma_wait3A_652, %dma_wait3A_665] : memref<16x2048xi32, #tpu.memory_space<vmem>> -> memref<1x2048xi32, #tpu.memory_space<vmem>>
        %dma_wait3A_667 = tpu.memref_squeeze %dma_wait3A_666 : memref<1x2048xi32, #tpu.memory_space<vmem>> -> memref<2048xi32, #tpu.memory_space<vmem>>
        %dma_wait3A_668 = arith.constant 0 : i32
        %dma_wait3A_669 = tpu.memref_slice %arg2[%dma_wait3A_668] : memref<8388608xi32, #tpu.memory_space<hbm>> -> memref<8388608xi32, #tpu.memory_space<hbm>>
        tpu.wait_indirect_dma semaphore(%arg5 : memref<!tpu.dma_semaphore, #tpu.memory_space<semaphore_mem>>) src(%dma_wait3A_669 : memref<8388608xi32, #tpu.memory_space<hbm>>) dst(%dma_wait3A_660 : memref<2048xi32, #tpu.memory_space<vmem>>)
        %dma_wait3A_670 = arith.constant 10 : i32
        %dma_wait3A_671 = arith.constant 10 : i32
        %dma_wait3A_672 = arith.constant 0 : i32
        %dma_wait3A_673 = arith.constant 0 : i32
        %dma_wait3A_674 = tpu.memref_slice %run_scoped3A_8[%rem3A_201, %dma_wait3A_672, %dma_wait3A_673] : memref<2x16x2048xi32, #tpu.memory_space<vmem>> -> memref<1x16x2048xi32, #tpu.memory_space<vmem>>
        %dma_wait3A_675 = tpu.memref_squeeze %dma_wait3A_674 : memref<1x16x2048xi32, #tpu.memory_space<vmem>> -> memref<16x2048xi32, #tpu.memory_space<vmem>>
        %dma_wait3A_676 = arith.constant 0 : i32
        %dma_wait3A_677 = tpu.memref_slice %dma_wait3A_675[%dma_wait3A_671, %dma_wait3A_676] : memref<16x2048xi32, #tpu.memory_space<vmem>> -> memref<1x2048xi32, #tpu.memory_space<vmem>>
        %dma_wait3A_678 = tpu.memref_squeeze %dma_wait3A_677 : memref<1x2048xi32, #tpu.memory_space<vmem>> -> memref<2048xi32, #tpu.memory_space<vmem>>
        %dma_wait3A_679 = arith.constant 0 : i32
        %dma_wait3A_680 = arith.constant 0 : i32
        %dma_wait3A_681 = tpu.memref_slice %run_scoped3A[%rem3A_199, %dma_wait3A_679, %dma_wait3A_680] : memref<2x16x2048xi32, #tpu.memory_space<vmem>> -> memref<1x16x2048xi32, #tpu.memory_space<vmem>>
        %dma_wait3A_682 = tpu.memref_squeeze %dma_wait3A_681 : memref<1x16x2048xi32, #tpu.memory_space<vmem>> -> memref<16x2048xi32, #tpu.memory_space<vmem>>
        %dma_wait3A_683 = arith.constant 0 : i32
        %dma_wait3A_684 = tpu.memref_slice %dma_wait3A_682[%dma_wait3A_670, %dma_wait3A_683] : memref<16x2048xi32, #tpu.memory_space<vmem>> -> memref<1x2048xi32, #tpu.memory_space<vmem>>
        %dma_wait3A_685 = tpu.memref_squeeze %dma_wait3A_684 : memref<1x2048xi32, #tpu.memory_space<vmem>> -> memref<2048xi32, #tpu.memory_space<vmem>>
        %dma_wait3A_686 = arith.constant 0 : i32
        %dma_wait3A_687 = tpu.memref_slice %arg2[%dma_wait3A_686] : memref<8388608xi32, #tpu.memory_space<hbm>> -> memref<8388608xi32, #tpu.memory_space<hbm>>
        tpu.wait_indirect_dma semaphore(%arg5 : memref<!tpu.dma_semaphore, #tpu.memory_space<semaphore_mem>>) src(%dma_wait3A_687 : memref<8388608xi32, #tpu.memory_space<hbm>>) dst(%dma_wait3A_678 : memref<2048xi32, #tpu.memory_space<vmem>>)
        %dma_wait3A_688 = arith.constant 11 : i32
        %dma_wait3A_689 = arith.constant 11 : i32
        %dma_wait3A_690 = arith.constant 0 : i32
        %dma_wait3A_691 = arith.constant 0 : i32
        %dma_wait3A_692 = tpu.memref_slice %run_scoped3A_8[%rem3A_201, %dma_wait3A_690, %dma_wait3A_691] : memref<2x16x2048xi32, #tpu.memory_space<vmem>> -> memref<1x16x2048xi32, #tpu.memory_space<vmem>>
        %dma_wait3A_693 = tpu.memref_squeeze %dma_wait3A_692 : memref<1x16x2048xi32, #tpu.memory_space<vmem>> -> memref<16x2048xi32, #tpu.memory_space<vmem>>
        %dma_wait3A_694 = arith.constant 0 : i32
        %dma_wait3A_695 = tpu.memref_slice %dma_wait3A_693[%dma_wait3A_689, %dma_wait3A_694] : memref<16x2048xi32, #tpu.memory_space<vmem>> -> memref<1x2048xi32, #tpu.memory_space<vmem>>
        %dma_wait3A_696 = tpu.memref_squeeze %dma_wait3A_695 : memref<1x2048xi32, #tpu.memory_space<vmem>> -> memref<2048xi32, #tpu.memory_space<vmem>>
        %dma_wait3A_697 = arith.constant 0 : i32
        %dma_wait3A_698 = arith.constant 0 : i32
        %dma_wait3A_699 = tpu.memref_slice %run_scoped3A[%rem3A_199, %dma_wait3A_697, %dma_wait3A_698] : memref<2x16x2048xi32, #tpu.memory_space<vmem>> -> memref<1x16x2048xi32, #tpu.memory_space<vmem>>
        %dma_wait3A_700 = tpu.memref_squeeze %dma_wait3A_699 : memref<1x16x2048xi32, #tpu.memory_space<vmem>> -> memref<16x2048xi32, #tpu.memory_space<vmem>>
        %dma_wait3A_701 = arith.constant 0 : i32
        %dma_wait3A_702 = tpu.memref_slice %dma_wait3A_700[%dma_wait3A_688, %dma_wait3A_701] : memref<16x2048xi32, #tpu.memory_space<vmem>> -> memref<1x2048xi32, #tpu.memory_space<vmem>>
        %dma_wait3A_703 = tpu.memref_squeeze %dma_wait3A_702 : memref<1x2048xi32, #tpu.memory_space<vmem>> -> memref<2048xi32, #tpu.memory_space<vmem>>
        %dma_wait3A_704 = arith.constant 0 : i32
        %dma_wait3A_705 = tpu.memref_slice %arg2[%dma_wait3A_704] : memref<8388608xi32, #tpu.memory_space<hbm>> -> memref<8388608xi32, #tpu.memory_space<hbm>>
        tpu.wait_indirect_dma semaphore(%arg5 : memref<!tpu.dma_semaphore, #tpu.memory_space<semaphore_mem>>) src(%dma_wait3A_705 : memref<8388608xi32, #tpu.memory_space<hbm>>) dst(%dma_wait3A_696 : memref<2048xi32, #tpu.memory_space<vmem>>)
        %dma_wait3A_706 = arith.constant 12 : i32
        %dma_wait3A_707 = arith.constant 12 : i32
        %dma_wait3A_708 = arith.constant 0 : i32
        %dma_wait3A_709 = arith.constant 0 : i32
        %dma_wait3A_710 = tpu.memref_slice %run_scoped3A_8[%rem3A_201, %dma_wait3A_708, %dma_wait3A_709] : memref<2x16x2048xi32, #tpu.memory_space<vmem>> -> memref<1x16x2048xi32, #tpu.memory_space<vmem>>
        %dma_wait3A_711 = tpu.memref_squeeze %dma_wait3A_710 : memref<1x16x2048xi32, #tpu.memory_space<vmem>> -> memref<16x2048xi32, #tpu.memory_space<vmem>>
        %dma_wait3A_712 = arith.constant 0 : i32
        %dma_wait3A_713 = tpu.memref_slice %dma_wait3A_711[%dma_wait3A_707, %dma_wait3A_712] : memref<16x2048xi32, #tpu.memory_space<vmem>> -> memref<1x2048xi32, #tpu.memory_space<vmem>>
        %dma_wait3A_714 = tpu.memref_squeeze %dma_wait3A_713 : memref<1x2048xi32, #tpu.memory_space<vmem>> -> memref<2048xi32, #tpu.memory_space<vmem>>
        %dma_wait3A_715 = arith.constant 0 : i32
        %dma_wait3A_716 = arith.constant 0 : i32
        %dma_wait3A_717 = tpu.memref_slice %run_scoped3A[%rem3A_199, %dma_wait3A_715, %dma_wait3A_716] : memref<2x16x2048xi32, #tpu.memory_space<vmem>> -> memref<1x16x2048xi32, #tpu.memory_space<vmem>>
        %dma_wait3A_718 = tpu.memref_squeeze %dma_wait3A_717 : memref<1x16x2048xi32, #tpu.memory_space<vmem>> -> memref<16x2048xi32, #tpu.memory_space<vmem>>
        %dma_wait3A_719 = arith.constant 0 : i32
        %dma_wait3A_720 = tpu.memref_slice %dma_wait3A_718[%dma_wait3A_706, %dma_wait3A_719] : memref<16x2048xi32, #tpu.memory_space<vmem>> -> memref<1x2048xi32, #tpu.memory_space<vmem>>
        %dma_wait3A_721 = tpu.memref_squeeze %dma_wait3A_720 : memref<1x2048xi32, #tpu.memory_space<vmem>> -> memref<2048xi32, #tpu.memory_space<vmem>>
        %dma_wait3A_722 = arith.constant 0 : i32
        %dma_wait3A_723 = tpu.memref_slice %arg2[%dma_wait3A_722] : memref<8388608xi32, #tpu.memory_space<hbm>> -> memref<8388608xi32, #tpu.memory_space<hbm>>
        tpu.wait_indirect_dma semaphore(%arg5 : memref<!tpu.dma_semaphore, #tpu.memory_space<semaphore_mem>>) src(%dma_wait3A_723 : memref<8388608xi32, #tpu.memory_space<hbm>>) dst(%dma_wait3A_714 : memref<2048xi32, #tpu.memory_space<vmem>>)
        %dma_wait3A_724 = arith.constant 13 : i32
        %dma_wait3A_725 = arith.constant 13 : i32
        %dma_wait3A_726 = arith.constant 0 : i32
        %dma_wait3A_727 = arith.constant 0 : i32
        %dma_wait3A_728 = tpu.memref_slice %run_scoped3A_8[%rem3A_201, %dma_wait3A_726, %dma_wait3A_727] : memref<2x16x2048xi32, #tpu.memory_space<vmem>> -> memref<1x16x2048xi32, #tpu.memory_space<vmem>>
        %dma_wait3A_729 = tpu.memref_squeeze %dma_wait3A_728 : memref<1x16x2048xi32, #tpu.memory_space<vmem>> -> memref<16x2048xi32, #tpu.memory_space<vmem>>
        %dma_wait3A_730 = arith.constant 0 : i32
        %dma_wait3A_731 = tpu.memref_slice %dma_wait3A_729[%dma_wait3A_725, %dma_wait3A_730] : memref<16x2048xi32, #tpu.memory_space<vmem>> -> memref<1x2048xi32, #tpu.memory_space<vmem>>
        %dma_wait3A_732 = tpu.memref_squeeze %dma_wait3A_731 : memref<1x2048xi32, #tpu.memory_space<vmem>> -> memref<2048xi32, #tpu.memory_space<vmem>>
        %dma_wait3A_733 = arith.constant 0 : i32
        %dma_wait3A_734 = arith.constant 0 : i32
        %dma_wait3A_735 = tpu.memref_slice %run_scoped3A[%rem3A_199, %dma_wait3A_733, %dma_wait3A_734] : memref<2x16x2048xi32, #tpu.memory_space<vmem>> -> memref<1x16x2048xi32, #tpu.memory_space<vmem>>
        %dma_wait3A_736 = tpu.memref_squeeze %dma_wait3A_735 : memref<1x16x2048xi32, #tpu.memory_space<vmem>> -> memref<16x2048xi32, #tpu.memory_space<vmem>>
        %dma_wait3A_737 = arith.constant 0 : i32
        %dma_wait3A_738 = tpu.memref_slice %dma_wait3A_736[%dma_wait3A_724, %dma_wait3A_737] : memref<16x2048xi32, #tpu.memory_space<vmem>> -> memref<1x2048xi32, #tpu.memory_space<vmem>>
        %dma_wait3A_739 = tpu.memref_squeeze %dma_wait3A_738 : memref<1x2048xi32, #tpu.memory_space<vmem>> -> memref<2048xi32, #tpu.memory_space<vmem>>
        %dma_wait3A_740 = arith.constant 0 : i32
        %dma_wait3A_741 = tpu.memref_slice %arg2[%dma_wait3A_740] : memref<8388608xi32, #tpu.memory_space<hbm>> -> memref<8388608xi32, #tpu.memory_space<hbm>>
        tpu.wait_indirect_dma semaphore(%arg5 : memref<!tpu.dma_semaphore, #tpu.memory_space<semaphore_mem>>) src(%dma_wait3A_741 : memref<8388608xi32, #tpu.memory_space<hbm>>) dst(%dma_wait3A_732 : memref<2048xi32, #tpu.memory_space<vmem>>)
        %dma_wait3A_742 = arith.constant 14 : i32
        %dma_wait3A_743 = arith.constant 14 : i32
        %dma_wait3A_744 = arith.constant 0 : i32
        %dma_wait3A_745 = arith.constant 0 : i32
        %dma_wait3A_746 = tpu.memref_slice %run_scoped3A_8[%rem3A_201, %dma_wait3A_744, %dma_wait3A_745] : memref<2x16x2048xi32, #tpu.memory_space<vmem>> -> memref<1x16x2048xi32, #tpu.memory_space<vmem>>
        %dma_wait3A_747 = tpu.memref_squeeze %dma_wait3A_746 : memref<1x16x2048xi32, #tpu.memory_space<vmem>> -> memref<16x2048xi32, #tpu.memory_space<vmem>>
        %dma_wait3A_748 = arith.constant 0 : i32
        %dma_wait3A_749 = tpu.memref_slice %dma_wait3A_747[%dma_wait3A_743, %dma_wait3A_748] : memref<16x2048xi32, #tpu.memory_space<vmem>> -> memref<1x2048xi32, #tpu.memory_space<vmem>>
        %dma_wait3A_750 = tpu.memref_squeeze %dma_wait3A_749 : memref<1x2048xi32, #tpu.memory_space<vmem>> -> memref<2048xi32, #tpu.memory_space<vmem>>
        %dma_wait3A_751 = arith.constant 0 : i32
        %dma_wait3A_752 = arith.constant 0 : i32
        %dma_wait3A_753 = tpu.memref_slice %run_scoped3A[%rem3A_199, %dma_wait3A_751, %dma_wait3A_752] : memref<2x16x2048xi32, #tpu.memory_space<vmem>> -> memref<1x16x2048xi32, #tpu.memory_space<vmem>>
        %dma_wait3A_754 = tpu.memref_squeeze %dma_wait3A_753 : memref<1x16x2048xi32, #tpu.memory_space<vmem>> -> memref<16x2048xi32, #tpu.memory_space<vmem>>
        %dma_wait3A_755 = arith.constant 0 : i32
        %dma_wait3A_756 = tpu.memref_slice %dma_wait3A_754[%dma_wait3A_742, %dma_wait3A_755] : memref<16x2048xi32, #tpu.memory_space<vmem>> -> memref<1x2048xi32, #tpu.memory_space<vmem>>
        %dma_wait3A_757 = tpu.memref_squeeze %dma_wait3A_756 : memref<1x2048xi32, #tpu.memory_space<vmem>> -> memref<2048xi32, #tpu.memory_space<vmem>>
        %dma_wait3A_758 = arith.constant 0 : i32
        %dma_wait3A_759 = tpu.memref_slice %arg2[%dma_wait3A_758] : memref<8388608xi32, #tpu.memory_space<hbm>> -> memref<8388608xi32, #tpu.memory_space<hbm>>
        tpu.wait_indirect_dma semaphore(%arg5 : memref<!tpu.dma_semaphore, #tpu.memory_space<semaphore_mem>>) src(%dma_wait3A_759 : memref<8388608xi32, #tpu.memory_space<hbm>>) dst(%dma_wait3A_750 : memref<2048xi32, #tpu.memory_space<vmem>>)
        %dma_wait3A_760 = arith.constant 15 : i32
        %dma_wait3A_761 = arith.constant 15 : i32
        %dma_wait3A_762 = arith.constant 0 : i32
        %dma_wait3A_763 = arith.constant 0 : i32
        %dma_wait3A_764 = tpu.memref_slice %run_scoped3A_8[%rem3A_201, %dma_wait3A_762, %dma_wait3A_763] : memref<2x16x2048xi32, #tpu.memory_space<vmem>> -> memref<1x16x2048xi32, #tpu.memory_space<vmem>>
        %dma_wait3A_765 = tpu.memref_squeeze %dma_wait3A_764 : memref<1x16x2048xi32, #tpu.memory_space<vmem>> -> memref<16x2048xi32, #tpu.memory_space<vmem>>
        %dma_wait3A_766 = arith.constant 0 : i32
        %dma_wait3A_767 = tpu.memref_slice %dma_wait3A_765[%dma_wait3A_761, %dma_wait3A_766] : memref<16x2048xi32, #tpu.memory_space<vmem>> -> memref<1x2048xi32, #tpu.memory_space<vmem>>
        %dma_wait3A_768 = tpu.memref_squeeze %dma_wait3A_767 : memref<1x2048xi32, #tpu.memory_space<vmem>> -> memref<2048xi32, #tpu.memory_space<vmem>>
        %dma_wait3A_769 = arith.constant 0 : i32
        %dma_wait3A_770 = arith.constant 0 : i32
        %dma_wait3A_771 = tpu.memref_slice %run_scoped3A[%rem3A_199, %dma_wait3A_769, %dma_wait3A_770] : memref<2x16x2048xi32, #tpu.memory_space<vmem>> -> memref<1x16x2048xi32, #tpu.memory_space<vmem>>
        %dma_wait3A_772 = tpu.memref_squeeze %dma_wait3A_771 : memref<1x16x2048xi32, #tpu.memory_space<vmem>> -> memref<16x2048xi32, #tpu.memory_space<vmem>>
        %dma_wait3A_773 = arith.constant 0 : i32
        %dma_wait3A_774 = tpu.memref_slice %dma_wait3A_772[%dma_wait3A_760, %dma_wait3A_773] : memref<16x2048xi32, #tpu.memory_space<vmem>> -> memref<1x2048xi32, #tpu.memory_space<vmem>>
        %dma_wait3A_775 = tpu.memref_squeeze %dma_wait3A_774 : memref<1x2048xi32, #tpu.memory_space<vmem>> -> memref<2048xi32, #tpu.memory_space<vmem>>
        %dma_wait3A_776 = arith.constant 0 : i32
        %dma_wait3A_777 = tpu.memref_slice %arg2[%dma_wait3A_776] : memref<8388608xi32, #tpu.memory_space<hbm>> -> memref<8388608xi32, #tpu.memory_space<hbm>>
        tpu.wait_indirect_dma semaphore(%arg5 : memref<!tpu.dma_semaphore, #tpu.memory_space<semaphore_mem>>) src(%dma_wait3A_777 : memref<8388608xi32, #tpu.memory_space<hbm>>) dst(%dma_wait3A_768 : memref<2048xi32, #tpu.memory_space<vmem>>)
        "tpu.trace_stop"() : () -> ()
        %ne3A_778 = arith.cmpi ne, %add3A_131, %add3A_149 : i32
        %or3A_779 = arith.constant false
        %or3A_780 = arith.ori %or3A_779, %ne3A_778 : i1
        %or3A_781 = arith.constant false
        %or3A_782 = arith.ori %or3A_780, %or3A_781 : i1
        %or3A_783 = arith.ori %or3A_782, %eq3A_130 : i1
        %convert_element_type3A_784 = arith.extui %or3A_783 : i1 to i32
        %cond3A_785 = arith.constant 0 : i32
        %cond3A_786 = arith.cmpi ne, %convert_element_type3A_784, %cond3A_785 : i32
        scf.if %cond3A_786 {
        } else {
        }
        %and3A_787 = arith.constant false
        %and3A_788 = arith.andi %or3A_783, %and3A_787 : i1
        %ne3A_789 = arith.cmpi ne, %add3A_131, %add3A_149 : i32
        %or3A_790 = arith.constant false
        %or3A_791 = arith.ori %or3A_790, %ne3A_789 : i1
        %or3A_792 = arith.constant false
        %or3A_793 = arith.ori %or3A_791, %or3A_792 : i1
        %or3A_794 = arith.ori %or3A_793, %eq3A_130 : i1
        %convert_element_type3A_795 = arith.extui %or3A_794 : i1 to i32
        %cond3A_796 = arith.constant 0 : i32
        %cond3A_797 = arith.cmpi ne, %convert_element_type3A_795, %cond3A_796 : i32
        scf.if %cond3A_797 {
          "tpu.trace_start"() <{level = 10 : i32, message = "ep_copy_out"}> : () -> ()
          %rem3A_849 = arith.constant 2 : i32
          %rem3A_850 = arith.remui %scan3A_124, %rem3A_849 : i32
          %mul3A_851 = arith.constant 16 : i32
          %mul3A_852 = arith.muli %mul3A_851, %add3A_131 : i32
          %dma_start3A_853 = arith.constant 0 : i32
          %dma_start3A_854 = arith.constant 0 : i32
          %dma_start3A_855 = tpu.memref_slice %run_scoped3A_8[%rem3A_850, %dma_start3A_853, %dma_start3A_854] : memref<2x16x2048xi32, #tpu.memory_space<vmem>> -> memref<1x16x2048xi32, #tpu.memory_space<vmem>>
          %dma_start3A_856 = tpu.memref_squeeze %dma_start3A_855 : memref<1x16x2048xi32, #tpu.memory_space<vmem>> -> memref<16x2048xi32, #tpu.memory_space<vmem>>
          %dma_start3A_857 = arith.constant 0 : i32
          %dma_start3A_858 = tpu.memref_slice %arg4[%mul3A_852, %dma_start3A_857] : memref<4096x2048xi32, #tpu.memory_space<hbm>> -> memref<16x2048xi32, #tpu.memory_space<hbm>>
          %dma_start3A_859 = tpu.memref_slice %run_scoped3A_9[%rem3A_850] : memref<2x!tpu.dma_semaphore, #tpu.memory_space<semaphore_mem>> -> memref<1x!tpu.dma_semaphore, #tpu.memory_space<semaphore_mem>>
          %dma_start3A_860 = tpu.memref_squeeze %dma_start3A_859 : memref<1x!tpu.dma_semaphore, #tpu.memory_space<semaphore_mem>> -> memref<!tpu.dma_semaphore, #tpu.memory_space<semaphore_mem>>
          %dma_start3A_861 = arith.constant 0 : i32
          %dma_start3A_862 = tpu.memref_slice %arg4[%mul3A_852, %dma_start3A_861] : memref<4096x2048xi32, #tpu.memory_space<hbm>> -> memref<16x2048xi32, #tpu.memory_space<hbm>>
          %dma_start3A_863 = arith.constant 0 : i32
          %dma_start3A_864 = arith.constant 0 : i32
          %dma_start3A_865 = tpu.memref_slice %run_scoped3A_8[%rem3A_850, %dma_start3A_863, %dma_start3A_864] : memref<2x16x2048xi32, #tpu.memory_space<vmem>> -> memref<1x16x2048xi32, #tpu.memory_space<vmem>>
          %dma_start3A_866 = tpu.memref_squeeze %dma_start3A_865 : memref<1x16x2048xi32, #tpu.memory_space<vmem>> -> memref<16x2048xi32, #tpu.memory_space<vmem>>
          tpu.enqueue_dma source(%dma_start3A_866 : memref<16x2048xi32, #tpu.memory_space<vmem>>) target(%dma_start3A_862 : memref<16x2048xi32, #tpu.memory_space<hbm>>) target_semaphore(%dma_start3A_860 : memref<!tpu.dma_semaphore, #tpu.memory_space<semaphore_mem>>)
          "tpu.trace_stop"() : () -> ()
        } else {
        }
        %and3A_798 = arith.constant true
        %and3A_799 = arith.andi %or3A_794, %and3A_798 : i1
        %add3A_800 = arith.constant 1 : i32
        %add3A_801 = arith.addi %scan3A_124, %add3A_800 : i32
        %select_n3A_802 = arith.select %and3A_799, %add3A_801, %scan3A_124 : i32
        %ne3A_803 = arith.cmpi ne, %add3A_131, %add3A_140 : i32
        %or3A_804 = arith.constant false
        %or3A_805 = arith.ori %or3A_804, %ne3A_803 : i1
        %or3A_806 = arith.constant false
        %or3A_807 = arith.ori %or3A_805, %or3A_806 : i1
        %not3A_808 = arith.constant true
        %not3A_809 = arith.xori %eq3A_128, %not3A_808 : i1
        %and3A_810 = arith.andi %or3A_807, %not3A_809 : i1
        %convert_element_type3A_811 = arith.extui %and3A_810 : i1 to i32
        %cond3A_812 = arith.constant 0 : i32
        %cond3A_813 = arith.cmpi ne, %convert_element_type3A_811, %cond3A_812 : i32
        scf.if %cond3A_813 {
        } else {
        }
        %and3A_814 = arith.constant false
        %and3A_815 = arith.andi %and3A_810, %and3A_814 : i1
        %ne3A_816 = arith.cmpi ne, %add3A_131, %add3A_140 : i32
        %or3A_817 = arith.constant false
        %or3A_818 = arith.ori %or3A_817, %ne3A_816 : i1
        %or3A_819 = arith.constant false
        %or3A_820 = arith.ori %or3A_818, %or3A_819 : i1
        %not3A_821 = arith.constant true
        %not3A_822 = arith.xori %eq3A_128, %not3A_821 : i1
        %and3A_823 = arith.andi %or3A_820, %not3A_822 : i1
        %convert_element_type3A_824 = arith.extui %and3A_823 : i1 to i32
        %cond3A_825 = arith.constant 0 : i32
        %cond3A_826 = arith.cmpi ne, %convert_element_type3A_824, %cond3A_825 : i32
        scf.if %cond3A_826 {
          "tpu.trace_start"() <{level = 10 : i32, message = "ep_wait_out"}> : () -> ()
          %rem3A_849 = arith.constant 2 : i32
          %rem3A_850 = arith.remui %scan3A_125, %rem3A_849 : i32
          %mul3A_851 = arith.constant 16 : i32
          %mul3A_852 = arith.muli %mul3A_851, %add3A_140 : i32
          %dma_wait3A_853 = arith.constant 0 : i32
          %dma_wait3A_854 = arith.constant 0 : i32
          %dma_wait3A_855 = tpu.memref_slice %run_scoped3A_8[%rem3A_850, %dma_wait3A_853, %dma_wait3A_854] : memref<2x16x2048xi32, #tpu.memory_space<vmem>> -> memref<1x16x2048xi32, #tpu.memory_space<vmem>>
          %dma_wait3A_856 = tpu.memref_squeeze %dma_wait3A_855 : memref<1x16x2048xi32, #tpu.memory_space<vmem>> -> memref<16x2048xi32, #tpu.memory_space<vmem>>
          %dma_wait3A_857 = arith.constant 0 : i32
          %dma_wait3A_858 = tpu.memref_slice %arg4[%mul3A_852, %dma_wait3A_857] : memref<4096x2048xi32, #tpu.memory_space<hbm>> -> memref<16x2048xi32, #tpu.memory_space<hbm>>
          %dma_wait3A_859 = tpu.memref_slice %run_scoped3A_9[%rem3A_850] : memref<2x!tpu.dma_semaphore, #tpu.memory_space<semaphore_mem>> -> memref<1x!tpu.dma_semaphore, #tpu.memory_space<semaphore_mem>>
          %dma_wait3A_860 = tpu.memref_squeeze %dma_wait3A_859 : memref<1x!tpu.dma_semaphore, #tpu.memory_space<semaphore_mem>> -> memref<!tpu.dma_semaphore, #tpu.memory_space<semaphore_mem>>
          %dma_wait3A_861 = arith.constant 0 : i32
          %dma_wait3A_862 = tpu.memref_slice %arg4[%mul3A_852, %dma_wait3A_861] : memref<4096x2048xi32, #tpu.memory_space<hbm>> -> memref<16x2048xi32, #tpu.memory_space<hbm>>
          %dma_wait3A_863 = arith.constant 0 : i32
          %dma_wait3A_864 = arith.constant 0 : i32
          %dma_wait3A_865 = tpu.memref_slice %run_scoped3A_8[%rem3A_850, %dma_wait3A_863, %dma_wait3A_864] : memref<2x16x2048xi32, #tpu.memory_space<vmem>> -> memref<1x16x2048xi32, #tpu.memory_space<vmem>>
          %dma_wait3A_866 = tpu.memref_squeeze %dma_wait3A_865 : memref<1x16x2048xi32, #tpu.memory_space<vmem>> -> memref<16x2048xi32, #tpu.memory_space<vmem>>
          tpu.wait_dma2 semaphore(%dma_wait3A_860 : memref<!tpu.dma_semaphore, #tpu.memory_space<semaphore_mem>>) src(%dma_wait3A_866 : memref<16x2048xi32, #tpu.memory_space<vmem>>) dst(%dma_wait3A_862 : memref<16x2048xi32, #tpu.memory_space<hbm>>)
          "tpu.trace_stop"() : () -> ()
        } else {
        }
        %and3A_827 = arith.constant true
        %and3A_828 = arith.andi %and3A_823, %and3A_827 : i1
        %add3A_829 = arith.constant 1 : i32
        %add3A_830 = arith.addi %scan3A_125, %add3A_829 : i32
        %select_n3A_831 = arith.select %and3A_828, %add3A_830, %scan3A_125 : i32
        %ne3A_832 = arith.cmpi ne, %add3A_131, %add3A_149 : i32
        %or3A_833 = arith.constant false
        %or3A_834 = arith.ori %or3A_833, %ne3A_832 : i1
        %or3A_835 = arith.constant false
        %or3A_836 = arith.ori %or3A_834, %or3A_835 : i1
        %or3A_837 = arith.ori %or3A_836, %eq3A_130 : i1
        %add3A_838 = arith.constant 1 : i32
        %add3A_839 = arith.addi %scan3A_123, %add3A_838 : i32
        %select_n3A_840 = arith.select %or3A_837, %add3A_839, %scan3A_123 : i32
        %add3A_841 = arith.constant 1 : i32
        %add3A_842 = arith.addi %scan3A_126, %add3A_841 : i32
        %select_n3A_843 = arith.constant true
        %select_n3A_844 = arith.select %select_n3A_843, %add3A_842, %scan3A_126 : i32
        %eq3A_845 = arith.constant 8 : i32
        %eq3A_846 = arith.cmpi eq, %select_n3A_844, %eq3A_845 : i32
        %select_n3A_847 = arith.constant 0 : i32
        %select_n3A_848 = arith.select %eq3A_846, %select_n3A_847, %select_n3A_844 : i32
        scf.yield %select_n3A_169, %select_n3A_840, %select_n3A_802, %select_n3A_831, %select_n3A_848 : i32, i32, i32, i32, i32
      }
      %scan3A_68 = arith.constant 8 : i32
      %sub3A = arith.constant 1 : i32
      %sub3A_69 = arith.subi %scan3A_67#4, %sub3A : i32
      %select_n3A_70 = arith.constant true
      %select_n3A_71 = arith.select %select_n3A_70, %sub3A_69, %scan3A_67#4 : i32
      %eq3A_72 = arith.constant -1 : i32
      %eq3A_73 = arith.cmpi eq, %select_n3A_71, %eq3A_72 : i32
      %select_n3A_74 = arith.constant 7 : i32
      %select_n3A_75 = arith.select %eq3A_73, %select_n3A_74, %select_n3A_71 : i32
      %add3A_76 = arith.addi %select_n3A_75, %mul3A_6 : i32
      %sub3A_77 = arith.constant 1 : i32
      %sub3A_78 = arith.subi %select_n3A_75, %sub3A_77 : i32
      %select_n3A_79 = arith.constant true
      %select_n3A_80 = arith.select %select_n3A_79, %sub3A_78, %select_n3A_75 : i32
      %eq3A_81 = arith.constant -1 : i32
      %eq3A_82 = arith.cmpi eq, %select_n3A_80, %eq3A_81 : i32
      %select_n3A_83 = arith.constant 7 : i32
      %select_n3A_84 = arith.select %eq3A_82, %select_n3A_83, %select_n3A_80 : i32
      %add3A_85 = arith.addi %select_n3A_84, %mul3A_6 : i32
      %add3A_86 = arith.constant 1 : i32
      %add3A_87 = arith.addi %select_n3A_75, %add3A_86 : i32
      %select_n3A_88 = arith.constant true
      %select_n3A_89 = arith.select %select_n3A_88, %add3A_87, %select_n3A_75 : i32
      %eq3A_90 = arith.constant 8 : i32
      %eq3A_91 = arith.cmpi eq, %select_n3A_89, %eq3A_90 : i32
      %select_n3A_92 = arith.constant 0 : i32
      %select_n3A_93 = arith.select %eq3A_91, %select_n3A_92, %select_n3A_89 : i32
      %add3A_94 = arith.addi %select_n3A_93, %mul3A_6 : i32
      %add3A_95 = arith.constant 1 : i32
      %add3A_96 = arith.addi %select_n3A_93, %add3A_95 : i32
      %select_n3A_97 = arith.constant true
      %select_n3A_98 = arith.select %select_n3A_97, %add3A_96, %select_n3A_93 : i32
      %eq3A_99 = arith.constant 8 : i32
      %eq3A_100 = arith.cmpi eq, %select_n3A_98, %eq3A_99 : i32
      %select_n3A_101 = arith.constant 0 : i32
      %select_n3A_102 = arith.select %eq3A_100, %select_n3A_101, %select_n3A_98 : i32
      %add3A_103 = arith.addi %select_n3A_102, %mul3A_6 : i32
      "tpu.trace_start"() <{level = 10 : i32, message = "ep_finalize"}> : () -> ()
      %rem3A_104 = arith.constant 2 : i32
      %rem3A_105 = arith.remui %scan3A_67#3, %rem3A_104 : i32
      %mul3A_106 = arith.constant 16 : i32
      %mul3A_107 = arith.muli %mul3A_106, %add3A_76 : i32
      %dma_wait3A = arith.constant 0 : i32
      %dma_wait3A_108 = arith.constant 0 : i32
      %dma_wait3A_109 = tpu.memref_slice %run_scoped3A_8[%rem3A_105, %dma_wait3A, %dma_wait3A_108] : memref<2x16x2048xi32, #tpu.memory_space<vmem>> -> memref<1x16x2048xi32, #tpu.memory_space<vmem>>
      %dma_wait3A_110 = tpu.memref_squeeze %dma_wait3A_109 : memref<1x16x2048xi32, #tpu.memory_space<vmem>> -> memref<16x2048xi32, #tpu.memory_space<vmem>>
      %dma_wait3A_111 = arith.constant 0 : i32
      %dma_wait3A_112 = tpu.memref_slice %arg4[%mul3A_107, %dma_wait3A_111] : memref<4096x2048xi32, #tpu.memory_space<hbm>> -> memref<16x2048xi32, #tpu.memory_space<hbm>>
      %dma_wait3A_113 = tpu.memref_slice %run_scoped3A_9[%rem3A_105] : memref<2x!tpu.dma_semaphore, #tpu.memory_space<semaphore_mem>> -> memref<1x!tpu.dma_semaphore, #tpu.memory_space<semaphore_mem>>
      %dma_wait3A_114 = tpu.memref_squeeze %dma_wait3A_113 : memref<1x!tpu.dma_semaphore, #tpu.memory_space<semaphore_mem>> -> memref<!tpu.dma_semaphore, #tpu.memory_space<semaphore_mem>>
      %dma_wait3A_115 = arith.constant 0 : i32
      %dma_wait3A_116 = tpu.memref_slice %arg4[%mul3A_107, %dma_wait3A_115] : memref<4096x2048xi32, #tpu.memory_space<hbm>> -> memref<16x2048xi32, #tpu.memory_space<hbm>>
      %dma_wait3A_117 = arith.constant 0 : i32
      %dma_wait3A_118 = arith.constant 0 : i32
      %dma_wait3A_119 = tpu.memref_slice %run_scoped3A_8[%rem3A_105, %dma_wait3A_117, %dma_wait3A_118] : memref<2x16x2048xi32, #tpu.memory_space<vmem>> -> memref<1x16x2048xi32, #tpu.memory_space<vmem>>
      %dma_wait3A_120 = tpu.memref_squeeze %dma_wait3A_119 : memref<1x16x2048xi32, #tpu.memory_space<vmem>> -> memref<16x2048xi32, #tpu.memory_space<vmem>>
      tpu.wait_dma2 semaphore(%dma_wait3A_114 : memref<!tpu.dma_semaphore, #tpu.memory_space<semaphore_mem>>) src(%dma_wait3A_120 : memref<16x2048xi32, #tpu.memory_space<vmem>>) dst(%dma_wait3A_116 : memref<16x2048xi32, #tpu.memory_space<hbm>>)
      "tpu.trace_stop"() : () -> ()
      tpu.yield
    }) : () -> ()
    return
  }
}

module attributes {stable_mosaic.version = 14 : i64} {
  func.func @_idx_body(%arg0: i32, %arg1: memref<16x1xf32, #tpu.memory_space<vmem>>, %arg2: memref<16x1xi32, #tpu.memory_space<vmem>>, %arg3: memref<2x2048xf32, #tpu.memory_space<vmem>>, %arg4: memref<64x2048xi32, #tpu.memory_space<vmem>>) attributes {dimension_semantics = [#tpu.dimension_semantics<arbitrary>], iteration_bounds = array<i64: 64>, scalar_prefetch = 0 : i64, scratch_operands = 0 : i64, tpu.core_type = #tpu.core_type<tc>, window_params = [{pipeline_mode = #tpu.pipeline_mode<synchronous>, transform_indices = @transform_0, window_bounds = array<i64: 16, 1>}, {pipeline_mode = #tpu.pipeline_mode<synchronous>, transform_indices = @transform_1, window_bounds = array<i64: 16, 1>}, {transform_indices = @transform_2, window_bounds = array<i64: 2, 2048>}, {transform_indices = @transform_3, window_bounds = array<i64: 64, 2048>}]} {
    %get3A = arith.constant 0 : index
    %get3A_0 = arith.constant 0 : index
    %get3A_1 = vector.load %arg3[%get3A, %get3A_0] : memref<2x2048xf32, #tpu.memory_space<vmem>>, vector<1x2048xf32>
    %get3A_2 = arith.constant 1 : index
    %get3A_3 = arith.constant 0 : index
    %get3A_4 = vector.load %arg3[%get3A_2, %get3A_3] : memref<2x2048xf32, #tpu.memory_space<vmem>>, vector<1x2048xf32>
    %get3A_5 = arith.constant 0 : index
    %get3A_6 = arith.constant 0 : index
    %get3A_7 = vector.load %arg1[%get3A_5, %get3A_6] : memref<16x1xf32, #tpu.memory_space<vmem>>, vector<16x1xf32>
    %get3A_8 = arith.constant 0 : index
    %get3A_9 = arith.constant 0 : index
    %get3A_10 = vector.load %arg2[%get3A_8, %get3A_9] : memref<16x1xi32, #tpu.memory_space<vmem>>, vector<16x1xi32>
    %mul3A = vector.broadcast %get3A_7 : vector<16x1xf32> to vector<16x2048xf32>
    %mul3A_11 = vector.broadcast %get3A_1 : vector<1x2048xf32> to vector<16x2048xf32>
    %mul3A_12 = arith.mulf %mul3A, %mul3A_11 : vector<16x2048xf32>
    %mul3A_13 = vector.broadcast %get3A_7 : vector<16x1xf32> to vector<16x2048xf32>
    %mul3A_14 = vector.broadcast %get3A_4 : vector<1x2048xf32> to vector<16x2048xf32>
    %mul3A_15 = arith.mulf %mul3A_13, %mul3A_14 : vector<16x2048xf32>
    %floor3A = math.floor %mul3A_12 : vector<16x2048xf32>
    %convert_element_type3A = arith.fptosi %floor3A : vector<16x2048xf32> to vector<16x2048xi32>
    %floor3A_16 = math.floor %mul3A_15 : vector<16x2048xf32>
    %convert_element_type3A_17 = arith.fptosi %floor3A_16 : vector<16x2048xf32> to vector<16x2048xi32>
    %add3A = arith.constant 0 : i32
    %add3A_18 = vector.broadcast %add3A : i32 to vector<16x2048xi32>
    %add3A_19 = arith.addi %convert_element_type3A, %add3A_18 : vector<16x2048xi32>
    %add3A_20 = arith.constant 0 : i32
    %add3A_21 = vector.broadcast %add3A_20 : i32 to vector<16x2048xi32>
    %add3A_22 = arith.addi %convert_element_type3A_17, %add3A_21 : vector<16x2048xi32>
    %mul3A_23 = arith.constant -1640531535 : i32
    %mul3A_24 = vector.broadcast %mul3A_23 : i32 to vector<16x2048xi32>
    %mul3A_25 = arith.muli %add3A_22, %mul3A_24 : vector<16x2048xi32>
    %xor3A = arith.xori %add3A_19, %mul3A_25 : vector<16x2048xi32>
    %and3A = arith.constant 524287 : i32
    %and3A_26 = vector.broadcast %and3A : i32 to vector<16x2048xi32>
    %and3A_27 = arith.andi %xor3A, %and3A_26 : vector<16x2048xi32>
    %add3A_28 = vector.broadcast %get3A_10 : vector<16x1xi32> to vector<16x2048xi32>
    %add3A_29 = arith.addi %and3A_27, %add3A_28 : vector<16x2048xi32>
    %add3A_30 = arith.constant 1 : i32
    %add3A_31 = vector.broadcast %add3A_30 : i32 to vector<16x2048xi32>
    %add3A_32 = arith.addi %convert_element_type3A_17, %add3A_31 : vector<16x2048xi32>
    %mul3A_33 = arith.constant -1640531535 : i32
    %mul3A_34 = vector.broadcast %mul3A_33 : i32 to vector<16x2048xi32>
    %mul3A_35 = arith.muli %add3A_32, %mul3A_34 : vector<16x2048xi32>
    %xor3A_36 = arith.xori %add3A_19, %mul3A_35 : vector<16x2048xi32>
    %and3A_37 = arith.constant 524287 : i32
    %and3A_38 = vector.broadcast %and3A_37 : i32 to vector<16x2048xi32>
    %and3A_39 = arith.andi %xor3A_36, %and3A_38 : vector<16x2048xi32>
    %add3A_40 = vector.broadcast %get3A_10 : vector<16x1xi32> to vector<16x2048xi32>
    %add3A_41 = arith.addi %and3A_39, %add3A_40 : vector<16x2048xi32>
    %add3A_42 = arith.constant 1 : i32
    %add3A_43 = vector.broadcast %add3A_42 : i32 to vector<16x2048xi32>
    %add3A_44 = arith.addi %convert_element_type3A, %add3A_43 : vector<16x2048xi32>
    %add3A_45 = arith.constant 0 : i32
    %add3A_46 = vector.broadcast %add3A_45 : i32 to vector<16x2048xi32>
    %add3A_47 = arith.addi %convert_element_type3A_17, %add3A_46 : vector<16x2048xi32>
    %mul3A_48 = arith.constant -1640531535 : i32
    %mul3A_49 = vector.broadcast %mul3A_48 : i32 to vector<16x2048xi32>
    %mul3A_50 = arith.muli %add3A_47, %mul3A_49 : vector<16x2048xi32>
    %xor3A_51 = arith.xori %add3A_44, %mul3A_50 : vector<16x2048xi32>
    %and3A_52 = arith.constant 524287 : i32
    %and3A_53 = vector.broadcast %and3A_52 : i32 to vector<16x2048xi32>
    %and3A_54 = arith.andi %xor3A_51, %and3A_53 : vector<16x2048xi32>
    %add3A_55 = vector.broadcast %get3A_10 : vector<16x1xi32> to vector<16x2048xi32>
    %add3A_56 = arith.addi %and3A_54, %add3A_55 : vector<16x2048xi32>
    %add3A_57 = arith.constant 1 : i32
    %add3A_58 = vector.broadcast %add3A_57 : i32 to vector<16x2048xi32>
    %add3A_59 = arith.addi %convert_element_type3A_17, %add3A_58 : vector<16x2048xi32>
    %mul3A_60 = arith.constant -1640531535 : i32
    %mul3A_61 = vector.broadcast %mul3A_60 : i32 to vector<16x2048xi32>
    %mul3A_62 = arith.muli %add3A_59, %mul3A_61 : vector<16x2048xi32>
    %xor3A_63 = arith.xori %add3A_44, %mul3A_62 : vector<16x2048xi32>
    %and3A_64 = arith.constant 524287 : i32
    %and3A_65 = vector.broadcast %and3A_64 : i32 to vector<16x2048xi32>
    %and3A_66 = arith.andi %xor3A_63, %and3A_65 : vector<16x2048xi32>
    %add3A_67 = vector.broadcast %get3A_10 : vector<16x1xi32> to vector<16x2048xi32>
    %add3A_68 = arith.addi %and3A_66, %add3A_67 : vector<16x2048xi32>
    %concatenate3A = tpu.concatenate %add3A_29, %add3A_41, %add3A_56, %add3A_68 in 0 : vector<16x2048xi32>, vector<16x2048xi32>, vector<16x2048xi32>, vector<16x2048xi32> -> vector<64x2048xi32>
    %swap3A = arith.constant 0 : index
    %swap3A_69 = arith.constant 0 : index
    %swap3A_70 = vector.load %arg4[%swap3A, %swap3A_69] : memref<64x2048xi32, #tpu.memory_space<vmem>>, vector<64x2048xi32>
    tpu.vector_store %arg4[%swap3A, %swap3A_69], %concatenate3A {strides = array<i32>} : memref<64x2048xi32, #tpu.memory_space<vmem>>, vector<64x2048xi32>,
    return
  }
  func.func @transform_0(%arg0: i32) -> (i32, i32) {
    %c0_i32 = arith.constant 0 : i32
    %c0_i32_0 = arith.constant 0 : i32
    %c0_i32_1 = arith.constant 0 : i32
    return %c0_i32, %c0_i32_0 : i32, i32
  }
  func.func @transform_1(%arg0: i32) -> (i32, i32) {
    %c0_i32 = arith.constant 0 : i32
    %c0_i32_0 = arith.constant 0 : i32
    %c0_i32_1 = arith.constant 0 : i32
    return %c0_i32, %c0_i32_0 : i32, i32
  }
  func.func @transform_2(%arg0: i32) -> (i32, i32) {
    %c0_i32 = arith.constant 0 : i32
    %c0_i32_0 = arith.constant 0 : i32
    return %c0_i32, %arg0 : i32, i32
  }
  func.func @transform_3(%arg0: i32) -> (i32, i32) {
    %c0_i32 = arith.constant 0 : i32
    %c0_i32_0 = arith.constant 0 : i32
    return %arg0, %c0_i32 : i32, i32
  }
}

module attributes {stable_mosaic.version = 14 : i64} {
  func.func @_mlp_body(%arg0: i32, %arg1: memref<16x1xf32, #tpu.memory_space<vmem>>, %arg2: memref<2x2048xf32, #tpu.memory_space<vmem>>, %arg3: memref<64x2048xi32, #tpu.memory_space<vmem>>, %arg4: memref<64x8xf32, #tpu.memory_space<vmem>>, %arg5: memref<64x16xf32, #tpu.memory_space<vmem>>, %arg6: memref<64x24xf32, #tpu.memory_space<vmem>>, %arg7: memref<64x32xf32, #tpu.memory_space<vmem>>, %arg8: memref<64x64xf32, #tpu.memory_space<vmem>>, %arg9: memref<64x64xf32, #tpu.memory_space<vmem>>, %arg10: memref<64x64xf32, #tpu.memory_space<vmem>>, %arg11: memref<64x64xf32, #tpu.memory_space<vmem>>, %arg12: memref<1x64xf32, #tpu.memory_space<vmem>>, %arg13: memref<1x64xf32, #tpu.memory_space<vmem>>, %arg14: memref<1x64xf32, #tpu.memory_space<vmem>>, %arg15: memref<1x64xf32, #tpu.memory_space<vmem>>, %arg16: memref<4x2048xf32, #tpu.memory_space<vmem>>) attributes {dimension_semantics = [#tpu.dimension_semantics<arbitrary>], iteration_bounds = array<i64: 64>, scalar_prefetch = 0 : i64, scratch_operands = 0 : i64, tpu.core_type = #tpu.core_type<tc>, window_params = [{pipeline_mode = #tpu.pipeline_mode<synchronous>, transform_indices = @transform_0, window_bounds = array<i64: 16, 1>}, {transform_indices = @transform_1, window_bounds = array<i64: 2, 2048>}, {transform_indices = @transform_2, window_bounds = array<i64: 64, 2048>}, {pipeline_mode = #tpu.pipeline_mode<synchronous>, transform_indices = @transform_3, window_bounds = array<i64: 64, 8>}, {pipeline_mode = #tpu.pipeline_mode<synchronous>, transform_indices = @transform_4, window_bounds = array<i64: 64, 16>}, {pipeline_mode = #tpu.pipeline_mode<synchronous>, transform_indices = @transform_5, window_bounds = array<i64: 64, 24>}, {pipeline_mode = #tpu.pipeline_mode<synchronous>, transform_indices = @transform_6, window_bounds = array<i64: 64, 32>}, {pipeline_mode = #tpu.pipeline_mode<synchronous>, transform_indices = @transform_7, window_bounds = array<i64: 64, 64>}, {pipeline_mode = #tpu.pipeline_mode<synchronous>, transform_indices = @transform_8, window_bounds = array<i64: 64, 64>}, {pipeline_mode = #tpu.pipeline_mode<synchronous>, transform_indices = @transform_9, window_bounds = array<i64: 64, 64>}, {pipeline_mode = #tpu.pipeline_mode<synchronous>, transform_indices = @transform_10, window_bounds = array<i64: 64, 64>}, {pipeline_mode = #tpu.pipeline_mode<synchronous>, transform_indices = @transform_11, window_bounds = array<i64: 1, 64>}, {pipeline_mode = #tpu.pipeline_mode<synchronous>, transform_indices = @transform_12, window_bounds = array<i64: 1, 64>}, {pipeline_mode = #tpu.pipeline_mode<synchronous>, transform_indices = @transform_13, window_bounds = array<i64: 1, 64>}, {pipeline_mode = #tpu.pipeline_mode<synchronous>, transform_indices = @transform_14, window_bounds = array<i64: 1, 64>}, {transform_indices = @transform_15, window_bounds = array<i64: 4, 2048>}]} {
    %get3A = arith.constant 0 : index
    %get3A_0 = arith.constant 0 : index
    %get3A_1 = vector.load %arg2[%get3A, %get3A_0] : memref<2x2048xf32, #tpu.memory_space<vmem>>, vector<1x2048xf32>
    %get3A_2 = arith.constant 1 : index
    %get3A_3 = arith.constant 0 : index
    %get3A_4 = vector.load %arg2[%get3A_2, %get3A_3] : memref<2x2048xf32, #tpu.memory_space<vmem>>, vector<1x2048xf32>
    %get3A_5 = arith.constant 0 : index
    %get3A_6 = arith.constant 0 : index
    %get3A_7 = vector.load %arg1[%get3A_5, %get3A_6] : memref<16x1xf32, #tpu.memory_space<vmem>>, vector<16x1xf32>
    %mul3A = vector.broadcast %get3A_7 : vector<16x1xf32> to vector<16x2048xf32>
    %mul3A_8 = vector.broadcast %get3A_1 : vector<1x2048xf32> to vector<16x2048xf32>
    %mul3A_9 = arith.mulf %mul3A, %mul3A_8 : vector<16x2048xf32>
    %mul3A_10 = vector.broadcast %get3A_7 : vector<16x1xf32> to vector<16x2048xf32>
    %mul3A_11 = vector.broadcast %get3A_4 : vector<1x2048xf32> to vector<16x2048xf32>
    %mul3A_12 = arith.mulf %mul3A_10, %mul3A_11 : vector<16x2048xf32>
    %floor3A = math.floor %mul3A_9 : vector<16x2048xf32>
    %sub3A = arith.subf %mul3A_9, %floor3A : vector<16x2048xf32>
    %floor3A_13 = math.floor %mul3A_12 : vector<16x2048xf32>
    %sub3A_14 = arith.subf %mul3A_12, %floor3A_13 : vector<16x2048xf32>
    %sub3A_15 = arith.constant 1.000000e+00 : f32
    %sub3A_16 = vector.broadcast %sub3A_15 : f32 to vector<16x2048xf32>
    %sub3A_17 = arith.subf %sub3A_16, %sub3A : vector<16x2048xf32>
    %sub3A_18 = arith.constant 1.000000e+00 : f32
    %sub3A_19 = vector.broadcast %sub3A_18 : f32 to vector<16x2048xf32>
    %sub3A_20 = arith.subf %sub3A_19, %sub3A_14 : vector<16x2048xf32>
    %mul3A_21 = arith.mulf %sub3A_17, %sub3A_20 : vector<16x2048xf32>
    %mul3A_22 = arith.mulf %sub3A_17, %sub3A_14 : vector<16x2048xf32>
    %mul3A_23 = arith.mulf %sub3A, %sub3A_20 : vector<16x2048xf32>
    %mul3A_24 = arith.mulf %sub3A, %sub3A_14 : vector<16x2048xf32>
    %get3A_25 = arith.constant 0 : index
    %get3A_26 = arith.constant 0 : index
    %get3A_27 = vector.load %arg3[%get3A_25, %get3A_26] : memref<64x2048xi32, #tpu.memory_space<vmem>>, vector<16x2048xi32>
    %shift_left3A = arith.constant 16 : i32
    %shift_left3A_28 = vector.broadcast %shift_left3A : i32 to vector<16x2048xi32>
    %shift_left3A_29 = arith.shli %get3A_27, %shift_left3A_28 : vector<16x2048xi32>
    %bitcast_convert_type3A = tpu.bitcast %shift_left3A_29 : vector<16x2048xi32> -> vector<16x2048xf32>
    %mul3A_30 = arith.mulf %bitcast_convert_type3A, %mul3A_21 : vector<16x2048xf32>
    %and3A = arith.constant -65536 : i32
    %and3A_31 = vector.broadcast %and3A : i32 to vector<16x2048xi32>
    %and3A_32 = arith.andi %get3A_27, %and3A_31 : vector<16x2048xi32>
    %bitcast_convert_type3A_33 = tpu.bitcast %and3A_32 : vector<16x2048xi32> -> vector<16x2048xf32>
    %mul3A_34 = arith.mulf %bitcast_convert_type3A_33, %mul3A_21 : vector<16x2048xf32>
    %get3A_35 = arith.constant 16 : index
    %get3A_36 = arith.constant 0 : index
    %get3A_37 = vector.load %arg3[%get3A_35, %get3A_36] : memref<64x2048xi32, #tpu.memory_space<vmem>>, vector<16x2048xi32>
    %shift_left3A_38 = arith.constant 16 : i32
    %shift_left3A_39 = vector.broadcast %shift_left3A_38 : i32 to vector<16x2048xi32>
    %shift_left3A_40 = arith.shli %get3A_37, %shift_left3A_39 : vector<16x2048xi32>
    %bitcast_convert_type3A_41 = tpu.bitcast %shift_left3A_40 : vector<16x2048xi32> -> vector<16x2048xf32>
    %mul3A_42 = arith.mulf %bitcast_convert_type3A_41, %mul3A_22 : vector<16x2048xf32>
    %and3A_43 = arith.constant -65536 : i32
    %and3A_44 = vector.broadcast %and3A_43 : i32 to vector<16x2048xi32>
    %and3A_45 = arith.andi %get3A_37, %and3A_44 : vector<16x2048xi32>
    %bitcast_convert_type3A_46 = tpu.bitcast %and3A_45 : vector<16x2048xi32> -> vector<16x2048xf32>
    %mul3A_47 = arith.mulf %bitcast_convert_type3A_46, %mul3A_22 : vector<16x2048xf32>
    %add3A = arith.addf %mul3A_30, %mul3A_42 : vector<16x2048xf32>
    %add3A_48 = arith.addf %mul3A_34, %mul3A_47 : vector<16x2048xf32>
    %get3A_49 = arith.constant 32 : index
    %get3A_50 = arith.constant 0 : index
    %get3A_51 = vector.load %arg3[%get3A_49, %get3A_50] : memref<64x2048xi32, #tpu.memory_space<vmem>>, vector<16x2048xi32>
    %shift_left3A_52 = arith.constant 16 : i32
    %shift_left3A_53 = vector.broadcast %shift_left3A_52 : i32 to vector<16x2048xi32>
    %shift_left3A_54 = arith.shli %get3A_51, %shift_left3A_53 : vector<16x2048xi32>
    %bitcast_convert_type3A_55 = tpu.bitcast %shift_left3A_54 : vector<16x2048xi32> -> vector<16x2048xf32>
    %mul3A_56 = arith.mulf %bitcast_convert_type3A_55, %mul3A_23 : vector<16x2048xf32>
    %and3A_57 = arith.constant -65536 : i32
    %and3A_58 = vector.broadcast %and3A_57 : i32 to vector<16x2048xi32>
    %and3A_59 = arith.andi %get3A_51, %and3A_58 : vector<16x2048xi32>
    %bitcast_convert_type3A_60 = tpu.bitcast %and3A_59 : vector<16x2048xi32> -> vector<16x2048xf32>
    %mul3A_61 = arith.mulf %bitcast_convert_type3A_60, %mul3A_23 : vector<16x2048xf32>
    %add3A_62 = arith.addf %add3A, %mul3A_56 : vector<16x2048xf32>
    %add3A_63 = arith.addf %add3A_48, %mul3A_61 : vector<16x2048xf32>
    %get3A_64 = arith.constant 48 : index
    %get3A_65 = arith.constant 0 : index
    %get3A_66 = vector.load %arg3[%get3A_64, %get3A_65] : memref<64x2048xi32, #tpu.memory_space<vmem>>, vector<16x2048xi32>
    %shift_left3A_67 = arith.constant 16 : i32
    %shift_left3A_68 = vector.broadcast %shift_left3A_67 : i32 to vector<16x2048xi32>
    %shift_left3A_69 = arith.shli %get3A_66, %shift_left3A_68 : vector<16x2048xi32>
    %bitcast_convert_type3A_70 = tpu.bitcast %shift_left3A_69 : vector<16x2048xi32> -> vector<16x2048xf32>
    %mul3A_71 = arith.mulf %bitcast_convert_type3A_70, %mul3A_24 : vector<16x2048xf32>
    %and3A_72 = arith.constant -65536 : i32
    %and3A_73 = vector.broadcast %and3A_72 : i32 to vector<16x2048xi32>
    %and3A_74 = arith.andi %get3A_66, %and3A_73 : vector<16x2048xi32>
    %bitcast_convert_type3A_75 = tpu.bitcast %and3A_74 : vector<16x2048xi32> -> vector<16x2048xf32>
    %mul3A_76 = arith.mulf %bitcast_convert_type3A_75, %mul3A_24 : vector<16x2048xf32>
    %add3A_77 = arith.addf %add3A_62, %mul3A_71 : vector<16x2048xf32>
    %add3A_78 = arith.addf %add3A_63, %mul3A_76 : vector<16x2048xf32>
    %slice3A = vector.extract_strided_slice %add3A_77 {offsets = [0, 0], sizes = [4, 2048], strides = [1, 1]} : vector<16x2048xf32> to vector<4x2048xf32>
    %slice3A_79 = vector.extract_strided_slice %add3A_78 {offsets = [0, 0], sizes = [4, 2048], strides = [1, 1]} : vector<16x2048xf32> to vector<4x2048xf32>
    %slice3A_80 = vector.extract_strided_slice %add3A_77 {offsets = [4, 0], sizes = [4, 2048], strides = [1, 1]} : vector<16x2048xf32> to vector<4x2048xf32>
    %slice3A_81 = vector.extract_strided_slice %add3A_78 {offsets = [4, 0], sizes = [4, 2048], strides = [1, 1]} : vector<16x2048xf32> to vector<4x2048xf32>
    %slice3A_82 = vector.extract_strided_slice %add3A_77 {offsets = [8, 0], sizes = [4, 2048], strides = [1, 1]} : vector<16x2048xf32> to vector<4x2048xf32>
    %slice3A_83 = vector.extract_strided_slice %add3A_78 {offsets = [8, 0], sizes = [4, 2048], strides = [1, 1]} : vector<16x2048xf32> to vector<4x2048xf32>
    %slice3A_84 = vector.extract_strided_slice %add3A_77 {offsets = [12, 0], sizes = [4, 2048], strides = [1, 1]} : vector<16x2048xf32> to vector<4x2048xf32>
    %slice3A_85 = vector.extract_strided_slice %add3A_78 {offsets = [12, 0], sizes = [4, 2048], strides = [1, 1]} : vector<16x2048xf32> to vector<4x2048xf32>
    %concatenate3A = tpu.concatenate %slice3A, %slice3A_79, %slice3A_80, %slice3A_81, %slice3A_82, %slice3A_83, %slice3A_84, %slice3A_85 in 0 : vector<4x2048xf32>, vector<4x2048xf32>, vector<4x2048xf32>, vector<4x2048xf32>, vector<4x2048xf32>, vector<4x2048xf32>, vector<4x2048xf32>, vector<4x2048xf32> -> vector<32x2048xf32>
    %slice3A_86 = vector.extract_strided_slice %concatenate3A {offsets = [0, 0], sizes = [8, 2048], strides = [1, 1]} : vector<32x2048xf32> to vector<8x2048xf32>
    %get3A_87 = arith.constant 0 : index
    %get3A_88 = arith.constant 0 : index
    %get3A_89 = vector.load %arg4[%get3A_87, %get3A_88] : memref<64x8xf32, #tpu.memory_space<vmem>>, vector<64x8xf32>
    %dot_general3A = arith.constant dense<0.000000e+00> : vector<64x2048xf32>
    %dot_general3A_90 = tpu.matmul %get3A_89, %slice3A_86, %dot_general3A {dimension_numbers = #tpu.dot_dimension_numbers<[1], [0], [0], [1], [0, 0, 1, 1], [], []>, precision = #tpu.contract_precision<fp32>, transpose_lhs_hint = false} : vector<64x8xf32>, vector<8x2048xf32>, vector<64x2048xf32> -> vector<64x2048xf32>
    %max3A = arith.constant 0.000000e+00 : f32
    %max3A_91 = vector.broadcast %max3A : f32 to vector<64x2048xf32>
    %max3A_92 = arith.maximumf %dot_general3A_90, %max3A_91 : vector<64x2048xf32>
    %get3A_93 = arith.constant 0 : index
    %get3A_94 = arith.constant 0 : index
    %get3A_95 = vector.load %arg8[%get3A_93, %get3A_94] : memref<64x64xf32, #tpu.memory_space<vmem>>, vector<64x64xf32>
    %dot_general3A_96 = arith.constant dense<0.000000e+00> : vector<64x2048xf32>
    %dot_general3A_97 = tpu.matmul %get3A_95, %max3A_92, %dot_general3A_96 {dimension_numbers = #tpu.dot_dimension_numbers<[1], [0], [0], [1], [0, 0, 1, 1], [], []>, precision = #tpu.contract_precision<fp32>, transpose_lhs_hint = false} : vector<64x64xf32>, vector<64x2048xf32>, vector<64x2048xf32> -> vector<64x2048xf32>
    %max3A_98 = arith.constant 0.000000e+00 : f32
    %max3A_99 = vector.broadcast %max3A_98 : f32 to vector<64x2048xf32>
    %max3A_100 = arith.maximumf %dot_general3A_97, %max3A_99 : vector<64x2048xf32>
    %get3A_101 = arith.constant 0 : index
    %get3A_102 = arith.constant 0 : index
    %get3A_103 = vector.load %arg12[%get3A_101, %get3A_102] : memref<1x64xf32, #tpu.memory_space<vmem>>, vector<1x64xf32>
    %dot_general3A_104 = arith.constant dense<0.000000e+00> : vector<1x2048xf32>
    %dot_general3A_105 = tpu.matmul %get3A_103, %max3A_100, %dot_general3A_104 {dimension_numbers = #tpu.dot_dimension_numbers<[1], [0], [0], [1], [0, 0, 1, 1], [], []>, precision = #tpu.contract_precision<fp32>, transpose_lhs_hint = false} : vector<1x64xf32>, vector<64x2048xf32>, vector<1x2048xf32> -> vector<1x2048xf32>
    %slice3A_106 = vector.extract_strided_slice %concatenate3A {offsets = [0, 0], sizes = [16, 2048], strides = [1, 1]} : vector<32x2048xf32> to vector<16x2048xf32>
    %get3A_107 = arith.constant 0 : index
    %get3A_108 = arith.constant 0 : index
    %get3A_109 = vector.load %arg5[%get3A_107, %get3A_108] : memref<64x16xf32, #tpu.memory_space<vmem>>, vector<64x16xf32>
    %dot_general3A_110 = arith.constant dense<0.000000e+00> : vector<64x2048xf32>
    %dot_general3A_111 = tpu.matmul %get3A_109, %slice3A_106, %dot_general3A_110 {dimension_numbers = #tpu.dot_dimension_numbers<[1], [0], [0], [1], [0, 0, 1, 1], [], []>, precision = #tpu.contract_precision<fp32>, transpose_lhs_hint = false} : vector<64x16xf32>, vector<16x2048xf32>, vector<64x2048xf32> -> vector<64x2048xf32>
    %max3A_112 = arith.constant 0.000000e+00 : f32
    %max3A_113 = vector.broadcast %max3A_112 : f32 to vector<64x2048xf32>
    %max3A_114 = arith.maximumf %dot_general3A_111, %max3A_113 : vector<64x2048xf32>
    %get3A_115 = arith.constant 0 : index
    %get3A_116 = arith.constant 0 : index
    %get3A_117 = vector.load %arg9[%get3A_115, %get3A_116] : memref<64x64xf32, #tpu.memory_space<vmem>>, vector<64x64xf32>
    %dot_general3A_118 = arith.constant dense<0.000000e+00> : vector<64x2048xf32>
    %dot_general3A_119 = tpu.matmul %get3A_117, %max3A_114, %dot_general3A_118 {dimension_numbers = #tpu.dot_dimension_numbers<[1], [0], [0], [1], [0, 0, 1, 1], [], []>, precision = #tpu.contract_precision<fp32>, transpose_lhs_hint = false} : vector<64x64xf32>, vector<64x2048xf32>, vector<64x2048xf32> -> vector<64x2048xf32>
    %max3A_120 = arith.constant 0.000000e+00 : f32
    %max3A_121 = vector.broadcast %max3A_120 : f32 to vector<64x2048xf32>
    %max3A_122 = arith.maximumf %dot_general3A_119, %max3A_121 : vector<64x2048xf32>
    %get3A_123 = arith.constant 0 : index
    %get3A_124 = arith.constant 0 : index
    %get3A_125 = vector.load %arg13[%get3A_123, %get3A_124] : memref<1x64xf32, #tpu.memory_space<vmem>>, vector<1x64xf32>
    %dot_general3A_126 = arith.constant dense<0.000000e+00> : vector<1x2048xf32>
    %dot_general3A_127 = tpu.matmul %get3A_125, %max3A_122, %dot_general3A_126 {dimension_numbers = #tpu.dot_dimension_numbers<[1], [0], [0], [1], [0, 0, 1, 1], [], []>, precision = #tpu.contract_precision<fp32>, transpose_lhs_hint = false} : vector<1x64xf32>, vector<64x2048xf32>, vector<1x2048xf32> -> vector<1x2048xf32>
    %slice3A_128 = vector.extract_strided_slice %concatenate3A {offsets = [0, 0], sizes = [24, 2048], strides = [1, 1]} : vector<32x2048xf32> to vector<24x2048xf32>
    %get3A_129 = arith.constant 0 : index
    %get3A_130 = arith.constant 0 : index
    %get3A_131 = vector.load %arg6[%get3A_129, %get3A_130] : memref<64x24xf32, #tpu.memory_space<vmem>>, vector<64x24xf32>
    %dot_general3A_132 = arith.constant dense<0.000000e+00> : vector<64x2048xf32>
    %dot_general3A_133 = tpu.matmul %get3A_131, %slice3A_128, %dot_general3A_132 {dimension_numbers = #tpu.dot_dimension_numbers<[1], [0], [0], [1], [0, 0, 1, 1], [], []>, precision = #tpu.contract_precision<fp32>, transpose_lhs_hint = false} : vector<64x24xf32>, vector<24x2048xf32>, vector<64x2048xf32> -> vector<64x2048xf32>
    %max3A_134 = arith.constant 0.000000e+00 : f32
    %max3A_135 = vector.broadcast %max3A_134 : f32 to vector<64x2048xf32>
    %max3A_136 = arith.maximumf %dot_general3A_133, %max3A_135 : vector<64x2048xf32>
    %get3A_137 = arith.constant 0 : index
    %get3A_138 = arith.constant 0 : index
    %get3A_139 = vector.load %arg10[%get3A_137, %get3A_138] : memref<64x64xf32, #tpu.memory_space<vmem>>, vector<64x64xf32>
    %dot_general3A_140 = arith.constant dense<0.000000e+00> : vector<64x2048xf32>
    %dot_general3A_141 = tpu.matmul %get3A_139, %max3A_136, %dot_general3A_140 {dimension_numbers = #tpu.dot_dimension_numbers<[1], [0], [0], [1], [0, 0, 1, 1], [], []>, precision = #tpu.contract_precision<fp32>, transpose_lhs_hint = false} : vector<64x64xf32>, vector<64x2048xf32>, vector<64x2048xf32> -> vector<64x2048xf32>
    %max3A_142 = arith.constant 0.000000e+00 : f32
    %max3A_143 = vector.broadcast %max3A_142 : f32 to vector<64x2048xf32>
    %max3A_144 = arith.maximumf %dot_general3A_141, %max3A_143 : vector<64x2048xf32>
    %get3A_145 = arith.constant 0 : index
    %get3A_146 = arith.constant 0 : index
    %get3A_147 = vector.load %arg14[%get3A_145, %get3A_146] : memref<1x64xf32, #tpu.memory_space<vmem>>, vector<1x64xf32>
    %dot_general3A_148 = arith.constant dense<0.000000e+00> : vector<1x2048xf32>
    %dot_general3A_149 = tpu.matmul %get3A_147, %max3A_144, %dot_general3A_148 {dimension_numbers = #tpu.dot_dimension_numbers<[1], [0], [0], [1], [0, 0, 1, 1], [], []>, precision = #tpu.contract_precision<fp32>, transpose_lhs_hint = false} : vector<1x64xf32>, vector<64x2048xf32>, vector<1x2048xf32> -> vector<1x2048xf32>
    %get3A_150 = arith.constant 0 : index
    %get3A_151 = arith.constant 0 : index
    %get3A_152 = vector.load %arg7[%get3A_150, %get3A_151] : memref<64x32xf32, #tpu.memory_space<vmem>>, vector<64x32xf32>
    %dot_general3A_153 = arith.constant dense<0.000000e+00> : vector<64x2048xf32>
    %dot_general3A_154 = tpu.matmul %get3A_152, %concatenate3A, %dot_general3A_153 {dimension_numbers = #tpu.dot_dimension_numbers<[1], [0], [0], [1], [0, 0, 1, 1], [], []>, precision = #tpu.contract_precision<fp32>, transpose_lhs_hint = false} : vector<64x32xf32>, vector<32x2048xf32>, vector<64x2048xf32> -> vector<64x2048xf32>
    %max3A_155 = arith.constant 0.000000e+00 : f32
    %max3A_156 = vector.broadcast %max3A_155 : f32 to vector<64x2048xf32>
    %max3A_157 = arith.maximumf %dot_general3A_154, %max3A_156 : vector<64x2048xf32>
    %get3A_158 = arith.constant 0 : index
    %get3A_159 = arith.constant 0 : index
    %get3A_160 = vector.load %arg11[%get3A_158, %get3A_159] : memref<64x64xf32, #tpu.memory_space<vmem>>, vector<64x64xf32>
    %dot_general3A_161 = arith.constant dense<0.000000e+00> : vector<64x2048xf32>
    %dot_general3A_162 = tpu.matmul %get3A_160, %max3A_157, %dot_general3A_161 {dimension_numbers = #tpu.dot_dimension_numbers<[1], [0], [0], [1], [0, 0, 1, 1], [], []>, precision = #tpu.contract_precision<fp32>, transpose_lhs_hint = false} : vector<64x64xf32>, vector<64x2048xf32>, vector<64x2048xf32> -> vector<64x2048xf32>
    %max3A_163 = arith.constant 0.000000e+00 : f32
    %max3A_164 = vector.broadcast %max3A_163 : f32 to vector<64x2048xf32>
    %max3A_165 = arith.maximumf %dot_general3A_162, %max3A_164 : vector<64x2048xf32>
    %get3A_166 = arith.constant 0 : index
    %get3A_167 = arith.constant 0 : index
    %get3A_168 = vector.load %arg15[%get3A_166, %get3A_167] : memref<1x64xf32, #tpu.memory_space<vmem>>, vector<1x64xf32>
    %dot_general3A_169 = arith.constant dense<0.000000e+00> : vector<1x2048xf32>
    %dot_general3A_170 = tpu.matmul %get3A_168, %max3A_165, %dot_general3A_169 {dimension_numbers = #tpu.dot_dimension_numbers<[1], [0], [0], [1], [0, 0, 1, 1], [], []>, precision = #tpu.contract_precision<fp32>, transpose_lhs_hint = false} : vector<1x64xf32>, vector<64x2048xf32>, vector<1x2048xf32> -> vector<1x2048xf32>
    %concatenate3A_171 = tpu.concatenate %dot_general3A_105, %dot_general3A_127, %dot_general3A_149, %dot_general3A_170 in 0 : vector<1x2048xf32>, vector<1x2048xf32>, vector<1x2048xf32>, vector<1x2048xf32> -> vector<4x2048xf32>
    %swap3A = arith.constant 0 : index
    %swap3A_172 = arith.constant 0 : index
    %swap3A_173 = vector.load %arg16[%swap3A, %swap3A_172] : memref<4x2048xf32, #tpu.memory_space<vmem>>, vector<4x2048xf32>
    tpu.vector_store %arg16[%swap3A, %swap3A_172], %concatenate3A_171 {strides = array<i32>} : memref<4x2048xf32, #tpu.memory_space<vmem>>, vector<4x2048xf32>,
    return
  }
  func.func @transform_0(%arg0: i32) -> (i32, i32) {
    %c0_i32 = arith.constant 0 : i32
    %c0_i32_0 = arith.constant 0 : i32
    %c0_i32_1 = arith.constant 0 : i32
    return %c0_i32, %c0_i32_0 : i32, i32
  }
  func.func @transform_1(%arg0: i32) -> (i32, i32) {
    %c0_i32 = arith.constant 0 : i32
    %c0_i32_0 = arith.constant 0 : i32
    return %c0_i32, %arg0 : i32, i32
  }
  func.func @transform_2(%arg0: i32) -> (i32, i32) {
    %c0_i32 = arith.constant 0 : i32
    %c0_i32_0 = arith.constant 0 : i32
    return %arg0, %c0_i32 : i32, i32
  }
  func.func @transform_3(%arg0: i32) -> (i32, i32) {
    %c0_i32 = arith.constant 0 : i32
    %c0_i32_0 = arith.constant 0 : i32
    %c0_i32_1 = arith.constant 0 : i32
    return %c0_i32, %c0_i32_0 : i32, i32
  }
  func.func @transform_4(%arg0: i32) -> (i32, i32) {
    %c0_i32 = arith.constant 0 : i32
    %c0_i32_0 = arith.constant 0 : i32
    %c0_i32_1 = arith.constant 0 : i32
    return %c0_i32, %c0_i32_0 : i32, i32
  }
  func.func @transform_5(%arg0: i32) -> (i32, i32) {
    %c0_i32 = arith.constant 0 : i32
    %c0_i32_0 = arith.constant 0 : i32
    %c0_i32_1 = arith.constant 0 : i32
    return %c0_i32, %c0_i32_0 : i32, i32
  }
  func.func @transform_6(%arg0: i32) -> (i32, i32) {
    %c0_i32 = arith.constant 0 : i32
    %c0_i32_0 = arith.constant 0 : i32
    %c0_i32_1 = arith.constant 0 : i32
    return %c0_i32, %c0_i32_0 : i32, i32
  }
  func.func @transform_7(%arg0: i32) -> (i32, i32) {
    %c0_i32 = arith.constant 0 : i32
    %c0_i32_0 = arith.constant 0 : i32
    %c0_i32_1 = arith.constant 0 : i32
    return %c0_i32, %c0_i32_0 : i32, i32
  }
  func.func @transform_8(%arg0: i32) -> (i32, i32) {
    %c0_i32 = arith.constant 0 : i32
    %c0_i32_0 = arith.constant 0 : i32
    %c0_i32_1 = arith.constant 0 : i32
    return %c0_i32, %c0_i32_0 : i32, i32
  }
  func.func @transform_9(%arg0: i32) -> (i32, i32) {
    %c0_i32 = arith.constant 0 : i32
    %c0_i32_0 = arith.constant 0 : i32
    %c0_i32_1 = arith.constant 0 : i32
    return %c0_i32, %c0_i32_0 : i32, i32
  }
  func.func @transform_10(%arg0: i32) -> (i32, i32) {
    %c0_i32 = arith.constant 0 : i32
    %c0_i32_0 = arith.constant 0 : i32
    %c0_i32_1 = arith.constant 0 : i32
    return %c0_i32, %c0_i32_0 : i32, i32
  }
  func.func @transform_11(%arg0: i32) -> (i32, i32) {
    %c0_i32 = arith.constant 0 : i32
    %c0_i32_0 = arith.constant 0 : i32
    %c0_i32_1 = arith.constant 0 : i32
    return %c0_i32, %c0_i32_0 : i32, i32
  }
  func.func @transform_12(%arg0: i32) -> (i32, i32) {
    %c0_i32 = arith.constant 0 : i32
    %c0_i32_0 = arith.constant 0 : i32
    %c0_i32_1 = arith.constant 0 : i32
    return %c0_i32, %c0_i32_0 : i32, i32
  }
  func.func @transform_13(%arg0: i32) -> (i32, i32) {
    %c0_i32 = arith.constant 0 : i32
    %c0_i32_0 = arith.constant 0 : i32
    %c0_i32_1 = arith.constant 0 : i32
    return %c0_i32, %c0_i32_0 : i32, i32
  }
  func.func @transform_14(%arg0: i32) -> (i32, i32) {
    %c0_i32 = arith.constant 0 : i32
    %c0_i32_0 = arith.constant 0 : i32
    %c0_i32_1 = arith.constant 0 : i32
    return %c0_i32, %c0_i32_0 : i32, i32
  }
  func.func @transform_15(%arg0: i32) -> (i32, i32) {
    %c0_i32 = arith.constant 0 : i32
    %c0_i32_0 = arith.constant 0 : i32
    return %c0_i32, %arg0 : i32, i32
  }
}

</mosaic_0001>

<sc_bundles>
// kernel: kernel.11.cloned.1.call-start
scs
__scs_entry_jumppad:
0x0: {  	(pc) =	sbr.rel $0x88, $3  }
0x1: {  	(tag) =	ssettag $0x0;
	lr =	simm.s32 $0x1  }
0x2: {  	[smem:$0x3F93] =	sst lr;
	_ =	strace $0xD0000000  }
0x3: {  	_ = 	snop  }
0x4: {  	_ = 	snop  }
0x5: {  	_ = 	snop  }
0x6: {  	_ = 	snop  }
0x7: {  	_ = 	snop  }
__scs_overlays_trampoline_lowered:
0x8: {  	[smem:$0x3FA2] =	sst s0  }
0x9: {  	[smem:$0x3FA3] =	sst s1  }
0xa: {  	[smem:$0x3FA4] =	sst s2  }
0xb: {  	[smem:$0x3FA5] =	sst s3  }
0xc: {  	[smem:$0x3FA6] =	sst s4  }
0xd: {  	[smem:$0x3FA7] =	sst s5  }
0xe: {  	[smem:$0x3FA8] =	sst s6  }
0xf: {  	[smem:$0x3FA9] =	sst s7  }
0x10: {  	[smem:$0x3FAA] =	sst s8  }
0x11: {  	[smem:$0x3FAB] =	sst s9;
	s0 =	simm.s32 @!p0 $0x0  }
0x12: {  	s1 =	sld [smem:$0x3F91];
	s0 =	simm.s32 @p0 $0x1  }
0x13: {  	[smem:$0x3FAC] =	sst s0;
	s0 =	simm.s32 @!p1 $0x0  }
0x14: {  	s2 =	sld [smem:$0x3F90];
	s0 =	simm.s32 @p1 $0x1  }
0x15: {  	[smem:$0x3FAD] =	sst s0;
	s0 =	simm.s32 @!p2 $0x0  }
0x16: {  	s3 =	sld [smem:$0x3FDB];
	s0 =	simm.s32 @p2 $0x1  }
0x17: {  	s4 =	simm.s32 $0x1BF5;
	[smem:$0x3FAF] =	sst s0  }
0x18: {  	s0 =	sld [smem:$0x3F92];
	_ =	swait.ge [sflag:s4], $0x0  }
0x19: {  	s7 =	sld [smem:$0x3F93]  }
0x1a: {  	s8 =	sadd.s32 $0xFFFFE003, lr  }
0x1b: {  	s9 =	sadd.s32 $0xFFFFFEF7, lr;
	s5 =	simm.s32 $0xFFFFFFFF;
	p2 =	slt.u32 s8, $0xFFFFF086  }
0x1c: {  	p1 =	slt.u32 s9, $0xF7A;
	s5 =	simm.s32 @!p2 $0x0  }
0x1d: {  	s5 =	simm.s32 @p1 $0x1;
	p0 =	seq.s32 s7, s2  }
0x1e: {  	s7 =	smul.u32 @!p0 $0xF7A, s2;
	p2 =	seq.s32 @!p0 s5, $0x0  }
0x1f: {  	s9 =	smul.u32 $0xF7A, s1;
	s8 =	simm.s32 @!p0 $0x1BF5;
	p2 =	por !p2, p0  }
0x20: {  	[sflag:s8] =	ssyncset.s32 @!p0 $0xFFFFF086;
	s6 =	sadd.s32 @!p0 s3, s7;
	s7 =	simm.s32 @!p0 $0x108  }
0x21: {  	s3 =	sadd.s32 s3, s9;
	s6 =	sadd.s32 @!p0 $0x88, s6;
	s7 =	simm.s32 @p2 $0x1082  }
0x22: {  	[simem:s7], [sflag:s8] =	dma.local @!p0 [hbm:s6], $0xF7A  }
0x23: {  	s9 =	sor.u32 $0xD0000000, s2;
	s6 =	simm.s32 $0x108;
	_ =	swait.ge @!p0 [sflag:s8], $0x0  }
0x24: {  	s3 =	sadd.s32 $0x88, s3;
	s6 =	simm.s32 @!p1 $0x1082;
	[sflag:s4] =	ssyncset.s32 $0xFFFFF086  }
0x25: {  	[simem:s6], [sflag:s4] =	dma.local [hbm:s3], $0xF7A  }
0x26: {  	[smem:$0x3F93] =	sst s1;
	(tag) =	ssettag s2;
	_ =	strace s9  }
0x27: {  	s1 =	sld [smem:$0x3FA3]  }
0x28: {  	s2 =	sld [smem:$0x3FA4]  }
0x29: {  	s4 =	sld [smem:$0x3FA6]  }
0x2a: {  	p0 =	seq.s32 s5, $0x0;
	s5 =	sld [smem:$0x3FA7]  }
0x2b: {  	s6 =	sld [smem:$0x3FA8]  }
0x2c: {  	s7 =	sld [smem:$0x3FA9]  }
0x2d: {  	s3 =	simm.s32 $0x108;
	s8 =	sld [smem:$0x3FAA]  }
0x2e: {  	s3 =	simm.s32 @!p0 $0x1082;
	s9 =	sld [smem:$0x3FAB]  }
0x2f: {  	lr =	sadd.s32 s0, s3;
	s0 =	sld [smem:$0x3FA2]  }
0x30: {  	s3 =	sld [smem:$0x3FA5]  }
0x31: {  	[smem:$0x3FAE] =	sst s10  }
0x32: {  	s10 =	sld [smem:$0x3FAC];
	_ =	sdelay $0x3  }
0x33: {  	p0 =	seq.s32 s10, $0x1;
	s10 =	sld [smem:$0x3FAE];
	_ =	sdelay $0x3  }
0x34: {  	[smem:$0x3FAE] =	sst s10  }
0x35: {  	s10 =	sld [smem:$0x3FAD];
	_ =	sdelay $0x3  }
0x36: {  	p1 =	seq.s32 s10, $0x1;
	s10 =	sld [smem:$0x3FAE];
	_ =	sdelay $0x3  }
0x37: {  	[smem:$0x3FAE] =	sst s10  }
0x38: {  	s10 =	sld [smem:$0x3FAF]  }
0x39: {  	_ = 	snop;
	(pc) =	sbr.ind lr, $3  }
0x3a: {  	_ = 	snop  }
0x3b: {  	_ = 	snop  }
0x3c: {  	p2 =	seq.s32 s10, $0x1;
	s10 =	sld [smem:$0x3FAE]  }
0x3d: {  	_ =	shalt  }
0x3e: {  	_ =	shalt  }
0x3f: {  	_ =	shalt  }
0x40: {  	_ =	shalt  }
0x41: {  	_ =	shalt  }
0x42: {  	_ =	shalt  }
0x43: {  	_ =	shalt  }
0x44: {  	_ =	shalt  }
0x45: {  	_ =	shalt  }
0x46: {  	_ =	shalt  }
0x47: {  	_ =	shalt  }
0x48: {  	_ =	shalt  }
0x49: {  	_ =	shalt  }
0x4a: {  	_ =	shalt  }
0x4b: {  	_ =	shalt  }
0x4c: {  	_ =	shalt  }
0x4d: {  	_ =	shalt  }
0x4e: {  	_ =	shalt  }
0x4f: {  	_ =	shalt  }
0x50: {  	_ =	shalt  }
0x51: {  	_ =	shalt  }
0x52: {  	_ =	shalt  }
0x53: {  	_ =	shalt  }
0x54: {  	_ =	shalt  }
0x55: {  	_ =	shalt  }
0x56: {  	_ =	shalt  }
0x57: {  	_ =	shalt  }
0x58: {  	_ =	shalt  }
0x59: {  	_ =	shalt  }
0x5a: {  	_ =	shalt  }
0x5b: {  	_ =	shalt  }
0x5c: {  	_ =	shalt  }
0x5d: {  	_ =	shalt  }
0x5e: {  	_ =	shalt  }
0x5f: {  	_ =	shalt  }
0x60: {  	_ =	shalt  }
0x61: {  	_ =	shalt  }
0x62: {  	_ =	shalt  }
0x63: {  	_ =	shalt  }
0x64: {  	_ =	shalt  }
0x65: {  	_ =	shalt  }
0x66: {  	_ =	shalt  }
0x67: {  	_ =	shalt  }
0x68: {  	_ =	shalt  }
0x69: {  	_ =	shalt  }
0x6a: {  	_ =	shalt  }
0x6b: {  	_ =	shalt  }
0x6c: {  	_ =	shalt  }
0x6d: {  	_ =	shalt  }
0x6e: {  	_ =	shalt  }
0x6f: {  	_ =	shalt  }
0x70: {  	_ =	shalt  }
0x71: {  	_ =	shalt  }
0x72: {  	_ =	shalt  }
0x73: {  	_ =	shalt  }
0x74: {  	_ =	shalt  }
0x75: {  	_ =	shalt  }
0x76: {  	_ =	shalt  }
0x77: {  	_ =	shalt  }
0x78: {  	_ =	shalt  }
0x79: {  	_ =	shalt  }
0x7a: {  	_ =	shalt  }
0x7b: {  	_ =	shalt  }
0x7c: {  	_ =	shalt  }
0x7d: {  	_ =	shalt  }
0x7e: {  	_ =	shalt  }
0x7f: {  	_ =	shalt  }
0x80: {  	_ =	shalt  }
0x81: {  	_ =	shalt  }
0x82: {  	_ =	shalt  }
0x83: {  	_ =	shalt  }
0x84: {  	_ =	shalt  }
0x85: {  	_ =	shalt  }
0x86: {  	_ =	shalt  }
0x87: {  	_ =	shalt  }
.Lfunc_end0:
.L_simem_size_0:
called_computation.4_lowered:
.L_overlay_start_0:
0x88: {  	s2 =	sld [smem:$0x3FD9]  }
0x89: {  	s3 =	sld [smem:$0x3FFE];
	_ =	sdelay $0x1  }
0x8a: {  	s1 =	srdreg.scid  }
0x8b: {  	s0 =	sand.u32 $0x1, s1  }
0x8c: {  	s17 =	sshll.u32 s0, $0xA;
	s2 =	sadd.s32 s3, s2  }
0x8d: {  	s2 =	sadd.s32 s2, s17  }
0x8e: {  	[smem:$0x3FBA] =	sst s2  }
0x8f: {  	_ = 	snop  }
0x90: {  	(tm) =	ssettm $0x1  }
0x91: {  	s18 =	sld [smem:$0x3FFB];
	_ =	sdelay $0x3  }
0x92: {  	_ =	strace s18  }
0x93: {  	s2 =	sld [smem:$0x3FFC];
	_ =	sdelay $0x3  }
0x94: {  	_ =	strace s2  }
0x95: {  	s2 =	sld [smem:$0x3FFD];
	_ =	sdelay $0x3  }
0x96: {  	_ =	strace s2  }
0x97: {  	_ =	strace $0x8FFFFFFF  }
0x98: {  	s19 =	sld [smem:$0x3FDB];
	_ =	sdelay $0x1  }
0x99: {  	s20 =	simm.s32 $_scs_section_size  }
0x9a: {  	s4 =	simm.s32 $_size__tile_overlayer_lowered;
	s5 =	simm.s32 $_tile_overlayer_lowered  }
0x9b: {  	s6 =	simm.s32 $0x1BFF;
	s21 =	sshll.u32 s5, $0x1;
	s3 =	sadd.s32 s20, s19  }
0x9c: {  	s22 =	simm.s32 $0x0;
	s4 =	sshll.u32 s4, $0x1;
	s5 =	sadd.s32 s21, s3  }
0x9d: {  	[timem:s22], [sflag:s6] =	dma.local [hbm:s5], s4  }
0x9e: {  	_ =	swait.ge [sflag:s6], s4  }
0x9f: {  	s4 =	ssub.s32 $0x0, s4;
	[sflag:s6] =	ssyncset.done $0x0  }
0xa0: {  	[sflag:s6] =	ssyncadd.s32 s4;
	_ =	sdelay $0x1  }
0xa1: {  	s23 =	simm.s32 $0x1B8B  }
0xa2: {  	_ =	swait.ge [sflag:s23], $0x1  }
0xa3: {  	[sflag:s23] =	ssyncset.done $0x0  }
0xa4: {  	[sflag:s23] =	ssyncadd.s32 $0xFFFFFFFF  }
0xa5: {  	s4 =	sld [smem:$0x0]  }
0xa6: {  	s5 =	sand.u32 $0xFFFFFFFE, s1  }
0xa7: {  	p0 =	sne.s32 s1, s5  }
0xa8: {  	s5 =	sshll.u32 @p0 s5, $0xE  }
0xa9: {  	s5 =	sadd.s32 @p0 $0x11B8D, s5;
	s6 =	sshll.u32 @p0 s4, $0x11  }
0xaa: {  	s5 =	sor.u32 @p0 s6, s5  }
0xab: {  	[sflag:s5] =	ssyncadd.remote.s32 @p0 $0x1;
	_ =	sdelay $0x1  }
0xac: {  	s5 =	simm.s32 @p0 $0x1B8D  }
0xad: {  	_ =	swait.eq @p0 [sflag:s5], $0x1  }
0xae: {  	[sflag:s5] =	ssyncadd.s32 @p0 $0xFFFFFFFF  }
0xaf: {  	s6 =	sshll.u32 @!p0 s1, $0xE  }
0xb0: {  	s6 =	sor.u32 @!p0 $0x4000, s6;
	s5 =	simm.s32 @!p0 $0x1B8D  }
0xb1: {  	s4 =	sshll.u32 @!p0 s4, $0x11;
	s6 =	sadd.s32 @!p0 $0x11B8D, s6;
	_ =	swait.eq @!p0 [sflag:s5], $0x1  }
0xb2: {  	s4 =	sor.u32 @!p0 s4, s6;
	[sflag:s5] =	ssyncadd.s32 @!p0 $0xFFFFFFFF  }
0xb3: {  	s25 =	simm.s32 $0x1B8E;
	s24 =	sld [smem:$0x3FFE];
	[sflag:s4] =	ssyncadd.remote.s32 @!p0 $0x1  }
0xb4: {  	s26 =	simm.s32 $execute0_lowered;
	[smem:$0x3FD2] =	sst s25  }
0xb5: {  	s5 =	sshll.u32 s26, $0x1;
	_ =	strace $0x80000059;
	[dreg:$0x1] =	wrdreg $0xFFFFFFFF  }
0xb6: {  	s28 =	simm.s32 $_size_execute0_lowered;
	s3 =	sadd.s32 s3, s5;
	[dreg:$0x0] =	wrdreg $0x0  }
0xb7: {  	s5 =	sshll.u32 s28, $0x1;
	[dreg:$0x2] =	wrdreg s3  }
0xb8: {  	[dreg:$0x3] =	wrdreg s5  }
0xb9: {  	[dreg:$0x4] =	wrdreg $0xC0  }
0xba: {  	_ =	task [dreg:s22], $0x5FFFF  }
0xbb: {  	[dreg:$0x1] =	wrdreg $0xFFFFFFFF  }
0xbc: {  	[dreg:$0x0] =	wrdreg $0x60  }
0xbd: {  	[dreg:$0x2] =	wrdreg s24  }
0xbe: {  	[dreg:$0x3] =	wrdreg $0x9  }
0xbf: {  	_ =	task.clear_ibuf [dreg:s22], $0x4FFFF;
	_ =	strace $0x90000059  }
0xc0: {  	s29 =	simm.s32 $0x9;
	_ =	strace $0x80000062  }
0xc1: {  	_ =	swait.ge [sflag:s29], $0x1  }
0xc2: {  	[sflag:s29] =	ssyncadd.s32 $0xFFFFFFFF  }
0xc3: {  	_ =	strace $0x90000062  }
0xc4: {  	_ =	sfence  }
0xc5: {  	s30 =	sld [smem:$0x0];
	_ =	sdelay $0x2  }
0xc6: {  	s31 =	sshll.u32 s1, $0xD;
	s1 =	sshrl.u32 s1, $0x2  }
0xc7: {  	s4 =	sand.u32 $0x4000, s31;
	s1 =	sadd.s32 s1, s30  }
0xc8: {  	s0 =	sor.u32 s4, s0;
	s1 =	sshll.u32 s1, $0x11  }
0xc9: {  	s0 =	sor.u32 s1, s0  }
0xca: {  	s0 =	sadd.s32 $0x8F2B, s0  }
0xcb: {  	[sflag:s0] =	ssyncadd.remote.s32 $0x1  }
0xcc: {  	_ =	sfence.sel $0xFFFF  }
0xcd: {  	[dreg:$0x0] =	wrdreg $0xFFFFFFFF;
	(pc) =	sbr.abs _section_cstart, $3  }
0xce: {  	[dreg:$0x1] =	wrdreg $0xFFFFFFFF  }
0xcf: {  	_ =	task.clear_ibuf [dreg:s22], $0x2FFFF;
	_ =	strace $0x9FFFFFFF  }
0xd0: {  	(tm) =	ssettm $0x7FFFFFFF  }
0xd1: {  	_ =	shalt  }
tec
execute0_lowered:
.L_overlay_start_1:
0x0: {  	(tag) =	ssettag $0x1  }
0x1: {  	s3 =	rddreg [dreg:$0x0]  }
0x2: {  	s0 =	rddreg [dreg:$0x1];
	s1 =	simm.s32 $0x0;
	s5 =	srdreg.scid  }
0x3: {  	s9 =	simm.s32 $0x800;
	s10 =	simm.s32 $0x5;
	[smem:$0x7FF] =	sst s1  }
0x4: {  	s11 =	simm.s32 $0x0;
	s2 =	sadd.s32 $0x304600, s3;
	s4 =	sadd.s32 $0x504600, s3  }
0x5: {  	s6 =	sadd.s32 $0x204600, s3;
	s5 =	sand.u32 $0x1, s5;
	s3 =	stileid.u32  }
0x6: {  	_ =	strace $0x8000005A;
	s7 =	ssub.s32 $0x2, s5;
	s5 =	sshll.u32 s5, $0x4  }
0x7: {  	[dreg:$0x2] =	wrdreg s6;
	s30 =	sshrl.u32 s7, $0x1;
	s8 =	sor.u32 s3, s5  }
0x8: {  	s7 =	ssub.s32 s7, s30;
	s5 =	sshll.u32 s8, $0x3;
	s31 =	sshll.u32 s8, $0xF  }
0x9: {  	s8 =	simm.s32 $0x1;
	s6 =	sadd.s32 s4, s31;
	s7 =	smax.u32 s7, $0x1  }
.LBB2_1:
0xa: {  	_ =	strace $0x8000005B;
	s12 =	simm.s32 $0x1;
	p0 =	por $0x0, $0x0  }
0xb: {  	[tilespmem:s1], [sflag:$0x2] =	stream.linear.gather [hbm4b:s6+s1], $0x8000, $0x200038;
	v63 =	vld [tilespmem:$0x0]  }
0xc: {  	s12 =	simm.s32 @p0 $0x0  }
0xd: {  	p1 =	por $0x1, $0x1;
	p0 =	sne.s32 s12, $0x0  }
0xe: {  	p1 =	por !p1, !p0  }
0xf: {  	p2 =	por !p1, !p1  }
0x10: {  	s13 =	sadd.s32 @p2 s5, s12  }
0x11: {  	_ =	strace $0x9000005B;
	s14 =	sand.u32 @p2 $0x1, s8;
	s13 =	sshll.u32 @p2 s13, $0xC  }
0x12: {  	s15 =	simm.s32 @p2 $0x0;
	_ =	strace @p2 $0x8000005C;
	s13 =	sand.u32 @p2 $0x1FFFF000, s13  }
0x13: {  	s16 =	sshll.u32 @p2 s14, $0xF;
	s14 =	sor.u32 @p2 $0x2, s14;
	s13 =	sadd.s32 @p2 s4, s13  }
0x14: {  	[tilespmem:s16], [sflag:s14] =	stream.linear.gather @p2 [hbm4b:s13+s15], $0x8000, $0x200038;
	v63 =	vld [tilespmem:$0x0]  }
0x15: {  	s15 =	sand.u32 $0x1, s1;
	_ =	strace @p2 $0x9000005C  }
0x16: {  	s26 =	sor.u32 $0x2, s15;
	_ =	strace $0x8000005D  }
0x17: {  	_ =	swait.ge [sflag:s26], $0x8000  }
0x18: {  	[sflag:s26] =	ssyncset.done $0x0  }
0x19: {  	[sflag:s26] =	ssyncadd.s32 $0xFFFF8000  }
0x1a: {  	s29 =	simm.s32 $0x0;
	s14 =	sshll.u32 s15, $0xF;
	_ =	strace $0x9000005D  }
0x1b: {  	s13 =	sand.u32 $0x8000, s29;
	s16 =	sor.u32 $0x10000, s14;
	_ =	strace $0x8000005E  }
0x1c: {  	[tilespmem:s16], [sflag:$0x1] =	stream.indirect.gather [hbm4b:s2+s9], $0x1, s13, s9, $0x2000b8;
	v63 =	vld [tilespmem:$0x0]  }
0x1d: {  	s18 =	sor.u32 $0x800, s13;
	s17 =	sor.u32 $0x10800, s14  }
0x1e: {  	[tilespmem:s17], [sflag:$0x1] =	stream.indirect.gather [hbm4b:s2+s9], $0x1, s18, s9, $0x2000b8;
	v63 =	vld [tilespmem:$0x0]  }
0x1f: {  	s31 =	sor.u32 $0x1000, s13;
	s30 =	sor.u32 $0x11000, s14  }
0x20: {  	[tilespmem:s30], [sflag:$0x1] =	stream.indirect.gather [hbm4b:s2+s9], $0x1, s31, s9, $0x2000b8;
	v63 =	vld [tilespmem:$0x0]  }
0x21: {  	s19 =	sor.u32 $0x1800, s13;
	s18 =	sor.u32 $0x11800, s14  }
0x22: {  	[tilespmem:s18], [sflag:$0x1] =	stream.indirect.gather [hbm4b:s2+s9], $0x1, s19, s9, $0x2000b8;
	v63 =	vld [tilespmem:$0x0]  }
0x23: {  	s21 =	sor.u32 $0x2000, s13;
	s20 =	sor.u32 $0x12000, s14  }
0x24: {  	[tilespmem:s20], [sflag:$0x1] =	stream.indirect.gather [hbm4b:s2+s9], $0x1, s21, s9, $0x2000b8;
	v63 =	vld [tilespmem:$0x0]  }
0x25: {  	s23 =	sor.u32 $0x2800, s13;
	s22 =	sor.u32 $0x12800, s14  }
0x26: {  	[tilespmem:s22], [sflag:$0x1] =	stream.indirect.gather [hbm4b:s2+s9], $0x1, s23, s9, $0x2000b8;
	v63 =	vld [tilespmem:$0x0]  }
0x27: {  	s25 =	sor.u32 $0x3000, s13;
	s24 =	sor.u32 $0x13000, s14  }
0x28: {  	[tilespmem:s24], [sflag:$0x1] =	stream.indirect.gather [hbm4b:s2+s9], $0x1, s25, s9, $0x2000b8;
	v63 =	vld [tilespmem:$0x0]  }
0x29: {  	s29 =	sor.u32 $0x3800, s13;
	s26 =	sor.u32 $0x13800, s14  }
0x2a: {  	[tilespmem:s26], [sflag:$0x1] =	stream.indirect.gather [hbm4b:s2+s9], $0x1, s29, s9, $0x2000b8;
	v63 =	vld [tilespmem:$0x0]  }
0x2b: {  	s30 =	sor.u32 $0x14000, s14;
	s31 =	sor.u32 $0x4000, s13  }
0x2c: {  	[tilespmem:s30], [sflag:$0x1] =	stream.indirect.gather [hbm4b:s2+s9], $0x1, s31, s9, $0x2000b8;
	v63 =	vld [tilespmem:$0x0]  }
0x2d: {  	s18 =	sor.u32 $0x14800, s14;
	s19 =	sor.u32 $0x4800, s13  }
0x2e: {  	[tilespmem:s18], [sflag:$0x1] =	stream.indirect.gather [hbm4b:s2+s9], $0x1, s19, s9, $0x2000b8;
	v63 =	vld [tilespmem:$0x0]  }
0x2f: {  	s20 =	sor.u32 $0x15000, s14;
	s21 =	sor.u32 $0x5000, s13  }
0x30: {  	[tilespmem:s20], [sflag:$0x1] =	stream.indirect.gather [hbm4b:s2+s9], $0x1, s21, s9, $0x2000b8;
	v63 =	vld [tilespmem:$0x0]  }
0x31: {  	s22 =	sor.u32 $0x15800, s14;
	s23 =	sor.u32 $0x5800, s13  }
0x32: {  	[tilespmem:s22], [sflag:$0x1] =	stream.indirect.gather [hbm4b:s2+s9], $0x1, s23, s9, $0x2000b8;
	v63 =	vld [tilespmem:$0x0]  }
0x33: {  	s24 =	sor.u32 $0x16000, s14;
	s25 =	sor.u32 $0x6000, s13  }
0x34: {  	[tilespmem:s24], [sflag:$0x1] =	stream.indirect.gather [hbm4b:s2+s9], $0x1, s25, s9, $0x2000b8;
	v63 =	vld [tilespmem:$0x0]  }
0x35: {  	s26 =	sor.u32 $0x16800, s14;
	s29 =	sor.u32 $0x6800, s13  }
0x36: {  	[tilespmem:s26], [sflag:$0x1] =	stream.indirect.gather [hbm4b:s2+s9], $0x1, s29, s9, $0x2000b8;
	v63 =	vld [tilespmem:$0x0]  }
0x37: {  	s30 =	sor.u32 $0x17000, s14;
	s31 =	sor.u32 $0x7000, s13  }
0x38: {  	[tilespmem:s30], [sflag:$0x1] =	stream.indirect.gather [hbm4b:s2+s9], $0x1, s31, s9, $0x2000b8;
	v63 =	vld [tilespmem:$0x0]  }
0x39: {  	s14 =	sor.u32 $0x17800, s14;
	s13 =	sor.u32 $0x7800, s13  }
0x3a: {  	[tilespmem:s14], [sflag:$0x1] =	stream.indirect.gather [hbm4b:s2+s9], $0x1, s13, s9, $0x2000b8;
	v63 =	vld [tilespmem:$0x0]  }
0x3b: {  	_ =	swait.ge [sflag:s8], $0x800  }
0x3c: {  	[sflag:s8] =	ssyncset.done $0x0  }
0x3d: {  	[sflag:s8] =	ssyncadd.s32 $0xFFFFF800  }
0x3e: {  	_ =	swait.ge [sflag:s8], $0x800  }
0x3f: {  	[sflag:s8] =	ssyncset.done $0x0  }
0x40: {  	[sflag:s8] =	ssyncadd.s32 $0xFFFFF800  }
0x41: {  	_ =	swait.ge [sflag:s8], $0x800  }
0x42: {  	[sflag:s8] =	ssyncset.done $0x0  }
0x43: {  	[sflag:s8] =	ssyncadd.s32 $0xFFFFF800  }
0x44: {  	_ =	swait.ge [sflag:s8], $0x800  }
0x45: {  	[sflag:s8] =	ssyncset.done $0x0  }
0x46: {  	[sflag:s8] =	ssyncadd.s32 $0xFFFFF800  }
0x47: {  	_ =	swait.ge [sflag:s8], $0x800  }
0x48: {  	[sflag:s8] =	ssyncset.done $0x0  }
0x49: {  	[sflag:s8] =	ssyncadd.s32 $0xFFFFF800  }
0x4a: {  	_ =	swait.ge [sflag:s8], $0x800  }
0x4b: {  	[sflag:s8] =	ssyncset.done $0x0  }
0x4c: {  	[sflag:s8] =	ssyncadd.s32 $0xFFFFF800  }
0x4d: {  	_ =	swait.ge [sflag:s8], $0x800  }
0x4e: {  	[sflag:s8] =	ssyncset.done $0x0  }
0x4f: {  	[sflag:s8] =	ssyncadd.s32 $0xFFFFF800  }
0x50: {  	_ =	swait.ge [sflag:s8], $0x800  }
0x51: {  	[sflag:s8] =	ssyncset.done $0x0  }
0x52: {  	[sflag:s8] =	ssyncadd.s32 $0xFFFFF800  }
0x53: {  	_ =	swait.ge [sflag:s8], $0x800  }
0x54: {  	[sflag:s8] =	ssyncset.done $0x0  }
0x55: {  	[sflag:s8] =	ssyncadd.s32 $0xFFFFF800  }
0x56: {  	_ =	swait.ge [sflag:s8], $0x800  }
0x57: {  	[sflag:s8] =	ssyncset.done $0x0  }
0x58: {  	[sflag:s8] =	ssyncadd.s32 $0xFFFFF800  }
0x59: {  	_ =	swait.ge [sflag:s8], $0x800  }
0x5a: {  	[sflag:s8] =	ssyncset.done $0x0  }
0x5b: {  	[sflag:s8] =	ssyncadd.s32 $0xFFFFF800  }
0x5c: {  	_ =	swait.ge [sflag:s8], $0x800  }
0x5d: {  	[sflag:s8] =	ssyncset.done $0x0  }
0x5e: {  	p3 =	por $0x0, $0x0;
	[sflag:s8] =	ssyncadd.s32 $0xFFFFF800  }
0x5f: {  	p4 =	por $0x0, $0x0;
	p6 =	por $0x1, $0x1;
	_ =	swait.ge [sflag:s8], $0x800  }
0x60: {  	p5 =	por p4, p0;
	p1 =	por $0x1, $0x1;
	[sflag:s8] =	ssyncset.done $0x0  }
0x61: {  	s17 =	simm.s32 $0x6;
	s18 =	simm.s32 $0x1;
	[sflag:s8] =	ssyncadd.s32 $0xFFFFF800  }
0x62: {  	s19 =	sadd.s32 $0x1, s12;
	s18 =	simm.s32 @!p2 $0x0;
	_ =	swait.ge [sflag:s8], $0x800  }
0x63: {  	p2 =	por $0x0, $0x0;
	s20 =	sadd.s32 $0x0, s5;
	[sflag:s8] =	ssyncset.done $0x0  }
0x64: {  	s21 =	sadd.s32 $0x1, s18;
	s18 =	simm.s32 $0x0;
	[sflag:s8] =	ssyncadd.s32 $0xFFFFF800  }
0x65: {  	s22 =	sshll.u32 @p5 s20, $0xC;
	s20 =	simm.s32 $0x0;
	_ =	swait.ge [sflag:s8], $0x800  }
0x66: {  	s14 =	sand.u32 @!p1 $0x1, s1;
	p1 =	por p1, p1;
	[sflag:s8] =	ssyncset.done $0x0  }
0x67: {  	s25 =	sor.u32 @!p1 $0x4, s14;
	s14 =	simm.s32 $0x1;
	[sflag:s8] =	ssyncadd.s32 $0xFFFFF800  }
0x68: {  	s14 =	simm.s32 @!p2 $0x0;
	p2 =	seq.s32 s19, $0x8;
	_ =	swait.ge [sflag:s8], $0x800  }
0x69: {  	s24 =	simm.s32 $0x1;
	s19 =	simm.s32 @p2 $0x0;
	[sflag:s8] =	ssyncset.done $0x0  }
0x6a: {  	s24 =	simm.s32 @!p5 $0x0;
	p0 =	sne.s32 s12, s19;
	[sflag:s8] =	ssyncadd.s32 $0xFFFFF800  }
0x6b: {  	s13 =	simm.s32 $0x7;
	p2 =	por !p6, !p0;
	_ =	strace $0x9000005E  }
0x6c: {  	s14 =	sadd.s32 $0x0, s14;
	p2 =	por !p2, !p2;
	_ =	strace @p5 $0x8000005F  }
0x6d: {  	s26 =	sand.u32 @p2 $0x1, s21;
	s23 =	sadd.s32 @p2 s5, s19;
	s28 =	rddreg [dreg:$0x2]  }
.LBB2_2:
0x6e: {  	s29 =	sshll.u32 @p2 s23, $0xC;
	s30 =	sand.u32 @p5 $0x1FFFF000, s22  }
0x6f: {  	s23 =	smov.u32 s12;
	s15 =	sor.u32 @p5 $0x4, s15;
	s12 =	sand.u32 @p2 $0x1FFFF000, s29  }
0x70: {  	s29 =	simm.s32 @p5 $0x0;
	s31 =	sadd.s32 @p2 s4, s12;
	s12 =	sadd.s32 @p5 s28, s30  }
0x71: {  	[hbm4b:s12+s29] =	stream.linear.scatter @p5 [tilespmem:s16], [sflag:s15], $0x8000, $0x200038;
	v63 =	vld [tilespmem:$0x0]  }
0x72: {  	_ =	strace @p5 $0x9000005F  }
0x73: {  	_ =	strace @!p1 $0x80000060  }
0x74: {  	_ =	swait.ge @!p1 [sflag:s25], $0x8000  }
0x75: {  	[sflag:s25] =	ssyncset.done @!p1 $0x0  }
0x76: {  	[sflag:s25] =	ssyncadd.s32 @!p1 $0xFFFF8000  }
0x77: {  	s20 =	sadd.s32 s24, s20;
	s16 =	simm.s32 @p2 $0x0;
	_ =	strace @!p1 $0x90000060  }
0x78: {  	s25 =	sshll.u32 @p2 s26, $0xF;
	s26 =	sor.u32 @p2 $0x2, s26;
	_ =	strace @p2 $0x8000005C  }
0x79: {  	[tilespmem:s25], [sflag:s26] =	stream.linear.gather @p2 [hbm4b:s31+s16], $0x8000, $0x200038;
	v63 =	vld [tilespmem:$0x0]  }
0x7a: {  	s29 =	sand.u32 $0x1, s20;
	_ =	strace @p2 $0x9000005C  }
0x7b: {  	s15 =	sor.u32 $0x2, s29;
	_ =	strace $0x8000005D  }
0x7c: {  	_ =	swait.ge [sflag:s15], $0x8000  }
0x7d: {  	s18 =	sadd.s32 s24, s18;
	[sflag:s15] =	ssyncset.done $0x0  }
0x7e: {  	[sflag:s15] =	ssyncadd.s32 $0xFFFF8000;
	s15 =	sand.u32 $0x1, s18  }
0x7f: {  	s28 =	sshll.u32 s20, $0xF;
	_ =	strace $0x9000005D;
	s25 =	sshll.u32 s15, $0xF  }
0x80: {  	s26 =	sand.u32 $0x8000, s28;
	_ =	strace $0x8000005E;
	s16 =	sor.u32 $0x10000, s25  }
0x81: {  	[tilespmem:s16], [sflag:$0x1] =	stream.indirect.gather [hbm4b:s2+s9], $0x1, s26, s9, $0x2000b8;
	v63 =	vld [tilespmem:$0x0]  }
0x82: {  	s30 =	sor.u32 $0x800, s26;
	s28 =	sor.u32 $0x10800, s25  }
0x83: {  	[tilespmem:s28], [sflag:$0x1] =	stream.indirect.gather [hbm4b:s2+s9], $0x1, s30, s9, $0x2000b8;
	v63 =	vld [tilespmem:$0x0]  }
0x84: {  	s31 =	sor.u32 $0x1000, s26;
	s28 =	sor.u32 $0x11000, s25  }
0x85: {  	[tilespmem:s28], [sflag:$0x1] =	stream.indirect.gather [hbm4b:s2+s9], $0x1, s31, s9, $0x2000b8;
	v63 =	vld [tilespmem:$0x0]  }
0x86: {  	s30 =	sor.u32 $0x1800, s26;
	s28 =	sor.u32 $0x11800, s25  }
0x87: {  	[tilespmem:s28], [sflag:$0x1] =	stream.indirect.gather [hbm4b:s2+s9], $0x1, s30, s9, $0x2000b8;
	v63 =	vld [tilespmem:$0x0]  }
0x88: {  	s31 =	sor.u32 $0x2000, s26;
	s28 =	sor.u32 $0x12000, s25  }
0x89: {  	[tilespmem:s28], [sflag:$0x1] =	stream.indirect.gather [hbm4b:s2+s9], $0x1, s31, s9, $0x2000b8;
	v63 =	vld [tilespmem:$0x0]  }
0x8a: {  	s30 =	sor.u32 $0x2800, s26;
	s28 =	sor.u32 $0x12800, s25  }
0x8b: {  	[tilespmem:s28], [sflag:$0x1] =	stream.indirect.gather [hbm4b:s2+s9], $0x1, s30, s9, $0x2000b8;
	v63 =	vld [tilespmem:$0x0]  }
0x8c: {  	s31 =	sor.u32 $0x3000, s26;
	s28 =	sor.u32 $0x13000, s25  }
0x8d: {  	[tilespmem:s28], [sflag:$0x1] =	stream.indirect.gather [hbm4b:s2+s9], $0x1, s31, s9, $0x2000b8;
	v63 =	vld [tilespmem:$0x0]  }
0x8e: {  	s30 =	sor.u32 $0x3800, s26;
	s28 =	sor.u32 $0x13800, s25  }
0x8f: {  	[tilespmem:s28], [sflag:$0x1] =	stream.indirect.gather [hbm4b:s2+s9], $0x1, s30, s9, $0x2000b8;
	v63 =	vld [tilespmem:$0x0]  }
0x90: {  	s31 =	sor.u32 $0x4000, s26;
	s28 =	sor.u32 $0x14000, s25  }
0x91: {  	[tilespmem:s28], [sflag:$0x1] =	stream.indirect.gather [hbm4b:s2+s9], $0x1, s31, s9, $0x2000b8;
	v63 =	vld [tilespmem:$0x0]  }
0x92: {  	s30 =	sor.u32 $0x4800, s26;
	s28 =	sor.u32 $0x14800, s25  }
0x93: {  	[tilespmem:s28], [sflag:$0x1] =	stream.indirect.gather [hbm4b:s2+s9], $0x1, s30, s9, $0x2000b8;
	v63 =	vld [tilespmem:$0x0]  }
0x94: {  	s31 =	sor.u32 $0x5000, s26;
	s28 =	sor.u32 $0x15000, s25  }
0x95: {  	[tilespmem:s28], [sflag:$0x1] =	stream.indirect.gather [hbm4b:s2+s9], $0x1, s31, s9, $0x2000b8;
	v63 =	vld [tilespmem:$0x0]  }
0x96: {  	s30 =	sor.u32 $0x5800, s26;
	s28 =	sor.u32 $0x15800, s25  }
0x97: {  	[tilespmem:s28], [sflag:$0x1] =	stream.indirect.gather [hbm4b:s2+s9], $0x1, s30, s9, $0x2000b8;
	v63 =	vld [tilespmem:$0x0]  }
0x98: {  	s31 =	sor.u32 $0x6000, s26;
	s28 =	sor.u32 $0x16000, s25  }
0x99: {  	[tilespmem:s28], [sflag:$0x1] =	stream.indirect.gather [hbm4b:s2+s9], $0x1, s31, s9, $0x2000b8;
	v63 =	vld [tilespmem:$0x0]  }
0x9a: {  	s30 =	sor.u32 $0x6800, s26;
	s28 =	sor.u32 $0x16800, s25  }
0x9b: {  	[tilespmem:s28], [sflag:$0x1] =	stream.indirect.gather [hbm4b:s2+s9], $0x1, s30, s9, $0x2000b8;
	v63 =	vld [tilespmem:$0x0]  }
0x9c: {  	s31 =	sor.u32 $0x7000, s26;
	s28 =	sor.u32 $0x17000, s25  }
0x9d: {  	[tilespmem:s28], [sflag:$0x1] =	stream.indirect.gather [hbm4b:s2+s9], $0x1, s31, s9, $0x2000b8;
	v63 =	vld [tilespmem:$0x0]  }
0x9e: {  	s26 =	sor.u32 $0x7800, s26;
	s25 =	sor.u32 $0x17800, s25  }
0x9f: {  	[tilespmem:s25], [sflag:$0x1] =	stream.indirect.gather [hbm4b:s2+s9], $0x1, s26, s9, $0x2000b8;
	v63 =	vld [tilespmem:$0x0]  }
0xa0: {  	_ =	swait.ge [sflag:s8], $0x800  }
0xa1: {  	[sflag:s8] =	ssyncset.done $0x0  }
0xa2: {  	[sflag:s8] =	ssyncadd.s32 $0xFFFFF800  }
0xa3: {  	_ =	swait.ge [sflag:s8], $0x800  }
0xa4: {  	[sflag:s8] =	ssyncset.done $0x0  }
0xa5: {  	[sflag:s8] =	ssyncadd.s32 $0xFFFFF800  }
0xa6: {  	_ =	swait.ge [sflag:s8], $0x800  }
0xa7: {  	[sflag:s8] =	ssyncset.done $0x0  }
0xa8: {  	[sflag:s8] =	ssyncadd.s32 $0xFFFFF800  }
0xa9: {  	_ =	swait.ge [sflag:s8], $0x800  }
0xaa: {  	[sflag:s8] =	ssyncset.done $0x0  }
0xab: {  	[sflag:s8] =	ssyncadd.s32 $0xFFFFF800  }
0xac: {  	_ =	swait.ge [sflag:s8], $0x800  }
0xad: {  	[sflag:s8] =	ssyncset.done $0x0  }
0xae: {  	[sflag:s8] =	ssyncadd.s32 $0xFFFFF800  }
0xaf: {  	_ =	swait.ge [sflag:s8], $0x800  }
0xb0: {  	[sflag:s8] =	ssyncset.done $0x0  }
0xb1: {  	[sflag:s8] =	ssyncadd.s32 $0xFFFFF800  }
0xb2: {  	_ =	swait.ge [sflag:s8], $0x800  }
0xb3: {  	[sflag:s8] =	ssyncset.done $0x0  }
0xb4: {  	[sflag:s8] =	ssyncadd.s32 $0xFFFFF800  }
0xb5: {  	_ =	swait.ge [sflag:s8], $0x800  }
0xb6: {  	[sflag:s8] =	ssyncset.done $0x0  }
0xb7: {  	[sflag:s8] =	ssyncadd.s32 $0xFFFFF800  }
0xb8: {  	_ =	swait.ge [sflag:s8], $0x800  }
0xb9: {  	[sflag:s8] =	ssyncset.done $0x0  }
0xba: {  	[sflag:s8] =	ssyncadd.s32 $0xFFFFF800  }
0xbb: {  	_ =	swait.ge [sflag:s8], $0x800  }
0xbc: {  	[sflag:s8] =	ssyncset.done $0x0  }
0xbd: {  	[sflag:s8] =	ssyncadd.s32 $0xFFFFF800  }
0xbe: {  	_ =	swait.ge [sflag:s8], $0x800  }
0xbf: {  	[sflag:s8] =	ssyncset.done $0x0  }
0xc0: {  	[sflag:s8] =	ssyncadd.s32 $0xFFFFF800  }
0xc1: {  	_ =	swait.ge [sflag:s8], $0x800  }
0xc2: {  	[sflag:s8] =	ssyncset.done $0x0  }
0xc3: {  	s22 =	smov.u32 s13;
	s13 =	smov.u32 s17;
	[sflag:s8] =	ssyncadd.s32 $0xFFFFF800  }
0xc4: {  	s17 =	sadd.s32 $0xFFFFFFFF, s17;
	s24 =	sand.u32 @!p3 $0x1, s14;
	_ =	swait.ge [sflag:s8], $0x800  }
0xc5: {  	p4 =	sne.s32 s17, $0x0;
	p6 =	seq.s32 s22, $0x1;
	[sflag:s8] =	ssyncset.done $0x0  }
0xc6: {  	s23 =	sadd.s32 s5, s23;
	s12 =	smov.u32 s19;
	[sflag:s8] =	ssyncadd.s32 $0xFFFFF800  }
0xc7: {  	s19 =	sadd.s32 $0x1, s19;
	p5 =	por p6, p0;
	_ =	swait.ge [sflag:s8], $0x800  }
0xc8: {  	p6 =	sne.s32 s13, $0x1;
	p1 =	por p3, p3;
	[sflag:s8] =	ssyncset.done $0x0  }
0xc9: {  	p3 =	seq.s32 s13, $0x8;
	s26 =	simm.s32 $0x1;
	[sflag:s8] =	ssyncadd.s32 $0xFFFFF800  }
0xca: {  	s25 =	sor.u32 @!p1 $0x4, s24;
	s24 =	simm.s32 $0x1;
	_ =	swait.ge [sflag:s8], $0x800  }
0xcb: {  	s26 =	simm.s32 @!p2 $0x0;
	p2 =	sne.s32 s22, $0x8;
	[sflag:s8] =	ssyncset.done $0x0  }
0xcc: {  	s22 =	simm.s32 $0x1;
	s24 =	simm.s32 @!p5 $0x0;
	[sflag:s8] =	ssyncadd.s32 $0xFFFFF800  }
0xcd: {  	s22 =	simm.s32 @!p2 $0x0;
	p2 =	seq.s32 s19, $0x8;
	_ =	swait.ge [sflag:s8], $0x800  }
.Ltmp0:
0xce: {  	s19 =	simm.s32 @p2 $0x0;
	[sflag:s8] =	ssyncset.done $0x0;
	(pc) =	sbr.rel @p4 .LBB2_2-.Ltmp0, $4  }
0xcf: {  	s21 =	sadd.s32 s26, s21;
	p0 =	sne.s32 s12, s19;
	[sflag:s8] =	ssyncadd.s32 $0xFFFFF800  }
0xd0: {  	s14 =	sadd.s32 s22, s14;
	p2 =	por !p6, !p0;
	_ =	strace $0x9000005E  }
0xd1: {  	s22 =	sshll.u32 @p5 s23, $0xC;
	p2 =	por !p2, !p2;
	_ =	strace @p5 $0x8000005F  }
0xd2: {  	s26 =	sand.u32 @p2 $0x1, s21;
	s23 =	sadd.s32 @p2 s5, s19;
	s28 =	rddreg [dreg:$0x2]  }
0xd3: {  	s17 =	sand.u32 @p5 $0x1FFFF000, s22  }
0xd4: {  	s15 =	sor.u32 @p5 $0x4, s15;
	s19 =	simm.s32 @p5 $0x0;
	s17 =	sadd.s32 @p5 s28, s17  }
0xd5: {  	[hbm4b:s17+s19] =	stream.linear.scatter @p5 [tilespmem:s16], [sflag:s15], $0x8000, $0x200038;
	v63 =	vld [tilespmem:$0x0]  }
0xd6: {  	_ =	strace @p5 $0x9000005F  }
0xd7: {  	_ =	strace @!p1 $0x80000060  }
0xd8: {  	_ =	swait.ge @!p1 [sflag:s25], $0x8000  }
0xd9: {  	s31 =	sadd.s32 s24, s20;
	[sflag:s25] =	ssyncset.done @!p1 $0x0  }
0xda: {  	s20 =	sor.u32 @p2 $0x2, s26;
	s15 =	sshll.u32 @p2 s23, $0xC;
	[sflag:s25] =	ssyncadd.s32 @!p1 $0xFFFF8000  }
0xdb: {  	s17 =	simm.s32 @p2 $0x0;
	s15 =	sand.u32 @p2 $0x1FFFF000, s15;
	_ =	strace @!p1 $0x90000060  }
0xdc: {  	s19 =	sshll.u32 @p2 s26, $0xF;
	s15 =	sadd.s32 @p2 s4, s15;
	_ =	strace @p2 $0x8000005C  }
0xdd: {  	[tilespmem:s19], [sflag:s20] =	stream.linear.gather @p2 [hbm4b:s15+s17], $0x8000, $0x200038;
	v63 =	vld [tilespmem:$0x0]  }
0xde: {  	s20 =	sand.u32 $0x1, s31;
	_ =	strace @p2 $0x9000005C  }
0xdf: {  	s15 =	sor.u32 $0x2, s20;
	_ =	strace $0x8000005D  }
0xe0: {  	_ =	swait.ge [sflag:s15], $0x8000  }
0xe1: {  	s21 =	sadd.s32 s24, s18;
	[sflag:s15] =	ssyncset.done $0x0  }
0xe2: {  	[sflag:s15] =	ssyncadd.s32 $0xFFFF8000;
	s15 =	sand.u32 $0x1, s21  }
0xe3: {  	s22 =	sshll.u32 s31, $0xF;
	_ =	strace $0x9000005D;
	s18 =	sshll.u32 s15, $0xF  }
0xe4: {  	s17 =	sand.u32 $0x8000, s22;
	_ =	strace $0x8000005E;
	s16 =	sor.u32 $0x10000, s18  }
0xe5: {  	[tilespmem:s16], [sflag:$0x1] =	stream.indirect.gather [hbm4b:s2+s9], $0x1, s17, s9, $0x2000b8;
	v63 =	vld [tilespmem:$0x0]  }
0xe6: {  	s24 =	sor.u32 $0x800, s17;
	s23 =	sor.u32 $0x10800, s18  }
0xe7: {  	[tilespmem:s23], [sflag:$0x1] =	stream.indirect.gather [hbm4b:s2+s9], $0x1, s24, s9, $0x2000b8;
	v63 =	vld [tilespmem:$0x0]  }
0xe8: {  	s26 =	sor.u32 $0x1000, s17;
	s25 =	sor.u32 $0x11000, s18  }
0xe9: {  	[tilespmem:s25], [sflag:$0x1] =	stream.indirect.gather [hbm4b:s2+s9], $0x1, s26, s9, $0x2000b8;
	v63 =	vld [tilespmem:$0x0]  }
0xea: {  	s29 =	sor.u32 $0x1800, s17;
	s28 =	sor.u32 $0x11800, s18  }
0xeb: {  	[tilespmem:s28], [sflag:$0x1] =	stream.indirect.gather [hbm4b:s2+s9], $0x1, s29, s9, $0x2000b8;
	v63 =	vld [tilespmem:$0x0]  }
0xec: {  	s31 =	sor.u32 $0x2000, s17;
	s30 =	sor.u32 $0x12000, s18  }
0xed: {  	[tilespmem:s30], [sflag:$0x1] =	stream.indirect.gather [hbm4b:s2+s9], $0x1, s31, s9, $0x2000b8;
	v63 =	vld [tilespmem:$0x0]  }
0xee: {  	s22 =	sor.u32 $0x2800, s17;
	s21 =	sor.u32 $0x12800, s18  }
0xef: {  	[tilespmem:s21], [sflag:$0x1] =	stream.indirect.gather [hbm4b:s2+s9], $0x1, s22, s9, $0x2000b8;
	v63 =	vld [tilespmem:$0x0]  }
0xf0: {  	s23 =	sor.u32 $0x13000, s18;
	s24 =	sor.u32 $0x3000, s17  }
0xf1: {  	[tilespmem:s23], [sflag:$0x1] =	stream.indirect.gather [hbm4b:s2+s9], $0x1, s24, s9, $0x2000b8;
	v63 =	vld [tilespmem:$0x0]  }
0xf2: {  	s25 =	sor.u32 $0x13800, s18;
	s26 =	sor.u32 $0x3800, s17  }
0xf3: {  	[tilespmem:s25], [sflag:$0x1] =	stream.indirect.gather [hbm4b:s2+s9], $0x1, s26, s9, $0x2000b8;
	v63 =	vld [tilespmem:$0x0]  }
0xf4: {  	s28 =	sor.u32 $0x14000, s18;
	s29 =	sor.u32 $0x4000, s17  }
0xf5: {  	[tilespmem:s28], [sflag:$0x1] =	stream.indirect.gather [hbm4b:s2+s9], $0x1, s29, s9, $0x2000b8;
	v63 =	vld [tilespmem:$0x0]  }
0xf6: {  	s30 =	sor.u32 $0x14800, s18;
	s31 =	sor.u32 $0x4800, s17  }
0xf7: {  	[tilespmem:s30], [sflag:$0x1] =	stream.indirect.gather [hbm4b:s2+s9], $0x1, s31, s9, $0x2000b8;
	v63 =	vld [tilespmem:$0x0]  }
0xf8: {  	s21 =	sor.u32 $0x15000, s18;
	s22 =	sor.u32 $0x5000, s17  }
0xf9: {  	[tilespmem:s21], [sflag:$0x1] =	stream.indirect.gather [hbm4b:s2+s9], $0x1, s22, s9, $0x2000b8;
	v63 =	vld [tilespmem:$0x0]  }
0xfa: {  	s23 =	sor.u32 $0x15800, s18;
	s24 =	sor.u32 $0x5800, s17  }
0xfb: {  	[tilespmem:s23], [sflag:$0x1] =	stream.indirect.gather [hbm4b:s2+s9], $0x1, s24, s9, $0x2000b8;
	v63 =	vld [tilespmem:$0x0]  }
0xfc: {  	s25 =	sor.u32 $0x16000, s18;
	s26 =	sor.u32 $0x6000, s17  }
0xfd: {  	[tilespmem:s25], [sflag:$0x1] =	stream.indirect.gather [hbm4b:s2+s9], $0x1, s26, s9, $0x2000b8;
	v63 =	vld [tilespmem:$0x0]  }
0xfe: {  	s28 =	sor.u32 $0x16800, s18;
	s29 =	sor.u32 $0x6800, s17  }
0xff: {  	[tilespmem:s28], [sflag:$0x1] =	stream.indirect.gather [hbm4b:s2+s9], $0x1, s29, s9, $0x2000b8;
	v63 =	vld [tilespmem:$0x0]  }
0x100: {  	s30 =	sor.u32 $0x17000, s18;
	s31 =	sor.u32 $0x7000, s17  }
0x101: {  	[tilespmem:s30], [sflag:$0x1] =	stream.indirect.gather [hbm4b:s2+s9], $0x1, s31, s9, $0x2000b8;
	v63 =	vld [tilespmem:$0x0]  }
0x102: {  	s18 =	sor.u32 $0x17800, s18;
	s17 =	sor.u32 $0x7800, s17  }
0x103: {  	[tilespmem:s18], [sflag:$0x1] =	stream.indirect.gather [hbm4b:s2+s9], $0x1, s17, s9, $0x2000b8;
	v63 =	vld [tilespmem:$0x0]  }
0x104: {  	_ =	swait.ge [sflag:s8], $0x800  }
0x105: {  	[sflag:s8] =	ssyncset.done $0x0  }
0x106: {  	[sflag:s8] =	ssyncadd.s32 $0xFFFFF800  }
0x107: {  	_ =	swait.ge [sflag:s8], $0x800  }
0x108: {  	[sflag:s8] =	ssyncset.done $0x0  }
0x109: {  	[sflag:s8] =	ssyncadd.s32 $0xFFFFF800  }
0x10a: {  	_ =	swait.ge [sflag:s8], $0x800  }
0x10b: {  	[sflag:s8] =	ssyncset.done $0x0  }
0x10c: {  	[sflag:s8] =	ssyncadd.s32 $0xFFFFF800  }
0x10d: {  	_ =	swait.ge [sflag:s8], $0x800  }
0x10e: {  	[sflag:s8] =	ssyncset.done $0x0  }
0x10f: {  	[sflag:s8] =	ssyncadd.s32 $0xFFFFF800  }
0x110: {  	_ =	swait.ge [sflag:s8], $0x800  }
0x111: {  	[sflag:s8] =	ssyncset.done $0x0  }
0x112: {  	[sflag:s8] =	ssyncadd.s32 $0xFFFFF800  }
0x113: {  	_ =	swait.ge [sflag:s8], $0x800  }
0x114: {  	[sflag:s8] =	ssyncset.done $0x0  }
0x115: {  	[sflag:s8] =	ssyncadd.s32 $0xFFFFF800  }
0x116: {  	_ =	swait.ge [sflag:s8], $0x800  }
0x117: {  	[sflag:s8] =	ssyncset.done $0x0  }
0x118: {  	[sflag:s8] =	ssyncadd.s32 $0xFFFFF800  }
0x119: {  	_ =	swait.ge [sflag:s8], $0x800  }
0x11a: {  	[sflag:s8] =	ssyncset.done $0x0  }
0x11b: {  	[sflag:s8] =	ssyncadd.s32 $0xFFFFF800  }
0x11c: {  	_ =	swait.ge [sflag:s8], $0x800  }
0x11d: {  	[sflag:s8] =	ssyncset.done $0x0  }
0x11e: {  	[sflag:s8] =	ssyncadd.s32 $0xFFFFF800  }
0x11f: {  	_ =	swait.ge [sflag:s8], $0x800  }
0x120: {  	[sflag:s8] =	ssyncset.done $0x0  }
0x121: {  	[sflag:s8] =	ssyncadd.s32 $0xFFFFF800  }
0x122: {  	_ =	swait.ge [sflag:s8], $0x800  }
0x123: {  	[sflag:s8] =	ssyncset.done $0x0  }
0x124: {  	[sflag:s8] =	ssyncadd.s32 $0xFFFFF800  }
0x125: {  	_ =	swait.ge [sflag:s8], $0x800  }
0x126: {  	[sflag:s8] =	ssyncset.done $0x0  }
0x127: {  	[sflag:s8] =	ssyncadd.s32 $0xFFFFF800  }
0x128: {  	_ =	swait.ge [sflag:s8], $0x800  }
0x129: {  	[sflag:s8] =	ssyncset.done $0x0  }
0x12a: {  	[sflag:s8] =	ssyncadd.s32 $0xFFFFF800  }
0x12b: {  	_ =	swait.ge [sflag:s8], $0x800  }
0x12c: {  	[sflag:s8] =	ssyncset.done $0x0  }
0x12d: {  	[sflag:s8] =	ssyncadd.s32 $0xFFFFF800  }
0x12e: {  	_ =	swait.ge [sflag:s8], $0x800  }
0x12f: {  	[sflag:s8] =	ssyncset.done $0x0  }
0x130: {  	[sflag:s8] =	ssyncadd.s32 $0xFFFFF800  }
0x131: {  	_ =	swait.ge [sflag:s8], $0x800  }
0x132: {  	[sflag:s8] =	ssyncset.done $0x0  }
0x133: {  	p6 =	seq.s32 s13, $0x1;
	[sflag:s8] =	ssyncadd.s32 $0xFFFFF800  }
0x134: {  	s12 =	sadd.s32 s5, s12;
	p0 =	por p6, p0;
	_ =	strace $0x9000005E  }
0x135: {  	s12 =	sshll.u32 @p0 s12, $0xC;
	_ =	strace @p0 $0x8000005F  }
0x136: {  	s12 =	sand.u32 @p0 $0x1FFFF000, s12;
	s13 =	rddreg [dreg:$0x2]  }
0x137: {  	s15 =	sor.u32 @p0 $0x4, s15;
	s17 =	simm.s32 @p0 $0x0;
	s12 =	sadd.s32 @p0 s13, s12  }
0x138: {  	[hbm4b:s12+s17] =	stream.linear.scatter @p0 [tilespmem:s16], [sflag:s15], $0x8000, $0x200038;
	v63 =	vld [tilespmem:$0x0]  }
0x139: {  	p1 =	por p3, p3;
	s12 =	sand.u32 @!p3 $0x1, s14;
	_ =	strace @p0 $0x9000005F  }
0x13a: {  	s12 =	sor.u32 @!p1 $0x4, s12;
	_ =	strace @!p1 $0x80000060  }
0x13b: {  	_ =	swait.ge @!p1 [sflag:s12], $0x8000  }
0x13c: {  	[sflag:s12] =	ssyncset.done @!p1 $0x0  }
0x13d: {  	s11 =	sadd.s32 $0x1, s11;
	[sflag:s12] =	ssyncadd.s32 @!p1 $0xFFFF8000  }
0x13e: {  	p0 =	sne.s32 s11, s7;
	_ =	strace @!p1 $0x90000060  }
.Ltmp1:
0x13f: {  	_ =	strace $0x80000061;
	(pc) =	sbr.rel @p0 .LBB2_1-.Ltmp1, $4  }
0x140: {  	_ =	swait.ge [sflag:s10], $0x8000  }
0x141: {  	[sflag:s10] =	ssyncset.done $0x0  }
0x142: {  	[sflag:s10] =	ssyncadd.s32 $0xFFFF8000  }
0x143: {  	_ =	strace $0x90000061  }
0x144: {  	_ =	sfence.sel $0x180000  }
0x145: {  	[bflag:$0x0] =	sbarrier.arrive $0xFFFF  }
0x146: {  	p0 =	sne.s32 s3, $0x0;
	_ =	strace $0x9000005A  }
0x147: {  	s0 =	sadd.s32 @!p0 $0x100000, s0;
	[bflag:$0x2] =	sbarrier.arrive $0xFFFF  }
0x148: {  	[sflag:s0] =	ssyncadd.tile.s32 @!p0 $0x1;
	_ =	shalt  }
.Lfunc_end2:
_tile_overlayer_lowered:
.L_overlay_start_2:
0x149: {  	(tag) =	ssettag $0x2  }
0x14a: {  	s0 =	rddreg [dreg:$0x0];
	s2 =	stileid.u32  }
0x14b: {  	s1 =	rddreg [dreg:$0x1];
	p0 =	sne.s32 s2, $0x0  }
0x14c: {  	s3 =	rddreg [dreg:$0x2];
	[bflag:$0x3] =	sbarrier.arrive $0xFFFF;
	s2 =	simm.s32 @!p0 $0x1C02  }
0x14d: {  	[timem:s3], [sflag:s2] =	dma.local @!p0 [hbm:s0], s1  }
0x14e: {  	s0 =	simm.s32 @!p0 $0x2  }
0x14f: {  	_ =	swait.ge @!p0 [sflag:s0], s1  }
0x150: {  	s1 =	ssub.s32 @!p0 $0x0, s1;
	[sflag:s0] =	ssyncset.done @!p0 $0x0  }
0x151: {  	[sflag:s0] =	ssyncadd.s32 @!p0 s1  }
0x152: {  	[bflag:$0x3] =	sbarrier.arrive $0xFFFF  }
0x153: {  	_ =	shalt  }

// kernel: kernel.8.cloned.1.call-start
scs
__scs_entry_jumppad:
0x0: {  	(pc) =	sbr.rel $0x88, $3  }
0x1: {  	(tag) =	ssettag $0x0;
	lr =	simm.s32 $0x1  }
0x2: {  	[smem:$0x3F93] =	sst lr;
	_ =	strace $0xD0000000  }
0x3: {  	_ = 	snop  }
0x4: {  	_ = 	snop  }
0x5: {  	_ = 	snop  }
0x6: {  	_ = 	snop  }
0x7: {  	_ = 	snop  }
__scs_overlays_trampoline_lowered:
0x8: {  	[smem:$0x3FA2] =	sst s0  }
0x9: {  	[smem:$0x3FA3] =	sst s1  }
0xa: {  	[smem:$0x3FA4] =	sst s2  }
0xb: {  	[smem:$0x3FA5] =	sst s3  }
0xc: {  	[smem:$0x3FA6] =	sst s4  }
0xd: {  	[smem:$0x3FA7] =	sst s5  }
0xe: {  	[smem:$0x3FA8] =	sst s6  }
0xf: {  	[smem:$0x3FA9] =	sst s7  }
0x10: {  	[smem:$0x3FAA] =	sst s8  }
0x11: {  	[smem:$0x3FAB] =	sst s9;
	s0 =	simm.s32 @!p0 $0x0  }
0x12: {  	s1 =	sld [smem:$0x3F91];
	s0 =	simm.s32 @p0 $0x1  }
0x13: {  	[smem:$0x3FAC] =	sst s0;
	s0 =	simm.s32 @!p1 $0x0  }
0x14: {  	s2 =	sld [smem:$0x3F90];
	s0 =	simm.s32 @p1 $0x1  }
0x15: {  	[smem:$0x3FAD] =	sst s0;
	s0 =	simm.s32 @!p2 $0x0  }
0x16: {  	s3 =	sld [smem:$0x3FDB];
	s0 =	simm.s32 @p2 $0x1  }
0x17: {  	s4 =	simm.s32 $0x1BF5;
	[smem:$0x3FAF] =	sst s0  }
0x18: {  	s0 =	sld [smem:$0x3F92];
	_ =	swait.ge [sflag:s4], $0x0  }
0x19: {  	s7 =	sld [smem:$0x3F93]  }
0x1a: {  	s8 =	sadd.s32 $0xFFFFE003, lr  }
0x1b: {  	s9 =	sadd.s32 $0xFFFFFEF7, lr;
	s5 =	simm.s32 $0xFFFFFFFF;
	p2 =	slt.u32 s8, $0xFFFFF086  }
0x1c: {  	p1 =	slt.u32 s9, $0xF7A;
	s5 =	simm.s32 @!p2 $0x0  }
0x1d: {  	s5 =	simm.s32 @p1 $0x1;
	p0 =	seq.s32 s7, s2  }
0x1e: {  	s7 =	smul.u32 @!p0 $0xF7A, s2;
	p2 =	seq.s32 @!p0 s5, $0x0  }
0x1f: {  	s9 =	smul.u32 $0xF7A, s1;
	s8 =	simm.s32 @!p0 $0x1BF5;
	p2 =	por !p2, p0  }
0x20: {  	[sflag:s8] =	ssyncset.s32 @!p0 $0xFFFFF086;
	s6 =	sadd.s32 @!p0 s3, s7;
	s7 =	simm.s32 @!p0 $0x108  }
0x21: {  	s3 =	sadd.s32 s3, s9;
	s6 =	sadd.s32 @!p0 $0x88, s6;
	s7 =	simm.s32 @p2 $0x1082  }
0x22: {  	[simem:s7], [sflag:s8] =	dma.local @!p0 [hbm:s6], $0xF7A  }
0x23: {  	s9 =	sor.u32 $0xD0000000, s2;
	s6 =	simm.s32 $0x108;
	_ =	swait.ge @!p0 [sflag:s8], $0x0  }
0x24: {  	s3 =	sadd.s32 $0x88, s3;
	s6 =	simm.s32 @!p1 $0x1082;
	[sflag:s4] =	ssyncset.s32 $0xFFFFF086  }
0x25: {  	[simem:s6], [sflag:s4] =	dma.local [hbm:s3], $0xF7A  }
0x26: {  	[smem:$0x3F93] =	sst s1;
	(tag) =	ssettag s2;
	_ =	strace s9  }
0x27: {  	s1 =	sld [smem:$0x3FA3]  }
0x28: {  	s2 =	sld [smem:$0x3FA4]  }
0x29: {  	s4 =	sld [smem:$0x3FA6]  }
0x2a: {  	p0 =	seq.s32 s5, $0x0;
	s5 =	sld [smem:$0x3FA7]  }
0x2b: {  	s6 =	sld [smem:$0x3FA8]  }
0x2c: {  	s7 =	sld [smem:$0x3FA9]  }
0x2d: {  	s3 =	simm.s32 $0x108;
	s8 =	sld [smem:$0x3FAA]  }
0x2e: {  	s3 =	simm.s32 @!p0 $0x1082;
	s9 =	sld [smem:$0x3FAB]  }
0x2f: {  	lr =	sadd.s32 s0, s3;
	s0 =	sld [smem:$0x3FA2]  }
0x30: {  	s3 =	sld [smem:$0x3FA5]  }
0x31: {  	[smem:$0x3FAE] =	sst s10  }
0x32: {  	s10 =	sld [smem:$0x3FAC];
	_ =	sdelay $0x3  }
0x33: {  	p0 =	seq.s32 s10, $0x1;
	s10 =	sld [smem:$0x3FAE];
	_ =	sdelay $0x3  }
0x34: {  	[smem:$0x3FAE] =	sst s10  }
0x35: {  	s10 =	sld [smem:$0x3FAD];
	_ =	sdelay $0x3  }
0x36: {  	p1 =	seq.s32 s10, $0x1;
	s10 =	sld [smem:$0x3FAE];
	_ =	sdelay $0x3  }
0x37: {  	[smem:$0x3FAE] =	sst s10  }
0x38: {  	s10 =	sld [smem:$0x3FAF]  }
0x39: {  	_ = 	snop;
	(pc) =	sbr.ind lr, $3  }
0x3a: {  	_ = 	snop  }
0x3b: {  	_ = 	snop  }
0x3c: {  	p2 =	seq.s32 s10, $0x1;
	s10 =	sld [smem:$0x3FAE]  }
0x3d: {  	_ =	shalt  }
0x3e: {  	_ =	shalt  }
0x3f: {  	_ =	shalt  }
0x40: {  	_ =	shalt  }
0x41: {  	_ =	shalt  }
0x42: {  	_ =	shalt  }
0x43: {  	_ =	shalt  }
0x44: {  	_ =	shalt  }
0x45: {  	_ =	shalt  }
0x46: {  	_ =	shalt  }
0x47: {  	_ =	shalt  }
0x48: {  	_ =	shalt  }
0x49: {  	_ =	shalt  }
0x4a: {  	_ =	shalt  }
0x4b: {  	_ =	shalt  }
0x4c: {  	_ =	shalt  }
0x4d: {  	_ =	shalt  }
0x4e: {  	_ =	shalt  }
0x4f: {  	_ =	shalt  }
0x50: {  	_ =	shalt  }
0x51: {  	_ =	shalt  }
0x52: {  	_ =	shalt  }
0x53: {  	_ =	shalt  }
0x54: {  	_ =	shalt  }
0x55: {  	_ =	shalt  }
0x56: {  	_ =	shalt  }
0x57: {  	_ =	shalt  }
0x58: {  	_ =	shalt  }
0x59: {  	_ =	shalt  }
0x5a: {  	_ =	shalt  }
0x5b: {  	_ =	shalt  }
0x5c: {  	_ =	shalt  }
0x5d: {  	_ =	shalt  }
0x5e: {  	_ =	shalt  }
0x5f: {  	_ =	shalt  }
0x60: {  	_ =	shalt  }
0x61: {  	_ =	shalt  }
0x62: {  	_ =	shalt  }
0x63: {  	_ =	shalt  }
0x64: {  	_ =	shalt  }
0x65: {  	_ =	shalt  }
0x66: {  	_ =	shalt  }
0x67: {  	_ =	shalt  }
0x68: {  	_ =	shalt  }
0x69: {  	_ =	shalt  }
0x6a: {  	_ =	shalt  }
0x6b: {  	_ =	shalt  }
0x6c: {  	_ =	shalt  }
0x6d: {  	_ =	shalt  }
0x6e: {  	_ =	shalt  }
0x6f: {  	_ =	shalt  }
0x70: {  	_ =	shalt  }
0x71: {  	_ =	shalt  }
0x72: {  	_ =	shalt  }
0x73: {  	_ =	shalt  }
0x74: {  	_ =	shalt  }
0x75: {  	_ =	shalt  }
0x76: {  	_ =	shalt  }
0x77: {  	_ =	shalt  }
0x78: {  	_ =	shalt  }
0x79: {  	_ =	shalt  }
0x7a: {  	_ =	shalt  }
0x7b: {  	_ =	shalt  }
0x7c: {  	_ =	shalt  }
0x7d: {  	_ =	shalt  }
0x7e: {  	_ =	shalt  }
0x7f: {  	_ =	shalt  }
0x80: {  	_ =	shalt  }
0x81: {  	_ =	shalt  }
0x82: {  	_ =	shalt  }
0x83: {  	_ =	shalt  }
0x84: {  	_ =	shalt  }
0x85: {  	_ =	shalt  }
0x86: {  	_ =	shalt  }
0x87: {  	_ =	shalt  }
.Lfunc_end0:
.L_simem_size_0:
called_computation.3_lowered:
.L_overlay_start_0:
0x88: {  	s2 =	sld [smem:$0x3FD9]  }
0x89: {  	s3 =	sld [smem:$0x3FFE];
	_ =	sdelay $0x1  }
0x8a: {  	s1 =	srdreg.scid  }
0x8b: {  	s0 =	sand.u32 $0x1, s1  }
0x8c: {  	s17 =	sshll.u32 s0, $0xA;
	s2 =	sadd.s32 s3, s2  }
0x8d: {  	s2 =	sadd.s32 s2, s17  }
0x8e: {  	[smem:$0x3FBA] =	sst s2  }
0x8f: {  	_ = 	snop  }
0x90: {  	(tm) =	ssettm $0x1  }
0x91: {  	s18 =	sld [smem:$0x3FFB];
	_ =	sdelay $0x3  }
0x92: {  	_ =	strace s18  }
0x93: {  	s2 =	sld [smem:$0x3FFC];
	_ =	sdelay $0x3  }
0x94: {  	_ =	strace s2  }
0x95: {  	s2 =	sld [smem:$0x3FFD];
	_ =	sdelay $0x3  }
0x96: {  	_ =	strace s2  }
0x97: {  	_ =	strace $0x8FFFFFFF  }
0x98: {  	s19 =	sld [smem:$0x3FDB];
	_ =	sdelay $0x1  }
0x99: {  	s20 =	simm.s32 $_scs_section_size  }
0x9a: {  	s4 =	simm.s32 $_size__tile_overlayer_lowered;
	s5 =	simm.s32 $_tile_overlayer_lowered  }
0x9b: {  	s6 =	simm.s32 $0x1BFF;
	s21 =	sshll.u32 s5, $0x1;
	s3 =	sadd.s32 s20, s19  }
0x9c: {  	s22 =	simm.s32 $0x0;
	s4 =	sshll.u32 s4, $0x1;
	s5 =	sadd.s32 s21, s3  }
0x9d: {  	[timem:s22], [sflag:s6] =	dma.local [hbm:s5], s4  }
0x9e: {  	_ =	swait.ge [sflag:s6], s4  }
0x9f: {  	s4 =	ssub.s32 $0x0, s4;
	[sflag:s6] =	ssyncset.done $0x0  }
0xa0: {  	[sflag:s6] =	ssyncadd.s32 s4;
	_ =	sdelay $0x1  }
0xa1: {  	s23 =	simm.s32 $0x1B8B  }
0xa2: {  	_ =	swait.ge [sflag:s23], $0x1  }
0xa3: {  	[sflag:s23] =	ssyncset.done $0x0  }
0xa4: {  	[sflag:s23] =	ssyncadd.s32 $0xFFFFFFFF  }
0xa5: {  	s4 =	sld [smem:$0x0]  }
0xa6: {  	s5 =	sand.u32 $0xFFFFFFFE, s1  }
0xa7: {  	p0 =	sne.s32 s1, s5  }
0xa8: {  	s5 =	sshll.u32 @p0 s5, $0xE  }
0xa9: {  	s5 =	sadd.s32 @p0 $0x11B8D, s5;
	s6 =	sshll.u32 @p0 s4, $0x11  }
0xaa: {  	s5 =	sor.u32 @p0 s6, s5  }
0xab: {  	[sflag:s5] =	ssyncadd.remote.s32 @p0 $0x1;
	_ =	sdelay $0x1  }
0xac: {  	s5 =	simm.s32 @p0 $0x1B8D  }
0xad: {  	_ =	swait.eq @p0 [sflag:s5], $0x1  }
0xae: {  	[sflag:s5] =	ssyncadd.s32 @p0 $0xFFFFFFFF  }
0xaf: {  	s6 =	sshll.u32 @!p0 s1, $0xE  }
0xb0: {  	s6 =	sor.u32 @!p0 $0x4000, s6;
	s5 =	simm.s32 @!p0 $0x1B8D  }
0xb1: {  	s4 =	sshll.u32 @!p0 s4, $0x11;
	s6 =	sadd.s32 @!p0 $0x11B8D, s6;
	_ =	swait.eq @!p0 [sflag:s5], $0x1  }
0xb2: {  	s4 =	sor.u32 @!p0 s4, s6;
	[sflag:s5] =	ssyncadd.s32 @!p0 $0xFFFFFFFF  }
0xb3: {  	s25 =	simm.s32 $0x1B8E;
	s24 =	sld [smem:$0x3FFE];
	[sflag:s4] =	ssyncadd.remote.s32 @!p0 $0x1  }
0xb4: {  	s26 =	simm.s32 $execute0_lowered;
	[smem:$0x3FD2] =	sst s25  }
0xb5: {  	s5 =	sshll.u32 s26, $0x1;
	_ =	strace $0x8000004F;
	[dreg:$0x1] =	wrdreg $0xFFFFFFFF  }
0xb6: {  	s28 =	simm.s32 $_size_execute0_lowered;
	s3 =	sadd.s32 s3, s5;
	[dreg:$0x0] =	wrdreg $0x0  }
0xb7: {  	s5 =	sshll.u32 s28, $0x1;
	[dreg:$0x2] =	wrdreg s3  }
0xb8: {  	[dreg:$0x3] =	wrdreg s5  }
0xb9: {  	[dreg:$0x4] =	wrdreg $0xC0  }
0xba: {  	_ =	task [dreg:s22], $0x5FFFF  }
0xbb: {  	[dreg:$0x1] =	wrdreg $0xFFFFFFFF  }
0xbc: {  	[dreg:$0x0] =	wrdreg $0x60  }
0xbd: {  	[dreg:$0x2] =	wrdreg s24  }
0xbe: {  	[dreg:$0x3] =	wrdreg $0xA  }
0xbf: {  	_ =	task.clear_ibuf [dreg:s22], $0x4FFFF;
	_ =	strace $0x9000004F  }
0xc0: {  	s29 =	simm.s32 $0xA;
	_ =	strace $0x80000058  }
0xc1: {  	_ =	swait.ge [sflag:s29], $0x1  }
0xc2: {  	[sflag:s29] =	ssyncadd.s32 $0xFFFFFFFF  }
0xc3: {  	_ =	strace $0x90000058  }
0xc4: {  	_ =	sfence  }
0xc5: {  	s30 =	sld [smem:$0x0];
	_ =	sdelay $0x2  }
0xc6: {  	s31 =	sshll.u32 s1, $0xD;
	s1 =	sshrl.u32 s1, $0x2  }
0xc7: {  	s4 =	sand.u32 $0x4000, s31;
	s1 =	sadd.s32 s1, s30  }
0xc8: {  	s0 =	sor.u32 s4, s0;
	s1 =	sshll.u32 s1, $0x11  }
0xc9: {  	s0 =	sor.u32 s1, s0  }
0xca: {  	s0 =	sadd.s32 $0x8F2B, s0  }
0xcb: {  	[sflag:s0] =	ssyncadd.remote.s32 $0x1  }
0xcc: {  	_ =	sfence.sel $0xFFFF  }
0xcd: {  	[dreg:$0x0] =	wrdreg $0xFFFFFFFF;
	(pc) =	sbr.abs _section_cstart, $3  }
0xce: {  	[dreg:$0x1] =	wrdreg $0xFFFFFFFF  }
0xcf: {  	_ =	task.clear_ibuf [dreg:s22], $0x2FFFF;
	_ =	strace $0x9FFFFFFF  }
0xd0: {  	(tm) =	ssettm $0x7FFFFFFF  }
0xd1: {  	_ =	shalt  }
tec
execute0_lowered:
.L_overlay_start_1:
0x0: {  	(tag) =	ssettag $0x1  }
0x1: {  	s3 =	rddreg [dreg:$0x0]  }
0x2: {  	s0 =	rddreg [dreg:$0x1];
	s1 =	simm.s32 $0x0;
	s5 =	srdreg.scid  }
0x3: {  	s9 =	simm.s32 $0x800;
	s10 =	simm.s32 $0x5;
	[smem:$0x7FF] =	sst s1  }
0x4: {  	s11 =	simm.s32 $0x0;
	s2 =	sadd.s32 $0x304600, s3;
	s4 =	sadd.s32 $0x104600, s3  }
0x5: {  	s6 =	sadd.s32 $0x4600, s3;
	s5 =	sand.u32 $0x1, s5;
	s3 =	stileid.u32  }
0x6: {  	_ =	strace $0x80000050;
	s7 =	ssub.s32 $0x2, s5;
	s5 =	sshll.u32 s5, $0x4  }
0x7: {  	[dreg:$0x2] =	wrdreg s6;
	s30 =	sshrl.u32 s7, $0x1;
	s8 =	sor.u32 s3, s5  }
0x8: {  	s7 =	ssub.s32 s7, s30;
	s5 =	sshll.u32 s8, $0x3;
	s31 =	sshll.u32 s8, $0xF  }
0x9: {  	s8 =	simm.s32 $0x1;
	s6 =	sadd.s32 s4, s31;
	s7 =	smax.u32 s7, $0x1  }
.LBB2_1:
0xa: {  	_ =	strace $0x80000051;
	s12 =	simm.s32 $0x1;
	p0 =	por $0x0, $0x0  }
0xb: {  	[tilespmem:s1], [sflag:$0x2] =	stream.linear.gather [hbm4b:s6+s1], $0x8000, $0x200038;
	v63 =	vld [tilespmem:$0x0]  }
0xc: {  	s12 =	simm.s32 @p0 $0x0  }
0xd: {  	p1 =	por $0x1, $0x1;
	p0 =	sne.s32 s12, $0x0  }
0xe: {  	p1 =	por !p1, !p0  }
0xf: {  	p2 =	por !p1, !p1  }
0x10: {  	s13 =	sadd.s32 @p2 s5, s12  }
0x11: {  	_ =	strace $0x90000051;
	s14 =	sand.u32 @p2 $0x1, s8;
	s13 =	sshll.u32 @p2 s13, $0xC  }
0x12: {  	s15 =	simm.s32 @p2 $0x0;
	_ =	strace @p2 $0x80000052;
	s13 =	sand.u32 @p2 $0x1FFFF000, s13  }
0x13: {  	s16 =	sshll.u32 @p2 s14, $0xF;
	s14 =	sor.u32 @p2 $0x2, s14;
	s13 =	sadd.s32 @p2 s4, s13  }
0x14: {  	[tilespmem:s16], [sflag:s14] =	stream.linear.gather @p2 [hbm4b:s13+s15], $0x8000, $0x200038;
	v63 =	vld [tilespmem:$0x0]  }
0x15: {  	s15 =	sand.u32 $0x1, s1;
	_ =	strace @p2 $0x90000052  }
0x16: {  	s26 =	sor.u32 $0x2, s15;
	_ =	strace $0x80000053  }
0x17: {  	_ =	swait.ge [sflag:s26], $0x8000  }
0x18: {  	[sflag:s26] =	ssyncset.done $0x0  }
0x19: {  	[sflag:s26] =	ssyncadd.s32 $0xFFFF8000  }
0x1a: {  	s29 =	simm.s32 $0x0;
	s14 =	sshll.u32 s15, $0xF;
	_ =	strace $0x90000053  }
0x1b: {  	s13 =	sand.u32 $0x8000, s29;
	s16 =	sor.u32 $0x10000, s14;
	_ =	strace $0x80000054  }
0x1c: {  	[tilespmem:s16], [sflag:$0x1] =	stream.indirect.gather [hbm4b:s2+s9], $0x1, s13, s9, $0x2000b8;
	v63 =	vld [tilespmem:$0x0]  }
0x1d: {  	s18 =	sor.u32 $0x800, s13;
	s17 =	sor.u32 $0x10800, s14  }
0x1e: {  	[tilespmem:s17], [sflag:$0x1] =	stream.indirect.gather [hbm4b:s2+s9], $0x1, s18, s9, $0x2000b8;
	v63 =	vld [tilespmem:$0x0]  }
0x1f: {  	s31 =	sor.u32 $0x1000, s13;
	s30 =	sor.u32 $0x11000, s14  }
0x20: {  	[tilespmem:s30], [sflag:$0x1] =	stream.indirect.gather [hbm4b:s2+s9], $0x1, s31, s9, $0x2000b8;
	v63 =	vld [tilespmem:$0x0]  }
0x21: {  	s19 =	sor.u32 $0x1800, s13;
	s18 =	sor.u32 $0x11800, s14  }
0x22: {  	[tilespmem:s18], [sflag:$0x1] =	stream.indirect.gather [hbm4b:s2+s9], $0x1, s19, s9, $0x2000b8;
	v63 =	vld [tilespmem:$0x0]  }
0x23: {  	s21 =	sor.u32 $0x2000, s13;
	s20 =	sor.u32 $0x12000, s14  }
0x24: {  	[tilespmem:s20], [sflag:$0x1] =	stream.indirect.gather [hbm4b:s2+s9], $0x1, s21, s9, $0x2000b8;
	v63 =	vld [tilespmem:$0x0]  }
0x25: {  	s23 =	sor.u32 $0x2800, s13;
	s22 =	sor.u32 $0x12800, s14  }
0x26: {  	[tilespmem:s22], [sflag:$0x1] =	stream.indirect.gather [hbm4b:s2+s9], $0x1, s23, s9, $0x2000b8;
	v63 =	vld [tilespmem:$0x0]  }
0x27: {  	s25 =	sor.u32 $0x3000, s13;
	s24 =	sor.u32 $0x13000, s14  }
0x28: {  	[tilespmem:s24], [sflag:$0x1] =	stream.indirect.gather [hbm4b:s2+s9], $0x1, s25, s9, $0x2000b8;
	v63 =	vld [tilespmem:$0x0]  }
0x29: {  	s29 =	sor.u32 $0x3800, s13;
	s26 =	sor.u32 $0x13800, s14  }
0x2a: {  	[tilespmem:s26], [sflag:$0x1] =	stream.indirect.gather [hbm4b:s2+s9], $0x1, s29, s9, $0x2000b8;
	v63 =	vld [tilespmem:$0x0]  }
0x2b: {  	s30 =	sor.u32 $0x14000, s14;
	s31 =	sor.u32 $0x4000, s13  }
0x2c: {  	[tilespmem:s30], [sflag:$0x1] =	stream.indirect.gather [hbm4b:s2+s9], $0x1, s31, s9, $0x2000b8;
	v63 =	vld [tilespmem:$0x0]  }
0x2d: {  	s18 =	sor.u32 $0x14800, s14;
	s19 =	sor.u32 $0x4800, s13  }
0x2e: {  	[tilespmem:s18], [sflag:$0x1] =	stream.indirect.gather [hbm4b:s2+s9], $0x1, s19, s9, $0x2000b8;
	v63 =	vld [tilespmem:$0x0]  }
0x2f: {  	s20 =	sor.u32 $0x15000, s14;
	s21 =	sor.u32 $0x5000, s13  }
0x30: {  	[tilespmem:s20], [sflag:$0x1] =	stream.indirect.gather [hbm4b:s2+s9], $0x1, s21, s9, $0x2000b8;
	v63 =	vld [tilespmem:$0x0]  }
0x31: {  	s22 =	sor.u32 $0x15800, s14;
	s23 =	sor.u32 $0x5800, s13  }
0x32: {  	[tilespmem:s22], [sflag:$0x1] =	stream.indirect.gather [hbm4b:s2+s9], $0x1, s23, s9, $0x2000b8;
	v63 =	vld [tilespmem:$0x0]  }
0x33: {  	s24 =	sor.u32 $0x16000, s14;
	s25 =	sor.u32 $0x6000, s13  }
0x34: {  	[tilespmem:s24], [sflag:$0x1] =	stream.indirect.gather [hbm4b:s2+s9], $0x1, s25, s9, $0x2000b8;
	v63 =	vld [tilespmem:$0x0]  }
0x35: {  	s26 =	sor.u32 $0x16800, s14;
	s29 =	sor.u32 $0x6800, s13  }
0x36: {  	[tilespmem:s26], [sflag:$0x1] =	stream.indirect.gather [hbm4b:s2+s9], $0x1, s29, s9, $0x2000b8;
	v63 =	vld [tilespmem:$0x0]  }
0x37: {  	s30 =	sor.u32 $0x17000, s14;
	s31 =	sor.u32 $0x7000, s13  }
0x38: {  	[tilespmem:s30], [sflag:$0x1] =	stream.indirect.gather [hbm4b:s2+s9], $0x1, s31, s9, $0x2000b8;
	v63 =	vld [tilespmem:$0x0]  }
0x39: {  	s14 =	sor.u32 $0x17800, s14;
	s13 =	sor.u32 $0x7800, s13  }
0x3a: {  	[tilespmem:s14], [sflag:$0x1] =	stream.indirect.gather [hbm4b:s2+s9], $0x1, s13, s9, $0x2000b8;
	v63 =	vld [tilespmem:$0x0]  }
0x3b: {  	_ =	swait.ge [sflag:s8], $0x800  }
0x3c: {  	[sflag:s8] =	ssyncset.done $0x0  }
0x3d: {  	[sflag:s8] =	ssyncadd.s32 $0xFFFFF800  }
0x3e: {  	_ =	swait.ge [sflag:s8], $0x800  }
0x3f: {  	[sflag:s8] =	ssyncset.done $0x0  }
0x40: {  	[sflag:s8] =	ssyncadd.s32 $0xFFFFF800  }
0x41: {  	_ =	swait.ge [sflag:s8], $0x800  }
0x42: {  	[sflag:s8] =	ssyncset.done $0x0  }
0x43: {  	[sflag:s8] =	ssyncadd.s32 $0xFFFFF800  }
0x44: {  	_ =	swait.ge [sflag:s8], $0x800  }
0x45: {  	[sflag:s8] =	ssyncset.done $0x0  }
0x46: {  	[sflag:s8] =	ssyncadd.s32 $0xFFFFF800  }
0x47: {  	_ =	swait.ge [sflag:s8], $0x800  }
0x48: {  	[sflag:s8] =	ssyncset.done $0x0  }
0x49: {  	[sflag:s8] =	ssyncadd.s32 $0xFFFFF800  }
0x4a: {  	_ =	swait.ge [sflag:s8], $0x800  }
0x4b: {  	[sflag:s8] =	ssyncset.done $0x0  }
0x4c: {  	[sflag:s8] =	ssyncadd.s32 $0xFFFFF800  }
0x4d: {  	_ =	swait.ge [sflag:s8], $0x800  }
0x4e: {  	[sflag:s8] =	ssyncset.done $0x0  }
0x4f: {  	[sflag:s8] =	ssyncadd.s32 $0xFFFFF800  }
0x50: {  	_ =	swait.ge [sflag:s8], $0x800  }
0x51: {  	[sflag:s8] =	ssyncset.done $0x0  }
0x52: {  	[sflag:s8] =	ssyncadd.s32 $0xFFFFF800  }
0x53: {  	_ =	swait.ge [sflag:s8], $0x800  }
0x54: {  	[sflag:s8] =	ssyncset.done $0x0  }
0x55: {  	[sflag:s8] =	ssyncadd.s32 $0xFFFFF800  }
0x56: {  	_ =	swait.ge [sflag:s8], $0x800  }
0x57: {  	[sflag:s8] =	ssyncset.done $0x0  }
0x58: {  	[sflag:s8] =	ssyncadd.s32 $0xFFFFF800  }
0x59: {  	_ =	swait.ge [sflag:s8], $0x800  }
0x5a: {  	[sflag:s8] =	ssyncset.done $0x0  }
0x5b: {  	[sflag:s8] =	ssyncadd.s32 $0xFFFFF800  }
0x5c: {  	_ =	swait.ge [sflag:s8], $0x800  }
0x5d: {  	[sflag:s8] =	ssyncset.done $0x0  }
0x5e: {  	p3 =	por $0x0, $0x0;
	[sflag:s8] =	ssyncadd.s32 $0xFFFFF800  }
0x5f: {  	p4 =	por $0x0, $0x0;
	p6 =	por $0x1, $0x1;
	_ =	swait.ge [sflag:s8], $0x800  }
0x60: {  	p5 =	por p4, p0;
	p1 =	por $0x1, $0x1;
	[sflag:s8] =	ssyncset.done $0x0  }
0x61: {  	s17 =	simm.s32 $0x6;
	s18 =	simm.s32 $0x1;
	[sflag:s8] =	ssyncadd.s32 $0xFFFFF800  }
0x62: {  	s19 =	sadd.s32 $0x1, s12;
	s18 =	simm.s32 @!p2 $0x0;
	_ =	swait.ge [sflag:s8], $0x800  }
0x63: {  	p2 =	por $0x0, $0x0;
	s20 =	sadd.s32 $0x0, s5;
	[sflag:s8] =	ssyncset.done $0x0  }
0x64: {  	s21 =	sadd.s32 $0x1, s18;
	s18 =	simm.s32 $0x0;
	[sflag:s8] =	ssyncadd.s32 $0xFFFFF800  }
0x65: {  	s22 =	sshll.u32 @p5 s20, $0xC;
	s20 =	simm.s32 $0x0;
	_ =	swait.ge [sflag:s8], $0x800  }
0x66: {  	s14 =	sand.u32 @!p1 $0x1, s1;
	p1 =	por p1, p1;
	[sflag:s8] =	ssyncset.done $0x0  }
0x67: {  	s25 =	sor.u32 @!p1 $0x4, s14;
	s14 =	simm.s32 $0x1;
	[sflag:s8] =	ssyncadd.s32 $0xFFFFF800  }
0x68: {  	s14 =	simm.s32 @!p2 $0x0;
	p2 =	seq.s32 s19, $0x8;
	_ =	swait.ge [sflag:s8], $0x800  }
0x69: {  	s24 =	simm.s32 $0x1;
	s19 =	simm.s32 @p2 $0x0;
	[sflag:s8] =	ssyncset.done $0x0  }
0x6a: {  	s24 =	simm.s32 @!p5 $0x0;
	p0 =	sne.s32 s12, s19;
	[sflag:s8] =	ssyncadd.s32 $0xFFFFF800  }
0x6b: {  	s13 =	simm.s32 $0x7;
	p2 =	por !p6, !p0;
	_ =	strace $0x90000054  }
0x6c: {  	s14 =	sadd.s32 $0x0, s14;
	p2 =	por !p2, !p2;
	_ =	strace @p5 $0x80000055  }
0x6d: {  	s26 =	sand.u32 @p2 $0x1, s21;
	s23 =	sadd.s32 @p2 s5, s19;
	s28 =	rddreg [dreg:$0x2]  }
.LBB2_2:
0x6e: {  	s29 =	sshll.u32 @p2 s23, $0xC;
	s30 =	sand.u32 @p5 $0x1FFFF000, s22  }
0x6f: {  	s23 =	smov.u32 s12;
	s15 =	sor.u32 @p5 $0x4, s15;
	s12 =	sand.u32 @p2 $0x1FFFF000, s29  }
0x70: {  	s29 =	simm.s32 @p5 $0x0;
	s31 =	sadd.s32 @p2 s4, s12;
	s12 =	sadd.s32 @p5 s28, s30  }
0x71: {  	[hbm4b:s12+s29] =	stream.linear.scatter @p5 [tilespmem:s16], [sflag:s15], $0x8000, $0x200038;
	v63 =	vld [tilespmem:$0x0]  }
0x72: {  	_ =	strace @p5 $0x90000055  }
0x73: {  	_ =	strace @!p1 $0x80000056  }
0x74: {  	_ =	swait.ge @!p1 [sflag:s25], $0x8000  }
0x75: {  	[sflag:s25] =	ssyncset.done @!p1 $0x0  }
0x76: {  	[sflag:s25] =	ssyncadd.s32 @!p1 $0xFFFF8000  }
0x77: {  	s20 =	sadd.s32 s24, s20;
	s16 =	simm.s32 @p2 $0x0;
	_ =	strace @!p1 $0x90000056  }
0x78: {  	s25 =	sshll.u32 @p2 s26, $0xF;
	s26 =	sor.u32 @p2 $0x2, s26;
	_ =	strace @p2 $0x80000052  }
0x79: {  	[tilespmem:s25], [sflag:s26] =	stream.linear.gather @p2 [hbm4b:s31+s16], $0x8000, $0x200038;
	v63 =	vld [tilespmem:$0x0]  }
0x7a: {  	s29 =	sand.u32 $0x1, s20;
	_ =	strace @p2 $0x90000052  }
0x7b: {  	s15 =	sor.u32 $0x2, s29;
	_ =	strace $0x80000053  }
0x7c: {  	_ =	swait.ge [sflag:s15], $0x8000  }
0x7d: {  	s18 =	sadd.s32 s24, s18;
	[sflag:s15] =	ssyncset.done $0x0  }
0x7e: {  	[sflag:s15] =	ssyncadd.s32 $0xFFFF8000;
	s15 =	sand.u32 $0x1, s18  }
0x7f: {  	s28 =	sshll.u32 s20, $0xF;
	_ =	strace $0x90000053;
	s25 =	sshll.u32 s15, $0xF  }
0x80: {  	s26 =	sand.u32 $0x8000, s28;
	_ =	strace $0x80000054;
	s16 =	sor.u32 $0x10000, s25  }
0x81: {  	[tilespmem:s16], [sflag:$0x1] =	stream.indirect.gather [hbm4b:s2+s9], $0x1, s26, s9, $0x2000b8;
	v63 =	vld [tilespmem:$0x0]  }
0x82: {  	s30 =	sor.u32 $0x800, s26;
	s28 =	sor.u32 $0x10800, s25  }
0x83: {  	[tilespmem:s28], [sflag:$0x1] =	stream.indirect.gather [hbm4b:s2+s9], $0x1, s30, s9, $0x2000b8;
	v63 =	vld [tilespmem:$0x0]  }
0x84: {  	s31 =	sor.u32 $0x1000, s26;
	s28 =	sor.u32 $0x11000, s25  }
0x85: {  	[tilespmem:s28], [sflag:$0x1] =	stream.indirect.gather [hbm4b:s2+s9], $0x1, s31, s9, $0x2000b8;
	v63 =	vld [tilespmem:$0x0]  }
0x86: {  	s30 =	sor.u32 $0x1800, s26;
	s28 =	sor.u32 $0x11800, s25  }
0x87: {  	[tilespmem:s28], [sflag:$0x1] =	stream.indirect.gather [hbm4b:s2+s9], $0x1, s30, s9, $0x2000b8;
	v63 =	vld [tilespmem:$0x0]  }
0x88: {  	s31 =	sor.u32 $0x2000, s26;
	s28 =	sor.u32 $0x12000, s25  }
0x89: {  	[tilespmem:s28], [sflag:$0x1] =	stream.indirect.gather [hbm4b:s2+s9], $0x1, s31, s9, $0x2000b8;
	v63 =	vld [tilespmem:$0x0]  }
0x8a: {  	s30 =	sor.u32 $0x2800, s26;
	s28 =	sor.u32 $0x12800, s25  }
0x8b: {  	[tilespmem:s28], [sflag:$0x1] =	stream.indirect.gather [hbm4b:s2+s9], $0x1, s30, s9, $0x2000b8;
	v63 =	vld [tilespmem:$0x0]  }
0x8c: {  	s31 =	sor.u32 $0x3000, s26;
	s28 =	sor.u32 $0x13000, s25  }
0x8d: {  	[tilespmem:s28], [sflag:$0x1] =	stream.indirect.gather [hbm4b:s2+s9], $0x1, s31, s9, $0x2000b8;
	v63 =	vld [tilespmem:$0x0]  }
0x8e: {  	s30 =	sor.u32 $0x3800, s26;
	s28 =	sor.u32 $0x13800, s25  }
0x8f: {  	[tilespmem:s28], [sflag:$0x1] =	stream.indirect.gather [hbm4b:s2+s9], $0x1, s30, s9, $0x2000b8;
	v63 =	vld [tilespmem:$0x0]  }
0x90: {  	s31 =	sor.u32 $0x4000, s26;
	s28 =	sor.u32 $0x14000, s25  }
0x91: {  	[tilespmem:s28], [sflag:$0x1] =	stream.indirect.gather [hbm4b:s2+s9], $0x1, s31, s9, $0x2000b8;
	v63 =	vld [tilespmem:$0x0]  }
0x92: {  	s30 =	sor.u32 $0x4800, s26;
	s28 =	sor.u32 $0x14800, s25  }
0x93: {  	[tilespmem:s28], [sflag:$0x1] =	stream.indirect.gather [hbm4b:s2+s9], $0x1, s30, s9, $0x2000b8;
	v63 =	vld [tilespmem:$0x0]  }
0x94: {  	s31 =	sor.u32 $0x5000, s26;
	s28 =	sor.u32 $0x15000, s25  }
0x95: {  	[tilespmem:s28], [sflag:$0x1] =	stream.indirect.gather [hbm4b:s2+s9], $0x1, s31, s9, $0x2000b8;
	v63 =	vld [tilespmem:$0x0]  }
0x96: {  	s30 =	sor.u32 $0x5800, s26;
	s28 =	sor.u32 $0x15800, s25  }
0x97: {  	[tilespmem:s28], [sflag:$0x1] =	stream.indirect.gather [hbm4b:s2+s9], $0x1, s30, s9, $0x2000b8;
	v63 =	vld [tilespmem:$0x0]  }
0x98: {  	s31 =	sor.u32 $0x6000, s26;
	s28 =	sor.u32 $0x16000, s25  }
0x99: {  	[tilespmem:s28], [sflag:$0x1] =	stream.indirect.gather [hbm4b:s2+s9], $0x1, s31, s9, $0x2000b8;
	v63 =	vld [tilespmem:$0x0]  }
0x9a: {  	s30 =	sor.u32 $0x6800, s26;
	s28 =	sor.u32 $0x16800, s25  }
0x9b: {  	[tilespmem:s28], [sflag:$0x1] =	stream.indirect.gather [hbm4b:s2+s9], $0x1, s30, s9, $0x2000b8;
	v63 =	vld [tilespmem:$0x0]  }
0x9c: {  	s31 =	sor.u32 $0x7000, s26;
	s28 =	sor.u32 $0x17000, s25  }
0x9d: {  	[tilespmem:s28], [sflag:$0x1] =	stream.indirect.gather [hbm4b:s2+s9], $0x1, s31, s9, $0x2000b8;
	v63 =	vld [tilespmem:$0x0]  }
0x9e: {  	s26 =	sor.u32 $0x7800, s26;
	s25 =	sor.u32 $0x17800, s25  }
0x9f: {  	[tilespmem:s25], [sflag:$0x1] =	stream.indirect.gather [hbm4b:s2+s9], $0x1, s26, s9, $0x2000b8;
	v63 =	vld [tilespmem:$0x0]  }
0xa0: {  	_ =	swait.ge [sflag:s8], $0x800  }
0xa1: {  	[sflag:s8] =	ssyncset.done $0x0  }
0xa2: {  	[sflag:s8] =	ssyncadd.s32 $0xFFFFF800  }
0xa3: {  	_ =	swait.ge [sflag:s8], $0x800  }
0xa4: {  	[sflag:s8] =	ssyncset.done $0x0  }
0xa5: {  	[sflag:s8] =	ssyncadd.s32 $0xFFFFF800  }
0xa6: {  	_ =	swait.ge [sflag:s8], $0x800  }
0xa7: {  	[sflag:s8] =	ssyncset.done $0x0  }
0xa8: {  	[sflag:s8] =	ssyncadd.s32 $0xFFFFF800  }
0xa9: {  	_ =	swait.ge [sflag:s8], $0x800  }
0xaa: {  	[sflag:s8] =	ssyncset.done $0x0  }
0xab: {  	[sflag:s8] =	ssyncadd.s32 $0xFFFFF800  }
0xac: {  	_ =	swait.ge [sflag:s8], $0x800  }
0xad: {  	[sflag:s8] =	ssyncset.done $0x0  }
0xae: {  	[sflag:s8] =	ssyncadd.s32 $0xFFFFF800  }
0xaf: {  	_ =	swait.ge [sflag:s8], $0x800  }
0xb0: {  	[sflag:s8] =	ssyncset.done $0x0  }
0xb1: {  	[sflag:s8] =	ssyncadd.s32 $0xFFFFF800  }
0xb2: {  	_ =	swait.ge [sflag:s8], $0x800  }
0xb3: {  	[sflag:s8] =	ssyncset.done $0x0  }
0xb4: {  	[sflag:s8] =	ssyncadd.s32 $0xFFFFF800  }
0xb5: {  	_ =	swait.ge [sflag:s8], $0x800  }
0xb6: {  	[sflag:s8] =	ssyncset.done $0x0  }
0xb7: {  	[sflag:s8] =	ssyncadd.s32 $0xFFFFF800  }
0xb8: {  	_ =	swait.ge [sflag:s8], $0x800  }
0xb9: {  	[sflag:s8] =	ssyncset.done $0x0  }
0xba: {  	[sflag:s8] =	ssyncadd.s32 $0xFFFFF800  }
0xbb: {  	_ =	swait.ge [sflag:s8], $0x800  }
0xbc: {  	[sflag:s8] =	ssyncset.done $0x0  }
0xbd: {  	[sflag:s8] =	ssyncadd.s32 $0xFFFFF800  }
0xbe: {  	_ =	swait.ge [sflag:s8], $0x800  }
0xbf: {  	[sflag:s8] =	ssyncset.done $0x0  }
0xc0: {  	[sflag:s8] =	ssyncadd.s32 $0xFFFFF800  }
0xc1: {  	_ =	swait.ge [sflag:s8], $0x800  }
0xc2: {  	[sflag:s8] =	ssyncset.done $0x0  }
0xc3: {  	s22 =	smov.u32 s13;
	s13 =	smov.u32 s17;
	[sflag:s8] =	ssyncadd.s32 $0xFFFFF800  }
0xc4: {  	s17 =	sadd.s32 $0xFFFFFFFF, s17;
	s24 =	sand.u32 @!p3 $0x1, s14;
	_ =	swait.ge [sflag:s8], $0x800  }
0xc5: {  	p4 =	sne.s32 s17, $0x0;
	p6 =	seq.s32 s22, $0x1;
	[sflag:s8] =	ssyncset.done $0x0  }
0xc6: {  	s23 =	sadd.s32 s5, s23;
	s12 =	smov.u32 s19;
	[sflag:s8] =	ssyncadd.s32 $0xFFFFF800  }
0xc7: {  	s19 =	sadd.s32 $0x1, s19;
	p5 =	por p6, p0;
	_ =	swait.ge [sflag:s8], $0x800  }
0xc8: {  	p6 =	sne.s32 s13, $0x1;
	p1 =	por p3, p3;
	[sflag:s8] =	ssyncset.done $0x0  }
0xc9: {  	p3 =	seq.s32 s13, $0x8;
	s26 =	simm.s32 $0x1;
	[sflag:s8] =	ssyncadd.s32 $0xFFFFF800  }
0xca: {  	s25 =	sor.u32 @!p1 $0x4, s24;
	s24 =	simm.s32 $0x1;
	_ =	swait.ge [sflag:s8], $0x800  }
0xcb: {  	s26 =	simm.s32 @!p2 $0x0;
	p2 =	sne.s32 s22, $0x8;
	[sflag:s8] =	ssyncset.done $0x0  }
0xcc: {  	s22 =	simm.s32 $0x1;
	s24 =	simm.s32 @!p5 $0x0;
	[sflag:s8] =	ssyncadd.s32 $0xFFFFF800  }
0xcd: {  	s22 =	simm.s32 @!p2 $0x0;
	p2 =	seq.s32 s19, $0x8;
	_ =	swait.ge [sflag:s8], $0x800  }
.Ltmp0:
0xce: {  	s19 =	simm.s32 @p2 $0x0;
	[sflag:s8] =	ssyncset.done $0x0;
	(pc) =	sbr.rel @p4 .LBB2_2-.Ltmp0, $4  }
0xcf: {  	s21 =	sadd.s32 s26, s21;
	p0 =	sne.s32 s12, s19;
	[sflag:s8] =	ssyncadd.s32 $0xFFFFF800  }
0xd0: {  	s14 =	sadd.s32 s22, s14;
	p2 =	por !p6, !p0;
	_ =	strace $0x90000054  }
0xd1: {  	s22 =	sshll.u32 @p5 s23, $0xC;
	p2 =	por !p2, !p2;
	_ =	strace @p5 $0x80000055  }
0xd2: {  	s26 =	sand.u32 @p2 $0x1, s21;
	s23 =	sadd.s32 @p2 s5, s19;
	s28 =	rddreg [dreg:$0x2]  }
0xd3: {  	s17 =	sand.u32 @p5 $0x1FFFF000, s22  }
0xd4: {  	s15 =	sor.u32 @p5 $0x4, s15;
	s19 =	simm.s32 @p5 $0x0;
	s17 =	sadd.s32 @p5 s28, s17  }
0xd5: {  	[hbm4b:s17+s19] =	stream.linear.scatter @p5 [tilespmem:s16], [sflag:s15], $0x8000, $0x200038;
	v63 =	vld [tilespmem:$0x0]  }
0xd6: {  	_ =	strace @p5 $0x90000055  }
0xd7: {  	_ =	strace @!p1 $0x80000056  }
0xd8: {  	_ =	swait.ge @!p1 [sflag:s25], $0x8000  }
0xd9: {  	s31 =	sadd.s32 s24, s20;
	[sflag:s25] =	ssyncset.done @!p1 $0x0  }
0xda: {  	s20 =	sor.u32 @p2 $0x2, s26;
	s15 =	sshll.u32 @p2 s23, $0xC;
	[sflag:s25] =	ssyncadd.s32 @!p1 $0xFFFF8000  }
0xdb: {  	s17 =	simm.s32 @p2 $0x0;
	s15 =	sand.u32 @p2 $0x1FFFF000, s15;
	_ =	strace @!p1 $0x90000056  }
0xdc: {  	s19 =	sshll.u32 @p2 s26, $0xF;
	s15 =	sadd.s32 @p2 s4, s15;
	_ =	strace @p2 $0x80000052  }
0xdd: {  	[tilespmem:s19], [sflag:s20] =	stream.linear.gather @p2 [hbm4b:s15+s17], $0x8000, $0x200038;
	v63 =	vld [tilespmem:$0x0]  }
0xde: {  	s20 =	sand.u32 $0x1, s31;
	_ =	strace @p2 $0x90000052  }
0xdf: {  	s15 =	sor.u32 $0x2, s20;
	_ =	strace $0x80000053  }
0xe0: {  	_ =	swait.ge [sflag:s15], $0x8000  }
0xe1: {  	s21 =	sadd.s32 s24, s18;
	[sflag:s15] =	ssyncset.done $0x0  }
0xe2: {  	[sflag:s15] =	ssyncadd.s32 $0xFFFF8000;
	s15 =	sand.u32 $0x1, s21  }
0xe3: {  	s22 =	sshll.u32 s31, $0xF;
	_ =	strace $0x90000053;
	s18 =	sshll.u32 s15, $0xF  }
0xe4: {  	s17 =	sand.u32 $0x8000, s22;
	_ =	strace $0x80000054;
	s16 =	sor.u32 $0x10000, s18  }
0xe5: {  	[tilespmem:s16], [sflag:$0x1] =	stream.indirect.gather [hbm4b:s2+s9], $0x1, s17, s9, $0x2000b8;
	v63 =	vld [tilespmem:$0x0]  }
0xe6: {  	s24 =	sor.u32 $0x800, s17;
	s23 =	sor.u32 $0x10800, s18  }
0xe7: {  	[tilespmem:s23], [sflag:$0x1] =	stream.indirect.gather [hbm4b:s2+s9], $0x1, s24, s9, $0x2000b8;
	v63 =	vld [tilespmem:$0x0]  }
0xe8: {  	s26 =	sor.u32 $0x1000, s17;
	s25 =	sor.u32 $0x11000, s18  }
0xe9: {  	[tilespmem:s25], [sflag:$0x1] =	stream.indirect.gather [hbm4b:s2+s9], $0x1, s26, s9, $0x2000b8;
	v63 =	vld [tilespmem:$0x0]  }
0xea: {  	s29 =	sor.u32 $0x1800, s17;
	s28 =	sor.u32 $0x11800, s18  }
0xeb: {  	[tilespmem:s28], [sflag:$0x1] =	stream.indirect.gather [hbm4b:s2+s9], $0x1, s29, s9, $0x2000b8;
	v63 =	vld [tilespmem:$0x0]  }
0xec: {  	s31 =	sor.u32 $0x2000, s17;
	s30 =	sor.u32 $0x12000, s18  }
0xed: {  	[tilespmem:s30], [sflag:$0x1] =	stream.indirect.gather [hbm4b:s2+s9], $0x1, s31, s9, $0x2000b8;
	v63 =	vld [tilespmem:$0x0]  }
0xee: {  	s22 =	sor.u32 $0x2800, s17;
	s21 =	sor.u32 $0x12800, s18  }
0xef: {  	[tilespmem:s21], [sflag:$0x1] =	stream.indirect.gather [hbm4b:s2+s9], $0x1, s22, s9, $0x2000b8;
	v63 =	vld [tilespmem:$0x0]  }
0xf0: {  	s23 =	sor.u32 $0x13000, s18;
	s24 =	sor.u32 $0x3000, s17  }
0xf1: {  	[tilespmem:s23], [sflag:$0x1] =	stream.indirect.gather [hbm4b:s2+s9], $0x1, s24, s9, $0x2000b8;
	v63 =	vld [tilespmem:$0x0]  }
0xf2: {  	s25 =	sor.u32 $0x13800, s18;
	s26 =	sor.u32 $0x3800, s17  }
0xf3: {  	[tilespmem:s25], [sflag:$0x1] =	stream.indirect.gather [hbm4b:s2+s9], $0x1, s26, s9, $0x2000b8;
	v63 =	vld [tilespmem:$0x0]  }
0xf4: {  	s28 =	sor.u32 $0x14000, s18;
	s29 =	sor.u32 $0x4000, s17  }
0xf5: {  	[tilespmem:s28], [sflag:$0x1] =	stream.indirect.gather [hbm4b:s2+s9], $0x1, s29, s9, $0x2000b8;
	v63 =	vld [tilespmem:$0x0]  }
0xf6: {  	s30 =	sor.u32 $0x14800, s18;
	s31 =	sor.u32 $0x4800, s17  }
0xf7: {  	[tilespmem:s30], [sflag:$0x1] =	stream.indirect.gather [hbm4b:s2+s9], $0x1, s31, s9, $0x2000b8;
	v63 =	vld [tilespmem:$0x0]  }
0xf8: {  	s21 =	sor.u32 $0x15000, s18;
	s22 =	sor.u32 $0x5000, s17  }
0xf9: {  	[tilespmem:s21], [sflag:$0x1] =	stream.indirect.gather [hbm4b:s2+s9], $0x1, s22, s9, $0x2000b8;
	v63 =	vld [tilespmem:$0x0]  }
0xfa: {  	s23 =	sor.u32 $0x15800, s18;
	s24 =	sor.u32 $0x5800, s17  }
0xfb: {  	[tilespmem:s23], [sflag:$0x1] =	stream.indirect.gather [hbm4b:s2+s9], $0x1, s24, s9, $0x2000b8;
	v63 =	vld [tilespmem:$0x0]  }
0xfc: {  	s25 =	sor.u32 $0x16000, s18;
	s26 =	sor.u32 $0x6000, s17  }
0xfd: {  	[tilespmem:s25], [sflag:$0x1] =	stream.indirect.gather [hbm4b:s2+s9], $0x1, s26, s9, $0x2000b8;
	v63 =	vld [tilespmem:$0x0]  }
0xfe: {  	s28 =	sor.u32 $0x16800, s18;
	s29 =	sor.u32 $0x6800, s17  }
0xff: {  	[tilespmem:s28], [sflag:$0x1] =	stream.indirect.gather [hbm4b:s2+s9], $0x1, s29, s9, $0x2000b8;
	v63 =	vld [tilespmem:$0x0]  }
0x100: {  	s30 =	sor.u32 $0x17000, s18;
	s31 =	sor.u32 $0x7000, s17  }
0x101: {  	[tilespmem:s30], [sflag:$0x1] =	stream.indirect.gather [hbm4b:s2+s9], $0x1, s31, s9, $0x2000b8;
	v63 =	vld [tilespmem:$0x0]  }
0x102: {  	s18 =	sor.u32 $0x17800, s18;
	s17 =	sor.u32 $0x7800, s17  }
0x103: {  	[tilespmem:s18], [sflag:$0x1] =	stream.indirect.gather [hbm4b:s2+s9], $0x1, s17, s9, $0x2000b8;
	v63 =	vld [tilespmem:$0x0]  }
0x104: {  	_ =	swait.ge [sflag:s8], $0x800  }
0x105: {  	[sflag:s8] =	ssyncset.done $0x0  }
0x106: {  	[sflag:s8] =	ssyncadd.s32 $0xFFFFF800  }
0x107: {  	_ =	swait.ge [sflag:s8], $0x800  }
0x108: {  	[sflag:s8] =	ssyncset.done $0x0  }
0x109: {  	[sflag:s8] =	ssyncadd.s32 $0xFFFFF800  }
0x10a: {  	_ =	swait.ge [sflag:s8], $0x800  }
0x10b: {  	[sflag:s8] =	ssyncset.done $0x0  }
0x10c: {  	[sflag:s8] =	ssyncadd.s32 $0xFFFFF800  }
0x10d: {  	_ =	swait.ge [sflag:s8], $0x800  }
0x10e: {  	[sflag:s8] =	ssyncset.done $0x0  }
0x10f: {  	[sflag:s8] =	ssyncadd.s32 $0xFFFFF800  }
0x110: {  	_ =	swait.ge [sflag:s8], $0x800  }
0x111: {  	[sflag:s8] =	ssyncset.done $0x0  }
0x112: {  	[sflag:s8] =	ssyncadd.s32 $0xFFFFF800  }
0x113: {  	_ =	swait.ge [sflag:s8], $0x800  }
0x114: {  	[sflag:s8] =	ssyncset.done $0x0  }
0x115: {  	[sflag:s8] =	ssyncadd.s32 $0xFFFFF800  }
0x116: {  	_ =	swait.ge [sflag:s8], $0x800  }
0x117: {  	[sflag:s8] =	ssyncset.done $0x0  }
0x118: {  	[sflag:s8] =	ssyncadd.s32 $0xFFFFF800  }
0x119: {  	_ =	swait.ge [sflag:s8], $0x800  }
0x11a: {  	[sflag:s8] =	ssyncset.done $0x0  }
0x11b: {  	[sflag:s8] =	ssyncadd.s32 $0xFFFFF800  }
0x11c: {  	_ =	swait.ge [sflag:s8], $0x800  }
0x11d: {  	[sflag:s8] =	ssyncset.done $0x0  }
0x11e: {  	[sflag:s8] =	ssyncadd.s32 $0xFFFFF800  }
0x11f: {  	_ =	swait.ge [sflag:s8], $0x800  }
0x120: {  	[sflag:s8] =	ssyncset.done $0x0  }
0x121: {  	[sflag:s8] =	ssyncadd.s32 $0xFFFFF800  }
0x122: {  	_ =	swait.ge [sflag:s8], $0x800  }
0x123: {  	[sflag:s8] =	ssyncset.done $0x0  }
0x124: {  	[sflag:s8] =	ssyncadd.s32 $0xFFFFF800  }
0x125: {  	_ =	swait.ge [sflag:s8], $0x800  }
0x126: {  	[sflag:s8] =	ssyncset.done $0x0  }
0x127: {  	[sflag:s8] =	ssyncadd.s32 $0xFFFFF800  }
0x128: {  	_ =	swait.ge [sflag:s8], $0x800  }
0x129: {  	[sflag:s8] =	ssyncset.done $0x0  }
0x12a: {  	[sflag:s8] =	ssyncadd.s32 $0xFFFFF800  }
0x12b: {  	_ =	swait.ge [sflag:s8], $0x800  }
0x12c: {  	[sflag:s8] =	ssyncset.done $0x0  }
0x12d: {  	[sflag:s8] =	ssyncadd.s32 $0xFFFFF800  }
0x12e: {  	_ =	swait.ge [sflag:s8], $0x800  }
0x12f: {  	[sflag:s8] =	ssyncset.done $0x0  }
0x130: {  	[sflag:s8] =	ssyncadd.s32 $0xFFFFF800  }
0x131: {  	_ =	swait.ge [sflag:s8], $0x800  }
0x132: {  	[sflag:s8] =	ssyncset.done $0x0  }
0x133: {  	p6 =	seq.s32 s13, $0x1;
	[sflag:s8] =	ssyncadd.s32 $0xFFFFF800  }
0x134: {  	s12 =	sadd.s32 s5, s12;
	p0 =	por p6, p0;
	_ =	strace $0x90000054  }
0x135: {  	s12 =	sshll.u32 @p0 s12, $0xC;
	_ =	strace @p0 $0x80000055  }
0x136: {  	s12 =	sand.u32 @p0 $0x1FFFF000, s12;
	s13 =	rddreg [dreg:$0x2]  }
0x137: {  	s15 =	sor.u32 @p0 $0x4, s15;
	s17 =	simm.s32 @p0 $0x0;
	s12 =	sadd.s32 @p0 s13, s12  }
0x138: {  	[hbm4b:s12+s17] =	stream.linear.scatter @p0 [tilespmem:s16], [sflag:s15], $0x8000, $0x200038;
	v63 =	vld [tilespmem:$0x0]  }
0x139: {  	p1 =	por p3, p3;
	s12 =	sand.u32 @!p3 $0x1, s14;
	_ =	strace @p0 $0x90000055  }
0x13a: {  	s12 =	sor.u32 @!p1 $0x4, s12;
	_ =	strace @!p1 $0x80000056  }
0x13b: {  	_ =	swait.ge @!p1 [sflag:s12], $0x8000  }
0x13c: {  	[sflag:s12] =	ssyncset.done @!p1 $0x0  }
0x13d: {  	s11 =	sadd.s32 $0x1, s11;
	[sflag:s12] =	ssyncadd.s32 @!p1 $0xFFFF8000  }
0x13e: {  	p0 =	sne.s32 s11, s7;
	_ =	strace @!p1 $0x90000056  }
.Ltmp1:
0x13f: {  	_ =	strace $0x80000057;
	(pc) =	sbr.rel @p0 .LBB2_1-.Ltmp1, $4  }
0x140: {  	_ =	swait.ge [sflag:s10], $0x8000  }
0x141: {  	[sflag:s10] =	ssyncset.done $0x0  }
0x142: {  	[sflag:s10] =	ssyncadd.s32 $0xFFFF8000  }
0x143: {  	_ =	strace $0x90000057  }
0x144: {  	_ =	sfence.sel $0x180000  }
0x145: {  	[bflag:$0x0] =	sbarrier.arrive $0xFFFF  }
0x146: {  	p0 =	sne.s32 s3, $0x0;
	_ =	strace $0x90000050  }
0x147: {  	s0 =	sadd.s32 @!p0 $0x100000, s0;
	[bflag:$0x2] =	sbarrier.arrive $0xFFFF  }
0x148: {  	[sflag:s0] =	ssyncadd.tile.s32 @!p0 $0x1;
	_ =	shalt  }
.Lfunc_end2:
_tile_overlayer_lowered:
.L_overlay_start_2:
0x149: {  	(tag) =	ssettag $0x2  }
0x14a: {  	s0 =	rddreg [dreg:$0x0];
	s2 =	stileid.u32  }
0x14b: {  	s1 =	rddreg [dreg:$0x1];
	p0 =	sne.s32 s2, $0x0  }
0x14c: {  	s3 =	rddreg [dreg:$0x2];
	[bflag:$0x3] =	sbarrier.arrive $0xFFFF;
	s2 =	simm.s32 @!p0 $0x1C02  }
0x14d: {  	[timem:s3], [sflag:s2] =	dma.local @!p0 [hbm:s0], s1  }
0x14e: {  	s0 =	simm.s32 @!p0 $0x2  }
0x14f: {  	_ =	swait.ge @!p0 [sflag:s0], s1  }
0x150: {  	s1 =	ssub.s32 @!p0 $0x0, s1;
	[sflag:s0] =	ssyncset.done @!p0 $0x0  }
0x151: {  	[sflag:s0] =	ssyncadd.s32 @!p0 s1  }
0x152: {  	[bflag:$0x3] =	sbarrier.arrive $0xFFFF  }
0x153: {  	_ =	shalt  }

// kernel: sparse-core-data-format-call.1.cloned.1.call-start
scs
called_computation.1_lowered:
.L_overlay_start_0:
0x0: {  	s2 =	sld [smem:$0x3FD9]  }
0x1: {  	s3 =	sld [smem:$0x3FFE];
	_ =	sdelay $0x1  }
0x2: {  	s1 =	srdreg.scid  }
0x3: {  	s0 =	sand.u32 $0x1, s1  }
0x4: {  	s18 =	sshll.u32 s0, $0xA;
	s2 =	sadd.s32 s3, s2  }
0x5: {  	s2 =	sadd.s32 s2, s18  }
0x6: {  	[smem:$0x3FBA] =	sst s2  }
0x7: {  	_ = 	snop  }
0x8: {  	(tm) =	ssettm $0x1  }
0x9: {  	s19 =	sld [smem:$0x3FFB];
	_ =	sdelay $0x3  }
0xa: {  	_ =	strace s19  }
0xb: {  	s2 =	sld [smem:$0x3FFC];
	_ =	sdelay $0x3  }
0xc: {  	_ =	strace s2  }
0xd: {  	s2 =	sld [smem:$0x3FFD];
	_ =	sdelay $0x3  }
0xe: {  	_ =	strace s2  }
0xf: {  	_ =	strace $0x8FFFFFFF  }
0x10: {  	s20 =	sld [smem:$0x3FDB];
	_ =	sdelay $0x1  }
0x11: {  	s21 =	simm.s32 $_scs_section_size  }
0x12: {  	s4 =	simm.s32 $_size__tile_overlayer_lowered;
	s5 =	simm.s32 $_tile_overlayer_lowered  }
0x13: {  	s6 =	simm.s32 $0x1BFF;
	s22 =	sshll.u32 s5, $0x1;
	s3 =	sadd.s32 s21, s20  }
0x14: {  	s23 =	simm.s32 $0x0;
	s4 =	sshll.u32 s4, $0x1;
	s5 =	sadd.s32 s22, s3  }
0x15: {  	[timem:s23], [sflag:s6] =	dma.local [hbm:s5], s4  }
0x16: {  	_ =	swait.ge [sflag:s6], s4  }
0x17: {  	s4 =	ssub.s32 $0x0, s4;
	[sflag:s6] =	ssyncset.done $0x0  }
0x18: {  	[sflag:s6] =	ssyncadd.s32 s4;
	_ =	sdelay $0x1  }
0x19: {  	s24 =	simm.s32 $0x1B8B  }
0x1a: {  	_ =	swait.ge [sflag:s24], $0x1  }
0x1b: {  	[sflag:s24] =	ssyncset.done $0x0  }
0x1c: {  	[sflag:s24] =	ssyncadd.s32 $0xFFFFFFFF  }
0x1d: {  	s4 =	sld [smem:$0x0]  }
0x1e: {  	s5 =	sand.u32 $0xFFFFFFFE, s1  }
0x1f: {  	p0 =	sne.s32 s1, s5  }
0x20: {  	s5 =	sshll.u32 @p0 s5, $0xE  }
0x21: {  	s5 =	sadd.s32 @p0 $0x11B8D, s5;
	s6 =	sshll.u32 @p0 s4, $0x11  }
0x22: {  	s5 =	sor.u32 @p0 s6, s5  }
0x23: {  	[sflag:s5] =	ssyncadd.remote.s32 @p0 $0x1;
	_ =	sdelay $0x1  }
0x24: {  	s5 =	simm.s32 @p0 $0x1B8D  }
0x25: {  	_ =	swait.eq @p0 [sflag:s5], $0x1  }
0x26: {  	[sflag:s5] =	ssyncadd.s32 @p0 $0xFFFFFFFF  }
0x27: {  	s6 =	sshll.u32 @!p0 s1, $0xE  }
0x28: {  	s6 =	sor.u32 @!p0 $0x4000, s6;
	s5 =	simm.s32 @!p0 $0x1B8D  }
0x29: {  	s4 =	sshll.u32 @!p0 s4, $0x11;
	s6 =	sadd.s32 @!p0 $0x11B8D, s6;
	_ =	swait.eq @!p0 [sflag:s5], $0x1  }
0x2a: {  	s4 =	sor.u32 @!p0 s4, s6;
	[sflag:s5] =	ssyncadd.s32 @!p0 $0xFFFFFFFF  }
0x2b: {  	s26 =	simm.s32 $0x1B8E;
	s25 =	sld [smem:$0x3FFE];
	[sflag:s4] =	ssyncadd.remote.s32 @!p0 $0x1  }
0x2c: {  	s27 =	simm.s32 $execute0_lowered;
	[smem:$0x3FD2] =	sst s26  }
0x2d: {  	s5 =	sshll.u32 s27, $0x1;
	_ =	strace $0x8000004C;
	[dreg:$0x1] =	wrdreg $0xFFFFFFFF  }
0x2e: {  	s28 =	simm.s32 $_size_execute0_lowered;
	s3 =	sadd.s32 s3, s5;
	[dreg:$0x0] =	wrdreg $0x0  }
0x2f: {  	s5 =	sshll.u32 s28, $0x1;
	[dreg:$0x2] =	wrdreg s3  }
0x30: {  	[dreg:$0x3] =	wrdreg s5  }
0x31: {  	[dreg:$0x4] =	wrdreg $0xC0  }
0x32: {  	_ =	task [dreg:s23], $0x5FFFF  }
0x33: {  	[dreg:$0x1] =	wrdreg $0xFFFFFFFF  }
0x34: {  	[dreg:$0x0] =	wrdreg $0x60  }
0x35: {  	[dreg:$0x2] =	wrdreg s25  }
0x36: {  	[dreg:$0x3] =	wrdreg $0x9  }
0x37: {  	_ =	task.clear_ibuf [dreg:s23], $0x4FFFF;
	_ =	strace $0x9000004C  }
0x38: {  	s29 =	simm.s32 $0x9;
	_ =	strace $0x8000004E  }
0x39: {  	_ =	swait.ge [sflag:s29], $0x1  }
0x3a: {  	[sflag:s29] =	ssyncadd.s32 $0xFFFFFFFF  }
0x3b: {  	_ =	strace $0x9000004E  }
0x3c: {  	_ =	sfence  }
0x3d: {  	s30 =	sld [smem:$0x0];
	_ =	sdelay $0x2  }
0x3e: {  	s31 =	sshll.u32 s1, $0xD;
	s1 =	sshrl.u32 s1, $0x2  }
0x3f: {  	s4 =	sand.u32 $0x4000, s31;
	s1 =	sadd.s32 s1, s30  }
0x40: {  	s0 =	sor.u32 s4, s0;
	s1 =	sshll.u32 s1, $0x11  }
0x41: {  	s0 =	sor.u32 s1, s0  }
0x42: {  	s0 =	sadd.s32 $0x8F2B, s0  }
0x43: {  	[sflag:s0] =	ssyncadd.remote.s32 $0x1  }
0x44: {  	_ =	sfence.sel $0xFFFF  }
0x45: {  	[dreg:$0x0] =	wrdreg $0xFFFFFFFF;
	(pc) =	sbr.abs _section_cstart, $3  }
0x46: {  	[dreg:$0x1] =	wrdreg $0xFFFFFFFF  }
0x47: {  	_ =	task.clear_ibuf [dreg:s23], $0x2FFFF;
	_ =	strace $0x9FFFFFFF  }
0x48: {  	(tm) =	ssettm $0x7FFFFFFF  }
0x49: {  	_ =	shalt  }
tec
execute0_lowered:
.L_overlay_start_1:
0x0: {  	(tag) =	ssettag $0x1  }
0x1: {  	s1 =	rddreg [dreg:$0x0]  }
0x2: {  	s0 =	rddreg [dreg:$0x1]  }
0x3: {  	_ =	strace $0x8000004D;
	s4 =	srdreg.scid;
	s6 =	simm.s32 $0x2  }
.Ltmp0:
0x4: {  	p0 =	por $0x0, $0x0;
	s9 =	simm.s32 $0x0;
	(pc) =	sbr.rel .LBB1_1-.Ltmp0, $4  }
0x5: {  	s2 =	sadd.s32 $0x404600, s1;
	s3 =	sadd.s32 $0x504600, s1;
	s5 =	sshll.u32 s4, $0x4  }
0x6: {  	s1 =	stileid.u32;
	s4 =	simm.s32 $0x1;
	s5 =	sand.u32 $0x10, s5  }
0x7: {  	s7 =	simm.s32 $0x0;
	[sflag:s4] =	ssyncpa.u1 $0x0;
	s5 =	sor.u32 s1, s5  }
0x8: {  	[sflag:s6] =	ssyncpa.u1 $0x0;
	s6 =	simm.s32 $0x0;
	s8 =	smov.u32 s5  }
.LBB1_7:
0x9: {  	s11 =	sadd.s32 $0x20, s8  }
0xa: {  	p1 =	slt.u32 s7, $0x2;
	s7 =	sadd.s32 $0x1, s7;
	p2 =	sgt.s32 s11, $0x1FF  }
0xb: {  	s11 =	smov.u32 @p2 s5;
	p2 =	sne.s32 s7, $0x12  }
.Ltmp1:
0xc: {  	_ = 	snop;
	(pc) =	sbr.rel @!p2 .LBB1_8-.Ltmp1, $4  }
0xd: {  	s10 =	simm.s32 @!p1 $0x2  }
0xe: {  	_ =	swait.ge @!p1 [sflag:s10], $0x4000  }
0xf: {  	s9 =	smov.u32 s8;
	[sflag:s10] =	ssyncset.done @!p1 $0x0  }
0x10: {  	p0 =	por !p0, !p0;
	s8 =	smov.u32 s11;
	[sflag:s10] =	ssyncadd.s32 @!p1 $0xFFFFC000  }
.LBB1_1:
0x11: {  	p1 =	sgt.u32 s7, $0xF  }
0x12: {  	s10 =	sxor.u32 @!p1 $0xFFFFFFFF, s7  }
0x13: {  	s11 =	sshll.u32 @!p1 s8, $0xB;
	s10 =	sshll.u32 @!p1 s10, $0xE  }
0x14: {  	s12 =	simm.s32 @!p1 $0x0;
	s11 =	sadd.s32 @!p1 s2, s11;
	s10 =	sand.u32 @!p1 $0x4000, s10  }
0x15: {  	[tilespmem:s10], [sflag:$0x1] =	stream.linear.gather @!p1 [hbm4b:s11+s12], $0x4000, $0x38;
	[tilespmem:$0x10000] =	vst v63  }
0x16: {  	p1 =	seq.s32 s7, $0x0  }
0x17: {  	p2 =	seq.s32 @!p1 s7, $0x11  }
0x18: {  	p1 =	por p1, p2  }
.Ltmp2:
0x19: {  	_ = 	snop;
	(pc) =	sbr.rel @p1 .LBB1_7-.Ltmp2, $1  }
0x1a: {  	_ =	sdelay $0x3  }
0x1b: {  	s10 =	simm.s32 $0x1;
	_ =	swait.ge [sflag:s4], $0x4000;
	s12 =	sshll.u32 s7, $0xE  }
0x1c: {  	s13 =	simm.s32 $0x0;
	s10 =	simm.s32 @!p0 $0x0;
	[sflag:s4] =	ssyncset.done $0x0  }
0x1d: {  	s12 =	sand.u32 $0x4000, s12;
	s11 =	sshll.u32 s10, $0xE;
	[sflag:s4] =	ssyncadd.s32 $0xFFFFC000  }
0x1e: {  	s12 =	sor.u32 $0x8000, s12;
	s10 =	sor.u32 $0x8040, s11;
	s11 =	sor.u32 $0x40, s11  }
.LBB1_3:
0x1f: {  	v0 =	vmov s11;
	_ =	sdelay $0x3  }
0x20: {  	s15 =	simm.s32 $0x0  }
0x21: {  	v6 =	vld.idx.msk [tilespmem:v0+s15+$0x30 ss:$0x1], $0xffff  }
0x22: {  	v7 =	vld.idx.msk [tilespmem:v0+s15+$0xFFFFFFC0 ss:$0x1], $0xffff  }
0x23: {  	v5 =	vld.idx.msk [tilespmem:v0+s15+$0xFFFFFFD0 ss:$0x1], $0xffff  }
0x24: {  	v4 =	vld.idx.msk [tilespmem:v0+s15+$0xFFFFFFE0 ss:$0x1], $0xffff  }
0x25: {  	v3 =	vld.idx.msk [tilespmem:v0+s15+$0xFFFFFFF0 ss:$0x1], $0xffff  }
0x26: {  	v1 =	vld.idx.msk [tilespmem:v0+s15+$0x0 ss:$0x1], $0xffff  }
0x27: {  	v2 =	vld.idx.msk [tilespmem:v0+s15+$0x10 ss:$0x1], $0xffff;
	[tilespmem:s10+$0x30] =	vst v6  }
0x28: {  	s14 =	simm.s32 $0x80;
	s16 =	simm.s32 $0x400;
	[tilespmem:s10+$0xFFFFFFC0] =	vst v7;
	v6 =	vld.idx.msk [tilespmem:v0+s15+$0x20 ss:$0x1], $0xffff;
	s15 =	smov.u32 s10  }
.LBB1_4:
0x29: {  	p1 =	sne.s32 s16, $0xE00;
	v7 =	vld.idx.msk [tilespmem:v0+s14+$0x30 ss:$0x1], $0xffff;
	[tilespmem:s15+$0xFFFFFFD0] =	vst v5  }
0x2a: {  	v8 =	vld.idx.msk [tilespmem:v0+s14+$0xFFFFFFC0 ss:$0x1], $0xffff;
	[tilespmem:s15+$0xFFFFFFE0] =	vst v4  }
0x2b: {  	v5 =	vld.idx.msk [tilespmem:v0+s14+$0xFFFFFFD0 ss:$0x1], $0xffff;
	[tilespmem:s15+$0xFFFFFFF0] =	vst v3  }
.Ltmp3:
0x2c: {  	v4 =	vld.idx.msk [tilespmem:v0+s14+$0xFFFFFFE0 ss:$0x1], $0xffff;
	[tilespmem:s15+$0x0] =	vst v1;
	(pc) =	sbr.rel @p1 .LBB1_4-.Ltmp3, $4  }
0x2d: {  	v3 =	vld.idx.msk [tilespmem:v0+s14+$0xFFFFFFF0 ss:$0x1], $0xffff;
	[tilespmem:s15+$0x10] =	vst v2  }
0x2e: {  	v1 =	vld.idx.msk [tilespmem:v0+s14+$0x0 ss:$0x1], $0xffff;
	[tilespmem:s15+$0x20] =	vst v6;
	s15 =	sadd.s32 $0x800, s15  }
0x2f: {  	v2 =	vld.idx.msk [tilespmem:v0+s14+$0x10 ss:$0x1], $0xffff;
	[tilespmem:s15+$0x30] =	vst v7  }
0x30: {  	[tilespmem:s15+$0xFFFFFFC0] =	vst v8;
	v6 =	vld.idx.msk [tilespmem:v0+s14+$0x20 ss:$0x1], $0xffff;
	s14 =	sshra.s32 s16, $0x2;
	s16 =	sadd.s32 $0x200, s16  }
0x31: {  	_ =	sdelay $0x2  }
0x32: {  	[tilespmem:s15+$0xFFFFFFD0] =	vst v5  }
0x33: {  	v56 =	vld.idx.msk [tilespmem:v0+s14+$0x30 ss:$0x1], $0xffff;
	[tilespmem:s15+$0xFFFFFFE0] =	vst v4  }
0x34: {  	v57 =	vld.idx.msk [tilespmem:v0+s14+$0xFFFFFFC0 ss:$0x1], $0xffff;
	[tilespmem:s15+$0xFFFFFFF0] =	vst v3  }
0x35: {  	v58 =	vld.idx.msk [tilespmem:v0+s14+$0xFFFFFFD0 ss:$0x1], $0xffff;
	[tilespmem:s15+$0x0] =	vst v1  }
0x36: {  	v59 =	vld.idx.msk [tilespmem:v0+s14+$0xFFFFFFE0 ss:$0x1], $0xffff;
	[tilespmem:s15+$0x10] =	vst v2  }
0x37: {  	v60 =	vld.idx.msk [tilespmem:v0+s14+$0xFFFFFFF0 ss:$0x1], $0xffff;
	s31 =	sadd.s32 $0x800, s15;
	[tilespmem:s15+$0x20] =	vst v6  }
0x38: {  	v61 =	vld.idx.msk [tilespmem:v0+s14+$0x0 ss:$0x1], $0xffff;
	[tilespmem:s31+$0x30] =	vst v56  }
0x39: {  	v62 =	vld.idx.msk [tilespmem:v0+s14+$0x10 ss:$0x1], $0xffff;
	s13 =	sadd.s32 $0x1, s13;
	[tilespmem:s31+$0xFFFFFFC0] =	vst v57  }
0x3a: {  	v63 =	vld.idx.msk [tilespmem:v0+s14+$0x20 ss:$0x1], $0xffff;
	p1 =	sne.s32 s13, $0x10;
	[tilespmem:s31+$0xFFFFFFD0] =	vst v58  }
.Ltmp4:
0x3b: {  	[tilespmem:s31+$0xFFFFFFE0] =	vst v59;
	(pc) =	sbr.rel @p1 .LBB1_3-.Ltmp4, $4  }
0x3c: {  	[tilespmem:s31+$0xFFFFFFF0] =	vst v60  }
0x3d: {  	[tilespmem:s31+$0x0] =	vst v61  }
0x3e: {  	[tilespmem:s31+$0x10] =	vst v62  }
0x3f: {  	s10 =	sadd.s32 $0x80, s10;
	s11 =	sadd.s32 $0x400, s11;
	[tilespmem:s31+$0x20] =	vst v63  }
.Ltmp5:
0x40: {  	(pc) =	sbr.rel .LBB1_7-.Ltmp5, $4  }
0x41: {  	_ = 	snop  }
0x42: {  	s9 =	sshll.u32 s9, $0xB  }
0x43: {  	s9 =	sadd.s32 s3, s9  }
0x44: {  	[hbm4b:s9+s6] =	stream.linear.scatter [tilespmem:s12], [sflag:$0x2], $0x4000, $0x38;
	[tilespmem:$0x10000] =	vst v63  }
.LBB1_8:
0x45: {  	_ =	sfence.sel $0x180000  }
0x46: {  	s2 =	simm.s32 $0x1;
	[bflag:$0x0] =	sbarrier.arrive $0xFFFF  }
0x47: {  	s31 =	simm.s32 $0x2;
	[sflag:s2] =	ssyncpa.u1 $0x1  }
0x48: {  	[sflag:s31] =	ssyncpa.u1 $0x1  }
0x49: {  	p0 =	sne.s32 s1, $0x0;
	_ =	strace $0x9000004D  }
0x4a: {  	s0 =	sadd.s32 @!p0 $0x100000, s0;
	[bflag:$0x2] =	sbarrier.arrive $0xFFFF  }
0x4b: {  	[sflag:s0] =	ssyncadd.tile.s32 @!p0 $0x1;
	_ =	shalt  }
.Lfunc_end1:
_tile_overlayer_lowered:
.L_overlay_start_2:
0x4c: {  	(tag) =	ssettag $0x2  }
0x4d: {  	s0 =	rddreg [dreg:$0x0];
	s2 =	stileid.u32  }
0x4e: {  	s1 =	rddreg [dreg:$0x1];
	p0 =	sne.s32 s2, $0x0  }
0x4f: {  	s3 =	rddreg [dreg:$0x2];
	[bflag:$0x3] =	sbarrier.arrive $0xFFFF;
	s2 =	simm.s32 @!p0 $0x1C01  }
0x50: {  	[timem:s3], [sflag:s2] =	dma.local @!p0 [hbm:s0], s1  }
0x51: {  	s0 =	simm.s32 @!p0 $0x1  }
0x52: {  	_ =	swait.ge @!p0 [sflag:s0], s1  }
0x53: {  	s1 =	ssub.s32 @!p0 $0x0, s1;
	[sflag:s0] =	ssyncset.done @!p0 $0x0  }
0x54: {  	[sflag:s0] =	ssyncadd.s32 @!p0 s1  }
0x55: {  	[bflag:$0x3] =	sbarrier.arrive $0xFFFF  }
0x56: {  	_ =	shalt  }

// kernel: sparse-core-data-format-call.2.cloned.1.call-start
scs
called_computation.2_lowered:
.L_overlay_start_0:
0x0: {  	s2 =	sld [smem:$0x3FD9]  }
0x1: {  	s3 =	sld [smem:$0x3FFE];
	_ =	sdelay $0x1  }
0x2: {  	s1 =	srdreg.scid  }
0x3: {  	s0 =	sand.u32 $0x1, s1  }
0x4: {  	s18 =	sshll.u32 s0, $0xA;
	s2 =	sadd.s32 s3, s2  }
0x5: {  	s2 =	sadd.s32 s2, s18  }
0x6: {  	[smem:$0x3FBA] =	sst s2  }
0x7: {  	_ = 	snop  }
0x8: {  	(tm) =	ssettm $0x1  }
0x9: {  	s19 =	sld [smem:$0x3FFB];
	_ =	sdelay $0x3  }
0xa: {  	_ =	strace s19  }
0xb: {  	s2 =	sld [smem:$0x3FFC];
	_ =	sdelay $0x3  }
0xc: {  	_ =	strace s2  }
0xd: {  	s2 =	sld [smem:$0x3FFD];
	_ =	sdelay $0x3  }
0xe: {  	_ =	strace s2  }
0xf: {  	_ =	strace $0x8FFFFFFF  }
0x10: {  	s20 =	sld [smem:$0x3FDB];
	_ =	sdelay $0x1  }
0x11: {  	s21 =	simm.s32 $_scs_section_size  }
0x12: {  	s4 =	simm.s32 $_size__tile_overlayer_lowered;
	s5 =	simm.s32 $_tile_overlayer_lowered  }
0x13: {  	s6 =	simm.s32 $0x1BFF;
	s22 =	sshll.u32 s5, $0x1;
	s3 =	sadd.s32 s21, s20  }
0x14: {  	s23 =	simm.s32 $0x0;
	s4 =	sshll.u32 s4, $0x1;
	s5 =	sadd.s32 s22, s3  }
0x15: {  	[timem:s23], [sflag:s6] =	dma.local [hbm:s5], s4  }
0x16: {  	_ =	swait.ge [sflag:s6], s4  }
0x17: {  	s4 =	ssub.s32 $0x0, s4;
	[sflag:s6] =	ssyncset.done $0x0  }
0x18: {  	[sflag:s6] =	ssyncadd.s32 s4;
	_ =	sdelay $0x1  }
0x19: {  	s24 =	simm.s32 $0x1B8B  }
0x1a: {  	_ =	swait.ge [sflag:s24], $0x1  }
0x1b: {  	[sflag:s24] =	ssyncset.done $0x0  }
0x1c: {  	[sflag:s24] =	ssyncadd.s32 $0xFFFFFFFF  }
0x1d: {  	s4 =	sld [smem:$0x0]  }
0x1e: {  	s5 =	sand.u32 $0xFFFFFFFE, s1  }
0x1f: {  	p0 =	sne.s32 s1, s5  }
0x20: {  	s5 =	sshll.u32 @p0 s5, $0xE  }
0x21: {  	s5 =	sadd.s32 @p0 $0x11B8D, s5;
	s6 =	sshll.u32 @p0 s4, $0x11  }
0x22: {  	s5 =	sor.u32 @p0 s6, s5  }
0x23: {  	[sflag:s5] =	ssyncadd.remote.s32 @p0 $0x1;
	_ =	sdelay $0x1  }
0x24: {  	s5 =	simm.s32 @p0 $0x1B8D  }
0x25: {  	_ =	swait.eq @p0 [sflag:s5], $0x1  }
0x26: {  	[sflag:s5] =	ssyncadd.s32 @p0 $0xFFFFFFFF  }
0x27: {  	s6 =	sshll.u32 @!p0 s1, $0xE  }
0x28: {  	s6 =	sor.u32 @!p0 $0x4000, s6;
	s5 =	simm.s32 @!p0 $0x1B8D  }
0x29: {  	s4 =	sshll.u32 @!p0 s4, $0x11;
	s6 =	sadd.s32 @!p0 $0x11B8D, s6;
	_ =	swait.eq @!p0 [sflag:s5], $0x1  }
0x2a: {  	s4 =	sor.u32 @!p0 s4, s6;
	[sflag:s5] =	ssyncadd.s32 @!p0 $0xFFFFFFFF  }
0x2b: {  	s26 =	simm.s32 $0x1B8E;
	s25 =	sld [smem:$0x3FFE];
	[sflag:s4] =	ssyncadd.remote.s32 @!p0 $0x1  }
0x2c: {  	s27 =	simm.s32 $execute0_lowered;
	[smem:$0x3FD2] =	sst s26  }
0x2d: {  	s5 =	sshll.u32 s27, $0x1;
	_ =	strace $0x80000049;
	[dreg:$0x1] =	wrdreg $0xFFFFFFFF  }
0x2e: {  	s28 =	simm.s32 $_size_execute0_lowered;
	s3 =	sadd.s32 s3, s5;
	[dreg:$0x0] =	wrdreg $0x0  }
0x2f: {  	s5 =	sshll.u32 s28, $0x1;
	[dreg:$0x2] =	wrdreg s3  }
0x30: {  	[dreg:$0x3] =	wrdreg s5  }
0x31: {  	[dreg:$0x4] =	wrdreg $0xC0  }
0x32: {  	_ =	task [dreg:s23], $0x5FFFF  }
0x33: {  	[dreg:$0x1] =	wrdreg $0xFFFFFFFF  }
0x34: {  	[dreg:$0x0] =	wrdreg $0x60  }
0x35: {  	[dreg:$0x2] =	wrdreg s25  }
0x36: {  	[dreg:$0x3] =	wrdreg $0xB  }
0x37: {  	_ =	task.clear_ibuf [dreg:s23], $0x4FFFF;
	_ =	strace $0x90000049  }
0x38: {  	s29 =	simm.s32 $0xB;
	_ =	strace $0x8000004B  }
0x39: {  	_ =	swait.ge [sflag:s29], $0x1  }
0x3a: {  	[sflag:s29] =	ssyncadd.s32 $0xFFFFFFFF  }
0x3b: {  	_ =	strace $0x9000004B  }
0x3c: {  	_ =	sfence  }
0x3d: {  	s30 =	sld [smem:$0x0];
	_ =	sdelay $0x2  }
0x3e: {  	s31 =	sshll.u32 s1, $0xD;
	s1 =	sshrl.u32 s1, $0x2  }
0x3f: {  	s4 =	sand.u32 $0x4000, s31;
	s1 =	sadd.s32 s1, s30  }
0x40: {  	s0 =	sor.u32 s4, s0;
	s1 =	sshll.u32 s1, $0x11  }
0x41: {  	s0 =	sor.u32 s1, s0  }
0x42: {  	s0 =	sadd.s32 $0x8F2B, s0  }
0x43: {  	[sflag:s0] =	ssyncadd.remote.s32 $0x1  }
0x44: {  	_ =	sfence.sel $0xFFFF  }
0x45: {  	[dreg:$0x0] =	wrdreg $0xFFFFFFFF;
	(pc) =	sbr.abs _section_cstart, $3  }
0x46: {  	[dreg:$0x1] =	wrdreg $0xFFFFFFFF  }
0x47: {  	_ =	task.clear_ibuf [dreg:s23], $0x2FFFF;
	_ =	strace $0x9FFFFFFF  }
0x48: {  	(tm) =	ssettm $0x7FFFFFFF  }
0x49: {  	_ =	shalt  }
tec
execute0_lowered:
.L_overlay_start_1:
0x0: {  	(tag) =	ssettag $0x1  }
0x1: {  	s0 =	stileid.u32;
	s1 =	srdreg.scid  }
0x2: {  	s7 =	rddreg [dreg:$0x0];
	s31 =	simm.s32 $0x2;
	s15 =	simm.s32 $0x0  }
0x3: {  	s9 =	simm.s32 $0x800;
	s2 =	sshll.u32 s0, $0x3;
	s1 =	sshll.u32 s1, $0x7  }
0x4: {  	s10 =	simm.s32 $0x80000;
	s1 =	sor.u32 s2, s1;
	s2 =	sand.u32 $0x1, s0  }
0x5: {  	s11 =	simm.s32 $0x0;
	s1 =	sand.u32 $0xF0, s1;
	s4 =	ssub.s32 $0x2, s2  }
0x6: {  	s16 =	simm.s32 $0x0;
	s3 =	ssub.s32 $0x1000, s1;
	s6 =	sshrl.u32 s4, $0x1  }
0x7: {  	s4 =	sand.u32 $0x1, s4;
	s5 =	sand.u32 $0xF0, s3;
	s8 =	sshrl.u32 s3, $0x8  }
0x8: {  	s3 =	rddreg [dreg:$0x1];
	p0 =	sne.s32 s5, $0x0;
	s5 =	simm.s32 $0x1  }
.Ltmp0:
0x9: {  	s6 =	sadd.s32 s4, s6;
	s5 =	simm.s32 @!p0 $0x0;
	(pc) =	sbr.rel .LBB1_1-.Ltmp0, $4  }
0xa: {  	_ =	strace $0x8000004A;
	s4 =	simm.s32 $0x1;
	s5 =	sadd.s32 s5, s8  }
0xb: {  	s14 =	simm.s32 $0x0;
	[sflag:s4] =	ssyncpa.u1 $0x0;
	s5 =	smul.u32 s6, s5  }
0xc: {  	s13 =	smov.u32 s2;
	s12 =	smov.u32 s1;
	[sflag:s31] =	ssyncpa.u1 $0x0  }
0xd: {  	s6 =	sadd.s32 $0x204600, s7;
	s7 =	sadd.s32 $0x304600, s7;
	s8 =	sadd.s32 $0x1, s5  }
.LBB1_7:
0xe: {  	s17 =	sadd.s32 $0x100, s12  }
0xf: {  	s15 =	sadd.s32 $0x2, s13;
	s19 =	smov.u32 s13;
	p1 =	sgt.s32 s17, $0xFFF  }
0x10: {  	s19 =	smov.u32 @p1 s15  }
0x11: {  	s17 =	smov.u32 @p1 s1;
	p1 =	sgt.s32 s19, $0x1  }
0x12: {  	s19 =	smov.u32 @p1 s2;
	p1 =	sne.s32 s14, s8  }
.Ltmp1:
0x13: {  	p0 =	slt.u32 s14, $0x2;
	(pc) =	sbr.rel @!p1 .LBB1_8-.Ltmp1, $4  }
0x14: {  	s18 =	simm.s32 @!p0 $0x2  }
0x15: {  	s16 =	smov.u32 s13;
	s11 =	sadd.s32 $0x4000, s11;
	_ =	swait.ge @!p0 [sflag:s18], $0x4000  }
0x16: {  	s15 =	smov.u32 s12;
	[sflag:s18] =	ssyncset.done @!p0 $0x0;
	s12 =	smov.u32 s17  }
0x17: {  	s14 =	sadd.s32 $0x1, s14;
	[sflag:s18] =	ssyncadd.s32 @!p0 $0xFFFFC000;
	s13 =	smov.u32 s19  }
.LBB1_1:
0x18: {  	p0 =	sge.u32 s14, s5  }
0x19: {  	s31 =	sadd.s32 $0xFFFFFFFF, s14;
	s17 =	sxor.u32 @!p0 $0xFFFFFFFF, s14;
	s18 =	sshll.u32 @!p0 s13, $0x13  }
0x1a: {  	s19 =	sshll.u32 @!p0 s12, $0x7;
	s17 =	sshll.u32 @!p0 s17, $0xE;
	s18 =	sadd.s32 @!p0 s6, s18  }
0x1b: {  	s17 =	sand.u32 @!p0 $0x4000, s17;
	s18 =	sadd.s32 @!p0 s19, s18;
	s19 =	simm.s32 @!p0 $0x0  }
0x1c: {  	[tilespmem:s17], [sflag:$0x1] =	stream.linear.gather @!p0 [hbm4b:s18+s19], $0x4000, $0x38;
	[tilespmem:$0x10000] =	vst v63  }
0x1d: {  	p0 =	sge.u32 s31, s5  }
.Ltmp2:
0x1e: {  	_ = 	snop;
	(pc) =	sbr.rel @p0 .LBB1_7-.Ltmp2, $1  }
0x1f: {  	_ =	sdelay $0x3  }
0x20: {  	s18 =	sand.u32 $0x4000, s11  }
0x21: {  	_ =	swait.ge [sflag:s4], $0x4000;
	s20 =	sshll.u32 s14, $0xE;
	s17 =	sor.u32 $0x8040, s18  }
0x22: {  	s19 =	sor.u32 $0x40, s18;
	[sflag:s4] =	ssyncset.done $0x0;
	s31 =	sand.u32 $0x4000, s20  }
0x23: {  	s20 =	simm.s32 $0x0;
	[sflag:s4] =	ssyncadd.s32 $0xFFFFC000;
	s18 =	sor.u32 $0x8000, s31  }
.LBB1_3:
0x24: {  	v0 =	vmov s19;
	_ =	sdelay $0x3  }
0x25: {  	s22 =	simm.s32 $0x0  }
0x26: {  	v6 =	vld.idx.msk [tilespmem:v0+s22+$0x30 ss:$0x1], $0xffff  }
0x27: {  	v7 =	vld.idx.msk [tilespmem:v0+s22+$0xFFFFFFC0 ss:$0x1], $0xffff  }
0x28: {  	v5 =	vld.idx.msk [tilespmem:v0+s22+$0xFFFFFFD0 ss:$0x1], $0xffff  }
0x29: {  	v4 =	vld.idx.msk [tilespmem:v0+s22+$0xFFFFFFE0 ss:$0x1], $0xffff  }
0x2a: {  	v3 =	vld.idx.msk [tilespmem:v0+s22+$0xFFFFFFF0 ss:$0x1], $0xffff  }
0x2b: {  	v1 =	vld.idx.msk [tilespmem:v0+s22+$0x0 ss:$0x1], $0xffff  }
0x2c: {  	v2 =	vld.idx.msk [tilespmem:v0+s22+$0x10 ss:$0x1], $0xffff;
	[tilespmem:s17+$0x30] =	vst v6  }
0x2d: {  	s21 =	simm.s32 $0x80;
	s23 =	simm.s32 $0x400;
	[tilespmem:s17+$0xFFFFFFC0] =	vst v7;
	v6 =	vld.idx.msk [tilespmem:v0+s22+$0x20 ss:$0x1], $0xffff;
	s22 =	smov.u32 s17  }
.LBB1_4:
0x2e: {  	p0 =	sne.s32 s23, $0xE00;
	v7 =	vld.idx.msk [tilespmem:v0+s21+$0x30 ss:$0x1], $0xffff;
	[tilespmem:s22+$0xFFFFFFD0] =	vst v5  }
0x2f: {  	v8 =	vld.idx.msk [tilespmem:v0+s21+$0xFFFFFFC0 ss:$0x1], $0xffff;
	[tilespmem:s22+$0xFFFFFFE0] =	vst v4  }
0x30: {  	v5 =	vld.idx.msk [tilespmem:v0+s21+$0xFFFFFFD0 ss:$0x1], $0xffff;
	[tilespmem:s22+$0xFFFFFFF0] =	vst v3  }
.Ltmp3:
0x31: {  	v4 =	vld.idx.msk [tilespmem:v0+s21+$0xFFFFFFE0 ss:$0x1], $0xffff;
	[tilespmem:s22+$0x0] =	vst v1;
	(pc) =	sbr.rel @p0 .LBB1_4-.Ltmp3, $4  }
0x32: {  	v3 =	vld.idx.msk [tilespmem:v0+s21+$0xFFFFFFF0 ss:$0x1], $0xffff;
	[tilespmem:s22+$0x10] =	vst v2  }
0x33: {  	v1 =	vld.idx.msk [tilespmem:v0+s21+$0x0 ss:$0x1], $0xffff;
	[tilespmem:s22+$0x20] =	vst v6;
	s22 =	sadd.s32 $0x800, s22  }
0x34: {  	v2 =	vld.idx.msk [tilespmem:v0+s21+$0x10 ss:$0x1], $0xffff;
	[tilespmem:s22+$0x30] =	vst v7  }
0x35: {  	[tilespmem:s22+$0xFFFFFFC0] =	vst v8;
	v6 =	vld.idx.msk [tilespmem:v0+s21+$0x20 ss:$0x1], $0xffff;
	s21 =	sshra.s32 s23, $0x2;
	s23 =	sadd.s32 $0x200, s23  }
0x36: {  	_ =	sdelay $0x2  }
0x37: {  	[tilespmem:s22+$0xFFFFFFD0] =	vst v5  }
0x38: {  	v56 =	vld.idx.msk [tilespmem:v0+s21+$0x30 ss:$0x1], $0xffff;
	[tilespmem:s22+$0xFFFFFFE0] =	vst v4  }
0x39: {  	v57 =	vld.idx.msk [tilespmem:v0+s21+$0xFFFFFFC0 ss:$0x1], $0xffff;
	[tilespmem:s22+$0xFFFFFFF0] =	vst v3  }
0x3a: {  	v58 =	vld.idx.msk [tilespmem:v0+s21+$0xFFFFFFD0 ss:$0x1], $0xffff;
	[tilespmem:s22+$0x0] =	vst v1  }
0x3b: {  	v59 =	vld.idx.msk [tilespmem:v0+s21+$0xFFFFFFE0 ss:$0x1], $0xffff;
	[tilespmem:s22+$0x10] =	vst v2  }
0x3c: {  	v60 =	vld.idx.msk [tilespmem:v0+s21+$0xFFFFFFF0 ss:$0x1], $0xffff;
	s31 =	sadd.s32 $0x800, s22;
	[tilespmem:s22+$0x20] =	vst v6  }
0x3d: {  	v61 =	vld.idx.msk [tilespmem:v0+s21+$0x0 ss:$0x1], $0xffff;
	[tilespmem:s31+$0x30] =	vst v56  }
0x3e: {  	v62 =	vld.idx.msk [tilespmem:v0+s21+$0x10 ss:$0x1], $0xffff;
	s20 =	sadd.s32 $0x1, s20;
	[tilespmem:s31+$0xFFFFFFC0] =	vst v57  }
0x3f: {  	v63 =	vld.idx.msk [tilespmem:v0+s21+$0x20 ss:$0x1], $0xffff;
	p0 =	sne.s32 s20, $0x10;
	[tilespmem:s31+$0xFFFFFFD0] =	vst v58  }
.Ltmp4:
0x40: {  	[tilespmem:s31+$0xFFFFFFE0] =	vst v59;
	(pc) =	sbr.rel @p0 .LBB1_3-.Ltmp4, $4  }
0x41: {  	[tilespmem:s31+$0xFFFFFFF0] =	vst v60  }
0x42: {  	[tilespmem:s31+$0x0] =	vst v61  }
0x43: {  	[tilespmem:s31+$0x10] =	vst v62  }
0x44: {  	s17 =	sadd.s32 $0x80, s17;
	s19 =	sadd.s32 $0x400, s19;
	[tilespmem:s31+$0x20] =	vst v63  }
.Ltmp5:
0x45: {  	(pc) =	sbr.rel .LBB1_7-.Ltmp5, $4  }
0x46: {  	s16 =	sshll.u32 s16, $0x13;
	s15 =	sshll.u32 s15, $0x4  }
0x47: {  	s15 =	sand.u32 $0xFFF0, s15;
	s16 =	sadd.s32 s7, s16  }
0x48: {  	s15 =	sadd.s32 s15, s16  }
0x49: {  	[hbm4b:s15+s9] =	stream.strided.scatter [tilespmem:s18], [sflag:$0x2], $0x4000, s10, s9, $0x38;
	[tilespmem:$0x10000] =	vst v63  }
.LBB1_8:
0x4a: {  	_ =	sfence.sel $0x180000  }
0x4b: {  	s1 =	simm.s32 $0x1;
	[bflag:$0x0] =	sbarrier.arrive $0xFFFF  }
0x4c: {  	s31 =	simm.s32 $0x2;
	[sflag:s1] =	ssyncpa.u1 $0x1  }
0x4d: {  	[sflag:s31] =	ssyncpa.u1 $0x1  }
0x4e: {  	p0 =	sne.s32 s0, $0x0;
	_ =	strace $0x9000004A  }
0x4f: {  	s0 =	sadd.s32 @!p0 $0x100000, s3;
	[bflag:$0x2] =	sbarrier.arrive $0xFFFF  }
0x50: {  	[sflag:s0] =	ssyncadd.tile.s32 @!p0 $0x1;
	_ =	shalt  }
.Lfunc_end1:
_tile_overlayer_lowered:
.L_overlay_start_2:
0x51: {  	(tag) =	ssettag $0x2  }
0x52: {  	s0 =	rddreg [dreg:$0x0];
	s2 =	stileid.u32  }
0x53: {  	s1 =	rddreg [dreg:$0x1];
	p0 =	sne.s32 s2, $0x0  }
0x54: {  	s3 =	rddreg [dreg:$0x2];
	[bflag:$0x3] =	sbarrier.arrive $0xFFFF;
	s2 =	simm.s32 @!p0 $0x1C01  }
0x55: {  	[timem:s3], [sflag:s2] =	dma.local @!p0 [hbm:s0], s1  }
0x56: {  	s0 =	simm.s32 @!p0 $0x1  }
0x57: {  	_ =	swait.ge @!p0 [sflag:s0], s1  }
0x58: {  	s1 =	ssub.s32 @!p0 $0x0, s1;
	[sflag:s0] =	ssyncset.done @!p0 $0x0  }
0x59: {  	[sflag:s0] =	ssyncadd.s32 @!p0 s1  }
0x5a: {  	[bflag:$0x3] =	sbarrier.arrive $0xFFFF  }
0x5b: {  	_ =	shalt  }

// kernel: sparse-core-data-format-call.cloned.1.call-start
scs
called_computation_lowered:
.L_overlay_start_0:
0x0: {  	s1 =	sld [smem:$0x3FD9]  }
0x1: {  	s2 =	sld [smem:$0x3FFE];
	_ =	sdelay $0x1  }
0x2: {  	s3 =	srdreg.scid  }
0x3: {  	s0 =	sand.u32 $0x1, s3  }
0x4: {  	s17 =	sshll.u32 s0, $0xA;
	s1 =	sadd.s32 s2, s1  }
0x5: {  	s1 =	sadd.s32 s1, s17  }
0x6: {  	[smem:$0x3FBA] =	sst s1  }
0x7: {  	_ = 	snop  }
0x8: {  	(tm) =	ssettm $0x1  }
0x9: {  	s18 =	sld [smem:$0x3FFB];
	_ =	sdelay $0x3  }
0xa: {  	_ =	strace s18  }
0xb: {  	s1 =	sld [smem:$0x3FFC];
	_ =	sdelay $0x3  }
0xc: {  	_ =	strace s1  }
0xd: {  	s1 =	sld [smem:$0x3FFD];
	_ =	sdelay $0x3  }
0xe: {  	_ =	strace s1  }
0xf: {  	_ =	strace $0x8FFFFFFF  }
0x10: {  	s19 =	sld [smem:$0x3FDB];
	_ =	sdelay $0x1  }
0x11: {  	s20 =	simm.s32 $_scs_section_size  }
0x12: {  	s4 =	simm.s32 $_size__tile_overlayer_lowered;
	s5 =	simm.s32 $_tile_overlayer_lowered  }
0x13: {  	s23 =	simm.s32 $0x1BFF;
	s22 =	sshll.u32 s5, $0x1;
	s1 =	sadd.s32 s20, s19  }
0x14: {  	s6 =	simm.s32 $0x0;
	s21 =	sshll.u32 s4, $0x1;
	s4 =	sadd.s32 s22, s1  }
0x15: {  	[timem:s6], [sflag:s23] =	dma.local [hbm:s4], s21  }
0x16: {  	_ =	swait.ge [sflag:s23], s21  }
0x17: {  	s2 =	ssub.s32 $0x0, s21;
	[sflag:s23] =	ssyncset.done $0x0  }
0x18: {  	[sflag:s23] =	ssyncadd.s32 s2;
	_ =	sdelay $0x1  }
0x19: {  	s24 =	simm.s32 $0x1B8B  }
0x1a: {  	_ =	swait.ge [sflag:s24], $0x1  }
0x1b: {  	[sflag:s24] =	ssyncset.done $0x0  }
0x1c: {  	s26 =	simm.s32 $0x1B8E;
	s25 =	sld [smem:$0x3FFE];
	[sflag:s24] =	ssyncadd.s32 $0xFFFFFFFF  }
0x1d: {  	s27 =	simm.s32 $execute0_lowered;
	[smem:$0x3FD2] =	sst s26  }
0x1e: {  	s4 =	sshll.u32 s27, $0x1;
	_ =	strace $0x80000046;
	[dreg:$0x1] =	wrdreg $0xFFFFFFFF  }
0x1f: {  	s28 =	simm.s32 $_size_execute0_lowered;
	s1 =	sadd.s32 s1, s4;
	[dreg:$0x0] =	wrdreg $0x0  }
0x20: {  	s4 =	sshll.u32 s28, $0x1;
	[dreg:$0x2] =	wrdreg s1  }
0x21: {  	[dreg:$0x3] =	wrdreg s4  }
0x22: {  	[dreg:$0x4] =	wrdreg $0xC0  }
0x23: {  	_ =	task [dreg:s6], $0x5FFFF  }
0x24: {  	[dreg:$0x1] =	wrdreg $0xFFFFFFFF  }
0x25: {  	[dreg:$0x0] =	wrdreg $0x60  }
0x26: {  	[dreg:$0x2] =	wrdreg s25  }
0x27: {  	[dreg:$0x3] =	wrdreg $0xA  }
0x28: {  	_ =	task.clear_ibuf [dreg:s6], $0x4FFFF;
	_ =	strace $0x90000046  }
0x29: {  	s29 =	simm.s32 $0xA;
	_ =	strace $0x80000048  }
0x2a: {  	_ =	swait.ge [sflag:s29], $0x1  }
0x2b: {  	[sflag:s29] =	ssyncadd.s32 $0xFFFFFFFF  }
0x2c: {  	_ =	strace $0x90000048  }
0x2d: {  	_ =	sfence  }
0x2e: {  	s30 =	sld [smem:$0x0];
	_ =	sdelay $0x2  }
0x2f: {  	s31 =	sshll.u32 s3, $0xD;
	s3 =	sshrl.u32 s3, $0x2  }
0x30: {  	s2 =	sand.u32 $0x4000, s31;
	s1 =	sadd.s32 s3, s30  }
0x31: {  	s0 =	sor.u32 s2, s0;
	s1 =	sshll.u32 s1, $0x11  }
0x32: {  	s0 =	sor.u32 s1, s0  }
0x33: {  	s0 =	sadd.s32 $0x8F2B, s0  }
0x34: {  	[sflag:s0] =	ssyncadd.remote.s32 $0x1  }
0x35: {  	_ =	sfence.sel $0xFFFF  }
0x36: {  	[dreg:$0x0] =	wrdreg $0xFFFFFFFF;
	(pc) =	sbr.abs _section_cstart, $3  }
0x37: {  	[dreg:$0x1] =	wrdreg $0xFFFFFFFF  }
0x38: {  	_ =	task.clear_ibuf [dreg:s6], $0x2FFFF;
	_ =	strace $0x9FFFFFFF  }
0x39: {  	(tm) =	ssettm $0x7FFFFFFF  }
tec
execute0_lowered:
.L_overlay_start_1:
0x0: {  	(tag) =	ssettag $0x1  }
0x1: {  	s1 =	rddreg [dreg:$0x0]  }
0x2: {  	s0 =	rddreg [dreg:$0x1]  }
0x3: {  	_ =	strace $0x80000047;
	s4 =	srdreg.scid;
	s6 =	simm.s32 $0x2  }
.Ltmp0:
0x4: {  	p0 =	por $0x0, $0x0;
	s9 =	simm.s32 $0x0;
	(pc) =	sbr.rel .LBB1_1-.Ltmp0, $4  }
0x5: {  	s2 =	sadd.s32 $0x4600, s1;
	s3 =	sadd.s32 $0x104600, s1;
	s5 =	sshll.u32 s4, $0x4  }
0x6: {  	s1 =	stileid.u32;
	s4 =	simm.s32 $0x1;
	s5 =	sand.u32 $0x10, s5  }
0x7: {  	s7 =	simm.s32 $0x0;
	[sflag:s4] =	ssyncpa.u1 $0x0;
	s5 =	sor.u32 s1, s5  }
0x8: {  	[sflag:s6] =	ssyncpa.u1 $0x0;
	s6 =	simm.s32 $0x0;
	s8 =	smov.u32 s5  }
.LBB1_7:
0x9: {  	s11 =	sadd.s32 $0x20, s8  }
0xa: {  	p1 =	slt.u32 s7, $0x2;
	s7 =	sadd.s32 $0x1, s7;
	p2 =	sgt.s32 s11, $0x1FF  }
0xb: {  	s11 =	smov.u32 @p2 s5;
	p2 =	sne.s32 s7, $0x12  }
.Ltmp1:
0xc: {  	_ = 	snop;
	(pc) =	sbr.rel @!p2 .LBB1_8-.Ltmp1, $4  }
0xd: {  	s10 =	simm.s32 @!p1 $0x2  }
0xe: {  	_ =	swait.ge @!p1 [sflag:s10], $0x4000  }
0xf: {  	s9 =	smov.u32 s8;
	[sflag:s10] =	ssyncset.done @!p1 $0x0  }
0x10: {  	p0 =	por !p0, !p0;
	s8 =	smov.u32 s11;
	[sflag:s10] =	ssyncadd.s32 @!p1 $0xFFFFC000  }
.LBB1_1:
0x11: {  	p1 =	sgt.u32 s7, $0xF  }
0x12: {  	s10 =	sxor.u32 @!p1 $0xFFFFFFFF, s7  }
0x13: {  	s11 =	sshll.u32 @!p1 s8, $0xB;
	s10 =	sshll.u32 @!p1 s10, $0xE  }
0x14: {  	s12 =	simm.s32 @!p1 $0x0;
	s11 =	sadd.s32 @!p1 s2, s11;
	s10 =	sand.u32 @!p1 $0x4000, s10  }
0x15: {  	[tilespmem:s10], [sflag:$0x1] =	stream.linear.gather @!p1 [hbm4b:s11+s12], $0x4000, $0x38;
	[tilespmem:$0x10000] =	vst v63  }
0x16: {  	p1 =	seq.s32 s7, $0x0  }
0x17: {  	p2 =	seq.s32 @!p1 s7, $0x11  }
0x18: {  	p1 =	por p1, p2  }
.Ltmp2:
0x19: {  	_ = 	snop;
	(pc) =	sbr.rel @p1 .LBB1_7-.Ltmp2, $1  }
0x1a: {  	_ =	sdelay $0x3  }
0x1b: {  	s10 =	simm.s32 $0x1;
	_ =	swait.ge [sflag:s4], $0x4000;
	s12 =	sshll.u32 s7, $0xE  }
0x1c: {  	s13 =	simm.s32 $0x0;
	s10 =	simm.s32 @!p0 $0x0;
	[sflag:s4] =	ssyncset.done $0x0  }
0x1d: {  	s12 =	sand.u32 $0x4000, s12;
	s11 =	sshll.u32 s10, $0xE;
	[sflag:s4] =	ssyncadd.s32 $0xFFFFC000  }
0x1e: {  	s12 =	sor.u32 $0x8000, s12;
	s10 =	sor.u32 $0x8040, s11;
	s11 =	sor.u32 $0x40, s11  }
.LBB1_3:
0x1f: {  	v0 =	vmov s11;
	_ =	sdelay $0x3  }
0x20: {  	s15 =	simm.s32 $0x0  }
0x21: {  	v6 =	vld.idx.msk [tilespmem:v0+s15+$0x30 ss:$0x1], $0xffff  }
0x22: {  	v7 =	vld.idx.msk [tilespmem:v0+s15+$0xFFFFFFC0 ss:$0x1], $0xffff  }
0x23: {  	v5 =	vld.idx.msk [tilespmem:v0+s15+$0xFFFFFFD0 ss:$0x1], $0xffff  }
0x24: {  	v4 =	vld.idx.msk [tilespmem:v0+s15+$0xFFFFFFE0 ss:$0x1], $0xffff  }
0x25: {  	v3 =	vld.idx.msk [tilespmem:v0+s15+$0xFFFFFFF0 ss:$0x1], $0xffff  }
0x26: {  	v1 =	vld.idx.msk [tilespmem:v0+s15+$0x0 ss:$0x1], $0xffff  }
0x27: {  	v2 =	vld.idx.msk [tilespmem:v0+s15+$0x10 ss:$0x1], $0xffff;
	[tilespmem:s10+$0x30] =	vst v6  }
0x28: {  	s14 =	simm.s32 $0x80;
	s16 =	simm.s32 $0x400;
	[tilespmem:s10+$0xFFFFFFC0] =	vst v7;
	v6 =	vld.idx.msk [tilespmem:v0+s15+$0x20 ss:$0x1], $0xffff;
	s15 =	smov.u32 s10  }
.LBB1_4:
0x29: {  	p1 =	sne.s32 s16, $0xE00;
	v7 =	vld.idx.msk [tilespmem:v0+s14+$0x30 ss:$0x1], $0xffff;
	[tilespmem:s15+$0xFFFFFFD0] =	vst v5  }
0x2a: {  	v8 =	vld.idx.msk [tilespmem:v0+s14+$0xFFFFFFC0 ss:$0x1], $0xffff;
	[tilespmem:s15+$0xFFFFFFE0] =	vst v4  }
0x2b: {  	v5 =	vld.idx.msk [tilespmem:v0+s14+$0xFFFFFFD0 ss:$0x1], $0xffff;
	[tilespmem:s15+$0xFFFFFFF0] =	vst v3  }
.Ltmp3:
0x2c: {  	v4 =	vld.idx.msk [tilespmem:v0+s14+$0xFFFFFFE0 ss:$0x1], $0xffff;
	[tilespmem:s15+$0x0] =	vst v1;
	(pc) =	sbr.rel @p1 .LBB1_4-.Ltmp3, $4  }
0x2d: {  	v3 =	vld.idx.msk [tilespmem:v0+s14+$0xFFFFFFF0 ss:$0x1], $0xffff;
	[tilespmem:s15+$0x10] =	vst v2  }
0x2e: {  	v1 =	vld.idx.msk [tilespmem:v0+s14+$0x0 ss:$0x1], $0xffff;
	[tilespmem:s15+$0x20] =	vst v6;
	s15 =	sadd.s32 $0x800, s15  }
0x2f: {  	v2 =	vld.idx.msk [tilespmem:v0+s14+$0x10 ss:$0x1], $0xffff;
	[tilespmem:s15+$0x30] =	vst v7  }
0x30: {  	[tilespmem:s15+$0xFFFFFFC0] =	vst v8;
	v6 =	vld.idx.msk [tilespmem:v0+s14+$0x20 ss:$0x1], $0xffff;
	s14 =	sshra.s32 s16, $0x2;
	s16 =	sadd.s32 $0x200, s16  }
0x31: {  	_ =	sdelay $0x2  }
0x32: {  	[tilespmem:s15+$0xFFFFFFD0] =	vst v5  }
0x33: {  	v56 =	vld.idx.msk [tilespmem:v0+s14+$0x30 ss:$0x1], $0xffff;
	[tilespmem:s15+$0xFFFFFFE0] =	vst v4  }
0x34: {  	v57 =	vld.idx.msk [tilespmem:v0+s14+$0xFFFFFFC0 ss:$0x1], $0xffff;
	[tilespmem:s15+$0xFFFFFFF0] =	vst v3  }
0x35: {  	v58 =	vld.idx.msk [tilespmem:v0+s14+$0xFFFFFFD0 ss:$0x1], $0xffff;
	[tilespmem:s15+$0x0] =	vst v1  }
0x36: {  	v59 =	vld.idx.msk [tilespmem:v0+s14+$0xFFFFFFE0 ss:$0x1], $0xffff;
	[tilespmem:s15+$0x10] =	vst v2  }
0x37: {  	v60 =	vld.idx.msk [tilespmem:v0+s14+$0xFFFFFFF0 ss:$0x1], $0xffff;
	s31 =	sadd.s32 $0x800, s15;
	[tilespmem:s15+$0x20] =	vst v6  }
0x38: {  	v61 =	vld.idx.msk [tilespmem:v0+s14+$0x0 ss:$0x1], $0xffff;
	[tilespmem:s31+$0x30] =	vst v56  }
0x39: {  	v62 =	vld.idx.msk [tilespmem:v0+s14+$0x10 ss:$0x1], $0xffff;
	s13 =	sadd.s32 $0x1, s13;
	[tilespmem:s31+$0xFFFFFFC0] =	vst v57  }
0x3a: {  	v63 =	vld.idx.msk [tilespmem:v0+s14+$0x20 ss:$0x1], $0xffff;
	p1 =	sne.s32 s13, $0x10;
	[tilespmem:s31+$0xFFFFFFD0] =	vst v58  }
.Ltmp4:
0x3b: {  	[tilespmem:s31+$0xFFFFFFE0] =	vst v59;
	(pc) =	sbr.rel @p1 .LBB1_3-.Ltmp4, $4  }
0x3c: {  	[tilespmem:s31+$0xFFFFFFF0] =	vst v60  }
0x3d: {  	[tilespmem:s31+$0x0] =	vst v61  }
0x3e: {  	[tilespmem:s31+$0x10] =	vst v62  }
0x3f: {  	s10 =	sadd.s32 $0x80, s10;
	s11 =	sadd.s32 $0x400, s11;
	[tilespmem:s31+$0x20] =	vst v63  }
.Ltmp5:
0x40: {  	(pc) =	sbr.rel .LBB1_7-.Ltmp5, $4  }
0x41: {  	_ = 	snop  }
0x42: {  	s9 =	sshll.u32 s9, $0xB  }
0x43: {  	s9 =	sadd.s32 s3, s9  }
0x44: {  	[hbm4b:s9+s6] =	stream.linear.scatter [tilespmem:s12], [sflag:$0x2], $0x4000, $0x38;
	[tilespmem:$0x10000] =	vst v63  }
.LBB1_8:
0x45: {  	_ =	sfence.sel $0x180000  }
0x46: {  	s2 =	simm.s32 $0x1;
	[bflag:$0x0] =	sbarrier.arrive $0xFFFF  }
0x47: {  	s31 =	simm.s32 $0x2;
	[sflag:s2] =	ssyncpa.u1 $0x1  }
0x48: {  	[sflag:s31] =	ssyncpa.u1 $0x1  }
0x49: {  	p0 =	sne.s32 s1, $0x0;
	_ =	strace $0x90000047  }
0x4a: {  	s0 =	sadd.s32 @!p0 $0x100000, s0;
	[bflag:$0x2] =	sbarrier.arrive $0xFFFF  }
0x4b: {  	[sflag:s0] =	ssyncadd.tile.s32 @!p0 $0x1;
	_ =	shalt  }
.Lfunc_end1:
_tile_overlayer_lowered:
.L_overlay_start_2:
0x4c: {  	(tag) =	ssettag $0x2  }
0x4d: {  	s0 =	rddreg [dreg:$0x0];
	s2 =	stileid.u32  }
0x4e: {  	s1 =	rddreg [dreg:$0x1];
	p0 =	sne.s32 s2, $0x0  }
0x4f: {  	s3 =	rddreg [dreg:$0x2];
	[bflag:$0x3] =	sbarrier.arrive $0xFFFF;
	s2 =	simm.s32 @!p0 $0x1C01  }
0x50: {  	[timem:s3], [sflag:s2] =	dma.local @!p0 [hbm:s0], s1  }
0x51: {  	s0 =	simm.s32 @!p0 $0x1  }
0x52: {  	_ =	swait.ge @!p0 [sflag:s0], s1  }
0x53: {  	s1 =	ssub.s32 @!p0 $0x0, s1;
	[sflag:s0] =	ssyncset.done @!p0 $0x0  }
0x54: {  	[sflag:s0] =	ssyncadd.s32 @!p0 s1  }
0x55: {  	[bflag:$0x3] =	sbarrier.arrive $0xFFFF  }
0x56: {  	_ =	shalt  }

</sc_bundles>
